<compile_context>
chip_gen: v7x
topology: tpu7x:2x2x1
jax: 0.10.2.dev20260603
libtpu: 0.0.44.dev20260713+nightly
codegen_flags: <defaults>
</compile_context>

<pallas_src>
import functools

import jax
import jax.numpy as jnp
from jax import lax
from jax.experimental import pallas as pl
from jax.experimental.pallas import tpu as pltpu
from jax.experimental.pallas import tpu_sc as plsc

N = 50000
K = 9
CH = 128
M = 65536
NP = 51200
NW = 32
NS = 16


def _worker_id():
    return lax.axis_index("c") * NS + lax.axis_index("s")


def _sc_gather_x3(xT, idxs, *, name):
    nch_tab, tab_n, rpw = xT.shape[0], xT.shape[1], idxs.shape[0] // NW
    assert tab_n % 8 == 0 and rpw % 16 == 0
    mesh = plsc.VectorSubcoreMesh(core_axis_name="c", subcore_axis_name="s")

    @functools.partial(
        pl.kernel,
        out_type=jax.ShapeDtypeStruct((NW * rpw * nch_tab,), jnp.float32),
        mesh=mesh,
        scratch_types=[
            pltpu.VMEM((tab_n,), jnp.float32),
            pltpu.VMEM((rpw,), jnp.int32),
            pltpu.VMEM((rpw * nch_tab,), jnp.float32),
        ],
        name=name,
        compiler_params=pltpu.CompilerParams(needs_layout_passes=False),
    )
    def k(x_h, idx_h, out_h, tab_v, idx_v, out_v):
        w = _worker_id()
        rln = rpw // K
        npt = NP
        iota = lax.iota(jnp.int32, 16)
        pltpu.sync_copy(idx_h.at[pl.ds(w * rpw, rpw)], idx_v)
        for c in range(nch_tab):
            pltpu.sync_copy(x_h.at[pl.ds(c * tab_n, tab_n)], tab_v)

            def step(v, carry):
                iv = idx_v[pl.ds(v * 16, 16)]
                vals = plsc.load_gather(tab_v, [iv])
                p = iota + v * 16
                kk = lax.rem(p, K)
                nl = lax.div(p, K)
                plsc.store_scatter(
                    out_v, [(kk * nch_tab + c) * rln + nl], vals)
                return carry

            lax.fori_loop(0, rpw // 16, step, 0)
        for j in range(K * nch_tab):
            pltpu.sync_copy(out_v.at[pl.ds(j * rln, rln)],
                            out_h.at[pl.ds(j * npt + w * rln, rln)])

    return k(xT.reshape(-1), idxs)


def _sc_gather_group(table, idxs, *, grp, iw, spb, nch, relu, scale,
                     mask_n, name):
    T, D = table.shape
    rtot = idxs.shape[0]
    ch = spb * iw
    assert ch % grp == 0
    cn = ch // grp
    rpw = rtot // NW
    assert rpw == nch * ch and nch % 2 == 0
    orows = rtot // grp
    opw = orows // NW
    hb = D // 16
    mesh = plsc.VectorSubcoreMesh(core_axis_name="c", subcore_axis_name="s")

    @functools.partial(
        pl.kernel,
        out_type=jax.ShapeDtypeStruct((orows, D), jnp.float32),
        mesh=mesh,
        scratch_types=[
            pltpu.VMEM((rpw,), jnp.int32),
            pltpu.VMEM((ch, D), jnp.float32),
            pltpu.VMEM((ch, D), jnp.float32),
            pltpu.VMEM((cn, D), jnp.float32),
            pltpu.VMEM((cn, D), jnp.float32),
            pltpu.SemaphoreType.DMA,
            pltpu.SemaphoreType.DMA,
            pltpu.SemaphoreType.DMA,
            pltpu.SemaphoreType.DMA,
        ],
        name=name,
        compiler_params=pltpu.CompilerParams(needs_layout_passes=False),
    )
    def k(table_h, idx_h, out_h, idx_v, buf0, buf1, ov0, ov1,
          sg0, sg1, so0, so1):
        w = _worker_id()
        pltpu.sync_copy(idx_h.at[pl.ds(w * rpw, rpw)], idx_v)
        bufs = (buf0, buf1)
        ovs = (ov0, ov1)
        sgs = (sg0, sg1)
        sos = (so0, so1)

        def issue_gather(g, b):
            for j in range(spb):
                pltpu.async_copy(
                    table_h.at[idx_v.at[pl.ds((g * spb + j) * iw, iw)]],
                    bufs[b].at[pl.ds(j * iw, iw)],
                    sgs[b],
                )

        def wait_gather(b):
            for j in range(spb):
                pltpu.make_async_copy(
                    table_h.at[idx_v.at[pl.ds(0, iw)]],
                    bufs[b].at[pl.ds(j * iw, iw)],
                    sgs[b],
                ).wait()

        def issue_store(g, b):
            pltpu.async_copy(
                ovs[b], out_h.at[pl.ds(w * opw + g * cn, cn)], sos[b]
            )

        def wait_store(b):
            pltpu.make_async_copy(
                ovs[b], out_h.at[pl.ds(w * opw, cn)], sos[b]
            ).wait()

        issue_gather(0, 0)

        def pair(p, carry):
            for b in (0, 1):
                g = p * 2 + b
                if b == 0:
                    issue_gather(g + 1, 1)
                else:

                    @pl.when(p < nch // 2 - 1)
                    def _():
                        issue_gather(g + 1, 0)

                @pl.when(p >= 1)
                def _():
                    wait_store(b)

                wait_gather(b)

                def node(i, c):
                    row0 = i * grp
                    if mask_n is not None:
                        gn = w * opw + g * cn + i
                        f = jnp.where(gn < mask_n, 1.0, 0.0).astype(
                            jnp.float32)

                    def post(acc):
                        if scale is not None:
                            acc = acc * scale
                        if relu:
                            acc = jnp.maximum(acc, 0.0)
                        if mask_n is not None:
                            acc = acc * f
                        return acc

                    for h in range(hb):
                        sl = pl.ds(h * 16, 16)
                        acc = bufs[b][row0, sl]
                        for kk in range(1, grp):
                            acc = acc + bufs[b][row0 + kk, sl]
                        ovs[b][i, sl] = post(acc)
                    return c

                lax.fori_loop(0, cn, node, 0)
                issue_store(g, b)
            return carry

        lax.fori_loop(0, nch // 2, pair, 0)
        wait_store(0)
        wait_store(1)

    return k(table, idxs)


def _tc_convs(g1t, w1p, b1, w2, b2):
    npd = g1t.shape[1]
    bn = 512
    grid = npd // bn
    cin = g1t.shape[0]

    def body(g1_ref, w1_ref, b1_ref, w2_ref, b2_ref, out_ref):
        h = lax.dot_general(g1_ref[...], w1_ref[...],
                            (((0,), (0,)), ((), ())),
                            preferred_element_type=jnp.float32)
        h = jnp.maximum(h + b1_ref[...], 0.0)
        for k in range(K):
            r = jnp.dot(h, w2_ref[k], preferred_element_type=jnp.float32)
            if k == 0:
                r = r + b2_ref[...]
            out_ref[k] = r

    return pl.pallas_call(
        body,
        grid=(grid,),
        in_specs=[
            pl.BlockSpec((cin, bn), lambda i: (0, i)),
            pl.BlockSpec((cin, CH), lambda i: (0, 0)),
            pl.BlockSpec((1, CH), lambda i: (0, 0)),
            pl.BlockSpec((K, CH, CH), lambda i: (0, 0, 0)),
            pl.BlockSpec((1, CH), lambda i: (0, 0)),
        ],
        out_specs=pl.BlockSpec((K, bn, CH), lambda i: (0, i, 0)),
        out_shape=jax.ShapeDtypeStruct((K, npd, CH), jnp.float32),
    )(g1t, w1p, b1.reshape(1, CH), w2, b2.reshape(1, CH))


def kernel(x, adj, perm, W1, b1, W2, b2):
    xT = x[0].T
    spread = (jnp.arange((NP - N) * K, dtype=jnp.int32) % N).reshape(-1, K)
    adjp = jnp.concatenate([adj, spread], axis=0)
    idx1 = adjp.reshape(-1)
    g1 = _sc_gather_x3(xT, idx1, name="sc_gather_x")
    g1t = g1.reshape(K * 3, NP)
    t2 = _tc_convs(g1t, W1.reshape(K * 3, CH), b1, W2, b2)
    t2f = t2.reshape(K * NP, CH)
    idx2 = (adjp + NP * jnp.arange(K, dtype=jnp.int32)[None, :]).reshape(-1)
    out2 = _sc_gather_group(t2f, idx2, grp=K, iw=96, spb=3, nch=50,
                            relu=True, scale=None, mask_n=N,
                            name="sc_conv2_gsum")
    permc = jnp.where(perm < N, perm, N + (perm - N) % (NP - N))
    pooled = _sc_gather_group(out2, permc.astype(jnp.int32), grp=4, iw=64,
                              spb=4, nch=8, relu=False, scale=0.25,
                              mask_n=None, name="sc_pool")
    return pooled[None]

# --- scband reference (transcript-rebuilt; emitter-appended) ---
"""Pipeline reference for scband-block-69140383531025 (READ-ONLY COPY).

The authoritative reference and input builder live on the scoring server;
editing this copy changes nothing except your own understanding.
"""

import jax, jax.numpy as jnp
import numpy as np

B = 1
N = 50000
K = 9
CH_IN = 128
CH_OUT = 128
M = 65536
COARSE_LEVEL = 2


def conv_mesh(x, adj, W, b):
    # x: [B, N, C_in]; adj: [N, K] neighbor indices; W: [K, C_in, C_out]; b: [C_out]
    neigh = x[:, adj, :]  # gather -> [B, N, K, C_in]
    return jnp.einsum('bnkc,kcd->bnd', neigh, W) + b


def setup_inputs(seed: int = 0) -> dict:
    key = jax.random.key(seed)
    ks = jax.random.split(key, 8)
    x = jax.random.normal(ks[0], (B, N, 3), dtype=jnp.float32)
    adj = jax.random.randint(ks[1], (N, K), 0, N, dtype=jnp.int32)
    perm = jax.random.randint(ks[2], (M,), 0, M, dtype=jnp.int32)
    W1 = jax.random.normal(ks[3], (K, 3, CH_IN), dtype=jnp.float32) * 0.1
    b1 = jnp.zeros((CH_IN,), dtype=jnp.float32)
    W2 = jax.random.normal(ks[4], (K, CH_IN, CH_OUT), dtype=jnp.float32) * 0.05
    b2 = jnp.zeros((CH_OUT,), dtype=jnp.float32)
    return {"x": x, "adj": adj, "perm": perm, "W1": W1, "b1": b1, "W2": W2, "b2": b2}


def reference(x, adj, perm, W1, b1, W2, b2):
    # conv1 + relu
    net = jax.nn.relu(conv_mesh(x, adj, W1, b1))
    # conv2 + relu
    net = jax.nn.relu(conv_mesh(net, adj, W2, b2))
    # perm_data: pad with fake (zero) nodes to length M, then gather by perm indices
    fake = jnp.zeros((net.shape[0], M - net.shape[1], net.shape[2]), dtype=jnp.float32)
    sample = jnp.concatenate([net, fake], axis=1)  # [B, M, C]
    net = jnp.take(sample, perm, axis=1)  # [B, M, C]
    # AveragePooling1D(pool_size=2, strides=2) applied coarse_level times over node axis
    for _ in range(COARSE_LEVEL):
        Bn, Nn, Cc = net.shape
        net = net.reshape(Bn, Nn // 2, 2, Cc).mean(axis=2)
    return net

if __name__ == "__main__":
    import jax
    _d = setup_inputs()
    print(jax.jit(kernel)(*tuple(_d.values())))

</pallas_src>

<mosaic_0001>
#map = affine_map<(d0, d1) -> (0)>
module attributes {stable_mosaic.version = 14 : i64} {
  func.func @sc_gather_x(%arg0: i32, %arg1: i32, %arg2: memref<150000xf32, #tpu.memory_space<hbm>>, %arg3: memref<460800xi32, #tpu.memory_space<hbm>>, %arg4: memref<1382400xf32, #tpu.memory_space<hbm>>, %arg5: memref<50000xf32, #tpu.memory_space<vmem>>, %arg6: memref<14400xi32, #tpu.memory_space<vmem>>, %arg7: memref<43200xf32, #tpu.memory_space<vmem>>) attributes {dimension_semantics = [#tpu.dimension_semantics<core_parallel>, #tpu.dimension_semantics<subcore_parallel>], iteration_bounds = array<i64: 2, 16>, scalar_prefetch = 0 : i64, scratch_operands = 3 : i64, tpu.core_type = #tpu.core_type<sc_vector_subcore>, window_params = [{transform_indices = #map}, {transform_indices = #map}, {transform_indices = #map}]} {
    %mul3A = arith.constant 16 : i32
    %mul3A_0 = arith.muli %arg0, %mul3A : i32
    %add3A = arith.addi %mul3A_0, %arg1 : i32
    %iota3A = tpu.iota {dimensions = array<i32: 0>} : vector<16xi32>
    %mul3A_1 = arith.constant 14400 : i32
    %mul3A_2 = arith.muli %add3A, %mul3A_1 : i32
    "tpu.region"() ({
      %run_scoped3A = tpu.sem_alloc : memref<!tpu.dma_semaphore, #tpu.memory_space<semaphore_mem>>
      %dma_start3A = tpu.memref_slice %arg3[%mul3A_2] : memref<460800xi32, #tpu.memory_space<hbm>> -> memref<14400xi32, #tpu.memory_space<hbm>>
      %dma_start3A_128 = tpu.memref_slice %arg3[%mul3A_2] : memref<460800xi32, #tpu.memory_space<hbm>> -> memref<14400xi32, #tpu.memory_space<hbm>>
      tpu.enqueue_dma source(%dma_start3A_128 : memref<14400xi32, #tpu.memory_space<hbm>>) target(%arg6 : memref<14400xi32, #tpu.memory_space<vmem>>) target_semaphore(%run_scoped3A : memref<!tpu.dma_semaphore, #tpu.memory_space<semaphore_mem>>)
      %dma_wait3A = tpu.memref_slice %arg3[%mul3A_2] : memref<460800xi32, #tpu.memory_space<hbm>> -> memref<14400xi32, #tpu.memory_space<hbm>>
      %dma_wait3A_129 = tpu.memref_slice %arg3[%mul3A_2] : memref<460800xi32, #tpu.memory_space<hbm>> -> memref<14400xi32, #tpu.memory_space<hbm>>
      tpu.wait_dma2 semaphore(%run_scoped3A : memref<!tpu.dma_semaphore, #tpu.memory_space<semaphore_mem>>) src(%dma_wait3A_129 : memref<14400xi32, #tpu.memory_space<hbm>>) dst(%arg6 : memref<14400xi32, #tpu.memory_space<vmem>>)
      tpu.yield
    }) : () -> ()
    "tpu.region"() ({
      %run_scoped3A = tpu.sem_alloc : memref<!tpu.dma_semaphore, #tpu.memory_space<semaphore_mem>>
      %dma_start3A = arith.constant 0 : i32
      %dma_start3A_128 = tpu.memref_slice %arg2[%dma_start3A] : memref<150000xf32, #tpu.memory_space<hbm>> -> memref<50000xf32, #tpu.memory_space<hbm>>
      %dma_start3A_129 = arith.constant 0 : i32
      %dma_start3A_130 = tpu.memref_slice %arg2[%dma_start3A_129] : memref<150000xf32, #tpu.memory_space<hbm>> -> memref<50000xf32, #tpu.memory_space<hbm>>
      tpu.enqueue_dma source(%dma_start3A_130 : memref<50000xf32, #tpu.memory_space<hbm>>) target(%arg5 : memref<50000xf32, #tpu.memory_space<vmem>>) target_semaphore(%run_scoped3A : memref<!tpu.dma_semaphore, #tpu.memory_space<semaphore_mem>>)
      %dma_wait3A = arith.constant 0 : i32
      %dma_wait3A_131 = tpu.memref_slice %arg2[%dma_wait3A] : memref<150000xf32, #tpu.memory_space<hbm>> -> memref<50000xf32, #tpu.memory_space<hbm>>
      %dma_wait3A_132 = arith.constant 0 : i32
      %dma_wait3A_133 = tpu.memref_slice %arg2[%dma_wait3A_132] : memref<150000xf32, #tpu.memory_space<hbm>> -> memref<50000xf32, #tpu.memory_space<hbm>>
      tpu.wait_dma2 semaphore(%run_scoped3A : memref<!tpu.dma_semaphore, #tpu.memory_space<semaphore_mem>>) src(%dma_wait3A_133 : memref<50000xf32, #tpu.memory_space<hbm>>) dst(%arg5 : memref<50000xf32, #tpu.memory_space<vmem>>)
      tpu.yield
    }) : () -> ()
    %scan3A = arith.constant 0 : i32
    %scan3A_3 = arith.constant 0 : i32
    %scan3A_4 = arith.constant 900 : i32
    %scan3A_5 = arith.addi %scan3A_3, %scan3A_4 : i32
    %scan3A_6 = arith.constant 1 : i32
    scf.for %scan3A_128 = %scan3A_3 to %scan3A_5 step %scan3A_6  : i32 {
      %mul3A_129 = arith.constant 16 : i32
      %mul3A_130 = arith.muli %scan3A_128, %mul3A_129 : i32
      %get3A = arith.index_cast %mul3A_130 : i32 to index
      %get3A_131 = tpu.vector_load %arg6[%get3A] {strides = array<i32>} : memref<14400xi32, #tpu.memory_space<vmem>>, vector<16xi32>,
      %gather3A = tpu.vector_load_idx %arg5[%get3A_131] : memref<50000xf32, #tpu.memory_space<vmem>>[vector<16xi32>], vector<16xf32>,
      %mul3A_132 = arith.constant 16 : i32
      %mul3A_133 = arith.muli %scan3A_128, %mul3A_132 : i32
      %add3A_134 = vector.broadcast %mul3A_133 : i32 to vector<16xi32>
      %add3A_135 = arith.addi %iota3A, %add3A_134 : vector<16xi32>
      %rem3A = arith.constant 9 : i32
      %rem3A_136 = vector.broadcast %rem3A : i32 to vector<16xi32>
      %rem3A_137 = arith.remsi %add3A_135, %rem3A_136 : vector<16xi32>
      %div3A = arith.constant 9 : i32
      %div3A_138 = vector.broadcast %div3A : i32 to vector<16xi32>
      %div3A_139 = arith.divsi %add3A_135, %div3A_138 : vector<16xi32>
      %mul3A_140 = arith.constant 3 : i32
      %mul3A_141 = vector.broadcast %mul3A_140 : i32 to vector<16xi32>
      %mul3A_142 = arith.muli %rem3A_137, %mul3A_141 : vector<16xi32>
      %add3A_143 = arith.constant 0 : i32
      %add3A_144 = vector.broadcast %add3A_143 : i32 to vector<16xi32>
      %add3A_145 = arith.addi %mul3A_142, %add3A_144 : vector<16xi32>
      %mul3A_146 = arith.constant 1600 : i32
      %mul3A_147 = vector.broadcast %mul3A_146 : i32 to vector<16xi32>
      %mul3A_148 = arith.muli %add3A_145, %mul3A_147 : vector<16xi32>
      %add3A_149 = arith.addi %mul3A_148, %div3A_139 : vector<16xi32>
      tpu.vector_store_idx %arg7[%add3A_149], %gather3A : memref<43200xf32, #tpu.memory_space<vmem>>[vector<16xi32>], vector<16xf32>,
    }
    %scan3A_7 = arith.constant 900 : i32
    "tpu.region"() ({
      %run_scoped3A = tpu.sem_alloc : memref<!tpu.dma_semaphore, #tpu.memory_space<semaphore_mem>>
      %dma_start3A = arith.constant 50000 : i32
      %dma_start3A_128 = tpu.memref_slice %arg2[%dma_start3A] : memref<150000xf32, #tpu.memory_space<hbm>> -> memref<50000xf32, #tpu.memory_space<hbm>>
      %dma_start3A_129 = arith.constant 50000 : i32
      %dma_start3A_130 = tpu.memref_slice %arg2[%dma_start3A_129] : memref<150000xf32, #tpu.memory_space<hbm>> -> memref<50000xf32, #tpu.memory_space<hbm>>
      tpu.enqueue_dma source(%dma_start3A_130 : memref<50000xf32, #tpu.memory_space<hbm>>) target(%arg5 : memref<50000xf32, #tpu.memory_space<vmem>>) target_semaphore(%run_scoped3A : memref<!tpu.dma_semaphore, #tpu.memory_space<semaphore_mem>>)
      %dma_wait3A = arith.constant 50000 : i32
      %dma_wait3A_131 = tpu.memref_slice %arg2[%dma_wait3A] : memref<150000xf32, #tpu.memory_space<hbm>> -> memref<50000xf32, #tpu.memory_space<hbm>>
      %dma_wait3A_132 = arith.constant 50000 : i32
      %dma_wait3A_133 = tpu.memref_slice %arg2[%dma_wait3A_132] : memref<150000xf32, #tpu.memory_space<hbm>> -> memref<50000xf32, #tpu.memory_space<hbm>>
      tpu.wait_dma2 semaphore(%run_scoped3A : memref<!tpu.dma_semaphore, #tpu.memory_space<semaphore_mem>>) src(%dma_wait3A_133 : memref<50000xf32, #tpu.memory_space<hbm>>) dst(%arg5 : memref<50000xf32, #tpu.memory_space<vmem>>)
      tpu.yield
    }) : () -> ()
    %scan3A_8 = arith.constant 0 : i32
    %scan3A_9 = arith.constant 0 : i32
    %scan3A_10 = arith.constant 900 : i32
    %scan3A_11 = arith.addi %scan3A_9, %scan3A_10 : i32
    %scan3A_12 = arith.constant 1 : i32
    scf.for %scan3A_128 = %scan3A_9 to %scan3A_11 step %scan3A_12  : i32 {
      %mul3A_129 = arith.constant 16 : i32
      %mul3A_130 = arith.muli %scan3A_128, %mul3A_129 : i32
      %get3A = arith.index_cast %mul3A_130 : i32 to index
      %get3A_131 = tpu.vector_load %arg6[%get3A] {strides = array<i32>} : memref<14400xi32, #tpu.memory_space<vmem>>, vector<16xi32>,
      %gather3A = tpu.vector_load_idx %arg5[%get3A_131] : memref<50000xf32, #tpu.memory_space<vmem>>[vector<16xi32>], vector<16xf32>,
      %mul3A_132 = arith.constant 16 : i32
      %mul3A_133 = arith.muli %scan3A_128, %mul3A_132 : i32
      %add3A_134 = vector.broadcast %mul3A_133 : i32 to vector<16xi32>
      %add3A_135 = arith.addi %iota3A, %add3A_134 : vector<16xi32>
      %rem3A = arith.constant 9 : i32
      %rem3A_136 = vector.broadcast %rem3A : i32 to vector<16xi32>
      %rem3A_137 = arith.remsi %add3A_135, %rem3A_136 : vector<16xi32>
      %div3A = arith.constant 9 : i32
      %div3A_138 = vector.broadcast %div3A : i32 to vector<16xi32>
      %div3A_139 = arith.divsi %add3A_135, %div3A_138 : vector<16xi32>
      %mul3A_140 = arith.constant 3 : i32
      %mul3A_141 = vector.broadcast %mul3A_140 : i32 to vector<16xi32>
      %mul3A_142 = arith.muli %rem3A_137, %mul3A_141 : vector<16xi32>
      %add3A_143 = arith.constant 1 : i32
      %add3A_144 = vector.broadcast %add3A_143 : i32 to vector<16xi32>
      %add3A_145 = arith.addi %mul3A_142, %add3A_144 : vector<16xi32>
      %mul3A_146 = arith.constant 1600 : i32
      %mul3A_147 = vector.broadcast %mul3A_146 : i32 to vector<16xi32>
      %mul3A_148 = arith.muli %add3A_145, %mul3A_147 : vector<16xi32>
      %add3A_149 = arith.addi %mul3A_148, %div3A_139 : vector<16xi32>
      tpu.vector_store_idx %arg7[%add3A_149], %gather3A : memref<43200xf32, #tpu.memory_space<vmem>>[vector<16xi32>], vector<16xf32>,
    }
    %scan3A_13 = arith.constant 900 : i32
    "tpu.region"() ({
      %run_scoped3A = tpu.sem_alloc : memref<!tpu.dma_semaphore, #tpu.memory_space<semaphore_mem>>
      %dma_start3A = arith.constant 100000 : i32
      %dma_start3A_128 = tpu.memref_slice %arg2[%dma_start3A] : memref<150000xf32, #tpu.memory_space<hbm>> -> memref<50000xf32, #tpu.memory_space<hbm>>
      %dma_start3A_129 = arith.constant 100000 : i32
      %dma_start3A_130 = tpu.memref_slice %arg2[%dma_start3A_129] : memref<150000xf32, #tpu.memory_space<hbm>> -> memref<50000xf32, #tpu.memory_space<hbm>>
      tpu.enqueue_dma source(%dma_start3A_130 : memref<50000xf32, #tpu.memory_space<hbm>>) target(%arg5 : memref<50000xf32, #tpu.memory_space<vmem>>) target_semaphore(%run_scoped3A : memref<!tpu.dma_semaphore, #tpu.memory_space<semaphore_mem>>)
      %dma_wait3A = arith.constant 100000 : i32
      %dma_wait3A_131 = tpu.memref_slice %arg2[%dma_wait3A] : memref<150000xf32, #tpu.memory_space<hbm>> -> memref<50000xf32, #tpu.memory_space<hbm>>
      %dma_wait3A_132 = arith.constant 100000 : i32
      %dma_wait3A_133 = tpu.memref_slice %arg2[%dma_wait3A_132] : memref<150000xf32, #tpu.memory_space<hbm>> -> memref<50000xf32, #tpu.memory_space<hbm>>
      tpu.wait_dma2 semaphore(%run_scoped3A : memref<!tpu.dma_semaphore, #tpu.memory_space<semaphore_mem>>) src(%dma_wait3A_133 : memref<50000xf32, #tpu.memory_space<hbm>>) dst(%arg5 : memref<50000xf32, #tpu.memory_space<vmem>>)
      tpu.yield
    }) : () -> ()
    %scan3A_14 = arith.constant 0 : i32
    %scan3A_15 = arith.constant 0 : i32
    %scan3A_16 = arith.constant 900 : i32
    %scan3A_17 = arith.addi %scan3A_15, %scan3A_16 : i32
    %scan3A_18 = arith.constant 1 : i32
    scf.for %scan3A_128 = %scan3A_15 to %scan3A_17 step %scan3A_18  : i32 {
      %mul3A_129 = arith.constant 16 : i32
      %mul3A_130 = arith.muli %scan3A_128, %mul3A_129 : i32
      %get3A = arith.index_cast %mul3A_130 : i32 to index
      %get3A_131 = tpu.vector_load %arg6[%get3A] {strides = array<i32>} : memref<14400xi32, #tpu.memory_space<vmem>>, vector<16xi32>,
      %gather3A = tpu.vector_load_idx %arg5[%get3A_131] : memref<50000xf32, #tpu.memory_space<vmem>>[vector<16xi32>], vector<16xf32>,
      %mul3A_132 = arith.constant 16 : i32
      %mul3A_133 = arith.muli %scan3A_128, %mul3A_132 : i32
      %add3A_134 = vector.broadcast %mul3A_133 : i32 to vector<16xi32>
      %add3A_135 = arith.addi %iota3A, %add3A_134 : vector<16xi32>
      %rem3A = arith.constant 9 : i32
      %rem3A_136 = vector.broadcast %rem3A : i32 to vector<16xi32>
      %rem3A_137 = arith.remsi %add3A_135, %rem3A_136 : vector<16xi32>
      %div3A = arith.constant 9 : i32
      %div3A_138 = vector.broadcast %div3A : i32 to vector<16xi32>
      %div3A_139 = arith.divsi %add3A_135, %div3A_138 : vector<16xi32>
      %mul3A_140 = arith.constant 3 : i32
      %mul3A_141 = vector.broadcast %mul3A_140 : i32 to vector<16xi32>
      %mul3A_142 = arith.muli %rem3A_137, %mul3A_141 : vector<16xi32>
      %add3A_143 = arith.constant 2 : i32
      %add3A_144 = vector.broadcast %add3A_143 : i32 to vector<16xi32>
      %add3A_145 = arith.addi %mul3A_142, %add3A_144 : vector<16xi32>
      %mul3A_146 = arith.constant 1600 : i32
      %mul3A_147 = vector.broadcast %mul3A_146 : i32 to vector<16xi32>
      %mul3A_148 = arith.muli %add3A_145, %mul3A_147 : vector<16xi32>
      %add3A_149 = arith.addi %mul3A_148, %div3A_139 : vector<16xi32>
      tpu.vector_store_idx %arg7[%add3A_149], %gather3A : memref<43200xf32, #tpu.memory_space<vmem>>[vector<16xi32>], vector<16xf32>,
    }
    %scan3A_19 = arith.constant 900 : i32
    %mul3A_20 = arith.constant 1600 : i32
    %mul3A_21 = arith.muli %add3A, %mul3A_20 : i32
    %add3A_22 = arith.constant 0 : i32
    %add3A_23 = arith.addi %add3A_22, %mul3A_21 : i32
    "tpu.region"() ({
      %run_scoped3A = tpu.sem_alloc : memref<!tpu.dma_semaphore, #tpu.memory_space<semaphore_mem>>
      %dma_start3A = arith.constant 0 : i32
      %dma_start3A_128 = tpu.memref_slice %arg7[%dma_start3A] : memref<43200xf32, #tpu.memory_space<vmem>> -> memref<1600xf32, #tpu.memory_space<vmem>>
      %dma_start3A_129 = tpu.memref_slice %arg4[%add3A_23] : memref<1382400xf32, #tpu.memory_space<hbm>> -> memref<1600xf32, #tpu.memory_space<hbm>>
      %dma_start3A_130 = tpu.memref_slice %arg4[%add3A_23] : memref<1382400xf32, #tpu.memory_space<hbm>> -> memref<1600xf32, #tpu.memory_space<hbm>>
      %dma_start3A_131 = arith.constant 0 : i32
      %dma_start3A_132 = tpu.memref_slice %arg7[%dma_start3A_131] : memref<43200xf32, #tpu.memory_space<vmem>> -> memref<1600xf32, #tpu.memory_space<vmem>>
      tpu.enqueue_dma source(%dma_start3A_132 : memref<1600xf32, #tpu.memory_space<vmem>>) target(%dma_start3A_130 : memref<1600xf32, #tpu.memory_space<hbm>>) target_semaphore(%run_scoped3A : memref<!tpu.dma_semaphore, #tpu.memory_space<semaphore_mem>>)
      %dma_wait3A = arith.constant 0 : i32
      %dma_wait3A_133 = tpu.memref_slice %arg7[%dma_wait3A] : memref<43200xf32, #tpu.memory_space<vmem>> -> memref<1600xf32, #tpu.memory_space<vmem>>
      %dma_wait3A_134 = tpu.memref_slice %arg4[%add3A_23] : memref<1382400xf32, #tpu.memory_space<hbm>> -> memref<1600xf32, #tpu.memory_space<hbm>>
      %dma_wait3A_135 = tpu.memref_slice %arg4[%add3A_23] : memref<1382400xf32, #tpu.memory_space<hbm>> -> memref<1600xf32, #tpu.memory_space<hbm>>
      %dma_wait3A_136 = arith.constant 0 : i32
      %dma_wait3A_137 = tpu.memref_slice %arg7[%dma_wait3A_136] : memref<43200xf32, #tpu.memory_space<vmem>> -> memref<1600xf32, #tpu.memory_space<vmem>>
      tpu.wait_dma2 semaphore(%run_scoped3A : memref<!tpu.dma_semaphore, #tpu.memory_space<semaphore_mem>>) src(%dma_wait3A_137 : memref<1600xf32, #tpu.memory_space<vmem>>) dst(%dma_wait3A_135 : memref<1600xf32, #tpu.memory_space<hbm>>)
      tpu.yield
    }) : () -> ()
    %mul3A_24 = arith.constant 1600 : i32
    %mul3A_25 = arith.muli %add3A, %mul3A_24 : i32
    %add3A_26 = arith.constant 51200 : i32
    %add3A_27 = arith.addi %add3A_26, %mul3A_25 : i32
    "tpu.region"() ({
      %run_scoped3A = tpu.sem_alloc : memref<!tpu.dma_semaphore, #tpu.memory_space<semaphore_mem>>
      %dma_start3A = arith.constant 1600 : i32
      %dma_start3A_128 = tpu.memref_slice %arg7[%dma_start3A] : memref<43200xf32, #tpu.memory_space<vmem>> -> memref<1600xf32, #tpu.memory_space<vmem>>
      %dma_start3A_129 = tpu.memref_slice %arg4[%add3A_27] : memref<1382400xf32, #tpu.memory_space<hbm>> -> memref<1600xf32, #tpu.memory_space<hbm>>
      %dma_start3A_130 = tpu.memref_slice %arg4[%add3A_27] : memref<1382400xf32, #tpu.memory_space<hbm>> -> memref<1600xf32, #tpu.memory_space<hbm>>
      %dma_start3A_131 = arith.constant 1600 : i32
      %dma_start3A_132 = tpu.memref_slice %arg7[%dma_start3A_131] : memref<43200xf32, #tpu.memory_space<vmem>> -> memref<1600xf32, #tpu.memory_space<vmem>>
      tpu.enqueue_dma source(%dma_start3A_132 : memref<1600xf32, #tpu.memory_space<vmem>>) target(%dma_start3A_130 : memref<1600xf32, #tpu.memory_space<hbm>>) target_semaphore(%run_scoped3A : memref<!tpu.dma_semaphore, #tpu.memory_space<semaphore_mem>>)
      %dma_wait3A = arith.constant 1600 : i32
      %dma_wait3A_133 = tpu.memref_slice %arg7[%dma_wait3A] : memref<43200xf32, #tpu.memory_space<vmem>> -> memref<1600xf32, #tpu.memory_space<vmem>>
      %dma_wait3A_134 = tpu.memref_slice %arg4[%add3A_27] : memref<1382400xf32, #tpu.memory_space<hbm>> -> memref<1600xf32, #tpu.memory_space<hbm>>
      %dma_wait3A_135 = tpu.memref_slice %arg4[%add3A_27] : memref<1382400xf32, #tpu.memory_space<hbm>> -> memref<1600xf32, #tpu.memory_space<hbm>>
      %dma_wait3A_136 = arith.constant 1600 : i32
      %dma_wait3A_137 = tpu.memref_slice %arg7[%dma_wait3A_136] : memref<43200xf32, #tpu.memory_space<vmem>> -> memref<1600xf32, #tpu.memory_space<vmem>>
      tpu.wait_dma2 semaphore(%run_scoped3A : memref<!tpu.dma_semaphore, #tpu.memory_space<semaphore_mem>>) src(%dma_wait3A_137 : memref<1600xf32, #tpu.memory_space<vmem>>) dst(%dma_wait3A_135 : memref<1600xf32, #tpu.memory_space<hbm>>)
      tpu.yield
    }) : () -> ()
    %mul3A_28 = arith.constant 1600 : i32
    %mul3A_29 = arith.muli %add3A, %mul3A_28 : i32
    %add3A_30 = arith.constant 102400 : i32
    %add3A_31 = arith.addi %add3A_30, %mul3A_29 : i32
    "tpu.region"() ({
      %run_scoped3A = tpu.sem_alloc : memref<!tpu.dma_semaphore, #tpu.memory_space<semaphore_mem>>
      %dma_start3A = arith.constant 3200 : i32
      %dma_start3A_128 = tpu.memref_slice %arg7[%dma_start3A] : memref<43200xf32, #tpu.memory_space<vmem>> -> memref<1600xf32, #tpu.memory_space<vmem>>
      %dma_start3A_129 = tpu.memref_slice %arg4[%add3A_31] : memref<1382400xf32, #tpu.memory_space<hbm>> -> memref<1600xf32, #tpu.memory_space<hbm>>
      %dma_start3A_130 = tpu.memref_slice %arg4[%add3A_31] : memref<1382400xf32, #tpu.memory_space<hbm>> -> memref<1600xf32, #tpu.memory_space<hbm>>
      %dma_start3A_131 = arith.constant 3200 : i32
      %dma_start3A_132 = tpu.memref_slice %arg7[%dma_start3A_131] : memref<43200xf32, #tpu.memory_space<vmem>> -> memref<1600xf32, #tpu.memory_space<vmem>>
      tpu.enqueue_dma source(%dma_start3A_132 : memref<1600xf32, #tpu.memory_space<vmem>>) target(%dma_start3A_130 : memref<1600xf32, #tpu.memory_space<hbm>>) target_semaphore(%run_scoped3A : memref<!tpu.dma_semaphore, #tpu.memory_space<semaphore_mem>>)
      %dma_wait3A = arith.constant 3200 : i32
      %dma_wait3A_133 = tpu.memref_slice %arg7[%dma_wait3A] : memref<43200xf32, #tpu.memory_space<vmem>> -> memref<1600xf32, #tpu.memory_space<vmem>>
      %dma_wait3A_134 = tpu.memref_slice %arg4[%add3A_31] : memref<1382400xf32, #tpu.memory_space<hbm>> -> memref<1600xf32, #tpu.memory_space<hbm>>
      %dma_wait3A_135 = tpu.memref_slice %arg4[%add3A_31] : memref<1382400xf32, #tpu.memory_space<hbm>> -> memref<1600xf32, #tpu.memory_space<hbm>>
      %dma_wait3A_136 = arith.constant 3200 : i32
      %dma_wait3A_137 = tpu.memref_slice %arg7[%dma_wait3A_136] : memref<43200xf32, #tpu.memory_space<vmem>> -> memref<1600xf32, #tpu.memory_space<vmem>>
      tpu.wait_dma2 semaphore(%run_scoped3A : memref<!tpu.dma_semaphore, #tpu.memory_space<semaphore_mem>>) src(%dma_wait3A_137 : memref<1600xf32, #tpu.memory_space<vmem>>) dst(%dma_wait3A_135 : memref<1600xf32, #tpu.memory_space<hbm>>)
      tpu.yield
    }) : () -> ()
    %mul3A_32 = arith.constant 1600 : i32
    %mul3A_33 = arith.muli %add3A, %mul3A_32 : i32
    %add3A_34 = arith.constant 153600 : i32
    %add3A_35 = arith.addi %add3A_34, %mul3A_33 : i32
    "tpu.region"() ({
      %run_scoped3A = tpu.sem_alloc : memref<!tpu.dma_semaphore, #tpu.memory_space<semaphore_mem>>
      %dma_start3A = arith.constant 4800 : i32
      %dma_start3A_128 = tpu.memref_slice %arg7[%dma_start3A] : memref<43200xf32, #tpu.memory_space<vmem>> -> memref<1600xf32, #tpu.memory_space<vmem>>
      %dma_start3A_129 = tpu.memref_slice %arg4[%add3A_35] : memref<1382400xf32, #tpu.memory_space<hbm>> -> memref<1600xf32, #tpu.memory_space<hbm>>
      %dma_start3A_130 = tpu.memref_slice %arg4[%add3A_35] : memref<1382400xf32, #tpu.memory_space<hbm>> -> memref<1600xf32, #tpu.memory_space<hbm>>
      %dma_start3A_131 = arith.constant 4800 : i32
      %dma_start3A_132 = tpu.memref_slice %arg7[%dma_start3A_131] : memref<43200xf32, #tpu.memory_space<vmem>> -> memref<1600xf32, #tpu.memory_space<vmem>>
      tpu.enqueue_dma source(%dma_start3A_132 : memref<1600xf32, #tpu.memory_space<vmem>>) target(%dma_start3A_130 : memref<1600xf32, #tpu.memory_space<hbm>>) target_semaphore(%run_scoped3A : memref<!tpu.dma_semaphore, #tpu.memory_space<semaphore_mem>>)
      %dma_wait3A = arith.constant 4800 : i32
      %dma_wait3A_133 = tpu.memref_slice %arg7[%dma_wait3A] : memref<43200xf32, #tpu.memory_space<vmem>> -> memref<1600xf32, #tpu.memory_space<vmem>>
      %dma_wait3A_134 = tpu.memref_slice %arg4[%add3A_35] : memref<1382400xf32, #tpu.memory_space<hbm>> -> memref<1600xf32, #tpu.memory_space<hbm>>
      %dma_wait3A_135 = tpu.memref_slice %arg4[%add3A_35] : memref<1382400xf32, #tpu.memory_space<hbm>> -> memref<1600xf32, #tpu.memory_space<hbm>>
      %dma_wait3A_136 = arith.constant 4800 : i32
      %dma_wait3A_137 = tpu.memref_slice %arg7[%dma_wait3A_136] : memref<43200xf32, #tpu.memory_space<vmem>> -> memref<1600xf32, #tpu.memory_space<vmem>>
      tpu.wait_dma2 semaphore(%run_scoped3A : memref<!tpu.dma_semaphore, #tpu.memory_space<semaphore_mem>>) src(%dma_wait3A_137 : memref<1600xf32, #tpu.memory_space<vmem>>) dst(%dma_wait3A_135 : memref<1600xf32, #tpu.memory_space<hbm>>)
      tpu.yield
    }) : () -> ()
    %mul3A_36 = arith.constant 1600 : i32
    %mul3A_37 = arith.muli %add3A, %mul3A_36 : i32
    %add3A_38 = arith.constant 204800 : i32
    %add3A_39 = arith.addi %add3A_38, %mul3A_37 : i32
    "tpu.region"() ({
      %run_scoped3A = tpu.sem_alloc : memref<!tpu.dma_semaphore, #tpu.memory_space<semaphore_mem>>
      %dma_start3A = arith.constant 6400 : i32
      %dma_start3A_128 = tpu.memref_slice %arg7[%dma_start3A] : memref<43200xf32, #tpu.memory_space<vmem>> -> memref<1600xf32, #tpu.memory_space<vmem>>
      %dma_start3A_129 = tpu.memref_slice %arg4[%add3A_39] : memref<1382400xf32, #tpu.memory_space<hbm>> -> memref<1600xf32, #tpu.memory_space<hbm>>
      %dma_start3A_130 = tpu.memref_slice %arg4[%add3A_39] : memref<1382400xf32, #tpu.memory_space<hbm>> -> memref<1600xf32, #tpu.memory_space<hbm>>
      %dma_start3A_131 = arith.constant 6400 : i32
      %dma_start3A_132 = tpu.memref_slice %arg7[%dma_start3A_131] : memref<43200xf32, #tpu.memory_space<vmem>> -> memref<1600xf32, #tpu.memory_space<vmem>>
      tpu.enqueue_dma source(%dma_start3A_132 : memref<1600xf32, #tpu.memory_space<vmem>>) target(%dma_start3A_130 : memref<1600xf32, #tpu.memory_space<hbm>>) target_semaphore(%run_scoped3A : memref<!tpu.dma_semaphore, #tpu.memory_space<semaphore_mem>>)
      %dma_wait3A = arith.constant 6400 : i32
      %dma_wait3A_133 = tpu.memref_slice %arg7[%dma_wait3A] : memref<43200xf32, #tpu.memory_space<vmem>> -> memref<1600xf32, #tpu.memory_space<vmem>>
      %dma_wait3A_134 = tpu.memref_slice %arg4[%add3A_39] : memref<1382400xf32, #tpu.memory_space<hbm>> -> memref<1600xf32, #tpu.memory_space<hbm>>
      %dma_wait3A_135 = tpu.memref_slice %arg4[%add3A_39] : memref<1382400xf32, #tpu.memory_space<hbm>> -> memref<1600xf32, #tpu.memory_space<hbm>>
      %dma_wait3A_136 = arith.constant 6400 : i32
      %dma_wait3A_137 = tpu.memref_slice %arg7[%dma_wait3A_136] : memref<43200xf32, #tpu.memory_space<vmem>> -> memref<1600xf32, #tpu.memory_space<vmem>>
      tpu.wait_dma2 semaphore(%run_scoped3A : memref<!tpu.dma_semaphore, #tpu.memory_space<semaphore_mem>>) src(%dma_wait3A_137 : memref<1600xf32, #tpu.memory_space<vmem>>) dst(%dma_wait3A_135 : memref<1600xf32, #tpu.memory_space<hbm>>)
      tpu.yield
    }) : () -> ()
    %mul3A_40 = arith.constant 1600 : i32
    %mul3A_41 = arith.muli %add3A, %mul3A_40 : i32
    %add3A_42 = arith.constant 256000 : i32
    %add3A_43 = arith.addi %add3A_42, %mul3A_41 : i32
    "tpu.region"() ({
      %run_scoped3A = tpu.sem_alloc : memref<!tpu.dma_semaphore, #tpu.memory_space<semaphore_mem>>
      %dma_start3A = arith.constant 8000 : i32
      %dma_start3A_128 = tpu.memref_slice %arg7[%dma_start3A] : memref<43200xf32, #tpu.memory_space<vmem>> -> memref<1600xf32, #tpu.memory_space<vmem>>
      %dma_start3A_129 = tpu.memref_slice %arg4[%add3A_43] : memref<1382400xf32, #tpu.memory_space<hbm>> -> memref<1600xf32, #tpu.memory_space<hbm>>
      %dma_start3A_130 = tpu.memref_slice %arg4[%add3A_43] : memref<1382400xf32, #tpu.memory_space<hbm>> -> memref<1600xf32, #tpu.memory_space<hbm>>
      %dma_start3A_131 = arith.constant 8000 : i32
      %dma_start3A_132 = tpu.memref_slice %arg7[%dma_start3A_131] : memref<43200xf32, #tpu.memory_space<vmem>> -> memref<1600xf32, #tpu.memory_space<vmem>>
      tpu.enqueue_dma source(%dma_start3A_132 : memref<1600xf32, #tpu.memory_space<vmem>>) target(%dma_start3A_130 : memref<1600xf32, #tpu.memory_space<hbm>>) target_semaphore(%run_scoped3A : memref<!tpu.dma_semaphore, #tpu.memory_space<semaphore_mem>>)
      %dma_wait3A = arith.constant 8000 : i32
      %dma_wait3A_133 = tpu.memref_slice %arg7[%dma_wait3A] : memref<43200xf32, #tpu.memory_space<vmem>> -> memref<1600xf32, #tpu.memory_space<vmem>>
      %dma_wait3A_134 = tpu.memref_slice %arg4[%add3A_43] : memref<1382400xf32, #tpu.memory_space<hbm>> -> memref<1600xf32, #tpu.memory_space<hbm>>
      %dma_wait3A_135 = tpu.memref_slice %arg4[%add3A_43] : memref<1382400xf32, #tpu.memory_space<hbm>> -> memref<1600xf32, #tpu.memory_space<hbm>>
      %dma_wait3A_136 = arith.constant 8000 : i32
      %dma_wait3A_137 = tpu.memref_slice %arg7[%dma_wait3A_136] : memref<43200xf32, #tpu.memory_space<vmem>> -> memref<1600xf32, #tpu.memory_space<vmem>>
      tpu.wait_dma2 semaphore(%run_scoped3A : memref<!tpu.dma_semaphore, #tpu.memory_space<semaphore_mem>>) src(%dma_wait3A_137 : memref<1600xf32, #tpu.memory_space<vmem>>) dst(%dma_wait3A_135 : memref<1600xf32, #tpu.memory_space<hbm>>)
      tpu.yield
    }) : () -> ()
    %mul3A_44 = arith.constant 1600 : i32
    %mul3A_45 = arith.muli %add3A, %mul3A_44 : i32
    %add3A_46 = arith.constant 307200 : i32
    %add3A_47 = arith.addi %add3A_46, %mul3A_45 : i32
    "tpu.region"() ({
      %run_scoped3A = tpu.sem_alloc : memref<!tpu.dma_semaphore, #tpu.memory_space<semaphore_mem>>
      %dma_start3A = arith.constant 9600 : i32
      %dma_start3A_128 = tpu.memref_slice %arg7[%dma_start3A] : memref<43200xf32, #tpu.memory_space<vmem>> -> memref<1600xf32, #tpu.memory_space<vmem>>
      %dma_start3A_129 = tpu.memref_slice %arg4[%add3A_47] : memref<1382400xf32, #tpu.memory_space<hbm>> -> memref<1600xf32, #tpu.memory_space<hbm>>
      %dma_start3A_130 = tpu.memref_slice %arg4[%add3A_47] : memref<1382400xf32, #tpu.memory_space<hbm>> -> memref<1600xf32, #tpu.memory_space<hbm>>
      %dma_start3A_131 = arith.constant 9600 : i32
      %dma_start3A_132 = tpu.memref_slice %arg7[%dma_start3A_131] : memref<43200xf32, #tpu.memory_space<vmem>> -> memref<1600xf32, #tpu.memory_space<vmem>>
      tpu.enqueue_dma source(%dma_start3A_132 : memref<1600xf32, #tpu.memory_space<vmem>>) target(%dma_start3A_130 : memref<1600xf32, #tpu.memory_space<hbm>>) target_semaphore(%run_scoped3A : memref<!tpu.dma_semaphore, #tpu.memory_space<semaphore_mem>>)
      %dma_wait3A = arith.constant 9600 : i32
      %dma_wait3A_133 = tpu.memref_slice %arg7[%dma_wait3A] : memref<43200xf32, #tpu.memory_space<vmem>> -> memref<1600xf32, #tpu.memory_space<vmem>>
      %dma_wait3A_134 = tpu.memref_slice %arg4[%add3A_47] : memref<1382400xf32, #tpu.memory_space<hbm>> -> memref<1600xf32, #tpu.memory_space<hbm>>
      %dma_wait3A_135 = tpu.memref_slice %arg4[%add3A_47] : memref<1382400xf32, #tpu.memory_space<hbm>> -> memref<1600xf32, #tpu.memory_space<hbm>>
      %dma_wait3A_136 = arith.constant 9600 : i32
      %dma_wait3A_137 = tpu.memref_slice %arg7[%dma_wait3A_136] : memref<43200xf32, #tpu.memory_space<vmem>> -> memref<1600xf32, #tpu.memory_space<vmem>>
      tpu.wait_dma2 semaphore(%run_scoped3A : memref<!tpu.dma_semaphore, #tpu.memory_space<semaphore_mem>>) src(%dma_wait3A_137 : memref<1600xf32, #tpu.memory_space<vmem>>) dst(%dma_wait3A_135 : memref<1600xf32, #tpu.memory_space<hbm>>)
      tpu.yield
    }) : () -> ()
    %mul3A_48 = arith.constant 1600 : i32
    %mul3A_49 = arith.muli %add3A, %mul3A_48 : i32
    %add3A_50 = arith.constant 358400 : i32
    %add3A_51 = arith.addi %add3A_50, %mul3A_49 : i32
    "tpu.region"() ({
      %run_scoped3A = tpu.sem_alloc : memref<!tpu.dma_semaphore, #tpu.memory_space<semaphore_mem>>
      %dma_start3A = arith.constant 11200 : i32
      %dma_start3A_128 = tpu.memref_slice %arg7[%dma_start3A] : memref<43200xf32, #tpu.memory_space<vmem>> -> memref<1600xf32, #tpu.memory_space<vmem>>
      %dma_start3A_129 = tpu.memref_slice %arg4[%add3A_51] : memref<1382400xf32, #tpu.memory_space<hbm>> -> memref<1600xf32, #tpu.memory_space<hbm>>
      %dma_start3A_130 = tpu.memref_slice %arg4[%add3A_51] : memref<1382400xf32, #tpu.memory_space<hbm>> -> memref<1600xf32, #tpu.memory_space<hbm>>
      %dma_start3A_131 = arith.constant 11200 : i32
      %dma_start3A_132 = tpu.memref_slice %arg7[%dma_start3A_131] : memref<43200xf32, #tpu.memory_space<vmem>> -> memref<1600xf32, #tpu.memory_space<vmem>>
      tpu.enqueue_dma source(%dma_start3A_132 : memref<1600xf32, #tpu.memory_space<vmem>>) target(%dma_start3A_130 : memref<1600xf32, #tpu.memory_space<hbm>>) target_semaphore(%run_scoped3A : memref<!tpu.dma_semaphore, #tpu.memory_space<semaphore_mem>>)
      %dma_wait3A = arith.constant 11200 : i32
      %dma_wait3A_133 = tpu.memref_slice %arg7[%dma_wait3A] : memref<43200xf32, #tpu.memory_space<vmem>> -> memref<1600xf32, #tpu.memory_space<vmem>>
      %dma_wait3A_134 = tpu.memref_slice %arg4[%add3A_51] : memref<1382400xf32, #tpu.memory_space<hbm>> -> memref<1600xf32, #tpu.memory_space<hbm>>
      %dma_wait3A_135 = tpu.memref_slice %arg4[%add3A_51] : memref<1382400xf32, #tpu.memory_space<hbm>> -> memref<1600xf32, #tpu.memory_space<hbm>>
      %dma_wait3A_136 = arith.constant 11200 : i32
      %dma_wait3A_137 = tpu.memref_slice %arg7[%dma_wait3A_136] : memref<43200xf32, #tpu.memory_space<vmem>> -> memref<1600xf32, #tpu.memory_space<vmem>>
      tpu.wait_dma2 semaphore(%run_scoped3A : memref<!tpu.dma_semaphore, #tpu.memory_space<semaphore_mem>>) src(%dma_wait3A_137 : memref<1600xf32, #tpu.memory_space<vmem>>) dst(%dma_wait3A_135 : memref<1600xf32, #tpu.memory_space<hbm>>)
      tpu.yield
    }) : () -> ()
    %mul3A_52 = arith.constant 1600 : i32
    %mul3A_53 = arith.muli %add3A, %mul3A_52 : i32
    %add3A_54 = arith.constant 409600 : i32
    %add3A_55 = arith.addi %add3A_54, %mul3A_53 : i32
    "tpu.region"() ({
      %run_scoped3A = tpu.sem_alloc : memref<!tpu.dma_semaphore, #tpu.memory_space<semaphore_mem>>
      %dma_start3A = arith.constant 12800 : i32
      %dma_start3A_128 = tpu.memref_slice %arg7[%dma_start3A] : memref<43200xf32, #tpu.memory_space<vmem>> -> memref<1600xf32, #tpu.memory_space<vmem>>
      %dma_start3A_129 = tpu.memref_slice %arg4[%add3A_55] : memref<1382400xf32, #tpu.memory_space<hbm>> -> memref<1600xf32, #tpu.memory_space<hbm>>
      %dma_start3A_130 = tpu.memref_slice %arg4[%add3A_55] : memref<1382400xf32, #tpu.memory_space<hbm>> -> memref<1600xf32, #tpu.memory_space<hbm>>
      %dma_start3A_131 = arith.constant 12800 : i32
      %dma_start3A_132 = tpu.memref_slice %arg7[%dma_start3A_131] : memref<43200xf32, #tpu.memory_space<vmem>> -> memref<1600xf32, #tpu.memory_space<vmem>>
      tpu.enqueue_dma source(%dma_start3A_132 : memref<1600xf32, #tpu.memory_space<vmem>>) target(%dma_start3A_130 : memref<1600xf32, #tpu.memory_space<hbm>>) target_semaphore(%run_scoped3A : memref<!tpu.dma_semaphore, #tpu.memory_space<semaphore_mem>>)
      %dma_wait3A = arith.constant 12800 : i32
      %dma_wait3A_133 = tpu.memref_slice %arg7[%dma_wait3A] : memref<43200xf32, #tpu.memory_space<vmem>> -> memref<1600xf32, #tpu.memory_space<vmem>>
      %dma_wait3A_134 = tpu.memref_slice %arg4[%add3A_55] : memref<1382400xf32, #tpu.memory_space<hbm>> -> memref<1600xf32, #tpu.memory_space<hbm>>
      %dma_wait3A_135 = tpu.memref_slice %arg4[%add3A_55] : memref<1382400xf32, #tpu.memory_space<hbm>> -> memref<1600xf32, #tpu.memory_space<hbm>>
      %dma_wait3A_136 = arith.constant 12800 : i32
      %dma_wait3A_137 = tpu.memref_slice %arg7[%dma_wait3A_136] : memref<43200xf32, #tpu.memory_space<vmem>> -> memref<1600xf32, #tpu.memory_space<vmem>>
      tpu.wait_dma2 semaphore(%run_scoped3A : memref<!tpu.dma_semaphore, #tpu.memory_space<semaphore_mem>>) src(%dma_wait3A_137 : memref<1600xf32, #tpu.memory_space<vmem>>) dst(%dma_wait3A_135 : memref<1600xf32, #tpu.memory_space<hbm>>)
      tpu.yield
    }) : () -> ()
    %mul3A_56 = arith.constant 1600 : i32
    %mul3A_57 = arith.muli %add3A, %mul3A_56 : i32
    %add3A_58 = arith.constant 460800 : i32
    %add3A_59 = arith.addi %add3A_58, %mul3A_57 : i32
    "tpu.region"() ({
      %run_scoped3A = tpu.sem_alloc : memref<!tpu.dma_semaphore, #tpu.memory_space<semaphore_mem>>
      %dma_start3A = arith.constant 14400 : i32
      %dma_start3A_128 = tpu.memref_slice %arg7[%dma_start3A] : memref<43200xf32, #tpu.memory_space<vmem>> -> memref<1600xf32, #tpu.memory_space<vmem>>
      %dma_start3A_129 = tpu.memref_slice %arg4[%add3A_59] : memref<1382400xf32, #tpu.memory_space<hbm>> -> memref<1600xf32, #tpu.memory_space<hbm>>
      %dma_start3A_130 = tpu.memref_slice %arg4[%add3A_59] : memref<1382400xf32, #tpu.memory_space<hbm>> -> memref<1600xf32, #tpu.memory_space<hbm>>
      %dma_start3A_131 = arith.constant 14400 : i32
      %dma_start3A_132 = tpu.memref_slice %arg7[%dma_start3A_131] : memref<43200xf32, #tpu.memory_space<vmem>> -> memref<1600xf32, #tpu.memory_space<vmem>>
      tpu.enqueue_dma source(%dma_start3A_132 : memref<1600xf32, #tpu.memory_space<vmem>>) target(%dma_start3A_130 : memref<1600xf32, #tpu.memory_space<hbm>>) target_semaphore(%run_scoped3A : memref<!tpu.dma_semaphore, #tpu.memory_space<semaphore_mem>>)
      %dma_wait3A = arith.constant 14400 : i32
      %dma_wait3A_133 = tpu.memref_slice %arg7[%dma_wait3A] : memref<43200xf32, #tpu.memory_space<vmem>> -> memref<1600xf32, #tpu.memory_space<vmem>>
      %dma_wait3A_134 = tpu.memref_slice %arg4[%add3A_59] : memref<1382400xf32, #tpu.memory_space<hbm>> -> memref<1600xf32, #tpu.memory_space<hbm>>
      %dma_wait3A_135 = tpu.memref_slice %arg4[%add3A_59] : memref<1382400xf32, #tpu.memory_space<hbm>> -> memref<1600xf32, #tpu.memory_space<hbm>>
      %dma_wait3A_136 = arith.constant 14400 : i32
      %dma_wait3A_137 = tpu.memref_slice %arg7[%dma_wait3A_136] : memref<43200xf32, #tpu.memory_space<vmem>> -> memref<1600xf32, #tpu.memory_space<vmem>>
      tpu.wait_dma2 semaphore(%run_scoped3A : memref<!tpu.dma_semaphore, #tpu.memory_space<semaphore_mem>>) src(%dma_wait3A_137 : memref<1600xf32, #tpu.memory_space<vmem>>) dst(%dma_wait3A_135 : memref<1600xf32, #tpu.memory_space<hbm>>)
      tpu.yield
    }) : () -> ()
    %mul3A_60 = arith.constant 1600 : i32
    %mul3A_61 = arith.muli %add3A, %mul3A_60 : i32
    %add3A_62 = arith.constant 512000 : i32
    %add3A_63 = arith.addi %add3A_62, %mul3A_61 : i32
    "tpu.region"() ({
      %run_scoped3A = tpu.sem_alloc : memref<!tpu.dma_semaphore, #tpu.memory_space<semaphore_mem>>
      %dma_start3A = arith.constant 16000 : i32
      %dma_start3A_128 = tpu.memref_slice %arg7[%dma_start3A] : memref<43200xf32, #tpu.memory_space<vmem>> -> memref<1600xf32, #tpu.memory_space<vmem>>
      %dma_start3A_129 = tpu.memref_slice %arg4[%add3A_63] : memref<1382400xf32, #tpu.memory_space<hbm>> -> memref<1600xf32, #tpu.memory_space<hbm>>
      %dma_start3A_130 = tpu.memref_slice %arg4[%add3A_63] : memref<1382400xf32, #tpu.memory_space<hbm>> -> memref<1600xf32, #tpu.memory_space<hbm>>
      %dma_start3A_131 = arith.constant 16000 : i32
      %dma_start3A_132 = tpu.memref_slice %arg7[%dma_start3A_131] : memref<43200xf32, #tpu.memory_space<vmem>> -> memref<1600xf32, #tpu.memory_space<vmem>>
      tpu.enqueue_dma source(%dma_start3A_132 : memref<1600xf32, #tpu.memory_space<vmem>>) target(%dma_start3A_130 : memref<1600xf32, #tpu.memory_space<hbm>>) target_semaphore(%run_scoped3A : memref<!tpu.dma_semaphore, #tpu.memory_space<semaphore_mem>>)
      %dma_wait3A = arith.constant 16000 : i32
      %dma_wait3A_133 = tpu.memref_slice %arg7[%dma_wait3A] : memref<43200xf32, #tpu.memory_space<vmem>> -> memref<1600xf32, #tpu.memory_space<vmem>>
      %dma_wait3A_134 = tpu.memref_slice %arg4[%add3A_63] : memref<1382400xf32, #tpu.memory_space<hbm>> -> memref<1600xf32, #tpu.memory_space<hbm>>
      %dma_wait3A_135 = tpu.memref_slice %arg4[%add3A_63] : memref<1382400xf32, #tpu.memory_space<hbm>> -> memref<1600xf32, #tpu.memory_space<hbm>>
      %dma_wait3A_136 = arith.constant 16000 : i32
      %dma_wait3A_137 = tpu.memref_slice %arg7[%dma_wait3A_136] : memref<43200xf32, #tpu.memory_space<vmem>> -> memref<1600xf32, #tpu.memory_space<vmem>>
      tpu.wait_dma2 semaphore(%run_scoped3A : memref<!tpu.dma_semaphore, #tpu.memory_space<semaphore_mem>>) src(%dma_wait3A_137 : memref<1600xf32, #tpu.memory_space<vmem>>) dst(%dma_wait3A_135 : memref<1600xf32, #tpu.memory_space<hbm>>)
      tpu.yield
    }) : () -> ()
    %mul3A_64 = arith.constant 1600 : i32
    %mul3A_65 = arith.muli %add3A, %mul3A_64 : i32
    %add3A_66 = arith.constant 563200 : i32
    %add3A_67 = arith.addi %add3A_66, %mul3A_65 : i32
    "tpu.region"() ({
      %run_scoped3A = tpu.sem_alloc : memref<!tpu.dma_semaphore, #tpu.memory_space<semaphore_mem>>
      %dma_start3A = arith.constant 17600 : i32
      %dma_start3A_128 = tpu.memref_slice %arg7[%dma_start3A] : memref<43200xf32, #tpu.memory_space<vmem>> -> memref<1600xf32, #tpu.memory_space<vmem>>
      %dma_start3A_129 = tpu.memref_slice %arg4[%add3A_67] : memref<1382400xf32, #tpu.memory_space<hbm>> -> memref<1600xf32, #tpu.memory_space<hbm>>
      %dma_start3A_130 = tpu.memref_slice %arg4[%add3A_67] : memref<1382400xf32, #tpu.memory_space<hbm>> -> memref<1600xf32, #tpu.memory_space<hbm>>
      %dma_start3A_131 = arith.constant 17600 : i32
      %dma_start3A_132 = tpu.memref_slice %arg7[%dma_start3A_131] : memref<43200xf32, #tpu.memory_space<vmem>> -> memref<1600xf32, #tpu.memory_space<vmem>>
      tpu.enqueue_dma source(%dma_start3A_132 : memref<1600xf32, #tpu.memory_space<vmem>>) target(%dma_start3A_130 : memref<1600xf32, #tpu.memory_space<hbm>>) target_semaphore(%run_scoped3A : memref<!tpu.dma_semaphore, #tpu.memory_space<semaphore_mem>>)
      %dma_wait3A = arith.constant 17600 : i32
      %dma_wait3A_133 = tpu.memref_slice %arg7[%dma_wait3A] : memref<43200xf32, #tpu.memory_space<vmem>> -> memref<1600xf32, #tpu.memory_space<vmem>>
      %dma_wait3A_134 = tpu.memref_slice %arg4[%add3A_67] : memref<1382400xf32, #tpu.memory_space<hbm>> -> memref<1600xf32, #tpu.memory_space<hbm>>
      %dma_wait3A_135 = tpu.memref_slice %arg4[%add3A_67] : memref<1382400xf32, #tpu.memory_space<hbm>> -> memref<1600xf32, #tpu.memory_space<hbm>>
      %dma_wait3A_136 = arith.constant 17600 : i32
      %dma_wait3A_137 = tpu.memref_slice %arg7[%dma_wait3A_136] : memref<43200xf32, #tpu.memory_space<vmem>> -> memref<1600xf32, #tpu.memory_space<vmem>>
      tpu.wait_dma2 semaphore(%run_scoped3A : memref<!tpu.dma_semaphore, #tpu.memory_space<semaphore_mem>>) src(%dma_wait3A_137 : memref<1600xf32, #tpu.memory_space<vmem>>) dst(%dma_wait3A_135 : memref<1600xf32, #tpu.memory_space<hbm>>)
      tpu.yield
    }) : () -> ()
    %mul3A_68 = arith.constant 1600 : i32
    %mul3A_69 = arith.muli %add3A, %mul3A_68 : i32
    %add3A_70 = arith.constant 614400 : i32
    %add3A_71 = arith.addi %add3A_70, %mul3A_69 : i32
    "tpu.region"() ({
      %run_scoped3A = tpu.sem_alloc : memref<!tpu.dma_semaphore, #tpu.memory_space<semaphore_mem>>
      %dma_start3A = arith.constant 19200 : i32
      %dma_start3A_128 = tpu.memref_slice %arg7[%dma_start3A] : memref<43200xf32, #tpu.memory_space<vmem>> -> memref<1600xf32, #tpu.memory_space<vmem>>
      %dma_start3A_129 = tpu.memref_slice %arg4[%add3A_71] : memref<1382400xf32, #tpu.memory_space<hbm>> -> memref<1600xf32, #tpu.memory_space<hbm>>
      %dma_start3A_130 = tpu.memref_slice %arg4[%add3A_71] : memref<1382400xf32, #tpu.memory_space<hbm>> -> memref<1600xf32, #tpu.memory_space<hbm>>
      %dma_start3A_131 = arith.constant 19200 : i32
      %dma_start3A_132 = tpu.memref_slice %arg7[%dma_start3A_131] : memref<43200xf32, #tpu.memory_space<vmem>> -> memref<1600xf32, #tpu.memory_space<vmem>>
      tpu.enqueue_dma source(%dma_start3A_132 : memref<1600xf32, #tpu.memory_space<vmem>>) target(%dma_start3A_130 : memref<1600xf32, #tpu.memory_space<hbm>>) target_semaphore(%run_scoped3A : memref<!tpu.dma_semaphore, #tpu.memory_space<semaphore_mem>>)
      %dma_wait3A = arith.constant 19200 : i32
      %dma_wait3A_133 = tpu.memref_slice %arg7[%dma_wait3A] : memref<43200xf32, #tpu.memory_space<vmem>> -> memref<1600xf32, #tpu.memory_space<vmem>>
      %dma_wait3A_134 = tpu.memref_slice %arg4[%add3A_71] : memref<1382400xf32, #tpu.memory_space<hbm>> -> memref<1600xf32, #tpu.memory_space<hbm>>
      %dma_wait3A_135 = tpu.memref_slice %arg4[%add3A_71] : memref<1382400xf32, #tpu.memory_space<hbm>> -> memref<1600xf32, #tpu.memory_space<hbm>>
      %dma_wait3A_136 = arith.constant 19200 : i32
      %dma_wait3A_137 = tpu.memref_slice %arg7[%dma_wait3A_136] : memref<43200xf32, #tpu.memory_space<vmem>> -> memref<1600xf32, #tpu.memory_space<vmem>>
      tpu.wait_dma2 semaphore(%run_scoped3A : memref<!tpu.dma_semaphore, #tpu.memory_space<semaphore_mem>>) src(%dma_wait3A_137 : memref<1600xf32, #tpu.memory_space<vmem>>) dst(%dma_wait3A_135 : memref<1600xf32, #tpu.memory_space<hbm>>)
      tpu.yield
    }) : () -> ()
    %mul3A_72 = arith.constant 1600 : i32
    %mul3A_73 = arith.muli %add3A, %mul3A_72 : i32
    %add3A_74 = arith.constant 665600 : i32
    %add3A_75 = arith.addi %add3A_74, %mul3A_73 : i32
    "tpu.region"() ({
      %run_scoped3A = tpu.sem_alloc : memref<!tpu.dma_semaphore, #tpu.memory_space<semaphore_mem>>
      %dma_start3A = arith.constant 20800 : i32
      %dma_start3A_128 = tpu.memref_slice %arg7[%dma_start3A] : memref<43200xf32, #tpu.memory_space<vmem>> -> memref<1600xf32, #tpu.memory_space<vmem>>
      %dma_start3A_129 = tpu.memref_slice %arg4[%add3A_75] : memref<1382400xf32, #tpu.memory_space<hbm>> -> memref<1600xf32, #tpu.memory_space<hbm>>
      %dma_start3A_130 = tpu.memref_slice %arg4[%add3A_75] : memref<1382400xf32, #tpu.memory_space<hbm>> -> memref<1600xf32, #tpu.memory_space<hbm>>
      %dma_start3A_131 = arith.constant 20800 : i32
      %dma_start3A_132 = tpu.memref_slice %arg7[%dma_start3A_131] : memref<43200xf32, #tpu.memory_space<vmem>> -> memref<1600xf32, #tpu.memory_space<vmem>>
      tpu.enqueue_dma source(%dma_start3A_132 : memref<1600xf32, #tpu.memory_space<vmem>>) target(%dma_start3A_130 : memref<1600xf32, #tpu.memory_space<hbm>>) target_semaphore(%run_scoped3A : memref<!tpu.dma_semaphore, #tpu.memory_space<semaphore_mem>>)
      %dma_wait3A = arith.constant 20800 : i32
      %dma_wait3A_133 = tpu.memref_slice %arg7[%dma_wait3A] : memref<43200xf32, #tpu.memory_space<vmem>> -> memref<1600xf32, #tpu.memory_space<vmem>>
      %dma_wait3A_134 = tpu.memref_slice %arg4[%add3A_75] : memref<1382400xf32, #tpu.memory_space<hbm>> -> memref<1600xf32, #tpu.memory_space<hbm>>
      %dma_wait3A_135 = tpu.memref_slice %arg4[%add3A_75] : memref<1382400xf32, #tpu.memory_space<hbm>> -> memref<1600xf32, #tpu.memory_space<hbm>>
      %dma_wait3A_136 = arith.constant 20800 : i32
      %dma_wait3A_137 = tpu.memref_slice %arg7[%dma_wait3A_136] : memref<43200xf32, #tpu.memory_space<vmem>> -> memref<1600xf32, #tpu.memory_space<vmem>>
      tpu.wait_dma2 semaphore(%run_scoped3A : memref<!tpu.dma_semaphore, #tpu.memory_space<semaphore_mem>>) src(%dma_wait3A_137 : memref<1600xf32, #tpu.memory_space<vmem>>) dst(%dma_wait3A_135 : memref<1600xf32, #tpu.memory_space<hbm>>)
      tpu.yield
    }) : () -> ()
    %mul3A_76 = arith.constant 1600 : i32
    %mul3A_77 = arith.muli %add3A, %mul3A_76 : i32
    %add3A_78 = arith.constant 716800 : i32
    %add3A_79 = arith.addi %add3A_78, %mul3A_77 : i32
    "tpu.region"() ({
      %run_scoped3A = tpu.sem_alloc : memref<!tpu.dma_semaphore, #tpu.memory_space<semaphore_mem>>
      %dma_start3A = arith.constant 22400 : i32
      %dma_start3A_128 = tpu.memref_slice %arg7[%dma_start3A] : memref<43200xf32, #tpu.memory_space<vmem>> -> memref<1600xf32, #tpu.memory_space<vmem>>
      %dma_start3A_129 = tpu.memref_slice %arg4[%add3A_79] : memref<1382400xf32, #tpu.memory_space<hbm>> -> memref<1600xf32, #tpu.memory_space<hbm>>
      %dma_start3A_130 = tpu.memref_slice %arg4[%add3A_79] : memref<1382400xf32, #tpu.memory_space<hbm>> -> memref<1600xf32, #tpu.memory_space<hbm>>
      %dma_start3A_131 = arith.constant 22400 : i32
      %dma_start3A_132 = tpu.memref_slice %arg7[%dma_start3A_131] : memref<43200xf32, #tpu.memory_space<vmem>> -> memref<1600xf32, #tpu.memory_space<vmem>>
      tpu.enqueue_dma source(%dma_start3A_132 : memref<1600xf32, #tpu.memory_space<vmem>>) target(%dma_start3A_130 : memref<1600xf32, #tpu.memory_space<hbm>>) target_semaphore(%run_scoped3A : memref<!tpu.dma_semaphore, #tpu.memory_space<semaphore_mem>>)
      %dma_wait3A = arith.constant 22400 : i32
      %dma_wait3A_133 = tpu.memref_slice %arg7[%dma_wait3A] : memref<43200xf32, #tpu.memory_space<vmem>> -> memref<1600xf32, #tpu.memory_space<vmem>>
      %dma_wait3A_134 = tpu.memref_slice %arg4[%add3A_79] : memref<1382400xf32, #tpu.memory_space<hbm>> -> memref<1600xf32, #tpu.memory_space<hbm>>
      %dma_wait3A_135 = tpu.memref_slice %arg4[%add3A_79] : memref<1382400xf32, #tpu.memory_space<hbm>> -> memref<1600xf32, #tpu.memory_space<hbm>>
      %dma_wait3A_136 = arith.constant 22400 : i32
      %dma_wait3A_137 = tpu.memref_slice %arg7[%dma_wait3A_136] : memref<43200xf32, #tpu.memory_space<vmem>> -> memref<1600xf32, #tpu.memory_space<vmem>>
      tpu.wait_dma2 semaphore(%run_scoped3A : memref<!tpu.dma_semaphore, #tpu.memory_space<semaphore_mem>>) src(%dma_wait3A_137 : memref<1600xf32, #tpu.memory_space<vmem>>) dst(%dma_wait3A_135 : memref<1600xf32, #tpu.memory_space<hbm>>)
      tpu.yield
    }) : () -> ()
    %mul3A_80 = arith.constant 1600 : i32
    %mul3A_81 = arith.muli %add3A, %mul3A_80 : i32
    %add3A_82 = arith.constant 768000 : i32
    %add3A_83 = arith.addi %add3A_82, %mul3A_81 : i32
    "tpu.region"() ({
      %run_scoped3A = tpu.sem_alloc : memref<!tpu.dma_semaphore, #tpu.memory_space<semaphore_mem>>
      %dma_start3A = arith.constant 24000 : i32
      %dma_start3A_128 = tpu.memref_slice %arg7[%dma_start3A] : memref<43200xf32, #tpu.memory_space<vmem>> -> memref<1600xf32, #tpu.memory_space<vmem>>
      %dma_start3A_129 = tpu.memref_slice %arg4[%add3A_83] : memref<1382400xf32, #tpu.memory_space<hbm>> -> memref<1600xf32, #tpu.memory_space<hbm>>
      %dma_start3A_130 = tpu.memref_slice %arg4[%add3A_83] : memref<1382400xf32, #tpu.memory_space<hbm>> -> memref<1600xf32, #tpu.memory_space<hbm>>
      %dma_start3A_131 = arith.constant 24000 : i32
      %dma_start3A_132 = tpu.memref_slice %arg7[%dma_start3A_131] : memref<43200xf32, #tpu.memory_space<vmem>> -> memref<1600xf32, #tpu.memory_space<vmem>>
      tpu.enqueue_dma source(%dma_start3A_132 : memref<1600xf32, #tpu.memory_space<vmem>>) target(%dma_start3A_130 : memref<1600xf32, #tpu.memory_space<hbm>>) target_semaphore(%run_scoped3A : memref<!tpu.dma_semaphore, #tpu.memory_space<semaphore_mem>>)
      %dma_wait3A = arith.constant 24000 : i32
      %dma_wait3A_133 = tpu.memref_slice %arg7[%dma_wait3A] : memref<43200xf32, #tpu.memory_space<vmem>> -> memref<1600xf32, #tpu.memory_space<vmem>>
      %dma_wait3A_134 = tpu.memref_slice %arg4[%add3A_83] : memref<1382400xf32, #tpu.memory_space<hbm>> -> memref<1600xf32, #tpu.memory_space<hbm>>
      %dma_wait3A_135 = tpu.memref_slice %arg4[%add3A_83] : memref<1382400xf32, #tpu.memory_space<hbm>> -> memref<1600xf32, #tpu.memory_space<hbm>>
      %dma_wait3A_136 = arith.constant 24000 : i32
      %dma_wait3A_137 = tpu.memref_slice %arg7[%dma_wait3A_136] : memref<43200xf32, #tpu.memory_space<vmem>> -> memref<1600xf32, #tpu.memory_space<vmem>>
      tpu.wait_dma2 semaphore(%run_scoped3A : memref<!tpu.dma_semaphore, #tpu.memory_space<semaphore_mem>>) src(%dma_wait3A_137 : memref<1600xf32, #tpu.memory_space<vmem>>) dst(%dma_wait3A_135 : memref<1600xf32, #tpu.memory_space<hbm>>)
      tpu.yield
    }) : () -> ()
    %mul3A_84 = arith.constant 1600 : i32
    %mul3A_85 = arith.muli %add3A, %mul3A_84 : i32
    %add3A_86 = arith.constant 819200 : i32
    %add3A_87 = arith.addi %add3A_86, %mul3A_85 : i32
    "tpu.region"() ({
      %run_scoped3A = tpu.sem_alloc : memref<!tpu.dma_semaphore, #tpu.memory_space<semaphore_mem>>
      %dma_start3A = arith.constant 25600 : i32
      %dma_start3A_128 = tpu.memref_slice %arg7[%dma_start3A] : memref<43200xf32, #tpu.memory_space<vmem>> -> memref<1600xf32, #tpu.memory_space<vmem>>
      %dma_start3A_129 = tpu.memref_slice %arg4[%add3A_87] : memref<1382400xf32, #tpu.memory_space<hbm>> -> memref<1600xf32, #tpu.memory_space<hbm>>
      %dma_start3A_130 = tpu.memref_slice %arg4[%add3A_87] : memref<1382400xf32, #tpu.memory_space<hbm>> -> memref<1600xf32, #tpu.memory_space<hbm>>
      %dma_start3A_131 = arith.constant 25600 : i32
      %dma_start3A_132 = tpu.memref_slice %arg7[%dma_start3A_131] : memref<43200xf32, #tpu.memory_space<vmem>> -> memref<1600xf32, #tpu.memory_space<vmem>>
      tpu.enqueue_dma source(%dma_start3A_132 : memref<1600xf32, #tpu.memory_space<vmem>>) target(%dma_start3A_130 : memref<1600xf32, #tpu.memory_space<hbm>>) target_semaphore(%run_scoped3A : memref<!tpu.dma_semaphore, #tpu.memory_space<semaphore_mem>>)
      %dma_wait3A = arith.constant 25600 : i32
      %dma_wait3A_133 = tpu.memref_slice %arg7[%dma_wait3A] : memref<43200xf32, #tpu.memory_space<vmem>> -> memref<1600xf32, #tpu.memory_space<vmem>>
      %dma_wait3A_134 = tpu.memref_slice %arg4[%add3A_87] : memref<1382400xf32, #tpu.memory_space<hbm>> -> memref<1600xf32, #tpu.memory_space<hbm>>
      %dma_wait3A_135 = tpu.memref_slice %arg4[%add3A_87] : memref<1382400xf32, #tpu.memory_space<hbm>> -> memref<1600xf32, #tpu.memory_space<hbm>>
      %dma_wait3A_136 = arith.constant 25600 : i32
      %dma_wait3A_137 = tpu.memref_slice %arg7[%dma_wait3A_136] : memref<43200xf32, #tpu.memory_space<vmem>> -> memref<1600xf32, #tpu.memory_space<vmem>>
      tpu.wait_dma2 semaphore(%run_scoped3A : memref<!tpu.dma_semaphore, #tpu.memory_space<semaphore_mem>>) src(%dma_wait3A_137 : memref<1600xf32, #tpu.memory_space<vmem>>) dst(%dma_wait3A_135 : memref<1600xf32, #tpu.memory_space<hbm>>)
      tpu.yield
    }) : () -> ()
    %mul3A_88 = arith.constant 1600 : i32
    %mul3A_89 = arith.muli %add3A, %mul3A_88 : i32
    %add3A_90 = arith.constant 870400 : i32
    %add3A_91 = arith.addi %add3A_90, %mul3A_89 : i32
    "tpu.region"() ({
      %run_scoped3A = tpu.sem_alloc : memref<!tpu.dma_semaphore, #tpu.memory_space<semaphore_mem>>
      %dma_start3A = arith.constant 27200 : i32
      %dma_start3A_128 = tpu.memref_slice %arg7[%dma_start3A] : memref<43200xf32, #tpu.memory_space<vmem>> -> memref<1600xf32, #tpu.memory_space<vmem>>
      %dma_start3A_129 = tpu.memref_slice %arg4[%add3A_91] : memref<1382400xf32, #tpu.memory_space<hbm>> -> memref<1600xf32, #tpu.memory_space<hbm>>
      %dma_start3A_130 = tpu.memref_slice %arg4[%add3A_91] : memref<1382400xf32, #tpu.memory_space<hbm>> -> memref<1600xf32, #tpu.memory_space<hbm>>
      %dma_start3A_131 = arith.constant 27200 : i32
      %dma_start3A_132 = tpu.memref_slice %arg7[%dma_start3A_131] : memref<43200xf32, #tpu.memory_space<vmem>> -> memref<1600xf32, #tpu.memory_space<vmem>>
      tpu.enqueue_dma source(%dma_start3A_132 : memref<1600xf32, #tpu.memory_space<vmem>>) target(%dma_start3A_130 : memref<1600xf32, #tpu.memory_space<hbm>>) target_semaphore(%run_scoped3A : memref<!tpu.dma_semaphore, #tpu.memory_space<semaphore_mem>>)
      %dma_wait3A = arith.constant 27200 : i32
      %dma_wait3A_133 = tpu.memref_slice %arg7[%dma_wait3A] : memref<43200xf32, #tpu.memory_space<vmem>> -> memref<1600xf32, #tpu.memory_space<vmem>>
      %dma_wait3A_134 = tpu.memref_slice %arg4[%add3A_91] : memref<1382400xf32, #tpu.memory_space<hbm>> -> memref<1600xf32, #tpu.memory_space<hbm>>
      %dma_wait3A_135 = tpu.memref_slice %arg4[%add3A_91] : memref<1382400xf32, #tpu.memory_space<hbm>> -> memref<1600xf32, #tpu.memory_space<hbm>>
      %dma_wait3A_136 = arith.constant 27200 : i32
      %dma_wait3A_137 = tpu.memref_slice %arg7[%dma_wait3A_136] : memref<43200xf32, #tpu.memory_space<vmem>> -> memref<1600xf32, #tpu.memory_space<vmem>>
      tpu.wait_dma2 semaphore(%run_scoped3A : memref<!tpu.dma_semaphore, #tpu.memory_space<semaphore_mem>>) src(%dma_wait3A_137 : memref<1600xf32, #tpu.memory_space<vmem>>) dst(%dma_wait3A_135 : memref<1600xf32, #tpu.memory_space<hbm>>)
      tpu.yield
    }) : () -> ()
    %mul3A_92 = arith.constant 1600 : i32
    %mul3A_93 = arith.muli %add3A, %mul3A_92 : i32
    %add3A_94 = arith.constant 921600 : i32
    %add3A_95 = arith.addi %add3A_94, %mul3A_93 : i32
    "tpu.region"() ({
      %run_scoped3A = tpu.sem_alloc : memref<!tpu.dma_semaphore, #tpu.memory_space<semaphore_mem>>
      %dma_start3A = arith.constant 28800 : i32
      %dma_start3A_128 = tpu.memref_slice %arg7[%dma_start3A] : memref<43200xf32, #tpu.memory_space<vmem>> -> memref<1600xf32, #tpu.memory_space<vmem>>
      %dma_start3A_129 = tpu.memref_slice %arg4[%add3A_95] : memref<1382400xf32, #tpu.memory_space<hbm>> -> memref<1600xf32, #tpu.memory_space<hbm>>
      %dma_start3A_130 = tpu.memref_slice %arg4[%add3A_95] : memref<1382400xf32, #tpu.memory_space<hbm>> -> memref<1600xf32, #tpu.memory_space<hbm>>
      %dma_start3A_131 = arith.constant 28800 : i32
      %dma_start3A_132 = tpu.memref_slice %arg7[%dma_start3A_131] : memref<43200xf32, #tpu.memory_space<vmem>> -> memref<1600xf32, #tpu.memory_space<vmem>>
      tpu.enqueue_dma source(%dma_start3A_132 : memref<1600xf32, #tpu.memory_space<vmem>>) target(%dma_start3A_130 : memref<1600xf32, #tpu.memory_space<hbm>>) target_semaphore(%run_scoped3A : memref<!tpu.dma_semaphore, #tpu.memory_space<semaphore_mem>>)
      %dma_wait3A = arith.constant 28800 : i32
      %dma_wait3A_133 = tpu.memref_slice %arg7[%dma_wait3A] : memref<43200xf32, #tpu.memory_space<vmem>> -> memref<1600xf32, #tpu.memory_space<vmem>>
      %dma_wait3A_134 = tpu.memref_slice %arg4[%add3A_95] : memref<1382400xf32, #tpu.memory_space<hbm>> -> memref<1600xf32, #tpu.memory_space<hbm>>
      %dma_wait3A_135 = tpu.memref_slice %arg4[%add3A_95] : memref<1382400xf32, #tpu.memory_space<hbm>> -> memref<1600xf32, #tpu.memory_space<hbm>>
      %dma_wait3A_136 = arith.constant 28800 : i32
      %dma_wait3A_137 = tpu.memref_slice %arg7[%dma_wait3A_136] : memref<43200xf32, #tpu.memory_space<vmem>> -> memref<1600xf32, #tpu.memory_space<vmem>>
      tpu.wait_dma2 semaphore(%run_scoped3A : memref<!tpu.dma_semaphore, #tpu.memory_space<semaphore_mem>>) src(%dma_wait3A_137 : memref<1600xf32, #tpu.memory_space<vmem>>) dst(%dma_wait3A_135 : memref<1600xf32, #tpu.memory_space<hbm>>)
      tpu.yield
    }) : () -> ()
    %mul3A_96 = arith.constant 1600 : i32
    %mul3A_97 = arith.muli %add3A, %mul3A_96 : i32
    %add3A_98 = arith.constant 972800 : i32
    %add3A_99 = arith.addi %add3A_98, %mul3A_97 : i32
    "tpu.region"() ({
      %run_scoped3A = tpu.sem_alloc : memref<!tpu.dma_semaphore, #tpu.memory_space<semaphore_mem>>
      %dma_start3A = arith.constant 30400 : i32
      %dma_start3A_128 = tpu.memref_slice %arg7[%dma_start3A] : memref<43200xf32, #tpu.memory_space<vmem>> -> memref<1600xf32, #tpu.memory_space<vmem>>
      %dma_start3A_129 = tpu.memref_slice %arg4[%add3A_99] : memref<1382400xf32, #tpu.memory_space<hbm>> -> memref<1600xf32, #tpu.memory_space<hbm>>
      %dma_start3A_130 = tpu.memref_slice %arg4[%add3A_99] : memref<1382400xf32, #tpu.memory_space<hbm>> -> memref<1600xf32, #tpu.memory_space<hbm>>
      %dma_start3A_131 = arith.constant 30400 : i32
      %dma_start3A_132 = tpu.memref_slice %arg7[%dma_start3A_131] : memref<43200xf32, #tpu.memory_space<vmem>> -> memref<1600xf32, #tpu.memory_space<vmem>>
      tpu.enqueue_dma source(%dma_start3A_132 : memref<1600xf32, #tpu.memory_space<vmem>>) target(%dma_start3A_130 : memref<1600xf32, #tpu.memory_space<hbm>>) target_semaphore(%run_scoped3A : memref<!tpu.dma_semaphore, #tpu.memory_space<semaphore_mem>>)
      %dma_wait3A = arith.constant 30400 : i32
      %dma_wait3A_133 = tpu.memref_slice %arg7[%dma_wait3A] : memref<43200xf32, #tpu.memory_space<vmem>> -> memref<1600xf32, #tpu.memory_space<vmem>>
      %dma_wait3A_134 = tpu.memref_slice %arg4[%add3A_99] : memref<1382400xf32, #tpu.memory_space<hbm>> -> memref<1600xf32, #tpu.memory_space<hbm>>
      %dma_wait3A_135 = tpu.memref_slice %arg4[%add3A_99] : memref<1382400xf32, #tpu.memory_space<hbm>> -> memref<1600xf32, #tpu.memory_space<hbm>>
      %dma_wait3A_136 = arith.constant 30400 : i32
      %dma_wait3A_137 = tpu.memref_slice %arg7[%dma_wait3A_136] : memref<43200xf32, #tpu.memory_space<vmem>> -> memref<1600xf32, #tpu.memory_space<vmem>>
      tpu.wait_dma2 semaphore(%run_scoped3A : memref<!tpu.dma_semaphore, #tpu.memory_space<semaphore_mem>>) src(%dma_wait3A_137 : memref<1600xf32, #tpu.memory_space<vmem>>) dst(%dma_wait3A_135 : memref<1600xf32, #tpu.memory_space<hbm>>)
      tpu.yield
    }) : () -> ()
    %mul3A_100 = arith.constant 1600 : i32
    %mul3A_101 = arith.muli %add3A, %mul3A_100 : i32
    %add3A_102 = arith.constant 1024000 : i32
    %add3A_103 = arith.addi %add3A_102, %mul3A_101 : i32
    "tpu.region"() ({
      %run_scoped3A = tpu.sem_alloc : memref<!tpu.dma_semaphore, #tpu.memory_space<semaphore_mem>>
      %dma_start3A = arith.constant 32000 : i32
      %dma_start3A_128 = tpu.memref_slice %arg7[%dma_start3A] : memref<43200xf32, #tpu.memory_space<vmem>> -> memref<1600xf32, #tpu.memory_space<vmem>>
      %dma_start3A_129 = tpu.memref_slice %arg4[%add3A_103] : memref<1382400xf32, #tpu.memory_space<hbm>> -> memref<1600xf32, #tpu.memory_space<hbm>>
      %dma_start3A_130 = tpu.memref_slice %arg4[%add3A_103] : memref<1382400xf32, #tpu.memory_space<hbm>> -> memref<1600xf32, #tpu.memory_space<hbm>>
      %dma_start3A_131 = arith.constant 32000 : i32
      %dma_start3A_132 = tpu.memref_slice %arg7[%dma_start3A_131] : memref<43200xf32, #tpu.memory_space<vmem>> -> memref<1600xf32, #tpu.memory_space<vmem>>
      tpu.enqueue_dma source(%dma_start3A_132 : memref<1600xf32, #tpu.memory_space<vmem>>) target(%dma_start3A_130 : memref<1600xf32, #tpu.memory_space<hbm>>) target_semaphore(%run_scoped3A : memref<!tpu.dma_semaphore, #tpu.memory_space<semaphore_mem>>)
      %dma_wait3A = arith.constant 32000 : i32
      %dma_wait3A_133 = tpu.memref_slice %arg7[%dma_wait3A] : memref<43200xf32, #tpu.memory_space<vmem>> -> memref<1600xf32, #tpu.memory_space<vmem>>
      %dma_wait3A_134 = tpu.memref_slice %arg4[%add3A_103] : memref<1382400xf32, #tpu.memory_space<hbm>> -> memref<1600xf32, #tpu.memory_space<hbm>>
      %dma_wait3A_135 = tpu.memref_slice %arg4[%add3A_103] : memref<1382400xf32, #tpu.memory_space<hbm>> -> memref<1600xf32, #tpu.memory_space<hbm>>
      %dma_wait3A_136 = arith.constant 32000 : i32
      %dma_wait3A_137 = tpu.memref_slice %arg7[%dma_wait3A_136] : memref<43200xf32, #tpu.memory_space<vmem>> -> memref<1600xf32, #tpu.memory_space<vmem>>
      tpu.wait_dma2 semaphore(%run_scoped3A : memref<!tpu.dma_semaphore, #tpu.memory_space<semaphore_mem>>) src(%dma_wait3A_137 : memref<1600xf32, #tpu.memory_space<vmem>>) dst(%dma_wait3A_135 : memref<1600xf32, #tpu.memory_space<hbm>>)
      tpu.yield
    }) : () -> ()
    %mul3A_104 = arith.constant 1600 : i32
    %mul3A_105 = arith.muli %add3A, %mul3A_104 : i32
    %add3A_106 = arith.constant 1075200 : i32
    %add3A_107 = arith.addi %add3A_106, %mul3A_105 : i32
    "tpu.region"() ({
      %run_scoped3A = tpu.sem_alloc : memref<!tpu.dma_semaphore, #tpu.memory_space<semaphore_mem>>
      %dma_start3A = arith.constant 33600 : i32
      %dma_start3A_128 = tpu.memref_slice %arg7[%dma_start3A] : memref<43200xf32, #tpu.memory_space<vmem>> -> memref<1600xf32, #tpu.memory_space<vmem>>
      %dma_start3A_129 = tpu.memref_slice %arg4[%add3A_107] : memref<1382400xf32, #tpu.memory_space<hbm>> -> memref<1600xf32, #tpu.memory_space<hbm>>
      %dma_start3A_130 = tpu.memref_slice %arg4[%add3A_107] : memref<1382400xf32, #tpu.memory_space<hbm>> -> memref<1600xf32, #tpu.memory_space<hbm>>
      %dma_start3A_131 = arith.constant 33600 : i32
      %dma_start3A_132 = tpu.memref_slice %arg7[%dma_start3A_131] : memref<43200xf32, #tpu.memory_space<vmem>> -> memref<1600xf32, #tpu.memory_space<vmem>>
      tpu.enqueue_dma source(%dma_start3A_132 : memref<1600xf32, #tpu.memory_space<vmem>>) target(%dma_start3A_130 : memref<1600xf32, #tpu.memory_space<hbm>>) target_semaphore(%run_scoped3A : memref<!tpu.dma_semaphore, #tpu.memory_space<semaphore_mem>>)
      %dma_wait3A = arith.constant 33600 : i32
      %dma_wait3A_133 = tpu.memref_slice %arg7[%dma_wait3A] : memref<43200xf32, #tpu.memory_space<vmem>> -> memref<1600xf32, #tpu.memory_space<vmem>>
      %dma_wait3A_134 = tpu.memref_slice %arg4[%add3A_107] : memref<1382400xf32, #tpu.memory_space<hbm>> -> memref<1600xf32, #tpu.memory_space<hbm>>
      %dma_wait3A_135 = tpu.memref_slice %arg4[%add3A_107] : memref<1382400xf32, #tpu.memory_space<hbm>> -> memref<1600xf32, #tpu.memory_space<hbm>>
      %dma_wait3A_136 = arith.constant 33600 : i32
      %dma_wait3A_137 = tpu.memref_slice %arg7[%dma_wait3A_136] : memref<43200xf32, #tpu.memory_space<vmem>> -> memref<1600xf32, #tpu.memory_space<vmem>>
      tpu.wait_dma2 semaphore(%run_scoped3A : memref<!tpu.dma_semaphore, #tpu.memory_space<semaphore_mem>>) src(%dma_wait3A_137 : memref<1600xf32, #tpu.memory_space<vmem>>) dst(%dma_wait3A_135 : memref<1600xf32, #tpu.memory_space<hbm>>)
      tpu.yield
    }) : () -> ()
    %mul3A_108 = arith.constant 1600 : i32
    %mul3A_109 = arith.muli %add3A, %mul3A_108 : i32
    %add3A_110 = arith.constant 1126400 : i32
    %add3A_111 = arith.addi %add3A_110, %mul3A_109 : i32
    "tpu.region"() ({
      %run_scoped3A = tpu.sem_alloc : memref<!tpu.dma_semaphore, #tpu.memory_space<semaphore_mem>>
      %dma_start3A = arith.constant 35200 : i32
      %dma_start3A_128 = tpu.memref_slice %arg7[%dma_start3A] : memref<43200xf32, #tpu.memory_space<vmem>> -> memref<1600xf32, #tpu.memory_space<vmem>>
      %dma_start3A_129 = tpu.memref_slice %arg4[%add3A_111] : memref<1382400xf32, #tpu.memory_space<hbm>> -> memref<1600xf32, #tpu.memory_space<hbm>>
      %dma_start3A_130 = tpu.memref_slice %arg4[%add3A_111] : memref<1382400xf32, #tpu.memory_space<hbm>> -> memref<1600xf32, #tpu.memory_space<hbm>>
      %dma_start3A_131 = arith.constant 35200 : i32
      %dma_start3A_132 = tpu.memref_slice %arg7[%dma_start3A_131] : memref<43200xf32, #tpu.memory_space<vmem>> -> memref<1600xf32, #tpu.memory_space<vmem>>
      tpu.enqueue_dma source(%dma_start3A_132 : memref<1600xf32, #tpu.memory_space<vmem>>) target(%dma_start3A_130 : memref<1600xf32, #tpu.memory_space<hbm>>) target_semaphore(%run_scoped3A : memref<!tpu.dma_semaphore, #tpu.memory_space<semaphore_mem>>)
      %dma_wait3A = arith.constant 35200 : i32
      %dma_wait3A_133 = tpu.memref_slice %arg7[%dma_wait3A] : memref<43200xf32, #tpu.memory_space<vmem>> -> memref<1600xf32, #tpu.memory_space<vmem>>
      %dma_wait3A_134 = tpu.memref_slice %arg4[%add3A_111] : memref<1382400xf32, #tpu.memory_space<hbm>> -> memref<1600xf32, #tpu.memory_space<hbm>>
      %dma_wait3A_135 = tpu.memref_slice %arg4[%add3A_111] : memref<1382400xf32, #tpu.memory_space<hbm>> -> memref<1600xf32, #tpu.memory_space<hbm>>
      %dma_wait3A_136 = arith.constant 35200 : i32
      %dma_wait3A_137 = tpu.memref_slice %arg7[%dma_wait3A_136] : memref<43200xf32, #tpu.memory_space<vmem>> -> memref<1600xf32, #tpu.memory_space<vmem>>
      tpu.wait_dma2 semaphore(%run_scoped3A : memref<!tpu.dma_semaphore, #tpu.memory_space<semaphore_mem>>) src(%dma_wait3A_137 : memref<1600xf32, #tpu.memory_space<vmem>>) dst(%dma_wait3A_135 : memref<1600xf32, #tpu.memory_space<hbm>>)
      tpu.yield
    }) : () -> ()
    %mul3A_112 = arith.constant 1600 : i32
    %mul3A_113 = arith.muli %add3A, %mul3A_112 : i32
    %add3A_114 = arith.constant 1177600 : i32
    %add3A_115 = arith.addi %add3A_114, %mul3A_113 : i32
    "tpu.region"() ({
      %run_scoped3A = tpu.sem_alloc : memref<!tpu.dma_semaphore, #tpu.memory_space<semaphore_mem>>
      %dma_start3A = arith.constant 36800 : i32
      %dma_start3A_128 = tpu.memref_slice %arg7[%dma_start3A] : memref<43200xf32, #tpu.memory_space<vmem>> -> memref<1600xf32, #tpu.memory_space<vmem>>
      %dma_start3A_129 = tpu.memref_slice %arg4[%add3A_115] : memref<1382400xf32, #tpu.memory_space<hbm>> -> memref<1600xf32, #tpu.memory_space<hbm>>
      %dma_start3A_130 = tpu.memref_slice %arg4[%add3A_115] : memref<1382400xf32, #tpu.memory_space<hbm>> -> memref<1600xf32, #tpu.memory_space<hbm>>
      %dma_start3A_131 = arith.constant 36800 : i32
      %dma_start3A_132 = tpu.memref_slice %arg7[%dma_start3A_131] : memref<43200xf32, #tpu.memory_space<vmem>> -> memref<1600xf32, #tpu.memory_space<vmem>>
      tpu.enqueue_dma source(%dma_start3A_132 : memref<1600xf32, #tpu.memory_space<vmem>>) target(%dma_start3A_130 : memref<1600xf32, #tpu.memory_space<hbm>>) target_semaphore(%run_scoped3A : memref<!tpu.dma_semaphore, #tpu.memory_space<semaphore_mem>>)
      %dma_wait3A = arith.constant 36800 : i32
      %dma_wait3A_133 = tpu.memref_slice %arg7[%dma_wait3A] : memref<43200xf32, #tpu.memory_space<vmem>> -> memref<1600xf32, #tpu.memory_space<vmem>>
      %dma_wait3A_134 = tpu.memref_slice %arg4[%add3A_115] : memref<1382400xf32, #tpu.memory_space<hbm>> -> memref<1600xf32, #tpu.memory_space<hbm>>
      %dma_wait3A_135 = tpu.memref_slice %arg4[%add3A_115] : memref<1382400xf32, #tpu.memory_space<hbm>> -> memref<1600xf32, #tpu.memory_space<hbm>>
      %dma_wait3A_136 = arith.constant 36800 : i32
      %dma_wait3A_137 = tpu.memref_slice %arg7[%dma_wait3A_136] : memref<43200xf32, #tpu.memory_space<vmem>> -> memref<1600xf32, #tpu.memory_space<vmem>>
      tpu.wait_dma2 semaphore(%run_scoped3A : memref<!tpu.dma_semaphore, #tpu.memory_space<semaphore_mem>>) src(%dma_wait3A_137 : memref<1600xf32, #tpu.memory_space<vmem>>) dst(%dma_wait3A_135 : memref<1600xf32, #tpu.memory_space<hbm>>)
      tpu.yield
    }) : () -> ()
    %mul3A_116 = arith.constant 1600 : i32
    %mul3A_117 = arith.muli %add3A, %mul3A_116 : i32
    %add3A_118 = arith.constant 1228800 : i32
    %add3A_119 = arith.addi %add3A_118, %mul3A_117 : i32
    "tpu.region"() ({
      %run_scoped3A = tpu.sem_alloc : memref<!tpu.dma_semaphore, #tpu.memory_space<semaphore_mem>>
      %dma_start3A = arith.constant 38400 : i32
      %dma_start3A_128 = tpu.memref_slice %arg7[%dma_start3A] : memref<43200xf32, #tpu.memory_space<vmem>> -> memref<1600xf32, #tpu.memory_space<vmem>>
      %dma_start3A_129 = tpu.memref_slice %arg4[%add3A_119] : memref<1382400xf32, #tpu.memory_space<hbm>> -> memref<1600xf32, #tpu.memory_space<hbm>>
      %dma_start3A_130 = tpu.memref_slice %arg4[%add3A_119] : memref<1382400xf32, #tpu.memory_space<hbm>> -> memref<1600xf32, #tpu.memory_space<hbm>>
      %dma_start3A_131 = arith.constant 38400 : i32
      %dma_start3A_132 = tpu.memref_slice %arg7[%dma_start3A_131] : memref<43200xf32, #tpu.memory_space<vmem>> -> memref<1600xf32, #tpu.memory_space<vmem>>
      tpu.enqueue_dma source(%dma_start3A_132 : memref<1600xf32, #tpu.memory_space<vmem>>) target(%dma_start3A_130 : memref<1600xf32, #tpu.memory_space<hbm>>) target_semaphore(%run_scoped3A : memref<!tpu.dma_semaphore, #tpu.memory_space<semaphore_mem>>)
      %dma_wait3A = arith.constant 38400 : i32
      %dma_wait3A_133 = tpu.memref_slice %arg7[%dma_wait3A] : memref<43200xf32, #tpu.memory_space<vmem>> -> memref<1600xf32, #tpu.memory_space<vmem>>
      %dma_wait3A_134 = tpu.memref_slice %arg4[%add3A_119] : memref<1382400xf32, #tpu.memory_space<hbm>> -> memref<1600xf32, #tpu.memory_space<hbm>>
      %dma_wait3A_135 = tpu.memref_slice %arg4[%add3A_119] : memref<1382400xf32, #tpu.memory_space<hbm>> -> memref<1600xf32, #tpu.memory_space<hbm>>
      %dma_wait3A_136 = arith.constant 38400 : i32
      %dma_wait3A_137 = tpu.memref_slice %arg7[%dma_wait3A_136] : memref<43200xf32, #tpu.memory_space<vmem>> -> memref<1600xf32, #tpu.memory_space<vmem>>
      tpu.wait_dma2 semaphore(%run_scoped3A : memref<!tpu.dma_semaphore, #tpu.memory_space<semaphore_mem>>) src(%dma_wait3A_137 : memref<1600xf32, #tpu.memory_space<vmem>>) dst(%dma_wait3A_135 : memref<1600xf32, #tpu.memory_space<hbm>>)
      tpu.yield
    }) : () -> ()
    %mul3A_120 = arith.constant 1600 : i32
    %mul3A_121 = arith.muli %add3A, %mul3A_120 : i32
    %add3A_122 = arith.constant 1280000 : i32
    %add3A_123 = arith.addi %add3A_122, %mul3A_121 : i32
    "tpu.region"() ({
      %run_scoped3A = tpu.sem_alloc : memref<!tpu.dma_semaphore, #tpu.memory_space<semaphore_mem>>
      %dma_start3A = arith.constant 40000 : i32
      %dma_start3A_128 = tpu.memref_slice %arg7[%dma_start3A] : memref<43200xf32, #tpu.memory_space<vmem>> -> memref<1600xf32, #tpu.memory_space<vmem>>
      %dma_start3A_129 = tpu.memref_slice %arg4[%add3A_123] : memref<1382400xf32, #tpu.memory_space<hbm>> -> memref<1600xf32, #tpu.memory_space<hbm>>
      %dma_start3A_130 = tpu.memref_slice %arg4[%add3A_123] : memref<1382400xf32, #tpu.memory_space<hbm>> -> memref<1600xf32, #tpu.memory_space<hbm>>
      %dma_start3A_131 = arith.constant 40000 : i32
      %dma_start3A_132 = tpu.memref_slice %arg7[%dma_start3A_131] : memref<43200xf32, #tpu.memory_space<vmem>> -> memref<1600xf32, #tpu.memory_space<vmem>>
      tpu.enqueue_dma source(%dma_start3A_132 : memref<1600xf32, #tpu.memory_space<vmem>>) target(%dma_start3A_130 : memref<1600xf32, #tpu.memory_space<hbm>>) target_semaphore(%run_scoped3A : memref<!tpu.dma_semaphore, #tpu.memory_space<semaphore_mem>>)
      %dma_wait3A = arith.constant 40000 : i32
      %dma_wait3A_133 = tpu.memref_slice %arg7[%dma_wait3A] : memref<43200xf32, #tpu.memory_space<vmem>> -> memref<1600xf32, #tpu.memory_space<vmem>>
      %dma_wait3A_134 = tpu.memref_slice %arg4[%add3A_123] : memref<1382400xf32, #tpu.memory_space<hbm>> -> memref<1600xf32, #tpu.memory_space<hbm>>
      %dma_wait3A_135 = tpu.memref_slice %arg4[%add3A_123] : memref<1382400xf32, #tpu.memory_space<hbm>> -> memref<1600xf32, #tpu.memory_space<hbm>>
      %dma_wait3A_136 = arith.constant 40000 : i32
      %dma_wait3A_137 = tpu.memref_slice %arg7[%dma_wait3A_136] : memref<43200xf32, #tpu.memory_space<vmem>> -> memref<1600xf32, #tpu.memory_space<vmem>>
      tpu.wait_dma2 semaphore(%run_scoped3A : memref<!tpu.dma_semaphore, #tpu.memory_space<semaphore_mem>>) src(%dma_wait3A_137 : memref<1600xf32, #tpu.memory_space<vmem>>) dst(%dma_wait3A_135 : memref<1600xf32, #tpu.memory_space<hbm>>)
      tpu.yield
    }) : () -> ()
    %mul3A_124 = arith.constant 1600 : i32
    %mul3A_125 = arith.muli %add3A, %mul3A_124 : i32
    %add3A_126 = arith.constant 1331200 : i32
    %add3A_127 = arith.addi %add3A_126, %mul3A_125 : i32
    "tpu.region"() ({
      %run_scoped3A = tpu.sem_alloc : memref<!tpu.dma_semaphore, #tpu.memory_space<semaphore_mem>>
      %dma_start3A = arith.constant 41600 : i32
      %dma_start3A_128 = tpu.memref_slice %arg7[%dma_start3A] : memref<43200xf32, #tpu.memory_space<vmem>> -> memref<1600xf32, #tpu.memory_space<vmem>>
      %dma_start3A_129 = tpu.memref_slice %arg4[%add3A_127] : memref<1382400xf32, #tpu.memory_space<hbm>> -> memref<1600xf32, #tpu.memory_space<hbm>>
      %dma_start3A_130 = tpu.memref_slice %arg4[%add3A_127] : memref<1382400xf32, #tpu.memory_space<hbm>> -> memref<1600xf32, #tpu.memory_space<hbm>>
      %dma_start3A_131 = arith.constant 41600 : i32
      %dma_start3A_132 = tpu.memref_slice %arg7[%dma_start3A_131] : memref<43200xf32, #tpu.memory_space<vmem>> -> memref<1600xf32, #tpu.memory_space<vmem>>
      tpu.enqueue_dma source(%dma_start3A_132 : memref<1600xf32, #tpu.memory_space<vmem>>) target(%dma_start3A_130 : memref<1600xf32, #tpu.memory_space<hbm>>) target_semaphore(%run_scoped3A : memref<!tpu.dma_semaphore, #tpu.memory_space<semaphore_mem>>)
      %dma_wait3A = arith.constant 41600 : i32
      %dma_wait3A_133 = tpu.memref_slice %arg7[%dma_wait3A] : memref<43200xf32, #tpu.memory_space<vmem>> -> memref<1600xf32, #tpu.memory_space<vmem>>
      %dma_wait3A_134 = tpu.memref_slice %arg4[%add3A_127] : memref<1382400xf32, #tpu.memory_space<hbm>> -> memref<1600xf32, #tpu.memory_space<hbm>>
      %dma_wait3A_135 = tpu.memref_slice %arg4[%add3A_127] : memref<1382400xf32, #tpu.memory_space<hbm>> -> memref<1600xf32, #tpu.memory_space<hbm>>
      %dma_wait3A_136 = arith.constant 41600 : i32
      %dma_wait3A_137 = tpu.memref_slice %arg7[%dma_wait3A_136] : memref<43200xf32, #tpu.memory_space<vmem>> -> memref<1600xf32, #tpu.memory_space<vmem>>
      tpu.wait_dma2 semaphore(%run_scoped3A : memref<!tpu.dma_semaphore, #tpu.memory_space<semaphore_mem>>) src(%dma_wait3A_137 : memref<1600xf32, #tpu.memory_space<vmem>>) dst(%dma_wait3A_135 : memref<1600xf32, #tpu.memory_space<hbm>>)
      tpu.yield
    }) : () -> ()
    return
  }
}

#map = affine_map<(d0, d1) -> (0, 0)>
#map1 = affine_map<(d0, d1) -> (0)>
module attributes {stable_mosaic.version = 14 : i64} {
  func.func @sc_pool(%arg0: i32, %arg1: i32, %arg2: memref<51200x128xf32, #tpu.memory_space<hbm>>, %arg3: memref<65536xi32, #tpu.memory_space<hbm>>, %arg4: memref<16384x128xf32, #tpu.memory_space<hbm>>, %arg5: memref<2048xi32, #tpu.memory_space<vmem>>, %arg6: memref<256x128xf32, #tpu.memory_space<vmem>>, %arg7: memref<256x128xf32, #tpu.memory_space<vmem>>, %arg8: memref<64x128xf32, #tpu.memory_space<vmem>>, %arg9: memref<64x128xf32, #tpu.memory_space<vmem>>, %arg10: memref<!tpu.dma_semaphore, #tpu.memory_space<semaphore_mem>>, %arg11: memref<!tpu.dma_semaphore, #tpu.memory_space<semaphore_mem>>, %arg12: memref<!tpu.dma_semaphore, #tpu.memory_space<semaphore_mem>>, %arg13: memref<!tpu.dma_semaphore, #tpu.memory_space<semaphore_mem>>) attributes {dimension_semantics = [#tpu.dimension_semantics<core_parallel>, #tpu.dimension_semantics<subcore_parallel>], iteration_bounds = array<i64: 2, 16>, scalar_prefetch = 0 : i64, scratch_operands = 9 : i64, tpu.core_type = #tpu.core_type<sc_vector_subcore>, window_params = [{transform_indices = #map}, {transform_indices = #map1}, {transform_indices = #map}]} {
    %mul3A = arith.constant 16 : i32
    %mul3A_0 = arith.muli %arg0, %mul3A : i32
    %add3A = arith.addi %mul3A_0, %arg1 : i32
    %mul3A_1 = arith.constant 2048 : i32
    %mul3A_2 = arith.muli %add3A, %mul3A_1 : i32
    "tpu.region"() ({
      %run_scoped3A = tpu.sem_alloc : memref<!tpu.dma_semaphore, #tpu.memory_space<semaphore_mem>>
      %dma_start3A_50 = tpu.memref_slice %arg3[%mul3A_2] : memref<65536xi32, #tpu.memory_space<hbm>> -> memref<2048xi32, #tpu.memory_space<hbm>>
      %dma_start3A_51 = tpu.memref_slice %arg3[%mul3A_2] : memref<65536xi32, #tpu.memory_space<hbm>> -> memref<2048xi32, #tpu.memory_space<hbm>>
      tpu.enqueue_dma source(%dma_start3A_51 : memref<2048xi32, #tpu.memory_space<hbm>>) target(%arg5 : memref<2048xi32, #tpu.memory_space<vmem>>) target_semaphore(%run_scoped3A : memref<!tpu.dma_semaphore, #tpu.memory_space<semaphore_mem>>)
      %dma_wait3A_52 = tpu.memref_slice %arg3[%mul3A_2] : memref<65536xi32, #tpu.memory_space<hbm>> -> memref<2048xi32, #tpu.memory_space<hbm>>
      %dma_wait3A_53 = tpu.memref_slice %arg3[%mul3A_2] : memref<65536xi32, #tpu.memory_space<hbm>> -> memref<2048xi32, #tpu.memory_space<hbm>>
      tpu.wait_dma2 semaphore(%run_scoped3A : memref<!tpu.dma_semaphore, #tpu.memory_space<semaphore_mem>>) src(%dma_wait3A_53 : memref<2048xi32, #tpu.memory_space<hbm>>) dst(%arg5 : memref<2048xi32, #tpu.memory_space<vmem>>)
      tpu.yield
    }) : () -> ()
    %dma_start3A = arith.constant 0 : i32
    %dma_start3A_3 = arith.constant 0 : i32
    %dma_start3A_4 = tpu.memref_slice %arg6[%dma_start3A, %dma_start3A_3] : memref<256x128xf32, #tpu.memory_space<vmem>> -> memref<64x128xf32, #tpu.memory_space<vmem>>
    %dma_start3A_5 = arith.constant 0 : i32
    %dma_start3A_6 = tpu.memref_slice %arg5[%dma_start3A_5] : memref<2048xi32, #tpu.memory_space<vmem>> -> memref<64xi32, #tpu.memory_space<vmem>>
    %dma_start3A_7 = arith.constant 0 : i32
    %dma_start3A_8 = arith.constant 0 : i32
    %dma_start3A_9 = tpu.memref_slice %arg2[%dma_start3A_7, %dma_start3A_8] : memref<51200x128xf32, #tpu.memory_space<hbm>> -> memref<51200x128xf32, #tpu.memory_space<hbm>>
    tpu.enqueue_indirect_dma source(%dma_start3A_9 : memref<51200x128xf32, #tpu.memory_space<hbm>>) target(%dma_start3A_4 : memref<64x128xf32, #tpu.memory_space<vmem>>) offsets(%dma_start3A_6 : memref<64xi32, #tpu.memory_space<vmem>>) semaphore(%arg10 : memref<!tpu.dma_semaphore, #tpu.memory_space<semaphore_mem>>)
    %dma_start3A_10 = arith.constant 64 : i32
    %dma_start3A_11 = arith.constant 0 : i32
    %dma_start3A_12 = tpu.memref_slice %arg6[%dma_start3A_10, %dma_start3A_11] : memref<256x128xf32, #tpu.memory_space<vmem>> -> memref<64x128xf32, #tpu.memory_space<vmem>>
    %dma_start3A_13 = arith.constant 64 : i32
    %dma_start3A_14 = tpu.memref_slice %arg5[%dma_start3A_13] : memref<2048xi32, #tpu.memory_space<vmem>> -> memref<64xi32, #tpu.memory_space<vmem>>
    %dma_start3A_15 = arith.constant 0 : i32
    %dma_start3A_16 = arith.constant 0 : i32
    %dma_start3A_17 = tpu.memref_slice %arg2[%dma_start3A_15, %dma_start3A_16] : memref<51200x128xf32, #tpu.memory_space<hbm>> -> memref<51200x128xf32, #tpu.memory_space<hbm>>
    tpu.enqueue_indirect_dma source(%dma_start3A_17 : memref<51200x128xf32, #tpu.memory_space<hbm>>) target(%dma_start3A_12 : memref<64x128xf32, #tpu.memory_space<vmem>>) offsets(%dma_start3A_14 : memref<64xi32, #tpu.memory_space<vmem>>) semaphore(%arg10 : memref<!tpu.dma_semaphore, #tpu.memory_space<semaphore_mem>>)
    %dma_start3A_18 = arith.constant 128 : i32
    %dma_start3A_19 = arith.constant 0 : i32
    %dma_start3A_20 = tpu.memref_slice %arg6[%dma_start3A_18, %dma_start3A_19] : memref<256x128xf32, #tpu.memory_space<vmem>> -> memref<64x128xf32, #tpu.memory_space<vmem>>
    %dma_start3A_21 = arith.constant 128 : i32
    %dma_start3A_22 = tpu.memref_slice %arg5[%dma_start3A_21] : memref<2048xi32, #tpu.memory_space<vmem>> -> memref<64xi32, #tpu.memory_space<vmem>>
    %dma_start3A_23 = arith.constant 0 : i32
    %dma_start3A_24 = arith.constant 0 : i32
    %dma_start3A_25 = tpu.memref_slice %arg2[%dma_start3A_23, %dma_start3A_24] : memref<51200x128xf32, #tpu.memory_space<hbm>> -> memref<51200x128xf32, #tpu.memory_space<hbm>>
    tpu.enqueue_indirect_dma source(%dma_start3A_25 : memref<51200x128xf32, #tpu.memory_space<hbm>>) target(%dma_start3A_20 : memref<64x128xf32, #tpu.memory_space<vmem>>) offsets(%dma_start3A_22 : memref<64xi32, #tpu.memory_space<vmem>>) semaphore(%arg10 : memref<!tpu.dma_semaphore, #tpu.memory_space<semaphore_mem>>)
    %dma_start3A_26 = arith.constant 192 : i32
    %dma_start3A_27 = arith.constant 0 : i32
    %dma_start3A_28 = tpu.memref_slice %arg6[%dma_start3A_26, %dma_start3A_27] : memref<256x128xf32, #tpu.memory_space<vmem>> -> memref<64x128xf32, #tpu.memory_space<vmem>>
    %dma_start3A_29 = arith.constant 192 : i32
    %dma_start3A_30 = tpu.memref_slice %arg5[%dma_start3A_29] : memref<2048xi32, #tpu.memory_space<vmem>> -> memref<64xi32, #tpu.memory_space<vmem>>
    %dma_start3A_31 = arith.constant 0 : i32
    %dma_start3A_32 = arith.constant 0 : i32
    %dma_start3A_33 = tpu.memref_slice %arg2[%dma_start3A_31, %dma_start3A_32] : memref<51200x128xf32, #tpu.memory_space<hbm>> -> memref<51200x128xf32, #tpu.memory_space<hbm>>
    tpu.enqueue_indirect_dma source(%dma_start3A_33 : memref<51200x128xf32, #tpu.memory_space<hbm>>) target(%dma_start3A_28 : memref<64x128xf32, #tpu.memory_space<vmem>>) offsets(%dma_start3A_30 : memref<64xi32, #tpu.memory_space<vmem>>) semaphore(%arg10 : memref<!tpu.dma_semaphore, #tpu.memory_space<semaphore_mem>>)
    %scan3A = arith.constant 0 : i32
    %scan3A_34 = arith.constant 0 : i32
    %scan3A_35 = arith.constant 4 : i32
    %scan3A_36 = arith.addi %scan3A_34, %scan3A_35 : i32
    %scan3A_37 = arith.constant 1 : i32
    scf.for %scan3A_50 = %scan3A_34 to %scan3A_36 step %scan3A_37  : i32 {
      %mul3A_51 = arith.constant 2 : i32
      %mul3A_52 = arith.muli %scan3A_50, %mul3A_51 : i32
      %add3A_53 = arith.constant 0 : i32
      %add3A_54 = arith.addi %mul3A_52, %add3A_53 : i32
      %add3A_55 = arith.constant 1 : i32
      %add3A_56 = arith.addi %add3A_54, %add3A_55 : i32
      %mul3A_57 = arith.constant 4 : i32
      %mul3A_58 = arith.muli %add3A_56, %mul3A_57 : i32
      %add3A_59 = arith.constant 0 : i32
      %add3A_60 = arith.addi %mul3A_58, %add3A_59 : i32
      %mul3A_61 = arith.constant 64 : i32
      %mul3A_62 = arith.muli %add3A_60, %mul3A_61 : i32
      %dma_start3A_63 = arith.constant 0 : i32
      %dma_start3A_64 = arith.constant 0 : i32
      %dma_start3A_65 = tpu.memref_slice %arg7[%dma_start3A_63, %dma_start3A_64] : memref<256x128xf32, #tpu.memory_space<vmem>> -> memref<64x128xf32, #tpu.memory_space<vmem>>
      %dma_start3A_66 = tpu.memref_slice %arg5[%mul3A_62] : memref<2048xi32, #tpu.memory_space<vmem>> -> memref<64xi32, #tpu.memory_space<vmem>>
      %dma_start3A_67 = arith.constant 0 : i32
      %dma_start3A_68 = arith.constant 0 : i32
      %dma_start3A_69 = tpu.memref_slice %arg2[%dma_start3A_67, %dma_start3A_68] : memref<51200x128xf32, #tpu.memory_space<hbm>> -> memref<51200x128xf32, #tpu.memory_space<hbm>>
      tpu.enqueue_indirect_dma source(%dma_start3A_69 : memref<51200x128xf32, #tpu.memory_space<hbm>>) target(%dma_start3A_65 : memref<64x128xf32, #tpu.memory_space<vmem>>) offsets(%dma_start3A_66 : memref<64xi32, #tpu.memory_space<vmem>>) semaphore(%arg11 : memref<!tpu.dma_semaphore, #tpu.memory_space<semaphore_mem>>)
      %mul3A_70 = arith.constant 4 : i32
      %mul3A_71 = arith.muli %add3A_56, %mul3A_70 : i32
      %add3A_72 = arith.constant 1 : i32
      %add3A_73 = arith.addi %mul3A_71, %add3A_72 : i32
      %mul3A_74 = arith.constant 64 : i32
      %mul3A_75 = arith.muli %add3A_73, %mul3A_74 : i32
      %dma_start3A_76 = arith.constant 64 : i32
      %dma_start3A_77 = arith.constant 0 : i32
      %dma_start3A_78 = tpu.memref_slice %arg7[%dma_start3A_76, %dma_start3A_77] : memref<256x128xf32, #tpu.memory_space<vmem>> -> memref<64x128xf32, #tpu.memory_space<vmem>>
      %dma_start3A_79 = tpu.memref_slice %arg5[%mul3A_75] : memref<2048xi32, #tpu.memory_space<vmem>> -> memref<64xi32, #tpu.memory_space<vmem>>
      %dma_start3A_80 = arith.constant 0 : i32
      %dma_start3A_81 = arith.constant 0 : i32
      %dma_start3A_82 = tpu.memref_slice %arg2[%dma_start3A_80, %dma_start3A_81] : memref<51200x128xf32, #tpu.memory_space<hbm>> -> memref<51200x128xf32, #tpu.memory_space<hbm>>
      tpu.enqueue_indirect_dma source(%dma_start3A_82 : memref<51200x128xf32, #tpu.memory_space<hbm>>) target(%dma_start3A_78 : memref<64x128xf32, #tpu.memory_space<vmem>>) offsets(%dma_start3A_79 : memref<64xi32, #tpu.memory_space<vmem>>) semaphore(%arg11 : memref<!tpu.dma_semaphore, #tpu.memory_space<semaphore_mem>>)
      %mul3A_83 = arith.constant 4 : i32
      %mul3A_84 = arith.muli %add3A_56, %mul3A_83 : i32
      %add3A_85 = arith.constant 2 : i32
      %add3A_86 = arith.addi %mul3A_84, %add3A_85 : i32
      %mul3A_87 = arith.constant 64 : i32
      %mul3A_88 = arith.muli %add3A_86, %mul3A_87 : i32
      %dma_start3A_89 = arith.constant 128 : i32
      %dma_start3A_90 = arith.constant 0 : i32
      %dma_start3A_91 = tpu.memref_slice %arg7[%dma_start3A_89, %dma_start3A_90] : memref<256x128xf32, #tpu.memory_space<vmem>> -> memref<64x128xf32, #tpu.memory_space<vmem>>
      %dma_start3A_92 = tpu.memref_slice %arg5[%mul3A_88] : memref<2048xi32, #tpu.memory_space<vmem>> -> memref<64xi32, #tpu.memory_space<vmem>>
      %dma_start3A_93 = arith.constant 0 : i32
      %dma_start3A_94 = arith.constant 0 : i32
      %dma_start3A_95 = tpu.memref_slice %arg2[%dma_start3A_93, %dma_start3A_94] : memref<51200x128xf32, #tpu.memory_space<hbm>> -> memref<51200x128xf32, #tpu.memory_space<hbm>>
      tpu.enqueue_indirect_dma source(%dma_start3A_95 : memref<51200x128xf32, #tpu.memory_space<hbm>>) target(%dma_start3A_91 : memref<64x128xf32, #tpu.memory_space<vmem>>) offsets(%dma_start3A_92 : memref<64xi32, #tpu.memory_space<vmem>>) semaphore(%arg11 : memref<!tpu.dma_semaphore, #tpu.memory_space<semaphore_mem>>)
      %mul3A_96 = arith.constant 4 : i32
      %mul3A_97 = arith.muli %add3A_56, %mul3A_96 : i32
      %add3A_98 = arith.constant 3 : i32
      %add3A_99 = arith.addi %mul3A_97, %add3A_98 : i32
      %mul3A_100 = arith.constant 64 : i32
      %mul3A_101 = arith.muli %add3A_99, %mul3A_100 : i32
      %dma_start3A_102 = arith.constant 192 : i32
      %dma_start3A_103 = arith.constant 0 : i32
      %dma_start3A_104 = tpu.memref_slice %arg7[%dma_start3A_102, %dma_start3A_103] : memref<256x128xf32, #tpu.memory_space<vmem>> -> memref<64x128xf32, #tpu.memory_space<vmem>>
      %dma_start3A_105 = tpu.memref_slice %arg5[%mul3A_101] : memref<2048xi32, #tpu.memory_space<vmem>> -> memref<64xi32, #tpu.memory_space<vmem>>
      %dma_start3A_106 = arith.constant 0 : i32
      %dma_start3A_107 = arith.constant 0 : i32
      %dma_start3A_108 = tpu.memref_slice %arg2[%dma_start3A_106, %dma_start3A_107] : memref<51200x128xf32, #tpu.memory_space<hbm>> -> memref<51200x128xf32, #tpu.memory_space<hbm>>
      tpu.enqueue_indirect_dma source(%dma_start3A_108 : memref<51200x128xf32, #tpu.memory_space<hbm>>) target(%dma_start3A_104 : memref<64x128xf32, #tpu.memory_space<vmem>>) offsets(%dma_start3A_105 : memref<64xi32, #tpu.memory_space<vmem>>) semaphore(%arg11 : memref<!tpu.dma_semaphore, #tpu.memory_space<semaphore_mem>>)
      %ge3A = arith.constant 1 : i32
      %ge3A_109 = arith.cmpi sge, %scan3A_50, %ge3A : i32
      %convert_element_type3A = arith.extui %ge3A_109 : i1 to i32
      %cond3A = arith.constant 0 : i32
      %cond3A_110 = arith.cmpi ne, %convert_element_type3A, %cond3A : i32
      scf.if %cond3A_110 {
        %mul3A_218 = arith.constant 512 : i32
        %mul3A_219 = arith.muli %add3A, %mul3A_218 : i32
        %dma_wait3A_220 = arith.constant 0 : i32
        %dma_wait3A_221 = tpu.memref_slice %arg4[%mul3A_219, %dma_wait3A_220] : memref<16384x128xf32, #tpu.memory_space<hbm>> -> memref<64x128xf32, #tpu.memory_space<hbm>>
        %dma_wait3A_222 = arith.constant 0 : i32
        %dma_wait3A_223 = tpu.memref_slice %arg4[%mul3A_219, %dma_wait3A_222] : memref<16384x128xf32, #tpu.memory_space<hbm>> -> memref<64x128xf32, #tpu.memory_space<hbm>>
        tpu.wait_dma2 semaphore(%arg12 : memref<!tpu.dma_semaphore, #tpu.memory_space<semaphore_mem>>) src(%arg8 : memref<64x128xf32, #tpu.memory_space<vmem>>) dst(%dma_wait3A_223 : memref<64x128xf32, #tpu.memory_space<hbm>>)
      } else {
      }
      %dma_wait3A_111 = arith.constant 0 : i32
      %dma_wait3A_112 = arith.constant 0 : i32
      %dma_wait3A_113 = tpu.memref_slice %arg6[%dma_wait3A_111, %dma_wait3A_112] : memref<256x128xf32, #tpu.memory_space<vmem>> -> memref<64x128xf32, #tpu.memory_space<vmem>>
      %dma_wait3A_114 = arith.constant 0 : i32
      %dma_wait3A_115 = tpu.memref_slice %arg5[%dma_wait3A_114] : memref<2048xi32, #tpu.memory_space<vmem>> -> memref<64xi32, #tpu.memory_space<vmem>>
      %dma_wait3A_116 = arith.constant 0 : i32
      %dma_wait3A_117 = arith.constant 0 : i32
      %dma_wait3A_118 = tpu.memref_slice %arg2[%dma_wait3A_116, %dma_wait3A_117] : memref<51200x128xf32, #tpu.memory_space<hbm>> -> memref<51200x128xf32, #tpu.memory_space<hbm>>
      tpu.wait_indirect_dma semaphore(%arg10 : memref<!tpu.dma_semaphore, #tpu.memory_space<semaphore_mem>>) src(%dma_wait3A_118 : memref<51200x128xf32, #tpu.memory_space<hbm>>) dst(%dma_wait3A_113 : memref<64x128xf32, #tpu.memory_space<vmem>>)
      %dma_wait3A_119 = arith.constant 64 : i32
      %dma_wait3A_120 = arith.constant 0 : i32
      %dma_wait3A_121 = tpu.memref_slice %arg6[%dma_wait3A_119, %dma_wait3A_120] : memref<256x128xf32, #tpu.memory_space<vmem>> -> memref<64x128xf32, #tpu.memory_space<vmem>>
      %dma_wait3A_122 = arith.constant 0 : i32
      %dma_wait3A_123 = tpu.memref_slice %arg5[%dma_wait3A_122] : memref<2048xi32, #tpu.memory_space<vmem>> -> memref<64xi32, #tpu.memory_space<vmem>>
      %dma_wait3A_124 = arith.constant 0 : i32
      %dma_wait3A_125 = arith.constant 0 : i32
      %dma_wait3A_126 = tpu.memref_slice %arg2[%dma_wait3A_124, %dma_wait3A_125] : memref<51200x128xf32, #tpu.memory_space<hbm>> -> memref<51200x128xf32, #tpu.memory_space<hbm>>
      tpu.wait_indirect_dma semaphore(%arg10 : memref<!tpu.dma_semaphore, #tpu.memory_space<semaphore_mem>>) src(%dma_wait3A_126 : memref<51200x128xf32, #tpu.memory_space<hbm>>) dst(%dma_wait3A_121 : memref<64x128xf32, #tpu.memory_space<vmem>>)
      %dma_wait3A_127 = arith.constant 128 : i32
      %dma_wait3A_128 = arith.constant 0 : i32
      %dma_wait3A_129 = tpu.memref_slice %arg6[%dma_wait3A_127, %dma_wait3A_128] : memref<256x128xf32, #tpu.memory_space<vmem>> -> memref<64x128xf32, #tpu.memory_space<vmem>>
      %dma_wait3A_130 = arith.constant 0 : i32
      %dma_wait3A_131 = tpu.memref_slice %arg5[%dma_wait3A_130] : memref<2048xi32, #tpu.memory_space<vmem>> -> memref<64xi32, #tpu.memory_space<vmem>>
      %dma_wait3A_132 = arith.constant 0 : i32
      %dma_wait3A_133 = arith.constant 0 : i32
      %dma_wait3A_134 = tpu.memref_slice %arg2[%dma_wait3A_132, %dma_wait3A_133] : memref<51200x128xf32, #tpu.memory_space<hbm>> -> memref<51200x128xf32, #tpu.memory_space<hbm>>
      tpu.wait_indirect_dma semaphore(%arg10 : memref<!tpu.dma_semaphore, #tpu.memory_space<semaphore_mem>>) src(%dma_wait3A_134 : memref<51200x128xf32, #tpu.memory_space<hbm>>) dst(%dma_wait3A_129 : memref<64x128xf32, #tpu.memory_space<vmem>>)
      %dma_wait3A_135 = arith.constant 192 : i32
      %dma_wait3A_136 = arith.constant 0 : i32
      %dma_wait3A_137 = tpu.memref_slice %arg6[%dma_wait3A_135, %dma_wait3A_136] : memref<256x128xf32, #tpu.memory_space<vmem>> -> memref<64x128xf32, #tpu.memory_space<vmem>>
      %dma_wait3A_138 = arith.constant 0 : i32
      %dma_wait3A_139 = tpu.memref_slice %arg5[%dma_wait3A_138] : memref<2048xi32, #tpu.memory_space<vmem>> -> memref<64xi32, #tpu.memory_space<vmem>>
      %dma_wait3A_140 = arith.constant 0 : i32
      %dma_wait3A_141 = arith.constant 0 : i32
      %dma_wait3A_142 = tpu.memref_slice %arg2[%dma_wait3A_140, %dma_wait3A_141] : memref<51200x128xf32, #tpu.memory_space<hbm>> -> memref<51200x128xf32, #tpu.memory_space<hbm>>
      tpu.wait_indirect_dma semaphore(%arg10 : memref<!tpu.dma_semaphore, #tpu.memory_space<semaphore_mem>>) src(%dma_wait3A_142 : memref<51200x128xf32, #tpu.memory_space<hbm>>) dst(%dma_wait3A_137 : memref<64x128xf32, #tpu.memory_space<vmem>>)
      %scan3A_143 = arith.constant 0 : i32
      %scan3A_144 = arith.constant 0 : i32
      %scan3A_145 = arith.constant 64 : i32
      %scan3A_146 = arith.addi %scan3A_144, %scan3A_145 : i32
      %scan3A_147 = arith.constant 1 : i32
      scf.for %scan3A_218 = %scan3A_144 to %scan3A_146 step %scan3A_147  : i32 {
        %mul3A_219 = arith.constant 4 : i32
        %mul3A_220 = arith.muli %scan3A_218, %mul3A_219 : i32
        %get3A = arith.index_cast %mul3A_220 : i32 to index
        %get3A_221 = arith.constant 0 : index
        %get3A_222 = tpu.vector_load %arg6[%get3A, %get3A_221] {strides = array<i32>} : memref<256x128xf32, #tpu.memory_space<vmem>>, vector<16xf32>,
        %add3A_223 = arith.constant 1 : i32
        %add3A_224 = arith.addi %mul3A_220, %add3A_223 : i32
        %get3A_225 = arith.index_cast %add3A_224 : i32 to index
        %get3A_226 = arith.constant 0 : index
        %get3A_227 = tpu.vector_load %arg6[%get3A_225, %get3A_226] {strides = array<i32>} : memref<256x128xf32, #tpu.memory_space<vmem>>, vector<16xf32>,
        %add3A_228 = arith.addf %get3A_222, %get3A_227 : vector<16xf32>
        %add3A_229 = arith.constant 2 : i32
        %add3A_230 = arith.addi %mul3A_220, %add3A_229 : i32
        %get3A_231 = arith.index_cast %add3A_230 : i32 to index
        %get3A_232 = arith.constant 0 : index
        %get3A_233 = tpu.vector_load %arg6[%get3A_231, %get3A_232] {strides = array<i32>} : memref<256x128xf32, #tpu.memory_space<vmem>>, vector<16xf32>,
        %add3A_234 = arith.addf %add3A_228, %get3A_233 : vector<16xf32>
        %add3A_235 = arith.constant 3 : i32
        %add3A_236 = arith.addi %mul3A_220, %add3A_235 : i32
        %get3A_237 = arith.index_cast %add3A_236 : i32 to index
        %get3A_238 = arith.constant 0 : index
        %get3A_239 = tpu.vector_load %arg6[%get3A_237, %get3A_238] {strides = array<i32>} : memref<256x128xf32, #tpu.memory_space<vmem>>, vector<16xf32>,
        %add3A_240 = arith.addf %add3A_234, %get3A_239 : vector<16xf32>
        %mul3A_241 = arith.constant 2.500000e-01 : f32
        %mul3A_242 = vector.broadcast %mul3A_241 : f32 to vector<16xf32>
        %mul3A_243 = arith.mulf %add3A_240, %mul3A_242 : vector<16xf32>
        %swap3A = arith.index_cast %scan3A_218 : i32 to index
        %swap3A_244 = arith.constant 0 : index
        %swap3A_245 = tpu.vector_load %arg8[%swap3A, %swap3A_244] {strides = array<i32>} : memref<64x128xf32, #tpu.memory_space<vmem>>, vector<16xf32>,
        tpu.vector_store %arg8[%swap3A, %swap3A_244], %mul3A_243 {strides = array<i32>} : memref<64x128xf32, #tpu.memory_space<vmem>>, vector<16xf32>,
        %get3A_246 = arith.index_cast %mul3A_220 : i32 to index
        %get3A_247 = arith.constant 16 : index
        %get3A_248 = tpu.vector_load %arg6[%get3A_246, %get3A_247] {strides = array<i32>} : memref<256x128xf32, #tpu.memory_space<vmem>>, vector<16xf32>,
        %add3A_249 = arith.constant 1 : i32
        %add3A_250 = arith.addi %mul3A_220, %add3A_249 : i32
        %get3A_251 = arith.index_cast %add3A_250 : i32 to index
        %get3A_252 = arith.constant 16 : index
        %get3A_253 = tpu.vector_load %arg6[%get3A_251, %get3A_252] {strides = array<i32>} : memref<256x128xf32, #tpu.memory_space<vmem>>, vector<16xf32>,
        %add3A_254 = arith.addf %get3A_248, %get3A_253 : vector<16xf32>
        %add3A_255 = arith.constant 2 : i32
        %add3A_256 = arith.addi %mul3A_220, %add3A_255 : i32
        %get3A_257 = arith.index_cast %add3A_256 : i32 to index
        %get3A_258 = arith.constant 16 : index
        %get3A_259 = tpu.vector_load %arg6[%get3A_257, %get3A_258] {strides = array<i32>} : memref<256x128xf32, #tpu.memory_space<vmem>>, vector<16xf32>,
        %add3A_260 = arith.addf %add3A_254, %get3A_259 : vector<16xf32>
        %add3A_261 = arith.constant 3 : i32
        %add3A_262 = arith.addi %mul3A_220, %add3A_261 : i32
        %get3A_263 = arith.index_cast %add3A_262 : i32 to index
        %get3A_264 = arith.constant 16 : index
        %get3A_265 = tpu.vector_load %arg6[%get3A_263, %get3A_264] {strides = array<i32>} : memref<256x128xf32, #tpu.memory_space<vmem>>, vector<16xf32>,
        %add3A_266 = arith.addf %add3A_260, %get3A_265 : vector<16xf32>
        %mul3A_267 = arith.constant 2.500000e-01 : f32
        %mul3A_268 = vector.broadcast %mul3A_267 : f32 to vector<16xf32>
        %mul3A_269 = arith.mulf %add3A_266, %mul3A_268 : vector<16xf32>
        %swap3A_270 = arith.index_cast %scan3A_218 : i32 to index
        %swap3A_271 = arith.constant 16 : index
        %swap3A_272 = tpu.vector_load %arg8[%swap3A_270, %swap3A_271] {strides = array<i32>} : memref<64x128xf32, #tpu.memory_space<vmem>>, vector<16xf32>,
        tpu.vector_store %arg8[%swap3A_270, %swap3A_271], %mul3A_269 {strides = array<i32>} : memref<64x128xf32, #tpu.memory_space<vmem>>, vector<16xf32>,
        %get3A_273 = arith.index_cast %mul3A_220 : i32 to index
        %get3A_274 = arith.constant 32 : index
        %get3A_275 = tpu.vector_load %arg6[%get3A_273, %get3A_274] {strides = array<i32>} : memref<256x128xf32, #tpu.memory_space<vmem>>, vector<16xf32>,
        %add3A_276 = arith.constant 1 : i32
        %add3A_277 = arith.addi %mul3A_220, %add3A_276 : i32
        %get3A_278 = arith.index_cast %add3A_277 : i32 to index
        %get3A_279 = arith.constant 32 : index
        %get3A_280 = tpu.vector_load %arg6[%get3A_278, %get3A_279] {strides = array<i32>} : memref<256x128xf32, #tpu.memory_space<vmem>>, vector<16xf32>,
        %add3A_281 = arith.addf %get3A_275, %get3A_280 : vector<16xf32>
        %add3A_282 = arith.constant 2 : i32
        %add3A_283 = arith.addi %mul3A_220, %add3A_282 : i32
        %get3A_284 = arith.index_cast %add3A_283 : i32 to index
        %get3A_285 = arith.constant 32 : index
        %get3A_286 = tpu.vector_load %arg6[%get3A_284, %get3A_285] {strides = array<i32>} : memref<256x128xf32, #tpu.memory_space<vmem>>, vector<16xf32>,
        %add3A_287 = arith.addf %add3A_281, %get3A_286 : vector<16xf32>
        %add3A_288 = arith.constant 3 : i32
        %add3A_289 = arith.addi %mul3A_220, %add3A_288 : i32
        %get3A_290 = arith.index_cast %add3A_289 : i32 to index
        %get3A_291 = arith.constant 32 : index
        %get3A_292 = tpu.vector_load %arg6[%get3A_290, %get3A_291] {strides = array<i32>} : memref<256x128xf32, #tpu.memory_space<vmem>>, vector<16xf32>,
        %add3A_293 = arith.addf %add3A_287, %get3A_292 : vector<16xf32>
        %mul3A_294 = arith.constant 2.500000e-01 : f32
        %mul3A_295 = vector.broadcast %mul3A_294 : f32 to vector<16xf32>
        %mul3A_296 = arith.mulf %add3A_293, %mul3A_295 : vector<16xf32>
        %swap3A_297 = arith.index_cast %scan3A_218 : i32 to index
        %swap3A_298 = arith.constant 32 : index
        %swap3A_299 = tpu.vector_load %arg8[%swap3A_297, %swap3A_298] {strides = array<i32>} : memref<64x128xf32, #tpu.memory_space<vmem>>, vector<16xf32>,
        tpu.vector_store %arg8[%swap3A_297, %swap3A_298], %mul3A_296 {strides = array<i32>} : memref<64x128xf32, #tpu.memory_space<vmem>>, vector<16xf32>,
        %get3A_300 = arith.index_cast %mul3A_220 : i32 to index
        %get3A_301 = arith.constant 48 : index
        %get3A_302 = tpu.vector_load %arg6[%get3A_300, %get3A_301] {strides = array<i32>} : memref<256x128xf32, #tpu.memory_space<vmem>>, vector<16xf32>,
        %add3A_303 = arith.constant 1 : i32
        %add3A_304 = arith.addi %mul3A_220, %add3A_303 : i32
        %get3A_305 = arith.index_cast %add3A_304 : i32 to index
        %get3A_306 = arith.constant 48 : index
        %get3A_307 = tpu.vector_load %arg6[%get3A_305, %get3A_306] {strides = array<i32>} : memref<256x128xf32, #tpu.memory_space<vmem>>, vector<16xf32>,
        %add3A_308 = arith.addf %get3A_302, %get3A_307 : vector<16xf32>
        %add3A_309 = arith.constant 2 : i32
        %add3A_310 = arith.addi %mul3A_220, %add3A_309 : i32
        %get3A_311 = arith.index_cast %add3A_310 : i32 to index
        %get3A_312 = arith.constant 48 : index
        %get3A_313 = tpu.vector_load %arg6[%get3A_311, %get3A_312] {strides = array<i32>} : memref<256x128xf32, #tpu.memory_space<vmem>>, vector<16xf32>,
        %add3A_314 = arith.addf %add3A_308, %get3A_313 : vector<16xf32>
        %add3A_315 = arith.constant 3 : i32
        %add3A_316 = arith.addi %mul3A_220, %add3A_315 : i32
        %get3A_317 = arith.index_cast %add3A_316 : i32 to index
        %get3A_318 = arith.constant 48 : index
        %get3A_319 = tpu.vector_load %arg6[%get3A_317, %get3A_318] {strides = array<i32>} : memref<256x128xf32, #tpu.memory_space<vmem>>, vector<16xf32>,
        %add3A_320 = arith.addf %add3A_314, %get3A_319 : vector<16xf32>
        %mul3A_321 = arith.constant 2.500000e-01 : f32
        %mul3A_322 = vector.broadcast %mul3A_321 : f32 to vector<16xf32>
        %mul3A_323 = arith.mulf %add3A_320, %mul3A_322 : vector<16xf32>
        %swap3A_324 = arith.index_cast %scan3A_218 : i32 to index
        %swap3A_325 = arith.constant 48 : index
        %swap3A_326 = tpu.vector_load %arg8[%swap3A_324, %swap3A_325] {strides = array<i32>} : memref<64x128xf32, #tpu.memory_space<vmem>>, vector<16xf32>,
        tpu.vector_store %arg8[%swap3A_324, %swap3A_325], %mul3A_323 {strides = array<i32>} : memref<64x128xf32, #tpu.memory_space<vmem>>, vector<16xf32>,
        %get3A_327 = arith.index_cast %mul3A_220 : i32 to index
        %get3A_328 = arith.constant 64 : index
        %get3A_329 = tpu.vector_load %arg6[%get3A_327, %get3A_328] {strides = array<i32>} : memref<256x128xf32, #tpu.memory_space<vmem>>, vector<16xf32>,
        %add3A_330 = arith.constant 1 : i32
        %add3A_331 = arith.addi %mul3A_220, %add3A_330 : i32
        %get3A_332 = arith.index_cast %add3A_331 : i32 to index
        %get3A_333 = arith.constant 64 : index
        %get3A_334 = tpu.vector_load %arg6[%get3A_332, %get3A_333] {strides = array<i32>} : memref<256x128xf32, #tpu.memory_space<vmem>>, vector<16xf32>,
        %add3A_335 = arith.addf %get3A_329, %get3A_334 : vector<16xf32>
        %add3A_336 = arith.constant 2 : i32
        %add3A_337 = arith.addi %mul3A_220, %add3A_336 : i32
        %get3A_338 = arith.index_cast %add3A_337 : i32 to index
        %get3A_339 = arith.constant 64 : index
        %get3A_340 = tpu.vector_load %arg6[%get3A_338, %get3A_339] {strides = array<i32>} : memref<256x128xf32, #tpu.memory_space<vmem>>, vector<16xf32>,
        %add3A_341 = arith.addf %add3A_335, %get3A_340 : vector<16xf32>
        %add3A_342 = arith.constant 3 : i32
        %add3A_343 = arith.addi %mul3A_220, %add3A_342 : i32
        %get3A_344 = arith.index_cast %add3A_343 : i32 to index
        %get3A_345 = arith.constant 64 : index
        %get3A_346 = tpu.vector_load %arg6[%get3A_344, %get3A_345] {strides = array<i32>} : memref<256x128xf32, #tpu.memory_space<vmem>>, vector<16xf32>,
        %add3A_347 = arith.addf %add3A_341, %get3A_346 : vector<16xf32>
        %mul3A_348 = arith.constant 2.500000e-01 : f32
        %mul3A_349 = vector.broadcast %mul3A_348 : f32 to vector<16xf32>
        %mul3A_350 = arith.mulf %add3A_347, %mul3A_349 : vector<16xf32>
        %swap3A_351 = arith.index_cast %scan3A_218 : i32 to index
        %swap3A_352 = arith.constant 64 : index
        %swap3A_353 = tpu.vector_load %arg8[%swap3A_351, %swap3A_352] {strides = array<i32>} : memref<64x128xf32, #tpu.memory_space<vmem>>, vector<16xf32>,
        tpu.vector_store %arg8[%swap3A_351, %swap3A_352], %mul3A_350 {strides = array<i32>} : memref<64x128xf32, #tpu.memory_space<vmem>>, vector<16xf32>,
        %get3A_354 = arith.index_cast %mul3A_220 : i32 to index
        %get3A_355 = arith.constant 80 : index
        %get3A_356 = tpu.vector_load %arg6[%get3A_354, %get3A_355] {strides = array<i32>} : memref<256x128xf32, #tpu.memory_space<vmem>>, vector<16xf32>,
        %add3A_357 = arith.constant 1 : i32
        %add3A_358 = arith.addi %mul3A_220, %add3A_357 : i32
        %get3A_359 = arith.index_cast %add3A_358 : i32 to index
        %get3A_360 = arith.constant 80 : index
        %get3A_361 = tpu.vector_load %arg6[%get3A_359, %get3A_360] {strides = array<i32>} : memref<256x128xf32, #tpu.memory_space<vmem>>, vector<16xf32>,
        %add3A_362 = arith.addf %get3A_356, %get3A_361 : vector<16xf32>
        %add3A_363 = arith.constant 2 : i32
        %add3A_364 = arith.addi %mul3A_220, %add3A_363 : i32
        %get3A_365 = arith.index_cast %add3A_364 : i32 to index
        %get3A_366 = arith.constant 80 : index
        %get3A_367 = tpu.vector_load %arg6[%get3A_365, %get3A_366] {strides = array<i32>} : memref<256x128xf32, #tpu.memory_space<vmem>>, vector<16xf32>,
        %add3A_368 = arith.addf %add3A_362, %get3A_367 : vector<16xf32>
        %add3A_369 = arith.constant 3 : i32
        %add3A_370 = arith.addi %mul3A_220, %add3A_369 : i32
        %get3A_371 = arith.index_cast %add3A_370 : i32 to index
        %get3A_372 = arith.constant 80 : index
        %get3A_373 = tpu.vector_load %arg6[%get3A_371, %get3A_372] {strides = array<i32>} : memref<256x128xf32, #tpu.memory_space<vmem>>, vector<16xf32>,
        %add3A_374 = arith.addf %add3A_368, %get3A_373 : vector<16xf32>
        %mul3A_375 = arith.constant 2.500000e-01 : f32
        %mul3A_376 = vector.broadcast %mul3A_375 : f32 to vector<16xf32>
        %mul3A_377 = arith.mulf %add3A_374, %mul3A_376 : vector<16xf32>
        %swap3A_378 = arith.index_cast %scan3A_218 : i32 to index
        %swap3A_379 = arith.constant 80 : index
        %swap3A_380 = tpu.vector_load %arg8[%swap3A_378, %swap3A_379] {strides = array<i32>} : memref<64x128xf32, #tpu.memory_space<vmem>>, vector<16xf32>,
        tpu.vector_store %arg8[%swap3A_378, %swap3A_379], %mul3A_377 {strides = array<i32>} : memref<64x128xf32, #tpu.memory_space<vmem>>, vector<16xf32>,
        %get3A_381 = arith.index_cast %mul3A_220 : i32 to index
        %get3A_382 = arith.constant 96 : index
        %get3A_383 = tpu.vector_load %arg6[%get3A_381, %get3A_382] {strides = array<i32>} : memref<256x128xf32, #tpu.memory_space<vmem>>, vector<16xf32>,
        %add3A_384 = arith.constant 1 : i32
        %add3A_385 = arith.addi %mul3A_220, %add3A_384 : i32
        %get3A_386 = arith.index_cast %add3A_385 : i32 to index
        %get3A_387 = arith.constant 96 : index
        %get3A_388 = tpu.vector_load %arg6[%get3A_386, %get3A_387] {strides = array<i32>} : memref<256x128xf32, #tpu.memory_space<vmem>>, vector<16xf32>,
        %add3A_389 = arith.addf %get3A_383, %get3A_388 : vector<16xf32>
        %add3A_390 = arith.constant 2 : i32
        %add3A_391 = arith.addi %mul3A_220, %add3A_390 : i32
        %get3A_392 = arith.index_cast %add3A_391 : i32 to index
        %get3A_393 = arith.constant 96 : index
        %get3A_394 = tpu.vector_load %arg6[%get3A_392, %get3A_393] {strides = array<i32>} : memref<256x128xf32, #tpu.memory_space<vmem>>, vector<16xf32>,
        %add3A_395 = arith.addf %add3A_389, %get3A_394 : vector<16xf32>
        %add3A_396 = arith.constant 3 : i32
        %add3A_397 = arith.addi %mul3A_220, %add3A_396 : i32
        %get3A_398 = arith.index_cast %add3A_397 : i32 to index
        %get3A_399 = arith.constant 96 : index
        %get3A_400 = tpu.vector_load %arg6[%get3A_398, %get3A_399] {strides = array<i32>} : memref<256x128xf32, #tpu.memory_space<vmem>>, vector<16xf32>,
        %add3A_401 = arith.addf %add3A_395, %get3A_400 : vector<16xf32>
        %mul3A_402 = arith.constant 2.500000e-01 : f32
        %mul3A_403 = vector.broadcast %mul3A_402 : f32 to vector<16xf32>
        %mul3A_404 = arith.mulf %add3A_401, %mul3A_403 : vector<16xf32>
        %swap3A_405 = arith.index_cast %scan3A_218 : i32 to index
        %swap3A_406 = arith.constant 96 : index
        %swap3A_407 = tpu.vector_load %arg8[%swap3A_405, %swap3A_406] {strides = array<i32>} : memref<64x128xf32, #tpu.memory_space<vmem>>, vector<16xf32>,
        tpu.vector_store %arg8[%swap3A_405, %swap3A_406], %mul3A_404 {strides = array<i32>} : memref<64x128xf32, #tpu.memory_space<vmem>>, vector<16xf32>,
        %get3A_408 = arith.index_cast %mul3A_220 : i32 to index
        %get3A_409 = arith.constant 112 : index
        %get3A_410 = tpu.vector_load %arg6[%get3A_408, %get3A_409] {strides = array<i32>} : memref<256x128xf32, #tpu.memory_space<vmem>>, vector<16xf32>,
        %add3A_411 = arith.constant 1 : i32
        %add3A_412 = arith.addi %mul3A_220, %add3A_411 : i32
        %get3A_413 = arith.index_cast %add3A_412 : i32 to index
        %get3A_414 = arith.constant 112 : index
        %get3A_415 = tpu.vector_load %arg6[%get3A_413, %get3A_414] {strides = array<i32>} : memref<256x128xf32, #tpu.memory_space<vmem>>, vector<16xf32>,
        %add3A_416 = arith.addf %get3A_410, %get3A_415 : vector<16xf32>
        %add3A_417 = arith.constant 2 : i32
        %add3A_418 = arith.addi %mul3A_220, %add3A_417 : i32
        %get3A_419 = arith.index_cast %add3A_418 : i32 to index
        %get3A_420 = arith.constant 112 : index
        %get3A_421 = tpu.vector_load %arg6[%get3A_419, %get3A_420] {strides = array<i32>} : memref<256x128xf32, #tpu.memory_space<vmem>>, vector<16xf32>,
        %add3A_422 = arith.addf %add3A_416, %get3A_421 : vector<16xf32>
        %add3A_423 = arith.constant 3 : i32
        %add3A_424 = arith.addi %mul3A_220, %add3A_423 : i32
        %get3A_425 = arith.index_cast %add3A_424 : i32 to index
        %get3A_426 = arith.constant 112 : index
        %get3A_427 = tpu.vector_load %arg6[%get3A_425, %get3A_426] {strides = array<i32>} : memref<256x128xf32, #tpu.memory_space<vmem>>, vector<16xf32>,
        %add3A_428 = arith.addf %add3A_422, %get3A_427 : vector<16xf32>
        %mul3A_429 = arith.constant 2.500000e-01 : f32
        %mul3A_430 = vector.broadcast %mul3A_429 : f32 to vector<16xf32>
        %mul3A_431 = arith.mulf %add3A_428, %mul3A_430 : vector<16xf32>
        %swap3A_432 = arith.index_cast %scan3A_218 : i32 to index
        %swap3A_433 = arith.constant 112 : index
        %swap3A_434 = tpu.vector_load %arg8[%swap3A_432, %swap3A_433] {strides = array<i32>} : memref<64x128xf32, #tpu.memory_space<vmem>>, vector<16xf32>,
        tpu.vector_store %arg8[%swap3A_432, %swap3A_433], %mul3A_431 {strides = array<i32>} : memref<64x128xf32, #tpu.memory_space<vmem>>, vector<16xf32>,
      }
      %scan3A_148 = arith.constant 64 : i32
      %mul3A_149 = arith.constant 512 : i32
      %mul3A_150 = arith.muli %add3A, %mul3A_149 : i32
      %mul3A_151 = arith.constant 64 : i32
      %mul3A_152 = arith.muli %add3A_54, %mul3A_151 : i32
      %add3A_153 = arith.addi %mul3A_150, %mul3A_152 : i32
      %dma_start3A_154 = arith.constant 0 : i32
      %dma_start3A_155 = tpu.memref_slice %arg4[%add3A_153, %dma_start3A_154] : memref<16384x128xf32, #tpu.memory_space<hbm>> -> memref<64x128xf32, #tpu.memory_space<hbm>>
      %dma_start3A_156 = arith.constant 0 : i32
      %dma_start3A_157 = tpu.memref_slice %arg4[%add3A_153, %dma_start3A_156] : memref<16384x128xf32, #tpu.memory_space<hbm>> -> memref<64x128xf32, #tpu.memory_space<hbm>>
      tpu.enqueue_dma source(%arg8 : memref<64x128xf32, #tpu.memory_space<vmem>>) target(%dma_start3A_157 : memref<64x128xf32, #tpu.memory_space<hbm>>) target_semaphore(%arg12 : memref<!tpu.dma_semaphore, #tpu.memory_space<semaphore_mem>>)
      %mul3A_158 = arith.constant 2 : i32
      %mul3A_159 = arith.muli %scan3A_50, %mul3A_158 : i32
      %add3A_160 = arith.constant 1 : i32
      %add3A_161 = arith.addi %mul3A_159, %add3A_160 : i32
      %lt3A = arith.constant 3 : i32
      %lt3A_162 = arith.cmpi slt, %scan3A_50, %lt3A : i32
      %convert_element_type3A_163 = arith.extui %lt3A_162 : i1 to i32
      %cond3A_164 = arith.constant 0 : i32
      %cond3A_165 = arith.cmpi ne, %convert_element_type3A_163, %cond3A_164 : i32
      scf.if %cond3A_165 {
        %add3A_218 = arith.constant 1 : i32
        %add3A_219 = arith.addi %add3A_161, %add3A_218 : i32
        %mul3A_220 = arith.constant 4 : i32
        %mul3A_221 = arith.muli %add3A_219, %mul3A_220 : i32
        %add3A_222 = arith.constant 0 : i32
        %add3A_223 = arith.addi %mul3A_221, %add3A_222 : i32
        %mul3A_224 = arith.constant 64 : i32
        %mul3A_225 = arith.muli %add3A_223, %mul3A_224 : i32
        %dma_start3A_226 = arith.constant 0 : i32
        %dma_start3A_227 = arith.constant 0 : i32
        %dma_start3A_228 = tpu.memref_slice %arg6[%dma_start3A_226, %dma_start3A_227] : memref<256x128xf32, #tpu.memory_space<vmem>> -> memref<64x128xf32, #tpu.memory_space<vmem>>
        %dma_start3A_229 = tpu.memref_slice %arg5[%mul3A_225] : memref<2048xi32, #tpu.memory_space<vmem>> -> memref<64xi32, #tpu.memory_space<vmem>>
        %dma_start3A_230 = arith.constant 0 : i32
        %dma_start3A_231 = arith.constant 0 : i32
        %dma_start3A_232 = tpu.memref_slice %arg2[%dma_start3A_230, %dma_start3A_231] : memref<51200x128xf32, #tpu.memory_space<hbm>> -> memref<51200x128xf32, #tpu.memory_space<hbm>>
        tpu.enqueue_indirect_dma source(%dma_start3A_232 : memref<51200x128xf32, #tpu.memory_space<hbm>>) target(%dma_start3A_228 : memref<64x128xf32, #tpu.memory_space<vmem>>) offsets(%dma_start3A_229 : memref<64xi32, #tpu.memory_space<vmem>>) semaphore(%arg10 : memref<!tpu.dma_semaphore, #tpu.memory_space<semaphore_mem>>)
        %mul3A_233 = arith.constant 4 : i32
        %mul3A_234 = arith.muli %add3A_219, %mul3A_233 : i32
        %add3A_235 = arith.constant 1 : i32
        %add3A_236 = arith.addi %mul3A_234, %add3A_235 : i32
        %mul3A_237 = arith.constant 64 : i32
        %mul3A_238 = arith.muli %add3A_236, %mul3A_237 : i32
        %dma_start3A_239 = arith.constant 64 : i32
        %dma_start3A_240 = arith.constant 0 : i32
        %dma_start3A_241 = tpu.memref_slice %arg6[%dma_start3A_239, %dma_start3A_240] : memref<256x128xf32, #tpu.memory_space<vmem>> -> memref<64x128xf32, #tpu.memory_space<vmem>>
        %dma_start3A_242 = tpu.memref_slice %arg5[%mul3A_238] : memref<2048xi32, #tpu.memory_space<vmem>> -> memref<64xi32, #tpu.memory_space<vmem>>
        %dma_start3A_243 = arith.constant 0 : i32
        %dma_start3A_244 = arith.constant 0 : i32
        %dma_start3A_245 = tpu.memref_slice %arg2[%dma_start3A_243, %dma_start3A_244] : memref<51200x128xf32, #tpu.memory_space<hbm>> -> memref<51200x128xf32, #tpu.memory_space<hbm>>
        tpu.enqueue_indirect_dma source(%dma_start3A_245 : memref<51200x128xf32, #tpu.memory_space<hbm>>) target(%dma_start3A_241 : memref<64x128xf32, #tpu.memory_space<vmem>>) offsets(%dma_start3A_242 : memref<64xi32, #tpu.memory_space<vmem>>) semaphore(%arg10 : memref<!tpu.dma_semaphore, #tpu.memory_space<semaphore_mem>>)
        %mul3A_246 = arith.constant 4 : i32
        %mul3A_247 = arith.muli %add3A_219, %mul3A_246 : i32
        %add3A_248 = arith.constant 2 : i32
        %add3A_249 = arith.addi %mul3A_247, %add3A_248 : i32
        %mul3A_250 = arith.constant 64 : i32
        %mul3A_251 = arith.muli %add3A_249, %mul3A_250 : i32
        %dma_start3A_252 = arith.constant 128 : i32
        %dma_start3A_253 = arith.constant 0 : i32
        %dma_start3A_254 = tpu.memref_slice %arg6[%dma_start3A_252, %dma_start3A_253] : memref<256x128xf32, #tpu.memory_space<vmem>> -> memref<64x128xf32, #tpu.memory_space<vmem>>
        %dma_start3A_255 = tpu.memref_slice %arg5[%mul3A_251] : memref<2048xi32, #tpu.memory_space<vmem>> -> memref<64xi32, #tpu.memory_space<vmem>>
        %dma_start3A_256 = arith.constant 0 : i32
        %dma_start3A_257 = arith.constant 0 : i32
        %dma_start3A_258 = tpu.memref_slice %arg2[%dma_start3A_256, %dma_start3A_257] : memref<51200x128xf32, #tpu.memory_space<hbm>> -> memref<51200x128xf32, #tpu.memory_space<hbm>>
        tpu.enqueue_indirect_dma source(%dma_start3A_258 : memref<51200x128xf32, #tpu.memory_space<hbm>>) target(%dma_start3A_254 : memref<64x128xf32, #tpu.memory_space<vmem>>) offsets(%dma_start3A_255 : memref<64xi32, #tpu.memory_space<vmem>>) semaphore(%arg10 : memref<!tpu.dma_semaphore, #tpu.memory_space<semaphore_mem>>)
        %mul3A_259 = arith.constant 4 : i32
        %mul3A_260 = arith.muli %add3A_219, %mul3A_259 : i32
        %add3A_261 = arith.constant 3 : i32
        %add3A_262 = arith.addi %mul3A_260, %add3A_261 : i32
        %mul3A_263 = arith.constant 64 : i32
        %mul3A_264 = arith.muli %add3A_262, %mul3A_263 : i32
        %dma_start3A_265 = arith.constant 192 : i32
        %dma_start3A_266 = arith.constant 0 : i32
        %dma_start3A_267 = tpu.memref_slice %arg6[%dma_start3A_265, %dma_start3A_266] : memref<256x128xf32, #tpu.memory_space<vmem>> -> memref<64x128xf32, #tpu.memory_space<vmem>>
        %dma_start3A_268 = tpu.memref_slice %arg5[%mul3A_264] : memref<2048xi32, #tpu.memory_space<vmem>> -> memref<64xi32, #tpu.memory_space<vmem>>
        %dma_start3A_269 = arith.constant 0 : i32
        %dma_start3A_270 = arith.constant 0 : i32
        %dma_start3A_271 = tpu.memref_slice %arg2[%dma_start3A_269, %dma_start3A_270] : memref<51200x128xf32, #tpu.memory_space<hbm>> -> memref<51200x128xf32, #tpu.memory_space<hbm>>
        tpu.enqueue_indirect_dma source(%dma_start3A_271 : memref<51200x128xf32, #tpu.memory_space<hbm>>) target(%dma_start3A_267 : memref<64x128xf32, #tpu.memory_space<vmem>>) offsets(%dma_start3A_268 : memref<64xi32, #tpu.memory_space<vmem>>) semaphore(%arg10 : memref<!tpu.dma_semaphore, #tpu.memory_space<semaphore_mem>>)
      } else {
      }
      %ge3A_166 = arith.constant 1 : i32
      %ge3A_167 = arith.cmpi sge, %scan3A_50, %ge3A_166 : i32
      %convert_element_type3A_168 = arith.extui %ge3A_167 : i1 to i32
      %cond3A_169 = arith.constant 0 : i32
      %cond3A_170 = arith.cmpi ne, %convert_element_type3A_168, %cond3A_169 : i32
      scf.if %cond3A_170 {
        %mul3A_218 = arith.constant 512 : i32
        %mul3A_219 = arith.muli %add3A, %mul3A_218 : i32
        %dma_wait3A_220 = arith.constant 0 : i32
        %dma_wait3A_221 = tpu.memref_slice %arg4[%mul3A_219, %dma_wait3A_220] : memref<16384x128xf32, #tpu.memory_space<hbm>> -> memref<64x128xf32, #tpu.memory_space<hbm>>
        %dma_wait3A_222 = arith.constant 0 : i32
        %dma_wait3A_223 = tpu.memref_slice %arg4[%mul3A_219, %dma_wait3A_222] : memref<16384x128xf32, #tpu.memory_space<hbm>> -> memref<64x128xf32, #tpu.memory_space<hbm>>
        tpu.wait_dma2 semaphore(%arg13 : memref<!tpu.dma_semaphore, #tpu.memory_space<semaphore_mem>>) src(%arg9 : memref<64x128xf32, #tpu.memory_space<vmem>>) dst(%dma_wait3A_223 : memref<64x128xf32, #tpu.memory_space<hbm>>)
      } else {
      }
      %dma_wait3A_171 = arith.constant 0 : i32
      %dma_wait3A_172 = arith.constant 0 : i32
      %dma_wait3A_173 = tpu.memref_slice %arg7[%dma_wait3A_171, %dma_wait3A_172] : memref<256x128xf32, #tpu.memory_space<vmem>> -> memref<64x128xf32, #tpu.memory_space<vmem>>
      %dma_wait3A_174 = arith.constant 0 : i32
      %dma_wait3A_175 = tpu.memref_slice %arg5[%dma_wait3A_174] : memref<2048xi32, #tpu.memory_space<vmem>> -> memref<64xi32, #tpu.memory_space<vmem>>
      %dma_wait3A_176 = arith.constant 0 : i32
      %dma_wait3A_177 = arith.constant 0 : i32
      %dma_wait3A_178 = tpu.memref_slice %arg2[%dma_wait3A_176, %dma_wait3A_177] : memref<51200x128xf32, #tpu.memory_space<hbm>> -> memref<51200x128xf32, #tpu.memory_space<hbm>>
      tpu.wait_indirect_dma semaphore(%arg11 : memref<!tpu.dma_semaphore, #tpu.memory_space<semaphore_mem>>) src(%dma_wait3A_178 : memref<51200x128xf32, #tpu.memory_space<hbm>>) dst(%dma_wait3A_173 : memref<64x128xf32, #tpu.memory_space<vmem>>)
      %dma_wait3A_179 = arith.constant 64 : i32
      %dma_wait3A_180 = arith.constant 0 : i32
      %dma_wait3A_181 = tpu.memref_slice %arg7[%dma_wait3A_179, %dma_wait3A_180] : memref<256x128xf32, #tpu.memory_space<vmem>> -> memref<64x128xf32, #tpu.memory_space<vmem>>
      %dma_wait3A_182 = arith.constant 0 : i32
      %dma_wait3A_183 = tpu.memref_slice %arg5[%dma_wait3A_182] : memref<2048xi32, #tpu.memory_space<vmem>> -> memref<64xi32, #tpu.memory_space<vmem>>
      %dma_wait3A_184 = arith.constant 0 : i32
      %dma_wait3A_185 = arith.constant 0 : i32
      %dma_wait3A_186 = tpu.memref_slice %arg2[%dma_wait3A_184, %dma_wait3A_185] : memref<51200x128xf32, #tpu.memory_space<hbm>> -> memref<51200x128xf32, #tpu.memory_space<hbm>>
      tpu.wait_indirect_dma semaphore(%arg11 : memref<!tpu.dma_semaphore, #tpu.memory_space<semaphore_mem>>) src(%dma_wait3A_186 : memref<51200x128xf32, #tpu.memory_space<hbm>>) dst(%dma_wait3A_181 : memref<64x128xf32, #tpu.memory_space<vmem>>)
      %dma_wait3A_187 = arith.constant 128 : i32
      %dma_wait3A_188 = arith.constant 0 : i32
      %dma_wait3A_189 = tpu.memref_slice %arg7[%dma_wait3A_187, %dma_wait3A_188] : memref<256x128xf32, #tpu.memory_space<vmem>> -> memref<64x128xf32, #tpu.memory_space<vmem>>
      %dma_wait3A_190 = arith.constant 0 : i32
      %dma_wait3A_191 = tpu.memref_slice %arg5[%dma_wait3A_190] : memref<2048xi32, #tpu.memory_space<vmem>> -> memref<64xi32, #tpu.memory_space<vmem>>
      %dma_wait3A_192 = arith.constant 0 : i32
      %dma_wait3A_193 = arith.constant 0 : i32
      %dma_wait3A_194 = tpu.memref_slice %arg2[%dma_wait3A_192, %dma_wait3A_193] : memref<51200x128xf32, #tpu.memory_space<hbm>> -> memref<51200x128xf32, #tpu.memory_space<hbm>>
      tpu.wait_indirect_dma semaphore(%arg11 : memref<!tpu.dma_semaphore, #tpu.memory_space<semaphore_mem>>) src(%dma_wait3A_194 : memref<51200x128xf32, #tpu.memory_space<hbm>>) dst(%dma_wait3A_189 : memref<64x128xf32, #tpu.memory_space<vmem>>)
      %dma_wait3A_195 = arith.constant 192 : i32
      %dma_wait3A_196 = arith.constant 0 : i32
      %dma_wait3A_197 = tpu.memref_slice %arg7[%dma_wait3A_195, %dma_wait3A_196] : memref<256x128xf32, #tpu.memory_space<vmem>> -> memref<64x128xf32, #tpu.memory_space<vmem>>
      %dma_wait3A_198 = arith.constant 0 : i32
      %dma_wait3A_199 = tpu.memref_slice %arg5[%dma_wait3A_198] : memref<2048xi32, #tpu.memory_space<vmem>> -> memref<64xi32, #tpu.memory_space<vmem>>
      %dma_wait3A_200 = arith.constant 0 : i32
      %dma_wait3A_201 = arith.constant 0 : i32
      %dma_wait3A_202 = tpu.memref_slice %arg2[%dma_wait3A_200, %dma_wait3A_201] : memref<51200x128xf32, #tpu.memory_space<hbm>> -> memref<51200x128xf32, #tpu.memory_space<hbm>>
      tpu.wait_indirect_dma semaphore(%arg11 : memref<!tpu.dma_semaphore, #tpu.memory_space<semaphore_mem>>) src(%dma_wait3A_202 : memref<51200x128xf32, #tpu.memory_space<hbm>>) dst(%dma_wait3A_197 : memref<64x128xf32, #tpu.memory_space<vmem>>)
      %scan3A_203 = arith.constant 0 : i32
      %scan3A_204 = arith.constant 0 : i32
      %scan3A_205 = arith.constant 64 : i32
      %scan3A_206 = arith.addi %scan3A_204, %scan3A_205 : i32
      %scan3A_207 = arith.constant 1 : i32
      scf.for %scan3A_218 = %scan3A_204 to %scan3A_206 step %scan3A_207  : i32 {
        %mul3A_219 = arith.constant 4 : i32
        %mul3A_220 = arith.muli %scan3A_218, %mul3A_219 : i32
        %get3A = arith.index_cast %mul3A_220 : i32 to index
        %get3A_221 = arith.constant 0 : index
        %get3A_222 = tpu.vector_load %arg7[%get3A, %get3A_221] {strides = array<i32>} : memref<256x128xf32, #tpu.memory_space<vmem>>, vector<16xf32>,
        %add3A_223 = arith.constant 1 : i32
        %add3A_224 = arith.addi %mul3A_220, %add3A_223 : i32
        %get3A_225 = arith.index_cast %add3A_224 : i32 to index
        %get3A_226 = arith.constant 0 : index
        %get3A_227 = tpu.vector_load %arg7[%get3A_225, %get3A_226] {strides = array<i32>} : memref<256x128xf32, #tpu.memory_space<vmem>>, vector<16xf32>,
        %add3A_228 = arith.addf %get3A_222, %get3A_227 : vector<16xf32>
        %add3A_229 = arith.constant 2 : i32
        %add3A_230 = arith.addi %mul3A_220, %add3A_229 : i32
        %get3A_231 = arith.index_cast %add3A_230 : i32 to index
        %get3A_232 = arith.constant 0 : index
        %get3A_233 = tpu.vector_load %arg7[%get3A_231, %get3A_232] {strides = array<i32>} : memref<256x128xf32, #tpu.memory_space<vmem>>, vector<16xf32>,
        %add3A_234 = arith.addf %add3A_228, %get3A_233 : vector<16xf32>
        %add3A_235 = arith.constant 3 : i32
        %add3A_236 = arith.addi %mul3A_220, %add3A_235 : i32
        %get3A_237 = arith.index_cast %add3A_236 : i32 to index
        %get3A_238 = arith.constant 0 : index
        %get3A_239 = tpu.vector_load %arg7[%get3A_237, %get3A_238] {strides = array<i32>} : memref<256x128xf32, #tpu.memory_space<vmem>>, vector<16xf32>,
        %add3A_240 = arith.addf %add3A_234, %get3A_239 : vector<16xf32>
        %mul3A_241 = arith.constant 2.500000e-01 : f32
        %mul3A_242 = vector.broadcast %mul3A_241 : f32 to vector<16xf32>
        %mul3A_243 = arith.mulf %add3A_240, %mul3A_242 : vector<16xf32>
        %swap3A = arith.index_cast %scan3A_218 : i32 to index
        %swap3A_244 = arith.constant 0 : index
        %swap3A_245 = tpu.vector_load %arg9[%swap3A, %swap3A_244] {strides = array<i32>} : memref<64x128xf32, #tpu.memory_space<vmem>>, vector<16xf32>,
        tpu.vector_store %arg9[%swap3A, %swap3A_244], %mul3A_243 {strides = array<i32>} : memref<64x128xf32, #tpu.memory_space<vmem>>, vector<16xf32>,
        %get3A_246 = arith.index_cast %mul3A_220 : i32 to index
        %get3A_247 = arith.constant 16 : index
        %get3A_248 = tpu.vector_load %arg7[%get3A_246, %get3A_247] {strides = array<i32>} : memref<256x128xf32, #tpu.memory_space<vmem>>, vector<16xf32>,
        %add3A_249 = arith.constant 1 : i32
        %add3A_250 = arith.addi %mul3A_220, %add3A_249 : i32
        %get3A_251 = arith.index_cast %add3A_250 : i32 to index
        %get3A_252 = arith.constant 16 : index
        %get3A_253 = tpu.vector_load %arg7[%get3A_251, %get3A_252] {strides = array<i32>} : memref<256x128xf32, #tpu.memory_space<vmem>>, vector<16xf32>,
        %add3A_254 = arith.addf %get3A_248, %get3A_253 : vector<16xf32>
        %add3A_255 = arith.constant 2 : i32
        %add3A_256 = arith.addi %mul3A_220, %add3A_255 : i32
        %get3A_257 = arith.index_cast %add3A_256 : i32 to index
        %get3A_258 = arith.constant 16 : index
        %get3A_259 = tpu.vector_load %arg7[%get3A_257, %get3A_258] {strides = array<i32>} : memref<256x128xf32, #tpu.memory_space<vmem>>, vector<16xf32>,
        %add3A_260 = arith.addf %add3A_254, %get3A_259 : vector<16xf32>
        %add3A_261 = arith.constant 3 : i32
        %add3A_262 = arith.addi %mul3A_220, %add3A_261 : i32
        %get3A_263 = arith.index_cast %add3A_262 : i32 to index
        %get3A_264 = arith.constant 16 : index
        %get3A_265 = tpu.vector_load %arg7[%get3A_263, %get3A_264] {strides = array<i32>} : memref<256x128xf32, #tpu.memory_space<vmem>>, vector<16xf32>,
        %add3A_266 = arith.addf %add3A_260, %get3A_265 : vector<16xf32>
        %mul3A_267 = arith.constant 2.500000e-01 : f32
        %mul3A_268 = vector.broadcast %mul3A_267 : f32 to vector<16xf32>
        %mul3A_269 = arith.mulf %add3A_266, %mul3A_268 : vector<16xf32>
        %swap3A_270 = arith.index_cast %scan3A_218 : i32 to index
        %swap3A_271 = arith.constant 16 : index
        %swap3A_272 = tpu.vector_load %arg9[%swap3A_270, %swap3A_271] {strides = array<i32>} : memref<64x128xf32, #tpu.memory_space<vmem>>, vector<16xf32>,
        tpu.vector_store %arg9[%swap3A_270, %swap3A_271], %mul3A_269 {strides = array<i32>} : memref<64x128xf32, #tpu.memory_space<vmem>>, vector<16xf32>,
        %get3A_273 = arith.index_cast %mul3A_220 : i32 to index
        %get3A_274 = arith.constant 32 : index
        %get3A_275 = tpu.vector_load %arg7[%get3A_273, %get3A_274] {strides = array<i32>} : memref<256x128xf32, #tpu.memory_space<vmem>>, vector<16xf32>,
        %add3A_276 = arith.constant 1 : i32
        %add3A_277 = arith.addi %mul3A_220, %add3A_276 : i32
        %get3A_278 = arith.index_cast %add3A_277 : i32 to index
        %get3A_279 = arith.constant 32 : index
        %get3A_280 = tpu.vector_load %arg7[%get3A_278, %get3A_279] {strides = array<i32>} : memref<256x128xf32, #tpu.memory_space<vmem>>, vector<16xf32>,
        %add3A_281 = arith.addf %get3A_275, %get3A_280 : vector<16xf32>
        %add3A_282 = arith.constant 2 : i32
        %add3A_283 = arith.addi %mul3A_220, %add3A_282 : i32
        %get3A_284 = arith.index_cast %add3A_283 : i32 to index
        %get3A_285 = arith.constant 32 : index
        %get3A_286 = tpu.vector_load %arg7[%get3A_284, %get3A_285] {strides = array<i32>} : memref<256x128xf32, #tpu.memory_space<vmem>>, vector<16xf32>,
        %add3A_287 = arith.addf %add3A_281, %get3A_286 : vector<16xf32>
        %add3A_288 = arith.constant 3 : i32
        %add3A_289 = arith.addi %mul3A_220, %add3A_288 : i32
        %get3A_290 = arith.index_cast %add3A_289 : i32 to index
        %get3A_291 = arith.constant 32 : index
        %get3A_292 = tpu.vector_load %arg7[%get3A_290, %get3A_291] {strides = array<i32>} : memref<256x128xf32, #tpu.memory_space<vmem>>, vector<16xf32>,
        %add3A_293 = arith.addf %add3A_287, %get3A_292 : vector<16xf32>
        %mul3A_294 = arith.constant 2.500000e-01 : f32
        %mul3A_295 = vector.broadcast %mul3A_294 : f32 to vector<16xf32>
        %mul3A_296 = arith.mulf %add3A_293, %mul3A_295 : vector<16xf32>
        %swap3A_297 = arith.index_cast %scan3A_218 : i32 to index
        %swap3A_298 = arith.constant 32 : index
        %swap3A_299 = tpu.vector_load %arg9[%swap3A_297, %swap3A_298] {strides = array<i32>} : memref<64x128xf32, #tpu.memory_space<vmem>>, vector<16xf32>,
        tpu.vector_store %arg9[%swap3A_297, %swap3A_298], %mul3A_296 {strides = array<i32>} : memref<64x128xf32, #tpu.memory_space<vmem>>, vector<16xf32>,
        %get3A_300 = arith.index_cast %mul3A_220 : i32 to index
        %get3A_301 = arith.constant 48 : index
        %get3A_302 = tpu.vector_load %arg7[%get3A_300, %get3A_301] {strides = array<i32>} : memref<256x128xf32, #tpu.memory_space<vmem>>, vector<16xf32>,
        %add3A_303 = arith.constant 1 : i32
        %add3A_304 = arith.addi %mul3A_220, %add3A_303 : i32
        %get3A_305 = arith.index_cast %add3A_304 : i32 to index
        %get3A_306 = arith.constant 48 : index
        %get3A_307 = tpu.vector_load %arg7[%get3A_305, %get3A_306] {strides = array<i32>} : memref<256x128xf32, #tpu.memory_space<vmem>>, vector<16xf32>,
        %add3A_308 = arith.addf %get3A_302, %get3A_307 : vector<16xf32>
        %add3A_309 = arith.constant 2 : i32
        %add3A_310 = arith.addi %mul3A_220, %add3A_309 : i32
        %get3A_311 = arith.index_cast %add3A_310 : i32 to index
        %get3A_312 = arith.constant 48 : index
        %get3A_313 = tpu.vector_load %arg7[%get3A_311, %get3A_312] {strides = array<i32>} : memref<256x128xf32, #tpu.memory_space<vmem>>, vector<16xf32>,
        %add3A_314 = arith.addf %add3A_308, %get3A_313 : vector<16xf32>
        %add3A_315 = arith.constant 3 : i32
        %add3A_316 = arith.addi %mul3A_220, %add3A_315 : i32
        %get3A_317 = arith.index_cast %add3A_316 : i32 to index
        %get3A_318 = arith.constant 48 : index
        %get3A_319 = tpu.vector_load %arg7[%get3A_317, %get3A_318] {strides = array<i32>} : memref<256x128xf32, #tpu.memory_space<vmem>>, vector<16xf32>,
        %add3A_320 = arith.addf %add3A_314, %get3A_319 : vector<16xf32>
        %mul3A_321 = arith.constant 2.500000e-01 : f32
        %mul3A_322 = vector.broadcast %mul3A_321 : f32 to vector<16xf32>
        %mul3A_323 = arith.mulf %add3A_320, %mul3A_322 : vector<16xf32>
        %swap3A_324 = arith.index_cast %scan3A_218 : i32 to index
        %swap3A_325 = arith.constant 48 : index
        %swap3A_326 = tpu.vector_load %arg9[%swap3A_324, %swap3A_325] {strides = array<i32>} : memref<64x128xf32, #tpu.memory_space<vmem>>, vector<16xf32>,
        tpu.vector_store %arg9[%swap3A_324, %swap3A_325], %mul3A_323 {strides = array<i32>} : memref<64x128xf32, #tpu.memory_space<vmem>>, vector<16xf32>,
        %get3A_327 = arith.index_cast %mul3A_220 : i32 to index
        %get3A_328 = arith.constant 64 : index
        %get3A_329 = tpu.vector_load %arg7[%get3A_327, %get3A_328] {strides = array<i32>} : memref<256x128xf32, #tpu.memory_space<vmem>>, vector<16xf32>,
        %add3A_330 = arith.constant 1 : i32
        %add3A_331 = arith.addi %mul3A_220, %add3A_330 : i32
        %get3A_332 = arith.index_cast %add3A_331 : i32 to index
        %get3A_333 = arith.constant 64 : index
        %get3A_334 = tpu.vector_load %arg7[%get3A_332, %get3A_333] {strides = array<i32>} : memref<256x128xf32, #tpu.memory_space<vmem>>, vector<16xf32>,
        %add3A_335 = arith.addf %get3A_329, %get3A_334 : vector<16xf32>
        %add3A_336 = arith.constant 2 : i32
        %add3A_337 = arith.addi %mul3A_220, %add3A_336 : i32
        %get3A_338 = arith.index_cast %add3A_337 : i32 to index
        %get3A_339 = arith.constant 64 : index
        %get3A_340 = tpu.vector_load %arg7[%get3A_338, %get3A_339] {strides = array<i32>} : memref<256x128xf32, #tpu.memory_space<vmem>>, vector<16xf32>,
        %add3A_341 = arith.addf %add3A_335, %get3A_340 : vector<16xf32>
        %add3A_342 = arith.constant 3 : i32
        %add3A_343 = arith.addi %mul3A_220, %add3A_342 : i32
        %get3A_344 = arith.index_cast %add3A_343 : i32 to index
        %get3A_345 = arith.constant 64 : index
        %get3A_346 = tpu.vector_load %arg7[%get3A_344, %get3A_345] {strides = array<i32>} : memref<256x128xf32, #tpu.memory_space<vmem>>, vector<16xf32>,
        %add3A_347 = arith.addf %add3A_341, %get3A_346 : vector<16xf32>
        %mul3A_348 = arith.constant 2.500000e-01 : f32
        %mul3A_349 = vector.broadcast %mul3A_348 : f32 to vector<16xf32>
        %mul3A_350 = arith.mulf %add3A_347, %mul3A_349 : vector<16xf32>
        %swap3A_351 = arith.index_cast %scan3A_218 : i32 to index
        %swap3A_352 = arith.constant 64 : index
        %swap3A_353 = tpu.vector_load %arg9[%swap3A_351, %swap3A_352] {strides = array<i32>} : memref<64x128xf32, #tpu.memory_space<vmem>>, vector<16xf32>,
        tpu.vector_store %arg9[%swap3A_351, %swap3A_352], %mul3A_350 {strides = array<i32>} : memref<64x128xf32, #tpu.memory_space<vmem>>, vector<16xf32>,
        %get3A_354 = arith.index_cast %mul3A_220 : i32 to index
        %get3A_355 = arith.constant 80 : index
        %get3A_356 = tpu.vector_load %arg7[%get3A_354, %get3A_355] {strides = array<i32>} : memref<256x128xf32, #tpu.memory_space<vmem>>, vector<16xf32>,
        %add3A_357 = arith.constant 1 : i32
        %add3A_358 = arith.addi %mul3A_220, %add3A_357 : i32
        %get3A_359 = arith.index_cast %add3A_358 : i32 to index
        %get3A_360 = arith.constant 80 : index
        %get3A_361 = tpu.vector_load %arg7[%get3A_359, %get3A_360] {strides = array<i32>} : memref<256x128xf32, #tpu.memory_space<vmem>>, vector<16xf32>,
        %add3A_362 = arith.addf %get3A_356, %get3A_361 : vector<16xf32>
        %add3A_363 = arith.constant 2 : i32
        %add3A_364 = arith.addi %mul3A_220, %add3A_363 : i32
        %get3A_365 = arith.index_cast %add3A_364 : i32 to index
        %get3A_366 = arith.constant 80 : index
        %get3A_367 = tpu.vector_load %arg7[%get3A_365, %get3A_366] {strides = array<i32>} : memref<256x128xf32, #tpu.memory_space<vmem>>, vector<16xf32>,
        %add3A_368 = arith.addf %add3A_362, %get3A_367 : vector<16xf32>
        %add3A_369 = arith.constant 3 : i32
        %add3A_370 = arith.addi %mul3A_220, %add3A_369 : i32
        %get3A_371 = arith.index_cast %add3A_370 : i32 to index
        %get3A_372 = arith.constant 80 : index
        %get3A_373 = tpu.vector_load %arg7[%get3A_371, %get3A_372] {strides = array<i32>} : memref<256x128xf32, #tpu.memory_space<vmem>>, vector<16xf32>,
        %add3A_374 = arith.addf %add3A_368, %get3A_373 : vector<16xf32>
        %mul3A_375 = arith.constant 2.500000e-01 : f32
        %mul3A_376 = vector.broadcast %mul3A_375 : f32 to vector<16xf32>
        %mul3A_377 = arith.mulf %add3A_374, %mul3A_376 : vector<16xf32>
        %swap3A_378 = arith.index_cast %scan3A_218 : i32 to index
        %swap3A_379 = arith.constant 80 : index
        %swap3A_380 = tpu.vector_load %arg9[%swap3A_378, %swap3A_379] {strides = array<i32>} : memref<64x128xf32, #tpu.memory_space<vmem>>, vector<16xf32>,
        tpu.vector_store %arg9[%swap3A_378, %swap3A_379], %mul3A_377 {strides = array<i32>} : memref<64x128xf32, #tpu.memory_space<vmem>>, vector<16xf32>,
        %get3A_381 = arith.index_cast %mul3A_220 : i32 to index
        %get3A_382 = arith.constant 96 : index
        %get3A_383 = tpu.vector_load %arg7[%get3A_381, %get3A_382] {strides = array<i32>} : memref<256x128xf32, #tpu.memory_space<vmem>>, vector<16xf32>,
        %add3A_384 = arith.constant 1 : i32
        %add3A_385 = arith.addi %mul3A_220, %add3A_384 : i32
        %get3A_386 = arith.index_cast %add3A_385 : i32 to index
        %get3A_387 = arith.constant 96 : index
        %get3A_388 = tpu.vector_load %arg7[%get3A_386, %get3A_387] {strides = array<i32>} : memref<256x128xf32, #tpu.memory_space<vmem>>, vector<16xf32>,
        %add3A_389 = arith.addf %get3A_383, %get3A_388 : vector<16xf32>
        %add3A_390 = arith.constant 2 : i32
        %add3A_391 = arith.addi %mul3A_220, %add3A_390 : i32
        %get3A_392 = arith.index_cast %add3A_391 : i32 to index
        %get3A_393 = arith.constant 96 : index
        %get3A_394 = tpu.vector_load %arg7[%get3A_392, %get3A_393] {strides = array<i32>} : memref<256x128xf32, #tpu.memory_space<vmem>>, vector<16xf32>,
        %add3A_395 = arith.addf %add3A_389, %get3A_394 : vector<16xf32>
        %add3A_396 = arith.constant 3 : i32
        %add3A_397 = arith.addi %mul3A_220, %add3A_396 : i32
        %get3A_398 = arith.index_cast %add3A_397 : i32 to index
        %get3A_399 = arith.constant 96 : index
        %get3A_400 = tpu.vector_load %arg7[%get3A_398, %get3A_399] {strides = array<i32>} : memref<256x128xf32, #tpu.memory_space<vmem>>, vector<16xf32>,
        %add3A_401 = arith.addf %add3A_395, %get3A_400 : vector<16xf32>
        %mul3A_402 = arith.constant 2.500000e-01 : f32
        %mul3A_403 = vector.broadcast %mul3A_402 : f32 to vector<16xf32>
        %mul3A_404 = arith.mulf %add3A_401, %mul3A_403 : vector<16xf32>
        %swap3A_405 = arith.index_cast %scan3A_218 : i32 to index
        %swap3A_406 = arith.constant 96 : index
        %swap3A_407 = tpu.vector_load %arg9[%swap3A_405, %swap3A_406] {strides = array<i32>} : memref<64x128xf32, #tpu.memory_space<vmem>>, vector<16xf32>,
        tpu.vector_store %arg9[%swap3A_405, %swap3A_406], %mul3A_404 {strides = array<i32>} : memref<64x128xf32, #tpu.memory_space<vmem>>, vector<16xf32>,
        %get3A_408 = arith.index_cast %mul3A_220 : i32 to index
        %get3A_409 = arith.constant 112 : index
        %get3A_410 = tpu.vector_load %arg7[%get3A_408, %get3A_409] {strides = array<i32>} : memref<256x128xf32, #tpu.memory_space<vmem>>, vector<16xf32>,
        %add3A_411 = arith.constant 1 : i32
        %add3A_412 = arith.addi %mul3A_220, %add3A_411 : i32
        %get3A_413 = arith.index_cast %add3A_412 : i32 to index
        %get3A_414 = arith.constant 112 : index
        %get3A_415 = tpu.vector_load %arg7[%get3A_413, %get3A_414] {strides = array<i32>} : memref<256x128xf32, #tpu.memory_space<vmem>>, vector<16xf32>,
        %add3A_416 = arith.addf %get3A_410, %get3A_415 : vector<16xf32>
        %add3A_417 = arith.constant 2 : i32
        %add3A_418 = arith.addi %mul3A_220, %add3A_417 : i32
        %get3A_419 = arith.index_cast %add3A_418 : i32 to index
        %get3A_420 = arith.constant 112 : index
        %get3A_421 = tpu.vector_load %arg7[%get3A_419, %get3A_420] {strides = array<i32>} : memref<256x128xf32, #tpu.memory_space<vmem>>, vector<16xf32>,
        %add3A_422 = arith.addf %add3A_416, %get3A_421 : vector<16xf32>
        %add3A_423 = arith.constant 3 : i32
        %add3A_424 = arith.addi %mul3A_220, %add3A_423 : i32
        %get3A_425 = arith.index_cast %add3A_424 : i32 to index
        %get3A_426 = arith.constant 112 : index
        %get3A_427 = tpu.vector_load %arg7[%get3A_425, %get3A_426] {strides = array<i32>} : memref<256x128xf32, #tpu.memory_space<vmem>>, vector<16xf32>,
        %add3A_428 = arith.addf %add3A_422, %get3A_427 : vector<16xf32>
        %mul3A_429 = arith.constant 2.500000e-01 : f32
        %mul3A_430 = vector.broadcast %mul3A_429 : f32 to vector<16xf32>
        %mul3A_431 = arith.mulf %add3A_428, %mul3A_430 : vector<16xf32>
        %swap3A_432 = arith.index_cast %scan3A_218 : i32 to index
        %swap3A_433 = arith.constant 112 : index
        %swap3A_434 = tpu.vector_load %arg9[%swap3A_432, %swap3A_433] {strides = array<i32>} : memref<64x128xf32, #tpu.memory_space<vmem>>, vector<16xf32>,
        tpu.vector_store %arg9[%swap3A_432, %swap3A_433], %mul3A_431 {strides = array<i32>} : memref<64x128xf32, #tpu.memory_space<vmem>>, vector<16xf32>,
      }
      %scan3A_208 = arith.constant 64 : i32
      %mul3A_209 = arith.constant 512 : i32
      %mul3A_210 = arith.muli %add3A, %mul3A_209 : i32
      %mul3A_211 = arith.constant 64 : i32
      %mul3A_212 = arith.muli %add3A_161, %mul3A_211 : i32
      %add3A_213 = arith.addi %mul3A_210, %mul3A_212 : i32
      %dma_start3A_214 = arith.constant 0 : i32
      %dma_start3A_215 = tpu.memref_slice %arg4[%add3A_213, %dma_start3A_214] : memref<16384x128xf32, #tpu.memory_space<hbm>> -> memref<64x128xf32, #tpu.memory_space<hbm>>
      %dma_start3A_216 = arith.constant 0 : i32
      %dma_start3A_217 = tpu.memref_slice %arg4[%add3A_213, %dma_start3A_216] : memref<16384x128xf32, #tpu.memory_space<hbm>> -> memref<64x128xf32, #tpu.memory_space<hbm>>
      tpu.enqueue_dma source(%arg9 : memref<64x128xf32, #tpu.memory_space<vmem>>) target(%dma_start3A_217 : memref<64x128xf32, #tpu.memory_space<hbm>>) target_semaphore(%arg13 : memref<!tpu.dma_semaphore, #tpu.memory_space<semaphore_mem>>)
    }
    %scan3A_38 = arith.constant 4 : i32
    %mul3A_39 = arith.constant 512 : i32
    %mul3A_40 = arith.muli %add3A, %mul3A_39 : i32
    %dma_wait3A = arith.constant 0 : i32
    %dma_wait3A_41 = tpu.memref_slice %arg4[%mul3A_40, %dma_wait3A] : memref<16384x128xf32, #tpu.memory_space<hbm>> -> memref<64x128xf32, #tpu.memory_space<hbm>>
    %dma_wait3A_42 = arith.constant 0 : i32
    %dma_wait3A_43 = tpu.memref_slice %arg4[%mul3A_40, %dma_wait3A_42] : memref<16384x128xf32, #tpu.memory_space<hbm>> -> memref<64x128xf32, #tpu.memory_space<hbm>>
    tpu.wait_dma2 semaphore(%arg12 : memref<!tpu.dma_semaphore, #tpu.memory_space<semaphore_mem>>) src(%arg8 : memref<64x128xf32, #tpu.memory_space<vmem>>) dst(%dma_wait3A_43 : memref<64x128xf32, #tpu.memory_space<hbm>>)
    %mul3A_44 = arith.constant 512 : i32
    %mul3A_45 = arith.muli %add3A, %mul3A_44 : i32
    %dma_wait3A_46 = arith.constant 0 : i32
    %dma_wait3A_47 = tpu.memref_slice %arg4[%mul3A_45, %dma_wait3A_46] : memref<16384x128xf32, #tpu.memory_space<hbm>> -> memref<64x128xf32, #tpu.memory_space<hbm>>
    %dma_wait3A_48 = arith.constant 0 : i32
    %dma_wait3A_49 = tpu.memref_slice %arg4[%mul3A_45, %dma_wait3A_48] : memref<16384x128xf32, #tpu.memory_space<hbm>> -> memref<64x128xf32, #tpu.memory_space<hbm>>
    tpu.wait_dma2 semaphore(%arg13 : memref<!tpu.dma_semaphore, #tpu.memory_space<semaphore_mem>>) src(%arg9 : memref<64x128xf32, #tpu.memory_space<vmem>>) dst(%dma_wait3A_49 : memref<64x128xf32, #tpu.memory_space<hbm>>)
    return
  }
}

#map = affine_map<(d0, d1) -> (0, 0)>
#map1 = affine_map<(d0, d1) -> (0)>
module attributes {stable_mosaic.version = 14 : i64} {
  func.func @sc_conv2_gsum(%arg0: i32, %arg1: i32, %arg2: memref<460800x128xf32, #tpu.memory_space<hbm>>, %arg3: memref<460800xi32, #tpu.memory_space<hbm>>, %arg4: memref<51200x128xf32, #tpu.memory_space<hbm>>, %arg5: memref<14400xi32, #tpu.memory_space<vmem>>, %arg6: memref<288x128xf32, #tpu.memory_space<vmem>>, %arg7: memref<288x128xf32, #tpu.memory_space<vmem>>, %arg8: memref<32x128xf32, #tpu.memory_space<vmem>>, %arg9: memref<32x128xf32, #tpu.memory_space<vmem>>, %arg10: memref<!tpu.dma_semaphore, #tpu.memory_space<semaphore_mem>>, %arg11: memref<!tpu.dma_semaphore, #tpu.memory_space<semaphore_mem>>, %arg12: memref<!tpu.dma_semaphore, #tpu.memory_space<semaphore_mem>>, %arg13: memref<!tpu.dma_semaphore, #tpu.memory_space<semaphore_mem>>) attributes {dimension_semantics = [#tpu.dimension_semantics<core_parallel>, #tpu.dimension_semantics<subcore_parallel>], iteration_bounds = array<i64: 2, 16>, scalar_prefetch = 0 : i64, scratch_operands = 9 : i64, tpu.core_type = #tpu.core_type<sc_vector_subcore>, window_params = [{transform_indices = #map}, {transform_indices = #map1}, {transform_indices = #map}]} {
    %mul3A = arith.constant 16 : i32
    %mul3A_0 = arith.muli %arg0, %mul3A : i32
    %add3A = arith.addi %mul3A_0, %arg1 : i32
    %mul3A_1 = arith.constant 14400 : i32
    %mul3A_2 = arith.muli %add3A, %mul3A_1 : i32
    "tpu.region"() ({
      %run_scoped3A = tpu.sem_alloc : memref<!tpu.dma_semaphore, #tpu.memory_space<semaphore_mem>>
      %dma_start3A_42 = tpu.memref_slice %arg3[%mul3A_2] : memref<460800xi32, #tpu.memory_space<hbm>> -> memref<14400xi32, #tpu.memory_space<hbm>>
      %dma_start3A_43 = tpu.memref_slice %arg3[%mul3A_2] : memref<460800xi32, #tpu.memory_space<hbm>> -> memref<14400xi32, #tpu.memory_space<hbm>>
      tpu.enqueue_dma source(%dma_start3A_43 : memref<14400xi32, #tpu.memory_space<hbm>>) target(%arg5 : memref<14400xi32, #tpu.memory_space<vmem>>) target_semaphore(%run_scoped3A : memref<!tpu.dma_semaphore, #tpu.memory_space<semaphore_mem>>)
      %dma_wait3A_44 = tpu.memref_slice %arg3[%mul3A_2] : memref<460800xi32, #tpu.memory_space<hbm>> -> memref<14400xi32, #tpu.memory_space<hbm>>
      %dma_wait3A_45 = tpu.memref_slice %arg3[%mul3A_2] : memref<460800xi32, #tpu.memory_space<hbm>> -> memref<14400xi32, #tpu.memory_space<hbm>>
      tpu.wait_dma2 semaphore(%run_scoped3A : memref<!tpu.dma_semaphore, #tpu.memory_space<semaphore_mem>>) src(%dma_wait3A_45 : memref<14400xi32, #tpu.memory_space<hbm>>) dst(%arg5 : memref<14400xi32, #tpu.memory_space<vmem>>)
      tpu.yield
    }) : () -> ()
    %dma_start3A = arith.constant 0 : i32
    %dma_start3A_3 = arith.constant 0 : i32
    %dma_start3A_4 = tpu.memref_slice %arg6[%dma_start3A, %dma_start3A_3] : memref<288x128xf32, #tpu.memory_space<vmem>> -> memref<96x128xf32, #tpu.memory_space<vmem>>
    %dma_start3A_5 = arith.constant 0 : i32
    %dma_start3A_6 = tpu.memref_slice %arg5[%dma_start3A_5] : memref<14400xi32, #tpu.memory_space<vmem>> -> memref<96xi32, #tpu.memory_space<vmem>>
    %dma_start3A_7 = arith.constant 0 : i32
    %dma_start3A_8 = arith.constant 0 : i32
    %dma_start3A_9 = tpu.memref_slice %arg2[%dma_start3A_7, %dma_start3A_8] : memref<460800x128xf32, #tpu.memory_space<hbm>> -> memref<460800x128xf32, #tpu.memory_space<hbm>>
    tpu.enqueue_indirect_dma source(%dma_start3A_9 : memref<460800x128xf32, #tpu.memory_space<hbm>>) target(%dma_start3A_4 : memref<96x128xf32, #tpu.memory_space<vmem>>) offsets(%dma_start3A_6 : memref<96xi32, #tpu.memory_space<vmem>>) semaphore(%arg10 : memref<!tpu.dma_semaphore, #tpu.memory_space<semaphore_mem>>)
    %dma_start3A_10 = arith.constant 96 : i32
    %dma_start3A_11 = arith.constant 0 : i32
    %dma_start3A_12 = tpu.memref_slice %arg6[%dma_start3A_10, %dma_start3A_11] : memref<288x128xf32, #tpu.memory_space<vmem>> -> memref<96x128xf32, #tpu.memory_space<vmem>>
    %dma_start3A_13 = arith.constant 96 : i32
    %dma_start3A_14 = tpu.memref_slice %arg5[%dma_start3A_13] : memref<14400xi32, #tpu.memory_space<vmem>> -> memref<96xi32, #tpu.memory_space<vmem>>
    %dma_start3A_15 = arith.constant 0 : i32
    %dma_start3A_16 = arith.constant 0 : i32
    %dma_start3A_17 = tpu.memref_slice %arg2[%dma_start3A_15, %dma_start3A_16] : memref<460800x128xf32, #tpu.memory_space<hbm>> -> memref<460800x128xf32, #tpu.memory_space<hbm>>
    tpu.enqueue_indirect_dma source(%dma_start3A_17 : memref<460800x128xf32, #tpu.memory_space<hbm>>) target(%dma_start3A_12 : memref<96x128xf32, #tpu.memory_space<vmem>>) offsets(%dma_start3A_14 : memref<96xi32, #tpu.memory_space<vmem>>) semaphore(%arg10 : memref<!tpu.dma_semaphore, #tpu.memory_space<semaphore_mem>>)
    %dma_start3A_18 = arith.constant 192 : i32
    %dma_start3A_19 = arith.constant 0 : i32
    %dma_start3A_20 = tpu.memref_slice %arg6[%dma_start3A_18, %dma_start3A_19] : memref<288x128xf32, #tpu.memory_space<vmem>> -> memref<96x128xf32, #tpu.memory_space<vmem>>
    %dma_start3A_21 = arith.constant 192 : i32
    %dma_start3A_22 = tpu.memref_slice %arg5[%dma_start3A_21] : memref<14400xi32, #tpu.memory_space<vmem>> -> memref<96xi32, #tpu.memory_space<vmem>>
    %dma_start3A_23 = arith.constant 0 : i32
    %dma_start3A_24 = arith.constant 0 : i32
    %dma_start3A_25 = tpu.memref_slice %arg2[%dma_start3A_23, %dma_start3A_24] : memref<460800x128xf32, #tpu.memory_space<hbm>> -> memref<460800x128xf32, #tpu.memory_space<hbm>>
    tpu.enqueue_indirect_dma source(%dma_start3A_25 : memref<460800x128xf32, #tpu.memory_space<hbm>>) target(%dma_start3A_20 : memref<96x128xf32, #tpu.memory_space<vmem>>) offsets(%dma_start3A_22 : memref<96xi32, #tpu.memory_space<vmem>>) semaphore(%arg10 : memref<!tpu.dma_semaphore, #tpu.memory_space<semaphore_mem>>)
    %scan3A = arith.constant 0 : i32
    %scan3A_26 = arith.constant 0 : i32
    %scan3A_27 = arith.constant 25 : i32
    %scan3A_28 = arith.addi %scan3A_26, %scan3A_27 : i32
    %scan3A_29 = arith.constant 1 : i32
    scf.for %scan3A_42 = %scan3A_26 to %scan3A_28 step %scan3A_29  : i32 {
      %mul3A_43 = arith.constant 2 : i32
      %mul3A_44 = arith.muli %scan3A_42, %mul3A_43 : i32
      %add3A_45 = arith.constant 0 : i32
      %add3A_46 = arith.addi %mul3A_44, %add3A_45 : i32
      %add3A_47 = arith.constant 1 : i32
      %add3A_48 = arith.addi %add3A_46, %add3A_47 : i32
      %mul3A_49 = arith.constant 3 : i32
      %mul3A_50 = arith.muli %add3A_48, %mul3A_49 : i32
      %add3A_51 = arith.constant 0 : i32
      %add3A_52 = arith.addi %mul3A_50, %add3A_51 : i32
      %mul3A_53 = arith.constant 96 : i32
      %mul3A_54 = arith.muli %add3A_52, %mul3A_53 : i32
      %dma_start3A_55 = arith.constant 0 : i32
      %dma_start3A_56 = arith.constant 0 : i32
      %dma_start3A_57 = tpu.memref_slice %arg7[%dma_start3A_55, %dma_start3A_56] : memref<288x128xf32, #tpu.memory_space<vmem>> -> memref<96x128xf32, #tpu.memory_space<vmem>>
      %dma_start3A_58 = tpu.memref_slice %arg5[%mul3A_54] : memref<14400xi32, #tpu.memory_space<vmem>> -> memref<96xi32, #tpu.memory_space<vmem>>
      %dma_start3A_59 = arith.constant 0 : i32
      %dma_start3A_60 = arith.constant 0 : i32
      %dma_start3A_61 = tpu.memref_slice %arg2[%dma_start3A_59, %dma_start3A_60] : memref<460800x128xf32, #tpu.memory_space<hbm>> -> memref<460800x128xf32, #tpu.memory_space<hbm>>
      tpu.enqueue_indirect_dma source(%dma_start3A_61 : memref<460800x128xf32, #tpu.memory_space<hbm>>) target(%dma_start3A_57 : memref<96x128xf32, #tpu.memory_space<vmem>>) offsets(%dma_start3A_58 : memref<96xi32, #tpu.memory_space<vmem>>) semaphore(%arg11 : memref<!tpu.dma_semaphore, #tpu.memory_space<semaphore_mem>>)
      %mul3A_62 = arith.constant 3 : i32
      %mul3A_63 = arith.muli %add3A_48, %mul3A_62 : i32
      %add3A_64 = arith.constant 1 : i32
      %add3A_65 = arith.addi %mul3A_63, %add3A_64 : i32
      %mul3A_66 = arith.constant 96 : i32
      %mul3A_67 = arith.muli %add3A_65, %mul3A_66 : i32
      %dma_start3A_68 = arith.constant 96 : i32
      %dma_start3A_69 = arith.constant 0 : i32
      %dma_start3A_70 = tpu.memref_slice %arg7[%dma_start3A_68, %dma_start3A_69] : memref<288x128xf32, #tpu.memory_space<vmem>> -> memref<96x128xf32, #tpu.memory_space<vmem>>
      %dma_start3A_71 = tpu.memref_slice %arg5[%mul3A_67] : memref<14400xi32, #tpu.memory_space<vmem>> -> memref<96xi32, #tpu.memory_space<vmem>>
      %dma_start3A_72 = arith.constant 0 : i32
      %dma_start3A_73 = arith.constant 0 : i32
      %dma_start3A_74 = tpu.memref_slice %arg2[%dma_start3A_72, %dma_start3A_73] : memref<460800x128xf32, #tpu.memory_space<hbm>> -> memref<460800x128xf32, #tpu.memory_space<hbm>>
      tpu.enqueue_indirect_dma source(%dma_start3A_74 : memref<460800x128xf32, #tpu.memory_space<hbm>>) target(%dma_start3A_70 : memref<96x128xf32, #tpu.memory_space<vmem>>) offsets(%dma_start3A_71 : memref<96xi32, #tpu.memory_space<vmem>>) semaphore(%arg11 : memref<!tpu.dma_semaphore, #tpu.memory_space<semaphore_mem>>)
      %mul3A_75 = arith.constant 3 : i32
      %mul3A_76 = arith.muli %add3A_48, %mul3A_75 : i32
      %add3A_77 = arith.constant 2 : i32
      %add3A_78 = arith.addi %mul3A_76, %add3A_77 : i32
      %mul3A_79 = arith.constant 96 : i32
      %mul3A_80 = arith.muli %add3A_78, %mul3A_79 : i32
      %dma_start3A_81 = arith.constant 192 : i32
      %dma_start3A_82 = arith.constant 0 : i32
      %dma_start3A_83 = tpu.memref_slice %arg7[%dma_start3A_81, %dma_start3A_82] : memref<288x128xf32, #tpu.memory_space<vmem>> -> memref<96x128xf32, #tpu.memory_space<vmem>>
      %dma_start3A_84 = tpu.memref_slice %arg5[%mul3A_80] : memref<14400xi32, #tpu.memory_space<vmem>> -> memref<96xi32, #tpu.memory_space<vmem>>
      %dma_start3A_85 = arith.constant 0 : i32
      %dma_start3A_86 = arith.constant 0 : i32
      %dma_start3A_87 = tpu.memref_slice %arg2[%dma_start3A_85, %dma_start3A_86] : memref<460800x128xf32, #tpu.memory_space<hbm>> -> memref<460800x128xf32, #tpu.memory_space<hbm>>
      tpu.enqueue_indirect_dma source(%dma_start3A_87 : memref<460800x128xf32, #tpu.memory_space<hbm>>) target(%dma_start3A_83 : memref<96x128xf32, #tpu.memory_space<vmem>>) offsets(%dma_start3A_84 : memref<96xi32, #tpu.memory_space<vmem>>) semaphore(%arg11 : memref<!tpu.dma_semaphore, #tpu.memory_space<semaphore_mem>>)
      %ge3A = arith.constant 1 : i32
      %ge3A_88 = arith.cmpi sge, %scan3A_42, %ge3A : i32
      %convert_element_type3A = arith.extui %ge3A_88 : i1 to i32
      %cond3A = arith.constant 0 : i32
      %cond3A_89 = arith.cmpi ne, %convert_element_type3A, %cond3A : i32
      scf.if %cond3A_89 {
        %mul3A_181 = arith.constant 1600 : i32
        %mul3A_182 = arith.muli %add3A, %mul3A_181 : i32
        %dma_wait3A_183 = arith.constant 0 : i32
        %dma_wait3A_184 = tpu.memref_slice %arg4[%mul3A_182, %dma_wait3A_183] : memref<51200x128xf32, #tpu.memory_space<hbm>> -> memref<32x128xf32, #tpu.memory_space<hbm>>
        %dma_wait3A_185 = arith.constant 0 : i32
        %dma_wait3A_186 = tpu.memref_slice %arg4[%mul3A_182, %dma_wait3A_185] : memref<51200x128xf32, #tpu.memory_space<hbm>> -> memref<32x128xf32, #tpu.memory_space<hbm>>
        tpu.wait_dma2 semaphore(%arg12 : memref<!tpu.dma_semaphore, #tpu.memory_space<semaphore_mem>>) src(%arg8 : memref<32x128xf32, #tpu.memory_space<vmem>>) dst(%dma_wait3A_186 : memref<32x128xf32, #tpu.memory_space<hbm>>)
      } else {
      }
      %dma_wait3A_90 = arith.constant 0 : i32
      %dma_wait3A_91 = arith.constant 0 : i32
      %dma_wait3A_92 = tpu.memref_slice %arg6[%dma_wait3A_90, %dma_wait3A_91] : memref<288x128xf32, #tpu.memory_space<vmem>> -> memref<96x128xf32, #tpu.memory_space<vmem>>
      %dma_wait3A_93 = arith.constant 0 : i32
      %dma_wait3A_94 = tpu.memref_slice %arg5[%dma_wait3A_93] : memref<14400xi32, #tpu.memory_space<vmem>> -> memref<96xi32, #tpu.memory_space<vmem>>
      %dma_wait3A_95 = arith.constant 0 : i32
      %dma_wait3A_96 = arith.constant 0 : i32
      %dma_wait3A_97 = tpu.memref_slice %arg2[%dma_wait3A_95, %dma_wait3A_96] : memref<460800x128xf32, #tpu.memory_space<hbm>> -> memref<460800x128xf32, #tpu.memory_space<hbm>>
      tpu.wait_indirect_dma semaphore(%arg10 : memref<!tpu.dma_semaphore, #tpu.memory_space<semaphore_mem>>) src(%dma_wait3A_97 : memref<460800x128xf32, #tpu.memory_space<hbm>>) dst(%dma_wait3A_92 : memref<96x128xf32, #tpu.memory_space<vmem>>)
      %dma_wait3A_98 = arith.constant 96 : i32
      %dma_wait3A_99 = arith.constant 0 : i32
      %dma_wait3A_100 = tpu.memref_slice %arg6[%dma_wait3A_98, %dma_wait3A_99] : memref<288x128xf32, #tpu.memory_space<vmem>> -> memref<96x128xf32, #tpu.memory_space<vmem>>
      %dma_wait3A_101 = arith.constant 0 : i32
      %dma_wait3A_102 = tpu.memref_slice %arg5[%dma_wait3A_101] : memref<14400xi32, #tpu.memory_space<vmem>> -> memref<96xi32, #tpu.memory_space<vmem>>
      %dma_wait3A_103 = arith.constant 0 : i32
      %dma_wait3A_104 = arith.constant 0 : i32
      %dma_wait3A_105 = tpu.memref_slice %arg2[%dma_wait3A_103, %dma_wait3A_104] : memref<460800x128xf32, #tpu.memory_space<hbm>> -> memref<460800x128xf32, #tpu.memory_space<hbm>>
      tpu.wait_indirect_dma semaphore(%arg10 : memref<!tpu.dma_semaphore, #tpu.memory_space<semaphore_mem>>) src(%dma_wait3A_105 : memref<460800x128xf32, #tpu.memory_space<hbm>>) dst(%dma_wait3A_100 : memref<96x128xf32, #tpu.memory_space<vmem>>)
      %dma_wait3A_106 = arith.constant 192 : i32
      %dma_wait3A_107 = arith.constant 0 : i32
      %dma_wait3A_108 = tpu.memref_slice %arg6[%dma_wait3A_106, %dma_wait3A_107] : memref<288x128xf32, #tpu.memory_space<vmem>> -> memref<96x128xf32, #tpu.memory_space<vmem>>
      %dma_wait3A_109 = arith.constant 0 : i32
      %dma_wait3A_110 = tpu.memref_slice %arg5[%dma_wait3A_109] : memref<14400xi32, #tpu.memory_space<vmem>> -> memref<96xi32, #tpu.memory_space<vmem>>
      %dma_wait3A_111 = arith.constant 0 : i32
      %dma_wait3A_112 = arith.constant 0 : i32
      %dma_wait3A_113 = tpu.memref_slice %arg2[%dma_wait3A_111, %dma_wait3A_112] : memref<460800x128xf32, #tpu.memory_space<hbm>> -> memref<460800x128xf32, #tpu.memory_space<hbm>>
      tpu.wait_indirect_dma semaphore(%arg10 : memref<!tpu.dma_semaphore, #tpu.memory_space<semaphore_mem>>) src(%dma_wait3A_113 : memref<460800x128xf32, #tpu.memory_space<hbm>>) dst(%dma_wait3A_108 : memref<96x128xf32, #tpu.memory_space<vmem>>)
      %scan3A_114 = arith.constant 0 : i32
      %scan3A_115 = arith.constant 0 : i32
      %scan3A_116 = arith.constant 32 : i32
      %scan3A_117 = arith.addi %scan3A_115, %scan3A_116 : i32
      %scan3A_118 = arith.constant 1 : i32
      scf.for %scan3A_181 = %scan3A_115 to %scan3A_117 step %scan3A_118  : i32 {
        %mul3A_182 = arith.constant 9 : i32
        %mul3A_183 = arith.muli %scan3A_181, %mul3A_182 : i32
        %mul3A_184 = arith.constant 1600 : i32
        %mul3A_185 = arith.muli %add3A, %mul3A_184 : i32
        %mul3A_186 = arith.constant 32 : i32
        %mul3A_187 = arith.muli %add3A_46, %mul3A_186 : i32
        %add3A_188 = arith.addi %mul3A_185, %mul3A_187 : i32
        %add3A_189 = arith.addi %add3A_188, %scan3A_181 : i32
        %lt3A_190 = arith.constant 50000 : i32
        %lt3A_191 = arith.cmpi slt, %add3A_189, %lt3A_190 : i32
        %jit3A = arith.constant 1.000000e+00 : f32
        %jit3A_192 = arith.constant 0.000000e+00 : f32
        %select_n3A = arith.select %lt3A_191, %jit3A, %jit3A_192 : f32
        %get3A = arith.index_cast %mul3A_183 : i32 to index
        %get3A_193 = arith.constant 0 : index
        %get3A_194 = tpu.vector_load %arg6[%get3A, %get3A_193] {strides = array<i32>} : memref<288x128xf32, #tpu.memory_space<vmem>>, vector<16xf32>,
        %add3A_195 = arith.constant 1 : i32
        %add3A_196 = arith.addi %mul3A_183, %add3A_195 : i32
        %get3A_197 = arith.index_cast %add3A_196 : i32 to index
        %get3A_198 = arith.constant 0 : index
        %get3A_199 = tpu.vector_load %arg6[%get3A_197, %get3A_198] {strides = array<i32>} : memref<288x128xf32, #tpu.memory_space<vmem>>, vector<16xf32>,
        %add3A_200 = arith.addf %get3A_194, %get3A_199 : vector<16xf32>
        %add3A_201 = arith.constant 2 : i32
        %add3A_202 = arith.addi %mul3A_183, %add3A_201 : i32
        %get3A_203 = arith.index_cast %add3A_202 : i32 to index
        %get3A_204 = arith.constant 0 : index
        %get3A_205 = tpu.vector_load %arg6[%get3A_203, %get3A_204] {strides = array<i32>} : memref<288x128xf32, #tpu.memory_space<vmem>>, vector<16xf32>,
        %add3A_206 = arith.addf %add3A_200, %get3A_205 : vector<16xf32>
        %add3A_207 = arith.constant 3 : i32
        %add3A_208 = arith.addi %mul3A_183, %add3A_207 : i32
        %get3A_209 = arith.index_cast %add3A_208 : i32 to index
        %get3A_210 = arith.constant 0 : index
        %get3A_211 = tpu.vector_load %arg6[%get3A_209, %get3A_210] {strides = array<i32>} : memref<288x128xf32, #tpu.memory_space<vmem>>, vector<16xf32>,
        %add3A_212 = arith.addf %add3A_206, %get3A_211 : vector<16xf32>
        %add3A_213 = arith.constant 4 : i32
        %add3A_214 = arith.addi %mul3A_183, %add3A_213 : i32
        %get3A_215 = arith.index_cast %add3A_214 : i32 to index
        %get3A_216 = arith.constant 0 : index
        %get3A_217 = tpu.vector_load %arg6[%get3A_215, %get3A_216] {strides = array<i32>} : memref<288x128xf32, #tpu.memory_space<vmem>>, vector<16xf32>,
        %add3A_218 = arith.addf %add3A_212, %get3A_217 : vector<16xf32>
        %add3A_219 = arith.constant 5 : i32
        %add3A_220 = arith.addi %mul3A_183, %add3A_219 : i32
        %get3A_221 = arith.index_cast %add3A_220 : i32 to index
        %get3A_222 = arith.constant 0 : index
        %get3A_223 = tpu.vector_load %arg6[%get3A_221, %get3A_222] {strides = array<i32>} : memref<288x128xf32, #tpu.memory_space<vmem>>, vector<16xf32>,
        %add3A_224 = arith.addf %add3A_218, %get3A_223 : vector<16xf32>
        %add3A_225 = arith.constant 6 : i32
        %add3A_226 = arith.addi %mul3A_183, %add3A_225 : i32
        %get3A_227 = arith.index_cast %add3A_226 : i32 to index
        %get3A_228 = arith.constant 0 : index
        %get3A_229 = tpu.vector_load %arg6[%get3A_227, %get3A_228] {strides = array<i32>} : memref<288x128xf32, #tpu.memory_space<vmem>>, vector<16xf32>,
        %add3A_230 = arith.addf %add3A_224, %get3A_229 : vector<16xf32>
        %add3A_231 = arith.constant 7 : i32
        %add3A_232 = arith.addi %mul3A_183, %add3A_231 : i32
        %get3A_233 = arith.index_cast %add3A_232 : i32 to index
        %get3A_234 = arith.constant 0 : index
        %get3A_235 = tpu.vector_load %arg6[%get3A_233, %get3A_234] {strides = array<i32>} : memref<288x128xf32, #tpu.memory_space<vmem>>, vector<16xf32>,
        %add3A_236 = arith.addf %add3A_230, %get3A_235 : vector<16xf32>
        %add3A_237 = arith.constant 8 : i32
        %add3A_238 = arith.addi %mul3A_183, %add3A_237 : i32
        %get3A_239 = arith.index_cast %add3A_238 : i32 to index
        %get3A_240 = arith.constant 0 : index
        %get3A_241 = tpu.vector_load %arg6[%get3A_239, %get3A_240] {strides = array<i32>} : memref<288x128xf32, #tpu.memory_space<vmem>>, vector<16xf32>,
        %add3A_242 = arith.addf %add3A_236, %get3A_241 : vector<16xf32>
        %max3A = arith.constant 0.000000e+00 : f32
        %max3A_243 = vector.broadcast %max3A : f32 to vector<16xf32>
        %max3A_244 = arith.maximumf %add3A_242, %max3A_243 : vector<16xf32>
        %mul3A_245 = vector.broadcast %select_n3A : f32 to vector<16xf32>
        %mul3A_246 = arith.mulf %max3A_244, %mul3A_245 : vector<16xf32>
        %swap3A = arith.index_cast %scan3A_181 : i32 to index
        %swap3A_247 = arith.constant 0 : index
        %swap3A_248 = tpu.vector_load %arg8[%swap3A, %swap3A_247] {strides = array<i32>} : memref<32x128xf32, #tpu.memory_space<vmem>>, vector<16xf32>,
        tpu.vector_store %arg8[%swap3A, %swap3A_247], %mul3A_246 {strides = array<i32>} : memref<32x128xf32, #tpu.memory_space<vmem>>, vector<16xf32>,
        %get3A_249 = arith.index_cast %mul3A_183 : i32 to index
        %get3A_250 = arith.constant 16 : index
        %get3A_251 = tpu.vector_load %arg6[%get3A_249, %get3A_250] {strides = array<i32>} : memref<288x128xf32, #tpu.memory_space<vmem>>, vector<16xf32>,
        %add3A_252 = arith.constant 1 : i32
        %add3A_253 = arith.addi %mul3A_183, %add3A_252 : i32
        %get3A_254 = arith.index_cast %add3A_253 : i32 to index
        %get3A_255 = arith.constant 16 : index
        %get3A_256 = tpu.vector_load %arg6[%get3A_254, %get3A_255] {strides = array<i32>} : memref<288x128xf32, #tpu.memory_space<vmem>>, vector<16xf32>,
        %add3A_257 = arith.addf %get3A_251, %get3A_256 : vector<16xf32>
        %add3A_258 = arith.constant 2 : i32
        %add3A_259 = arith.addi %mul3A_183, %add3A_258 : i32
        %get3A_260 = arith.index_cast %add3A_259 : i32 to index
        %get3A_261 = arith.constant 16 : index
        %get3A_262 = tpu.vector_load %arg6[%get3A_260, %get3A_261] {strides = array<i32>} : memref<288x128xf32, #tpu.memory_space<vmem>>, vector<16xf32>,
        %add3A_263 = arith.addf %add3A_257, %get3A_262 : vector<16xf32>
        %add3A_264 = arith.constant 3 : i32
        %add3A_265 = arith.addi %mul3A_183, %add3A_264 : i32
        %get3A_266 = arith.index_cast %add3A_265 : i32 to index
        %get3A_267 = arith.constant 16 : index
        %get3A_268 = tpu.vector_load %arg6[%get3A_266, %get3A_267] {strides = array<i32>} : memref<288x128xf32, #tpu.memory_space<vmem>>, vector<16xf32>,
        %add3A_269 = arith.addf %add3A_263, %get3A_268 : vector<16xf32>
        %add3A_270 = arith.constant 4 : i32
        %add3A_271 = arith.addi %mul3A_183, %add3A_270 : i32
        %get3A_272 = arith.index_cast %add3A_271 : i32 to index
        %get3A_273 = arith.constant 16 : index
        %get3A_274 = tpu.vector_load %arg6[%get3A_272, %get3A_273] {strides = array<i32>} : memref<288x128xf32, #tpu.memory_space<vmem>>, vector<16xf32>,
        %add3A_275 = arith.addf %add3A_269, %get3A_274 : vector<16xf32>
        %add3A_276 = arith.constant 5 : i32
        %add3A_277 = arith.addi %mul3A_183, %add3A_276 : i32
        %get3A_278 = arith.index_cast %add3A_277 : i32 to index
        %get3A_279 = arith.constant 16 : index
        %get3A_280 = tpu.vector_load %arg6[%get3A_278, %get3A_279] {strides = array<i32>} : memref<288x128xf32, #tpu.memory_space<vmem>>, vector<16xf32>,
        %add3A_281 = arith.addf %add3A_275, %get3A_280 : vector<16xf32>
        %add3A_282 = arith.constant 6 : i32
        %add3A_283 = arith.addi %mul3A_183, %add3A_282 : i32
        %get3A_284 = arith.index_cast %add3A_283 : i32 to index
        %get3A_285 = arith.constant 16 : index
        %get3A_286 = tpu.vector_load %arg6[%get3A_284, %get3A_285] {strides = array<i32>} : memref<288x128xf32, #tpu.memory_space<vmem>>, vector<16xf32>,
        %add3A_287 = arith.addf %add3A_281, %get3A_286 : vector<16xf32>
        %add3A_288 = arith.constant 7 : i32
        %add3A_289 = arith.addi %mul3A_183, %add3A_288 : i32
        %get3A_290 = arith.index_cast %add3A_289 : i32 to index
        %get3A_291 = arith.constant 16 : index
        %get3A_292 = tpu.vector_load %arg6[%get3A_290, %get3A_291] {strides = array<i32>} : memref<288x128xf32, #tpu.memory_space<vmem>>, vector<16xf32>,
        %add3A_293 = arith.addf %add3A_287, %get3A_292 : vector<16xf32>
        %add3A_294 = arith.constant 8 : i32
        %add3A_295 = arith.addi %mul3A_183, %add3A_294 : i32
        %get3A_296 = arith.index_cast %add3A_295 : i32 to index
        %get3A_297 = arith.constant 16 : index
        %get3A_298 = tpu.vector_load %arg6[%get3A_296, %get3A_297] {strides = array<i32>} : memref<288x128xf32, #tpu.memory_space<vmem>>, vector<16xf32>,
        %add3A_299 = arith.addf %add3A_293, %get3A_298 : vector<16xf32>
        %max3A_300 = arith.constant 0.000000e+00 : f32
        %max3A_301 = vector.broadcast %max3A_300 : f32 to vector<16xf32>
        %max3A_302 = arith.maximumf %add3A_299, %max3A_301 : vector<16xf32>
        %mul3A_303 = vector.broadcast %select_n3A : f32 to vector<16xf32>
        %mul3A_304 = arith.mulf %max3A_302, %mul3A_303 : vector<16xf32>
        %swap3A_305 = arith.index_cast %scan3A_181 : i32 to index
        %swap3A_306 = arith.constant 16 : index
        %swap3A_307 = tpu.vector_load %arg8[%swap3A_305, %swap3A_306] {strides = array<i32>} : memref<32x128xf32, #tpu.memory_space<vmem>>, vector<16xf32>,
        tpu.vector_store %arg8[%swap3A_305, %swap3A_306], %mul3A_304 {strides = array<i32>} : memref<32x128xf32, #tpu.memory_space<vmem>>, vector<16xf32>,
        %get3A_308 = arith.index_cast %mul3A_183 : i32 to index
        %get3A_309 = arith.constant 32 : index
        %get3A_310 = tpu.vector_load %arg6[%get3A_308, %get3A_309] {strides = array<i32>} : memref<288x128xf32, #tpu.memory_space<vmem>>, vector<16xf32>,
        %add3A_311 = arith.constant 1 : i32
        %add3A_312 = arith.addi %mul3A_183, %add3A_311 : i32
        %get3A_313 = arith.index_cast %add3A_312 : i32 to index
        %get3A_314 = arith.constant 32 : index
        %get3A_315 = tpu.vector_load %arg6[%get3A_313, %get3A_314] {strides = array<i32>} : memref<288x128xf32, #tpu.memory_space<vmem>>, vector<16xf32>,
        %add3A_316 = arith.addf %get3A_310, %get3A_315 : vector<16xf32>
        %add3A_317 = arith.constant 2 : i32
        %add3A_318 = arith.addi %mul3A_183, %add3A_317 : i32
        %get3A_319 = arith.index_cast %add3A_318 : i32 to index
        %get3A_320 = arith.constant 32 : index
        %get3A_321 = tpu.vector_load %arg6[%get3A_319, %get3A_320] {strides = array<i32>} : memref<288x128xf32, #tpu.memory_space<vmem>>, vector<16xf32>,
        %add3A_322 = arith.addf %add3A_316, %get3A_321 : vector<16xf32>
        %add3A_323 = arith.constant 3 : i32
        %add3A_324 = arith.addi %mul3A_183, %add3A_323 : i32
        %get3A_325 = arith.index_cast %add3A_324 : i32 to index
        %get3A_326 = arith.constant 32 : index
        %get3A_327 = tpu.vector_load %arg6[%get3A_325, %get3A_326] {strides = array<i32>} : memref<288x128xf32, #tpu.memory_space<vmem>>, vector<16xf32>,
        %add3A_328 = arith.addf %add3A_322, %get3A_327 : vector<16xf32>
        %add3A_329 = arith.constant 4 : i32
        %add3A_330 = arith.addi %mul3A_183, %add3A_329 : i32
        %get3A_331 = arith.index_cast %add3A_330 : i32 to index
        %get3A_332 = arith.constant 32 : index
        %get3A_333 = tpu.vector_load %arg6[%get3A_331, %get3A_332] {strides = array<i32>} : memref<288x128xf32, #tpu.memory_space<vmem>>, vector<16xf32>,
        %add3A_334 = arith.addf %add3A_328, %get3A_333 : vector<16xf32>
        %add3A_335 = arith.constant 5 : i32
        %add3A_336 = arith.addi %mul3A_183, %add3A_335 : i32
        %get3A_337 = arith.index_cast %add3A_336 : i32 to index
        %get3A_338 = arith.constant 32 : index
        %get3A_339 = tpu.vector_load %arg6[%get3A_337, %get3A_338] {strides = array<i32>} : memref<288x128xf32, #tpu.memory_space<vmem>>, vector<16xf32>,
        %add3A_340 = arith.addf %add3A_334, %get3A_339 : vector<16xf32>
        %add3A_341 = arith.constant 6 : i32
        %add3A_342 = arith.addi %mul3A_183, %add3A_341 : i32
        %get3A_343 = arith.index_cast %add3A_342 : i32 to index
        %get3A_344 = arith.constant 32 : index
        %get3A_345 = tpu.vector_load %arg6[%get3A_343, %get3A_344] {strides = array<i32>} : memref<288x128xf32, #tpu.memory_space<vmem>>, vector<16xf32>,
        %add3A_346 = arith.addf %add3A_340, %get3A_345 : vector<16xf32>
        %add3A_347 = arith.constant 7 : i32
        %add3A_348 = arith.addi %mul3A_183, %add3A_347 : i32
        %get3A_349 = arith.index_cast %add3A_348 : i32 to index
        %get3A_350 = arith.constant 32 : index
        %get3A_351 = tpu.vector_load %arg6[%get3A_349, %get3A_350] {strides = array<i32>} : memref<288x128xf32, #tpu.memory_space<vmem>>, vector<16xf32>,
        %add3A_352 = arith.addf %add3A_346, %get3A_351 : vector<16xf32>
        %add3A_353 = arith.constant 8 : i32
        %add3A_354 = arith.addi %mul3A_183, %add3A_353 : i32
        %get3A_355 = arith.index_cast %add3A_354 : i32 to index
        %get3A_356 = arith.constant 32 : index
        %get3A_357 = tpu.vector_load %arg6[%get3A_355, %get3A_356] {strides = array<i32>} : memref<288x128xf32, #tpu.memory_space<vmem>>, vector<16xf32>,
        %add3A_358 = arith.addf %add3A_352, %get3A_357 : vector<16xf32>
        %max3A_359 = arith.constant 0.000000e+00 : f32
        %max3A_360 = vector.broadcast %max3A_359 : f32 to vector<16xf32>
        %max3A_361 = arith.maximumf %add3A_358, %max3A_360 : vector<16xf32>
        %mul3A_362 = vector.broadcast %select_n3A : f32 to vector<16xf32>
        %mul3A_363 = arith.mulf %max3A_361, %mul3A_362 : vector<16xf32>
        %swap3A_364 = arith.index_cast %scan3A_181 : i32 to index
        %swap3A_365 = arith.constant 32 : index
        %swap3A_366 = tpu.vector_load %arg8[%swap3A_364, %swap3A_365] {strides = array<i32>} : memref<32x128xf32, #tpu.memory_space<vmem>>, vector<16xf32>,
        tpu.vector_store %arg8[%swap3A_364, %swap3A_365], %mul3A_363 {strides = array<i32>} : memref<32x128xf32, #tpu.memory_space<vmem>>, vector<16xf32>,
        %get3A_367 = arith.index_cast %mul3A_183 : i32 to index
        %get3A_368 = arith.constant 48 : index
        %get3A_369 = tpu.vector_load %arg6[%get3A_367, %get3A_368] {strides = array<i32>} : memref<288x128xf32, #tpu.memory_space<vmem>>, vector<16xf32>,
        %add3A_370 = arith.constant 1 : i32
        %add3A_371 = arith.addi %mul3A_183, %add3A_370 : i32
        %get3A_372 = arith.index_cast %add3A_371 : i32 to index
        %get3A_373 = arith.constant 48 : index
        %get3A_374 = tpu.vector_load %arg6[%get3A_372, %get3A_373] {strides = array<i32>} : memref<288x128xf32, #tpu.memory_space<vmem>>, vector<16xf32>,
        %add3A_375 = arith.addf %get3A_369, %get3A_374 : vector<16xf32>
        %add3A_376 = arith.constant 2 : i32
        %add3A_377 = arith.addi %mul3A_183, %add3A_376 : i32
        %get3A_378 = arith.index_cast %add3A_377 : i32 to index
        %get3A_379 = arith.constant 48 : index
        %get3A_380 = tpu.vector_load %arg6[%get3A_378, %get3A_379] {strides = array<i32>} : memref<288x128xf32, #tpu.memory_space<vmem>>, vector<16xf32>,
        %add3A_381 = arith.addf %add3A_375, %get3A_380 : vector<16xf32>
        %add3A_382 = arith.constant 3 : i32
        %add3A_383 = arith.addi %mul3A_183, %add3A_382 : i32
        %get3A_384 = arith.index_cast %add3A_383 : i32 to index
        %get3A_385 = arith.constant 48 : index
        %get3A_386 = tpu.vector_load %arg6[%get3A_384, %get3A_385] {strides = array<i32>} : memref<288x128xf32, #tpu.memory_space<vmem>>, vector<16xf32>,
        %add3A_387 = arith.addf %add3A_381, %get3A_386 : vector<16xf32>
        %add3A_388 = arith.constant 4 : i32
        %add3A_389 = arith.addi %mul3A_183, %add3A_388 : i32
        %get3A_390 = arith.index_cast %add3A_389 : i32 to index
        %get3A_391 = arith.constant 48 : index
        %get3A_392 = tpu.vector_load %arg6[%get3A_390, %get3A_391] {strides = array<i32>} : memref<288x128xf32, #tpu.memory_space<vmem>>, vector<16xf32>,
        %add3A_393 = arith.addf %add3A_387, %get3A_392 : vector<16xf32>
        %add3A_394 = arith.constant 5 : i32
        %add3A_395 = arith.addi %mul3A_183, %add3A_394 : i32
        %get3A_396 = arith.index_cast %add3A_395 : i32 to index
        %get3A_397 = arith.constant 48 : index
        %get3A_398 = tpu.vector_load %arg6[%get3A_396, %get3A_397] {strides = array<i32>} : memref<288x128xf32, #tpu.memory_space<vmem>>, vector<16xf32>,
        %add3A_399 = arith.addf %add3A_393, %get3A_398 : vector<16xf32>
        %add3A_400 = arith.constant 6 : i32
        %add3A_401 = arith.addi %mul3A_183, %add3A_400 : i32
        %get3A_402 = arith.index_cast %add3A_401 : i32 to index
        %get3A_403 = arith.constant 48 : index
        %get3A_404 = tpu.vector_load %arg6[%get3A_402, %get3A_403] {strides = array<i32>} : memref<288x128xf32, #tpu.memory_space<vmem>>, vector<16xf32>,
        %add3A_405 = arith.addf %add3A_399, %get3A_404 : vector<16xf32>
        %add3A_406 = arith.constant 7 : i32
        %add3A_407 = arith.addi %mul3A_183, %add3A_406 : i32
        %get3A_408 = arith.index_cast %add3A_407 : i32 to index
        %get3A_409 = arith.constant 48 : index
        %get3A_410 = tpu.vector_load %arg6[%get3A_408, %get3A_409] {strides = array<i32>} : memref<288x128xf32, #tpu.memory_space<vmem>>, vector<16xf32>,
        %add3A_411 = arith.addf %add3A_405, %get3A_410 : vector<16xf32>
        %add3A_412 = arith.constant 8 : i32
        %add3A_413 = arith.addi %mul3A_183, %add3A_412 : i32
        %get3A_414 = arith.index_cast %add3A_413 : i32 to index
        %get3A_415 = arith.constant 48 : index
        %get3A_416 = tpu.vector_load %arg6[%get3A_414, %get3A_415] {strides = array<i32>} : memref<288x128xf32, #tpu.memory_space<vmem>>, vector<16xf32>,
        %add3A_417 = arith.addf %add3A_411, %get3A_416 : vector<16xf32>
        %max3A_418 = arith.constant 0.000000e+00 : f32
        %max3A_419 = vector.broadcast %max3A_418 : f32 to vector<16xf32>
        %max3A_420 = arith.maximumf %add3A_417, %max3A_419 : vector<16xf32>
        %mul3A_421 = vector.broadcast %select_n3A : f32 to vector<16xf32>
        %mul3A_422 = arith.mulf %max3A_420, %mul3A_421 : vector<16xf32>
        %swap3A_423 = arith.index_cast %scan3A_181 : i32 to index
        %swap3A_424 = arith.constant 48 : index
        %swap3A_425 = tpu.vector_load %arg8[%swap3A_423, %swap3A_424] {strides = array<i32>} : memref<32x128xf32, #tpu.memory_space<vmem>>, vector<16xf32>,
        tpu.vector_store %arg8[%swap3A_423, %swap3A_424], %mul3A_422 {strides = array<i32>} : memref<32x128xf32, #tpu.memory_space<vmem>>, vector<16xf32>,
        %get3A_426 = arith.index_cast %mul3A_183 : i32 to index
        %get3A_427 = arith.constant 64 : index
        %get3A_428 = tpu.vector_load %arg6[%get3A_426, %get3A_427] {strides = array<i32>} : memref<288x128xf32, #tpu.memory_space<vmem>>, vector<16xf32>,
        %add3A_429 = arith.constant 1 : i32
        %add3A_430 = arith.addi %mul3A_183, %add3A_429 : i32
        %get3A_431 = arith.index_cast %add3A_430 : i32 to index
        %get3A_432 = arith.constant 64 : index
        %get3A_433 = tpu.vector_load %arg6[%get3A_431, %get3A_432] {strides = array<i32>} : memref<288x128xf32, #tpu.memory_space<vmem>>, vector<16xf32>,
        %add3A_434 = arith.addf %get3A_428, %get3A_433 : vector<16xf32>
        %add3A_435 = arith.constant 2 : i32
        %add3A_436 = arith.addi %mul3A_183, %add3A_435 : i32
        %get3A_437 = arith.index_cast %add3A_436 : i32 to index
        %get3A_438 = arith.constant 64 : index
        %get3A_439 = tpu.vector_load %arg6[%get3A_437, %get3A_438] {strides = array<i32>} : memref<288x128xf32, #tpu.memory_space<vmem>>, vector<16xf32>,
        %add3A_440 = arith.addf %add3A_434, %get3A_439 : vector<16xf32>
        %add3A_441 = arith.constant 3 : i32
        %add3A_442 = arith.addi %mul3A_183, %add3A_441 : i32
        %get3A_443 = arith.index_cast %add3A_442 : i32 to index
        %get3A_444 = arith.constant 64 : index
        %get3A_445 = tpu.vector_load %arg6[%get3A_443, %get3A_444] {strides = array<i32>} : memref<288x128xf32, #tpu.memory_space<vmem>>, vector<16xf32>,
        %add3A_446 = arith.addf %add3A_440, %get3A_445 : vector<16xf32>
        %add3A_447 = arith.constant 4 : i32
        %add3A_448 = arith.addi %mul3A_183, %add3A_447 : i32
        %get3A_449 = arith.index_cast %add3A_448 : i32 to index
        %get3A_450 = arith.constant 64 : index
        %get3A_451 = tpu.vector_load %arg6[%get3A_449, %get3A_450] {strides = array<i32>} : memref<288x128xf32, #tpu.memory_space<vmem>>, vector<16xf32>,
        %add3A_452 = arith.addf %add3A_446, %get3A_451 : vector<16xf32>
        %add3A_453 = arith.constant 5 : i32
        %add3A_454 = arith.addi %mul3A_183, %add3A_453 : i32
        %get3A_455 = arith.index_cast %add3A_454 : i32 to index
        %get3A_456 = arith.constant 64 : index
        %get3A_457 = tpu.vector_load %arg6[%get3A_455, %get3A_456] {strides = array<i32>} : memref<288x128xf32, #tpu.memory_space<vmem>>, vector<16xf32>,
        %add3A_458 = arith.addf %add3A_452, %get3A_457 : vector<16xf32>
        %add3A_459 = arith.constant 6 : i32
        %add3A_460 = arith.addi %mul3A_183, %add3A_459 : i32
        %get3A_461 = arith.index_cast %add3A_460 : i32 to index
        %get3A_462 = arith.constant 64 : index
        %get3A_463 = tpu.vector_load %arg6[%get3A_461, %get3A_462] {strides = array<i32>} : memref<288x128xf32, #tpu.memory_space<vmem>>, vector<16xf32>,
        %add3A_464 = arith.addf %add3A_458, %get3A_463 : vector<16xf32>
        %add3A_465 = arith.constant 7 : i32
        %add3A_466 = arith.addi %mul3A_183, %add3A_465 : i32
        %get3A_467 = arith.index_cast %add3A_466 : i32 to index
        %get3A_468 = arith.constant 64 : index
        %get3A_469 = tpu.vector_load %arg6[%get3A_467, %get3A_468] {strides = array<i32>} : memref<288x128xf32, #tpu.memory_space<vmem>>, vector<16xf32>,
        %add3A_470 = arith.addf %add3A_464, %get3A_469 : vector<16xf32>
        %add3A_471 = arith.constant 8 : i32
        %add3A_472 = arith.addi %mul3A_183, %add3A_471 : i32
        %get3A_473 = arith.index_cast %add3A_472 : i32 to index
        %get3A_474 = arith.constant 64 : index
        %get3A_475 = tpu.vector_load %arg6[%get3A_473, %get3A_474] {strides = array<i32>} : memref<288x128xf32, #tpu.memory_space<vmem>>, vector<16xf32>,
        %add3A_476 = arith.addf %add3A_470, %get3A_475 : vector<16xf32>
        %max3A_477 = arith.constant 0.000000e+00 : f32
        %max3A_478 = vector.broadcast %max3A_477 : f32 to vector<16xf32>
        %max3A_479 = arith.maximumf %add3A_476, %max3A_478 : vector<16xf32>
        %mul3A_480 = vector.broadcast %select_n3A : f32 to vector<16xf32>
        %mul3A_481 = arith.mulf %max3A_479, %mul3A_480 : vector<16xf32>
        %swap3A_482 = arith.index_cast %scan3A_181 : i32 to index
        %swap3A_483 = arith.constant 64 : index
        %swap3A_484 = tpu.vector_load %arg8[%swap3A_482, %swap3A_483] {strides = array<i32>} : memref<32x128xf32, #tpu.memory_space<vmem>>, vector<16xf32>,
        tpu.vector_store %arg8[%swap3A_482, %swap3A_483], %mul3A_481 {strides = array<i32>} : memref<32x128xf32, #tpu.memory_space<vmem>>, vector<16xf32>,
        %get3A_485 = arith.index_cast %mul3A_183 : i32 to index
        %get3A_486 = arith.constant 80 : index
        %get3A_487 = tpu.vector_load %arg6[%get3A_485, %get3A_486] {strides = array<i32>} : memref<288x128xf32, #tpu.memory_space<vmem>>, vector<16xf32>,
        %add3A_488 = arith.constant 1 : i32
        %add3A_489 = arith.addi %mul3A_183, %add3A_488 : i32
        %get3A_490 = arith.index_cast %add3A_489 : i32 to index
        %get3A_491 = arith.constant 80 : index
        %get3A_492 = tpu.vector_load %arg6[%get3A_490, %get3A_491] {strides = array<i32>} : memref<288x128xf32, #tpu.memory_space<vmem>>, vector<16xf32>,
        %add3A_493 = arith.addf %get3A_487, %get3A_492 : vector<16xf32>
        %add3A_494 = arith.constant 2 : i32
        %add3A_495 = arith.addi %mul3A_183, %add3A_494 : i32
        %get3A_496 = arith.index_cast %add3A_495 : i32 to index
        %get3A_497 = arith.constant 80 : index
        %get3A_498 = tpu.vector_load %arg6[%get3A_496, %get3A_497] {strides = array<i32>} : memref<288x128xf32, #tpu.memory_space<vmem>>, vector<16xf32>,
        %add3A_499 = arith.addf %add3A_493, %get3A_498 : vector<16xf32>
        %add3A_500 = arith.constant 3 : i32
        %add3A_501 = arith.addi %mul3A_183, %add3A_500 : i32
        %get3A_502 = arith.index_cast %add3A_501 : i32 to index
        %get3A_503 = arith.constant 80 : index
        %get3A_504 = tpu.vector_load %arg6[%get3A_502, %get3A_503] {strides = array<i32>} : memref<288x128xf32, #tpu.memory_space<vmem>>, vector<16xf32>,
        %add3A_505 = arith.addf %add3A_499, %get3A_504 : vector<16xf32>
        %add3A_506 = arith.constant 4 : i32
        %add3A_507 = arith.addi %mul3A_183, %add3A_506 : i32
        %get3A_508 = arith.index_cast %add3A_507 : i32 to index
        %get3A_509 = arith.constant 80 : index
        %get3A_510 = tpu.vector_load %arg6[%get3A_508, %get3A_509] {strides = array<i32>} : memref<288x128xf32, #tpu.memory_space<vmem>>, vector<16xf32>,
        %add3A_511 = arith.addf %add3A_505, %get3A_510 : vector<16xf32>
        %add3A_512 = arith.constant 5 : i32
        %add3A_513 = arith.addi %mul3A_183, %add3A_512 : i32
        %get3A_514 = arith.index_cast %add3A_513 : i32 to index
        %get3A_515 = arith.constant 80 : index
        %get3A_516 = tpu.vector_load %arg6[%get3A_514, %get3A_515] {strides = array<i32>} : memref<288x128xf32, #tpu.memory_space<vmem>>, vector<16xf32>,
        %add3A_517 = arith.addf %add3A_511, %get3A_516 : vector<16xf32>
        %add3A_518 = arith.constant 6 : i32
        %add3A_519 = arith.addi %mul3A_183, %add3A_518 : i32
        %get3A_520 = arith.index_cast %add3A_519 : i32 to index
        %get3A_521 = arith.constant 80 : index
        %get3A_522 = tpu.vector_load %arg6[%get3A_520, %get3A_521] {strides = array<i32>} : memref<288x128xf32, #tpu.memory_space<vmem>>, vector<16xf32>,
        %add3A_523 = arith.addf %add3A_517, %get3A_522 : vector<16xf32>
        %add3A_524 = arith.constant 7 : i32
        %add3A_525 = arith.addi %mul3A_183, %add3A_524 : i32
        %get3A_526 = arith.index_cast %add3A_525 : i32 to index
        %get3A_527 = arith.constant 80 : index
        %get3A_528 = tpu.vector_load %arg6[%get3A_526, %get3A_527] {strides = array<i32>} : memref<288x128xf32, #tpu.memory_space<vmem>>, vector<16xf32>,
        %add3A_529 = arith.addf %add3A_523, %get3A_528 : vector<16xf32>
        %add3A_530 = arith.constant 8 : i32
        %add3A_531 = arith.addi %mul3A_183, %add3A_530 : i32
        %get3A_532 = arith.index_cast %add3A_531 : i32 to index
        %get3A_533 = arith.constant 80 : index
        %get3A_534 = tpu.vector_load %arg6[%get3A_532, %get3A_533] {strides = array<i32>} : memref<288x128xf32, #tpu.memory_space<vmem>>, vector<16xf32>,
        %add3A_535 = arith.addf %add3A_529, %get3A_534 : vector<16xf32>
        %max3A_536 = arith.constant 0.000000e+00 : f32
        %max3A_537 = vector.broadcast %max3A_536 : f32 to vector<16xf32>
        %max3A_538 = arith.maximumf %add3A_535, %max3A_537 : vector<16xf32>
        %mul3A_539 = vector.broadcast %select_n3A : f32 to vector<16xf32>
        %mul3A_540 = arith.mulf %max3A_538, %mul3A_539 : vector<16xf32>
        %swap3A_541 = arith.index_cast %scan3A_181 : i32 to index
        %swap3A_542 = arith.constant 80 : index
        %swap3A_543 = tpu.vector_load %arg8[%swap3A_541, %swap3A_542] {strides = array<i32>} : memref<32x128xf32, #tpu.memory_space<vmem>>, vector<16xf32>,
        tpu.vector_store %arg8[%swap3A_541, %swap3A_542], %mul3A_540 {strides = array<i32>} : memref<32x128xf32, #tpu.memory_space<vmem>>, vector<16xf32>,
        %get3A_544 = arith.index_cast %mul3A_183 : i32 to index
        %get3A_545 = arith.constant 96 : index
        %get3A_546 = tpu.vector_load %arg6[%get3A_544, %get3A_545] {strides = array<i32>} : memref<288x128xf32, #tpu.memory_space<vmem>>, vector<16xf32>,
        %add3A_547 = arith.constant 1 : i32
        %add3A_548 = arith.addi %mul3A_183, %add3A_547 : i32
        %get3A_549 = arith.index_cast %add3A_548 : i32 to index
        %get3A_550 = arith.constant 96 : index
        %get3A_551 = tpu.vector_load %arg6[%get3A_549, %get3A_550] {strides = array<i32>} : memref<288x128xf32, #tpu.memory_space<vmem>>, vector<16xf32>,
        %add3A_552 = arith.addf %get3A_546, %get3A_551 : vector<16xf32>
        %add3A_553 = arith.constant 2 : i32
        %add3A_554 = arith.addi %mul3A_183, %add3A_553 : i32
        %get3A_555 = arith.index_cast %add3A_554 : i32 to index
        %get3A_556 = arith.constant 96 : index
        %get3A_557 = tpu.vector_load %arg6[%get3A_555, %get3A_556] {strides = array<i32>} : memref<288x128xf32, #tpu.memory_space<vmem>>, vector<16xf32>,
        %add3A_558 = arith.addf %add3A_552, %get3A_557 : vector<16xf32>
        %add3A_559 = arith.constant 3 : i32
        %add3A_560 = arith.addi %mul3A_183, %add3A_559 : i32
        %get3A_561 = arith.index_cast %add3A_560 : i32 to index
        %get3A_562 = arith.constant 96 : index
        %get3A_563 = tpu.vector_load %arg6[%get3A_561, %get3A_562] {strides = array<i32>} : memref<288x128xf32, #tpu.memory_space<vmem>>, vector<16xf32>,
        %add3A_564 = arith.addf %add3A_558, %get3A_563 : vector<16xf32>
        %add3A_565 = arith.constant 4 : i32
        %add3A_566 = arith.addi %mul3A_183, %add3A_565 : i32
        %get3A_567 = arith.index_cast %add3A_566 : i32 to index
        %get3A_568 = arith.constant 96 : index
        %get3A_569 = tpu.vector_load %arg6[%get3A_567, %get3A_568] {strides = array<i32>} : memref<288x128xf32, #tpu.memory_space<vmem>>, vector<16xf32>,
        %add3A_570 = arith.addf %add3A_564, %get3A_569 : vector<16xf32>
        %add3A_571 = arith.constant 5 : i32
        %add3A_572 = arith.addi %mul3A_183, %add3A_571 : i32
        %get3A_573 = arith.index_cast %add3A_572 : i32 to index
        %get3A_574 = arith.constant 96 : index
        %get3A_575 = tpu.vector_load %arg6[%get3A_573, %get3A_574] {strides = array<i32>} : memref<288x128xf32, #tpu.memory_space<vmem>>, vector<16xf32>,
        %add3A_576 = arith.addf %add3A_570, %get3A_575 : vector<16xf32>
        %add3A_577 = arith.constant 6 : i32
        %add3A_578 = arith.addi %mul3A_183, %add3A_577 : i32
        %get3A_579 = arith.index_cast %add3A_578 : i32 to index
        %get3A_580 = arith.constant 96 : index
        %get3A_581 = tpu.vector_load %arg6[%get3A_579, %get3A_580] {strides = array<i32>} : memref<288x128xf32, #tpu.memory_space<vmem>>, vector<16xf32>,
        %add3A_582 = arith.addf %add3A_576, %get3A_581 : vector<16xf32>
        %add3A_583 = arith.constant 7 : i32
        %add3A_584 = arith.addi %mul3A_183, %add3A_583 : i32
        %get3A_585 = arith.index_cast %add3A_584 : i32 to index
        %get3A_586 = arith.constant 96 : index
        %get3A_587 = tpu.vector_load %arg6[%get3A_585, %get3A_586] {strides = array<i32>} : memref<288x128xf32, #tpu.memory_space<vmem>>, vector<16xf32>,
        %add3A_588 = arith.addf %add3A_582, %get3A_587 : vector<16xf32>
        %add3A_589 = arith.constant 8 : i32
        %add3A_590 = arith.addi %mul3A_183, %add3A_589 : i32
        %get3A_591 = arith.index_cast %add3A_590 : i32 to index
        %get3A_592 = arith.constant 96 : index
        %get3A_593 = tpu.vector_load %arg6[%get3A_591, %get3A_592] {strides = array<i32>} : memref<288x128xf32, #tpu.memory_space<vmem>>, vector<16xf32>,
        %add3A_594 = arith.addf %add3A_588, %get3A_593 : vector<16xf32>
        %max3A_595 = arith.constant 0.000000e+00 : f32
        %max3A_596 = vector.broadcast %max3A_595 : f32 to vector<16xf32>
        %max3A_597 = arith.maximumf %add3A_594, %max3A_596 : vector<16xf32>
        %mul3A_598 = vector.broadcast %select_n3A : f32 to vector<16xf32>
        %mul3A_599 = arith.mulf %max3A_597, %mul3A_598 : vector<16xf32>
        %swap3A_600 = arith.index_cast %scan3A_181 : i32 to index
        %swap3A_601 = arith.constant 96 : index
        %swap3A_602 = tpu.vector_load %arg8[%swap3A_600, %swap3A_601] {strides = array<i32>} : memref<32x128xf32, #tpu.memory_space<vmem>>, vector<16xf32>,
        tpu.vector_store %arg8[%swap3A_600, %swap3A_601], %mul3A_599 {strides = array<i32>} : memref<32x128xf32, #tpu.memory_space<vmem>>, vector<16xf32>,
        %get3A_603 = arith.index_cast %mul3A_183 : i32 to index
        %get3A_604 = arith.constant 112 : index
        %get3A_605 = tpu.vector_load %arg6[%get3A_603, %get3A_604] {strides = array<i32>} : memref<288x128xf32, #tpu.memory_space<vmem>>, vector<16xf32>,
        %add3A_606 = arith.constant 1 : i32
        %add3A_607 = arith.addi %mul3A_183, %add3A_606 : i32
        %get3A_608 = arith.index_cast %add3A_607 : i32 to index
        %get3A_609 = arith.constant 112 : index
        %get3A_610 = tpu.vector_load %arg6[%get3A_608, %get3A_609] {strides = array<i32>} : memref<288x128xf32, #tpu.memory_space<vmem>>, vector<16xf32>,
        %add3A_611 = arith.addf %get3A_605, %get3A_610 : vector<16xf32>
        %add3A_612 = arith.constant 2 : i32
        %add3A_613 = arith.addi %mul3A_183, %add3A_612 : i32
        %get3A_614 = arith.index_cast %add3A_613 : i32 to index
        %get3A_615 = arith.constant 112 : index
        %get3A_616 = tpu.vector_load %arg6[%get3A_614, %get3A_615] {strides = array<i32>} : memref<288x128xf32, #tpu.memory_space<vmem>>, vector<16xf32>,
        %add3A_617 = arith.addf %add3A_611, %get3A_616 : vector<16xf32>
        %add3A_618 = arith.constant 3 : i32
        %add3A_619 = arith.addi %mul3A_183, %add3A_618 : i32
        %get3A_620 = arith.index_cast %add3A_619 : i32 to index
        %get3A_621 = arith.constant 112 : index
        %get3A_622 = tpu.vector_load %arg6[%get3A_620, %get3A_621] {strides = array<i32>} : memref<288x128xf32, #tpu.memory_space<vmem>>, vector<16xf32>,
        %add3A_623 = arith.addf %add3A_617, %get3A_622 : vector<16xf32>
        %add3A_624 = arith.constant 4 : i32
        %add3A_625 = arith.addi %mul3A_183, %add3A_624 : i32
        %get3A_626 = arith.index_cast %add3A_625 : i32 to index
        %get3A_627 = arith.constant 112 : index
        %get3A_628 = tpu.vector_load %arg6[%get3A_626, %get3A_627] {strides = array<i32>} : memref<288x128xf32, #tpu.memory_space<vmem>>, vector<16xf32>,
        %add3A_629 = arith.addf %add3A_623, %get3A_628 : vector<16xf32>
        %add3A_630 = arith.constant 5 : i32
        %add3A_631 = arith.addi %mul3A_183, %add3A_630 : i32
        %get3A_632 = arith.index_cast %add3A_631 : i32 to index
        %get3A_633 = arith.constant 112 : index
        %get3A_634 = tpu.vector_load %arg6[%get3A_632, %get3A_633] {strides = array<i32>} : memref<288x128xf32, #tpu.memory_space<vmem>>, vector<16xf32>,
        %add3A_635 = arith.addf %add3A_629, %get3A_634 : vector<16xf32>
        %add3A_636 = arith.constant 6 : i32
        %add3A_637 = arith.addi %mul3A_183, %add3A_636 : i32
        %get3A_638 = arith.index_cast %add3A_637 : i32 to index
        %get3A_639 = arith.constant 112 : index
        %get3A_640 = tpu.vector_load %arg6[%get3A_638, %get3A_639] {strides = array<i32>} : memref<288x128xf32, #tpu.memory_space<vmem>>, vector<16xf32>,
        %add3A_641 = arith.addf %add3A_635, %get3A_640 : vector<16xf32>
        %add3A_642 = arith.constant 7 : i32
        %add3A_643 = arith.addi %mul3A_183, %add3A_642 : i32
        %get3A_644 = arith.index_cast %add3A_643 : i32 to index
        %get3A_645 = arith.constant 112 : index
        %get3A_646 = tpu.vector_load %arg6[%get3A_644, %get3A_645] {strides = array<i32>} : memref<288x128xf32, #tpu.memory_space<vmem>>, vector<16xf32>,
        %add3A_647 = arith.addf %add3A_641, %get3A_646 : vector<16xf32>
        %add3A_648 = arith.constant 8 : i32
        %add3A_649 = arith.addi %mul3A_183, %add3A_648 : i32
        %get3A_650 = arith.index_cast %add3A_649 : i32 to index
        %get3A_651 = arith.constant 112 : index
        %get3A_652 = tpu.vector_load %arg6[%get3A_650, %get3A_651] {strides = array<i32>} : memref<288x128xf32, #tpu.memory_space<vmem>>, vector<16xf32>,
        %add3A_653 = arith.addf %add3A_647, %get3A_652 : vector<16xf32>
        %max3A_654 = arith.constant 0.000000e+00 : f32
        %max3A_655 = vector.broadcast %max3A_654 : f32 to vector<16xf32>
        %max3A_656 = arith.maximumf %add3A_653, %max3A_655 : vector<16xf32>
        %mul3A_657 = vector.broadcast %select_n3A : f32 to vector<16xf32>
        %mul3A_658 = arith.mulf %max3A_656, %mul3A_657 : vector<16xf32>
        %swap3A_659 = arith.index_cast %scan3A_181 : i32 to index
        %swap3A_660 = arith.constant 112 : index
        %swap3A_661 = tpu.vector_load %arg8[%swap3A_659, %swap3A_660] {strides = array<i32>} : memref<32x128xf32, #tpu.memory_space<vmem>>, vector<16xf32>,
        tpu.vector_store %arg8[%swap3A_659, %swap3A_660], %mul3A_658 {strides = array<i32>} : memref<32x128xf32, #tpu.memory_space<vmem>>, vector<16xf32>,
      }
      %scan3A_119 = arith.constant 32 : i32
      %mul3A_120 = arith.constant 1600 : i32
      %mul3A_121 = arith.muli %add3A, %mul3A_120 : i32
      %mul3A_122 = arith.constant 32 : i32
      %mul3A_123 = arith.muli %add3A_46, %mul3A_122 : i32
      %add3A_124 = arith.addi %mul3A_121, %mul3A_123 : i32
      %dma_start3A_125 = arith.constant 0 : i32
      %dma_start3A_126 = tpu.memref_slice %arg4[%add3A_124, %dma_start3A_125] : memref<51200x128xf32, #tpu.memory_space<hbm>> -> memref<32x128xf32, #tpu.memory_space<hbm>>
      %dma_start3A_127 = arith.constant 0 : i32
      %dma_start3A_128 = tpu.memref_slice %arg4[%add3A_124, %dma_start3A_127] : memref<51200x128xf32, #tpu.memory_space<hbm>> -> memref<32x128xf32, #tpu.memory_space<hbm>>
      tpu.enqueue_dma source(%arg8 : memref<32x128xf32, #tpu.memory_space<vmem>>) target(%dma_start3A_128 : memref<32x128xf32, #tpu.memory_space<hbm>>) target_semaphore(%arg12 : memref<!tpu.dma_semaphore, #tpu.memory_space<semaphore_mem>>)
      %mul3A_129 = arith.constant 2 : i32
      %mul3A_130 = arith.muli %scan3A_42, %mul3A_129 : i32
      %add3A_131 = arith.constant 1 : i32
      %add3A_132 = arith.addi %mul3A_130, %add3A_131 : i32
      %lt3A = arith.constant 24 : i32
      %lt3A_133 = arith.cmpi slt, %scan3A_42, %lt3A : i32
      %convert_element_type3A_134 = arith.extui %lt3A_133 : i1 to i32
      %cond3A_135 = arith.constant 0 : i32
      %cond3A_136 = arith.cmpi ne, %convert_element_type3A_134, %cond3A_135 : i32
      scf.if %cond3A_136 {
        %add3A_181 = arith.constant 1 : i32
        %add3A_182 = arith.addi %add3A_132, %add3A_181 : i32
        %mul3A_183 = arith.constant 3 : i32
        %mul3A_184 = arith.muli %add3A_182, %mul3A_183 : i32
        %add3A_185 = arith.constant 0 : i32
        %add3A_186 = arith.addi %mul3A_184, %add3A_185 : i32
        %mul3A_187 = arith.constant 96 : i32
        %mul3A_188 = arith.muli %add3A_186, %mul3A_187 : i32
        %dma_start3A_189 = arith.constant 0 : i32
        %dma_start3A_190 = arith.constant 0 : i32
        %dma_start3A_191 = tpu.memref_slice %arg6[%dma_start3A_189, %dma_start3A_190] : memref<288x128xf32, #tpu.memory_space<vmem>> -> memref<96x128xf32, #tpu.memory_space<vmem>>
        %dma_start3A_192 = tpu.memref_slice %arg5[%mul3A_188] : memref<14400xi32, #tpu.memory_space<vmem>> -> memref<96xi32, #tpu.memory_space<vmem>>
        %dma_start3A_193 = arith.constant 0 : i32
        %dma_start3A_194 = arith.constant 0 : i32
        %dma_start3A_195 = tpu.memref_slice %arg2[%dma_start3A_193, %dma_start3A_194] : memref<460800x128xf32, #tpu.memory_space<hbm>> -> memref<460800x128xf32, #tpu.memory_space<hbm>>
        tpu.enqueue_indirect_dma source(%dma_start3A_195 : memref<460800x128xf32, #tpu.memory_space<hbm>>) target(%dma_start3A_191 : memref<96x128xf32, #tpu.memory_space<vmem>>) offsets(%dma_start3A_192 : memref<96xi32, #tpu.memory_space<vmem>>) semaphore(%arg10 : memref<!tpu.dma_semaphore, #tpu.memory_space<semaphore_mem>>)
        %mul3A_196 = arith.constant 3 : i32
        %mul3A_197 = arith.muli %add3A_182, %mul3A_196 : i32
        %add3A_198 = arith.constant 1 : i32
        %add3A_199 = arith.addi %mul3A_197, %add3A_198 : i32
        %mul3A_200 = arith.constant 96 : i32
        %mul3A_201 = arith.muli %add3A_199, %mul3A_200 : i32
        %dma_start3A_202 = arith.constant 96 : i32
        %dma_start3A_203 = arith.constant 0 : i32
        %dma_start3A_204 = tpu.memref_slice %arg6[%dma_start3A_202, %dma_start3A_203] : memref<288x128xf32, #tpu.memory_space<vmem>> -> memref<96x128xf32, #tpu.memory_space<vmem>>
        %dma_start3A_205 = tpu.memref_slice %arg5[%mul3A_201] : memref<14400xi32, #tpu.memory_space<vmem>> -> memref<96xi32, #tpu.memory_space<vmem>>
        %dma_start3A_206 = arith.constant 0 : i32
        %dma_start3A_207 = arith.constant 0 : i32
        %dma_start3A_208 = tpu.memref_slice %arg2[%dma_start3A_206, %dma_start3A_207] : memref<460800x128xf32, #tpu.memory_space<hbm>> -> memref<460800x128xf32, #tpu.memory_space<hbm>>
        tpu.enqueue_indirect_dma source(%dma_start3A_208 : memref<460800x128xf32, #tpu.memory_space<hbm>>) target(%dma_start3A_204 : memref<96x128xf32, #tpu.memory_space<vmem>>) offsets(%dma_start3A_205 : memref<96xi32, #tpu.memory_space<vmem>>) semaphore(%arg10 : memref<!tpu.dma_semaphore, #tpu.memory_space<semaphore_mem>>)
        %mul3A_209 = arith.constant 3 : i32
        %mul3A_210 = arith.muli %add3A_182, %mul3A_209 : i32
        %add3A_211 = arith.constant 2 : i32
        %add3A_212 = arith.addi %mul3A_210, %add3A_211 : i32
        %mul3A_213 = arith.constant 96 : i32
        %mul3A_214 = arith.muli %add3A_212, %mul3A_213 : i32
        %dma_start3A_215 = arith.constant 192 : i32
        %dma_start3A_216 = arith.constant 0 : i32
        %dma_start3A_217 = tpu.memref_slice %arg6[%dma_start3A_215, %dma_start3A_216] : memref<288x128xf32, #tpu.memory_space<vmem>> -> memref<96x128xf32, #tpu.memory_space<vmem>>
        %dma_start3A_218 = tpu.memref_slice %arg5[%mul3A_214] : memref<14400xi32, #tpu.memory_space<vmem>> -> memref<96xi32, #tpu.memory_space<vmem>>
        %dma_start3A_219 = arith.constant 0 : i32
        %dma_start3A_220 = arith.constant 0 : i32
        %dma_start3A_221 = tpu.memref_slice %arg2[%dma_start3A_219, %dma_start3A_220] : memref<460800x128xf32, #tpu.memory_space<hbm>> -> memref<460800x128xf32, #tpu.memory_space<hbm>>
        tpu.enqueue_indirect_dma source(%dma_start3A_221 : memref<460800x128xf32, #tpu.memory_space<hbm>>) target(%dma_start3A_217 : memref<96x128xf32, #tpu.memory_space<vmem>>) offsets(%dma_start3A_218 : memref<96xi32, #tpu.memory_space<vmem>>) semaphore(%arg10 : memref<!tpu.dma_semaphore, #tpu.memory_space<semaphore_mem>>)
      } else {
      }
      %ge3A_137 = arith.constant 1 : i32
      %ge3A_138 = arith.cmpi sge, %scan3A_42, %ge3A_137 : i32
      %convert_element_type3A_139 = arith.extui %ge3A_138 : i1 to i32
      %cond3A_140 = arith.constant 0 : i32
      %cond3A_141 = arith.cmpi ne, %convert_element_type3A_139, %cond3A_140 : i32
      scf.if %cond3A_141 {
        %mul3A_181 = arith.constant 1600 : i32
        %mul3A_182 = arith.muli %add3A, %mul3A_181 : i32
        %dma_wait3A_183 = arith.constant 0 : i32
        %dma_wait3A_184 = tpu.memref_slice %arg4[%mul3A_182, %dma_wait3A_183] : memref<51200x128xf32, #tpu.memory_space<hbm>> -> memref<32x128xf32, #tpu.memory_space<hbm>>
        %dma_wait3A_185 = arith.constant 0 : i32
        %dma_wait3A_186 = tpu.memref_slice %arg4[%mul3A_182, %dma_wait3A_185] : memref<51200x128xf32, #tpu.memory_space<hbm>> -> memref<32x128xf32, #tpu.memory_space<hbm>>
        tpu.wait_dma2 semaphore(%arg13 : memref<!tpu.dma_semaphore, #tpu.memory_space<semaphore_mem>>) src(%arg9 : memref<32x128xf32, #tpu.memory_space<vmem>>) dst(%dma_wait3A_186 : memref<32x128xf32, #tpu.memory_space<hbm>>)
      } else {
      }
      %dma_wait3A_142 = arith.constant 0 : i32
      %dma_wait3A_143 = arith.constant 0 : i32
      %dma_wait3A_144 = tpu.memref_slice %arg7[%dma_wait3A_142, %dma_wait3A_143] : memref<288x128xf32, #tpu.memory_space<vmem>> -> memref<96x128xf32, #tpu.memory_space<vmem>>
      %dma_wait3A_145 = arith.constant 0 : i32
      %dma_wait3A_146 = tpu.memref_slice %arg5[%dma_wait3A_145] : memref<14400xi32, #tpu.memory_space<vmem>> -> memref<96xi32, #tpu.memory_space<vmem>>
      %dma_wait3A_147 = arith.constant 0 : i32
      %dma_wait3A_148 = arith.constant 0 : i32
      %dma_wait3A_149 = tpu.memref_slice %arg2[%dma_wait3A_147, %dma_wait3A_148] : memref<460800x128xf32, #tpu.memory_space<hbm>> -> memref<460800x128xf32, #tpu.memory_space<hbm>>
      tpu.wait_indirect_dma semaphore(%arg11 : memref<!tpu.dma_semaphore, #tpu.memory_space<semaphore_mem>>) src(%dma_wait3A_149 : memref<460800x128xf32, #tpu.memory_space<hbm>>) dst(%dma_wait3A_144 : memref<96x128xf32, #tpu.memory_space<vmem>>)
      %dma_wait3A_150 = arith.constant 96 : i32
      %dma_wait3A_151 = arith.constant 0 : i32
      %dma_wait3A_152 = tpu.memref_slice %arg7[%dma_wait3A_150, %dma_wait3A_151] : memref<288x128xf32, #tpu.memory_space<vmem>> -> memref<96x128xf32, #tpu.memory_space<vmem>>
      %dma_wait3A_153 = arith.constant 0 : i32
      %dma_wait3A_154 = tpu.memref_slice %arg5[%dma_wait3A_153] : memref<14400xi32, #tpu.memory_space<vmem>> -> memref<96xi32, #tpu.memory_space<vmem>>
      %dma_wait3A_155 = arith.constant 0 : i32
      %dma_wait3A_156 = arith.constant 0 : i32
      %dma_wait3A_157 = tpu.memref_slice %arg2[%dma_wait3A_155, %dma_wait3A_156] : memref<460800x128xf32, #tpu.memory_space<hbm>> -> memref<460800x128xf32, #tpu.memory_space<hbm>>
      tpu.wait_indirect_dma semaphore(%arg11 : memref<!tpu.dma_semaphore, #tpu.memory_space<semaphore_mem>>) src(%dma_wait3A_157 : memref<460800x128xf32, #tpu.memory_space<hbm>>) dst(%dma_wait3A_152 : memref<96x128xf32, #tpu.memory_space<vmem>>)
      %dma_wait3A_158 = arith.constant 192 : i32
      %dma_wait3A_159 = arith.constant 0 : i32
      %dma_wait3A_160 = tpu.memref_slice %arg7[%dma_wait3A_158, %dma_wait3A_159] : memref<288x128xf32, #tpu.memory_space<vmem>> -> memref<96x128xf32, #tpu.memory_space<vmem>>
      %dma_wait3A_161 = arith.constant 0 : i32
      %dma_wait3A_162 = tpu.memref_slice %arg5[%dma_wait3A_161] : memref<14400xi32, #tpu.memory_space<vmem>> -> memref<96xi32, #tpu.memory_space<vmem>>
      %dma_wait3A_163 = arith.constant 0 : i32
      %dma_wait3A_164 = arith.constant 0 : i32
      %dma_wait3A_165 = tpu.memref_slice %arg2[%dma_wait3A_163, %dma_wait3A_164] : memref<460800x128xf32, #tpu.memory_space<hbm>> -> memref<460800x128xf32, #tpu.memory_space<hbm>>
      tpu.wait_indirect_dma semaphore(%arg11 : memref<!tpu.dma_semaphore, #tpu.memory_space<semaphore_mem>>) src(%dma_wait3A_165 : memref<460800x128xf32, #tpu.memory_space<hbm>>) dst(%dma_wait3A_160 : memref<96x128xf32, #tpu.memory_space<vmem>>)
      %scan3A_166 = arith.constant 0 : i32
      %scan3A_167 = arith.constant 0 : i32
      %scan3A_168 = arith.constant 32 : i32
      %scan3A_169 = arith.addi %scan3A_167, %scan3A_168 : i32
      %scan3A_170 = arith.constant 1 : i32
      scf.for %scan3A_181 = %scan3A_167 to %scan3A_169 step %scan3A_170  : i32 {
        %mul3A_182 = arith.constant 9 : i32
        %mul3A_183 = arith.muli %scan3A_181, %mul3A_182 : i32
        %mul3A_184 = arith.constant 1600 : i32
        %mul3A_185 = arith.muli %add3A, %mul3A_184 : i32
        %mul3A_186 = arith.constant 32 : i32
        %mul3A_187 = arith.muli %add3A_132, %mul3A_186 : i32
        %add3A_188 = arith.addi %mul3A_185, %mul3A_187 : i32
        %add3A_189 = arith.addi %add3A_188, %scan3A_181 : i32
        %lt3A_190 = arith.constant 50000 : i32
        %lt3A_191 = arith.cmpi slt, %add3A_189, %lt3A_190 : i32
        %jit3A = arith.constant 1.000000e+00 : f32
        %jit3A_192 = arith.constant 0.000000e+00 : f32
        %select_n3A = arith.select %lt3A_191, %jit3A, %jit3A_192 : f32
        %get3A = arith.index_cast %mul3A_183 : i32 to index
        %get3A_193 = arith.constant 0 : index
        %get3A_194 = tpu.vector_load %arg7[%get3A, %get3A_193] {strides = array<i32>} : memref<288x128xf32, #tpu.memory_space<vmem>>, vector<16xf32>,
        %add3A_195 = arith.constant 1 : i32
        %add3A_196 = arith.addi %mul3A_183, %add3A_195 : i32
        %get3A_197 = arith.index_cast %add3A_196 : i32 to index
        %get3A_198 = arith.constant 0 : index
        %get3A_199 = tpu.vector_load %arg7[%get3A_197, %get3A_198] {strides = array<i32>} : memref<288x128xf32, #tpu.memory_space<vmem>>, vector<16xf32>,
        %add3A_200 = arith.addf %get3A_194, %get3A_199 : vector<16xf32>
        %add3A_201 = arith.constant 2 : i32
        %add3A_202 = arith.addi %mul3A_183, %add3A_201 : i32
        %get3A_203 = arith.index_cast %add3A_202 : i32 to index
        %get3A_204 = arith.constant 0 : index
        %get3A_205 = tpu.vector_load %arg7[%get3A_203, %get3A_204] {strides = array<i32>} : memref<288x128xf32, #tpu.memory_space<vmem>>, vector<16xf32>,
        %add3A_206 = arith.addf %add3A_200, %get3A_205 : vector<16xf32>
        %add3A_207 = arith.constant 3 : i32
        %add3A_208 = arith.addi %mul3A_183, %add3A_207 : i32
        %get3A_209 = arith.index_cast %add3A_208 : i32 to index
        %get3A_210 = arith.constant 0 : index
        %get3A_211 = tpu.vector_load %arg7[%get3A_209, %get3A_210] {strides = array<i32>} : memref<288x128xf32, #tpu.memory_space<vmem>>, vector<16xf32>,
        %add3A_212 = arith.addf %add3A_206, %get3A_211 : vector<16xf32>
        %add3A_213 = arith.constant 4 : i32
        %add3A_214 = arith.addi %mul3A_183, %add3A_213 : i32
        %get3A_215 = arith.index_cast %add3A_214 : i32 to index
        %get3A_216 = arith.constant 0 : index
        %get3A_217 = tpu.vector_load %arg7[%get3A_215, %get3A_216] {strides = array<i32>} : memref<288x128xf32, #tpu.memory_space<vmem>>, vector<16xf32>,
        %add3A_218 = arith.addf %add3A_212, %get3A_217 : vector<16xf32>
        %add3A_219 = arith.constant 5 : i32
        %add3A_220 = arith.addi %mul3A_183, %add3A_219 : i32
        %get3A_221 = arith.index_cast %add3A_220 : i32 to index
        %get3A_222 = arith.constant 0 : index
        %get3A_223 = tpu.vector_load %arg7[%get3A_221, %get3A_222] {strides = array<i32>} : memref<288x128xf32, #tpu.memory_space<vmem>>, vector<16xf32>,
        %add3A_224 = arith.addf %add3A_218, %get3A_223 : vector<16xf32>
        %add3A_225 = arith.constant 6 : i32
        %add3A_226 = arith.addi %mul3A_183, %add3A_225 : i32
        %get3A_227 = arith.index_cast %add3A_226 : i32 to index
        %get3A_228 = arith.constant 0 : index
        %get3A_229 = tpu.vector_load %arg7[%get3A_227, %get3A_228] {strides = array<i32>} : memref<288x128xf32, #tpu.memory_space<vmem>>, vector<16xf32>,
        %add3A_230 = arith.addf %add3A_224, %get3A_229 : vector<16xf32>
        %add3A_231 = arith.constant 7 : i32
        %add3A_232 = arith.addi %mul3A_183, %add3A_231 : i32
        %get3A_233 = arith.index_cast %add3A_232 : i32 to index
        %get3A_234 = arith.constant 0 : index
        %get3A_235 = tpu.vector_load %arg7[%get3A_233, %get3A_234] {strides = array<i32>} : memref<288x128xf32, #tpu.memory_space<vmem>>, vector<16xf32>,
        %add3A_236 = arith.addf %add3A_230, %get3A_235 : vector<16xf32>
        %add3A_237 = arith.constant 8 : i32
        %add3A_238 = arith.addi %mul3A_183, %add3A_237 : i32
        %get3A_239 = arith.index_cast %add3A_238 : i32 to index
        %get3A_240 = arith.constant 0 : index
        %get3A_241 = tpu.vector_load %arg7[%get3A_239, %get3A_240] {strides = array<i32>} : memref<288x128xf32, #tpu.memory_space<vmem>>, vector<16xf32>,
        %add3A_242 = arith.addf %add3A_236, %get3A_241 : vector<16xf32>
        %max3A = arith.constant 0.000000e+00 : f32
        %max3A_243 = vector.broadcast %max3A : f32 to vector<16xf32>
        %max3A_244 = arith.maximumf %add3A_242, %max3A_243 : vector<16xf32>
        %mul3A_245 = vector.broadcast %select_n3A : f32 to vector<16xf32>
        %mul3A_246 = arith.mulf %max3A_244, %mul3A_245 : vector<16xf32>
        %swap3A = arith.index_cast %scan3A_181 : i32 to index
        %swap3A_247 = arith.constant 0 : index
        %swap3A_248 = tpu.vector_load %arg9[%swap3A, %swap3A_247] {strides = array<i32>} : memref<32x128xf32, #tpu.memory_space<vmem>>, vector<16xf32>,
        tpu.vector_store %arg9[%swap3A, %swap3A_247], %mul3A_246 {strides = array<i32>} : memref<32x128xf32, #tpu.memory_space<vmem>>, vector<16xf32>,
        %get3A_249 = arith.index_cast %mul3A_183 : i32 to index
        %get3A_250 = arith.constant 16 : index
        %get3A_251 = tpu.vector_load %arg7[%get3A_249, %get3A_250] {strides = array<i32>} : memref<288x128xf32, #tpu.memory_space<vmem>>, vector<16xf32>,
        %add3A_252 = arith.constant 1 : i32
        %add3A_253 = arith.addi %mul3A_183, %add3A_252 : i32
        %get3A_254 = arith.index_cast %add3A_253 : i32 to index
        %get3A_255 = arith.constant 16 : index
        %get3A_256 = tpu.vector_load %arg7[%get3A_254, %get3A_255] {strides = array<i32>} : memref<288x128xf32, #tpu.memory_space<vmem>>, vector<16xf32>,
        %add3A_257 = arith.addf %get3A_251, %get3A_256 : vector<16xf32>
        %add3A_258 = arith.constant 2 : i32
        %add3A_259 = arith.addi %mul3A_183, %add3A_258 : i32
        %get3A_260 = arith.index_cast %add3A_259 : i32 to index
        %get3A_261 = arith.constant 16 : index
        %get3A_262 = tpu.vector_load %arg7[%get3A_260, %get3A_261] {strides = array<i32>} : memref<288x128xf32, #tpu.memory_space<vmem>>, vector<16xf32>,
        %add3A_263 = arith.addf %add3A_257, %get3A_262 : vector<16xf32>
        %add3A_264 = arith.constant 3 : i32
        %add3A_265 = arith.addi %mul3A_183, %add3A_264 : i32
        %get3A_266 = arith.index_cast %add3A_265 : i32 to index
        %get3A_267 = arith.constant 16 : index
        %get3A_268 = tpu.vector_load %arg7[%get3A_266, %get3A_267] {strides = array<i32>} : memref<288x128xf32, #tpu.memory_space<vmem>>, vector<16xf32>,
        %add3A_269 = arith.addf %add3A_263, %get3A_268 : vector<16xf32>
        %add3A_270 = arith.constant 4 : i32
        %add3A_271 = arith.addi %mul3A_183, %add3A_270 : i32
        %get3A_272 = arith.index_cast %add3A_271 : i32 to index
        %get3A_273 = arith.constant 16 : index
        %get3A_274 = tpu.vector_load %arg7[%get3A_272, %get3A_273] {strides = array<i32>} : memref<288x128xf32, #tpu.memory_space<vmem>>, vector<16xf32>,
        %add3A_275 = arith.addf %add3A_269, %get3A_274 : vector<16xf32>
        %add3A_276 = arith.constant 5 : i32
        %add3A_277 = arith.addi %mul3A_183, %add3A_276 : i32
        %get3A_278 = arith.index_cast %add3A_277 : i32 to index
        %get3A_279 = arith.constant 16 : index
        %get3A_280 = tpu.vector_load %arg7[%get3A_278, %get3A_279] {strides = array<i32>} : memref<288x128xf32, #tpu.memory_space<vmem>>, vector<16xf32>,
        %add3A_281 = arith.addf %add3A_275, %get3A_280 : vector<16xf32>
        %add3A_282 = arith.constant 6 : i32
        %add3A_283 = arith.addi %mul3A_183, %add3A_282 : i32
        %get3A_284 = arith.index_cast %add3A_283 : i32 to index
        %get3A_285 = arith.constant 16 : index
        %get3A_286 = tpu.vector_load %arg7[%get3A_284, %get3A_285] {strides = array<i32>} : memref<288x128xf32, #tpu.memory_space<vmem>>, vector<16xf32>,
        %add3A_287 = arith.addf %add3A_281, %get3A_286 : vector<16xf32>
        %add3A_288 = arith.constant 7 : i32
        %add3A_289 = arith.addi %mul3A_183, %add3A_288 : i32
        %get3A_290 = arith.index_cast %add3A_289 : i32 to index
        %get3A_291 = arith.constant 16 : index
        %get3A_292 = tpu.vector_load %arg7[%get3A_290, %get3A_291] {strides = array<i32>} : memref<288x128xf32, #tpu.memory_space<vmem>>, vector<16xf32>,
        %add3A_293 = arith.addf %add3A_287, %get3A_292 : vector<16xf32>
        %add3A_294 = arith.constant 8 : i32
        %add3A_295 = arith.addi %mul3A_183, %add3A_294 : i32
        %get3A_296 = arith.index_cast %add3A_295 : i32 to index
        %get3A_297 = arith.constant 16 : index
        %get3A_298 = tpu.vector_load %arg7[%get3A_296, %get3A_297] {strides = array<i32>} : memref<288x128xf32, #tpu.memory_space<vmem>>, vector<16xf32>,
        %add3A_299 = arith.addf %add3A_293, %get3A_298 : vector<16xf32>
        %max3A_300 = arith.constant 0.000000e+00 : f32
        %max3A_301 = vector.broadcast %max3A_300 : f32 to vector<16xf32>
        %max3A_302 = arith.maximumf %add3A_299, %max3A_301 : vector<16xf32>
        %mul3A_303 = vector.broadcast %select_n3A : f32 to vector<16xf32>
        %mul3A_304 = arith.mulf %max3A_302, %mul3A_303 : vector<16xf32>
        %swap3A_305 = arith.index_cast %scan3A_181 : i32 to index
        %swap3A_306 = arith.constant 16 : index
        %swap3A_307 = tpu.vector_load %arg9[%swap3A_305, %swap3A_306] {strides = array<i32>} : memref<32x128xf32, #tpu.memory_space<vmem>>, vector<16xf32>,
        tpu.vector_store %arg9[%swap3A_305, %swap3A_306], %mul3A_304 {strides = array<i32>} : memref<32x128xf32, #tpu.memory_space<vmem>>, vector<16xf32>,
        %get3A_308 = arith.index_cast %mul3A_183 : i32 to index
        %get3A_309 = arith.constant 32 : index
        %get3A_310 = tpu.vector_load %arg7[%get3A_308, %get3A_309] {strides = array<i32>} : memref<288x128xf32, #tpu.memory_space<vmem>>, vector<16xf32>,
        %add3A_311 = arith.constant 1 : i32
        %add3A_312 = arith.addi %mul3A_183, %add3A_311 : i32
        %get3A_313 = arith.index_cast %add3A_312 : i32 to index
        %get3A_314 = arith.constant 32 : index
        %get3A_315 = tpu.vector_load %arg7[%get3A_313, %get3A_314] {strides = array<i32>} : memref<288x128xf32, #tpu.memory_space<vmem>>, vector<16xf32>,
        %add3A_316 = arith.addf %get3A_310, %get3A_315 : vector<16xf32>
        %add3A_317 = arith.constant 2 : i32
        %add3A_318 = arith.addi %mul3A_183, %add3A_317 : i32
        %get3A_319 = arith.index_cast %add3A_318 : i32 to index
        %get3A_320 = arith.constant 32 : index
        %get3A_321 = tpu.vector_load %arg7[%get3A_319, %get3A_320] {strides = array<i32>} : memref<288x128xf32, #tpu.memory_space<vmem>>, vector<16xf32>,
        %add3A_322 = arith.addf %add3A_316, %get3A_321 : vector<16xf32>
        %add3A_323 = arith.constant 3 : i32
        %add3A_324 = arith.addi %mul3A_183, %add3A_323 : i32
        %get3A_325 = arith.index_cast %add3A_324 : i32 to index
        %get3A_326 = arith.constant 32 : index
        %get3A_327 = tpu.vector_load %arg7[%get3A_325, %get3A_326] {strides = array<i32>} : memref<288x128xf32, #tpu.memory_space<vmem>>, vector<16xf32>,
        %add3A_328 = arith.addf %add3A_322, %get3A_327 : vector<16xf32>
        %add3A_329 = arith.constant 4 : i32
        %add3A_330 = arith.addi %mul3A_183, %add3A_329 : i32
        %get3A_331 = arith.index_cast %add3A_330 : i32 to index
        %get3A_332 = arith.constant 32 : index
        %get3A_333 = tpu.vector_load %arg7[%get3A_331, %get3A_332] {strides = array<i32>} : memref<288x128xf32, #tpu.memory_space<vmem>>, vector<16xf32>,
        %add3A_334 = arith.addf %add3A_328, %get3A_333 : vector<16xf32>
        %add3A_335 = arith.constant 5 : i32
        %add3A_336 = arith.addi %mul3A_183, %add3A_335 : i32
        %get3A_337 = arith.index_cast %add3A_336 : i32 to index
        %get3A_338 = arith.constant 32 : index
        %get3A_339 = tpu.vector_load %arg7[%get3A_337, %get3A_338] {strides = array<i32>} : memref<288x128xf32, #tpu.memory_space<vmem>>, vector<16xf32>,
        %add3A_340 = arith.addf %add3A_334, %get3A_339 : vector<16xf32>
        %add3A_341 = arith.constant 6 : i32
        %add3A_342 = arith.addi %mul3A_183, %add3A_341 : i32
        %get3A_343 = arith.index_cast %add3A_342 : i32 to index
        %get3A_344 = arith.constant 32 : index
        %get3A_345 = tpu.vector_load %arg7[%get3A_343, %get3A_344] {strides = array<i32>} : memref<288x128xf32, #tpu.memory_space<vmem>>, vector<16xf32>,
        %add3A_346 = arith.addf %add3A_340, %get3A_345 : vector<16xf32>
        %add3A_347 = arith.constant 7 : i32
        %add3A_348 = arith.addi %mul3A_183, %add3A_347 : i32
        %get3A_349 = arith.index_cast %add3A_348 : i32 to index
        %get3A_350 = arith.constant 32 : index
        %get3A_351 = tpu.vector_load %arg7[%get3A_349, %get3A_350] {strides = array<i32>} : memref<288x128xf32, #tpu.memory_space<vmem>>, vector<16xf32>,
        %add3A_352 = arith.addf %add3A_346, %get3A_351 : vector<16xf32>
        %add3A_353 = arith.constant 8 : i32
        %add3A_354 = arith.addi %mul3A_183, %add3A_353 : i32
        %get3A_355 = arith.index_cast %add3A_354 : i32 to index
        %get3A_356 = arith.constant 32 : index
        %get3A_357 = tpu.vector_load %arg7[%get3A_355, %get3A_356] {strides = array<i32>} : memref<288x128xf32, #tpu.memory_space<vmem>>, vector<16xf32>,
        %add3A_358 = arith.addf %add3A_352, %get3A_357 : vector<16xf32>
        %max3A_359 = arith.constant 0.000000e+00 : f32
        %max3A_360 = vector.broadcast %max3A_359 : f32 to vector<16xf32>
        %max3A_361 = arith.maximumf %add3A_358, %max3A_360 : vector<16xf32>
        %mul3A_362 = vector.broadcast %select_n3A : f32 to vector<16xf32>
        %mul3A_363 = arith.mulf %max3A_361, %mul3A_362 : vector<16xf32>
        %swap3A_364 = arith.index_cast %scan3A_181 : i32 to index
        %swap3A_365 = arith.constant 32 : index
        %swap3A_366 = tpu.vector_load %arg9[%swap3A_364, %swap3A_365] {strides = array<i32>} : memref<32x128xf32, #tpu.memory_space<vmem>>, vector<16xf32>,
        tpu.vector_store %arg9[%swap3A_364, %swap3A_365], %mul3A_363 {strides = array<i32>} : memref<32x128xf32, #tpu.memory_space<vmem>>, vector<16xf32>,
        %get3A_367 = arith.index_cast %mul3A_183 : i32 to index
        %get3A_368 = arith.constant 48 : index
        %get3A_369 = tpu.vector_load %arg7[%get3A_367, %get3A_368] {strides = array<i32>} : memref<288x128xf32, #tpu.memory_space<vmem>>, vector<16xf32>,
        %add3A_370 = arith.constant 1 : i32
        %add3A_371 = arith.addi %mul3A_183, %add3A_370 : i32
        %get3A_372 = arith.index_cast %add3A_371 : i32 to index
        %get3A_373 = arith.constant 48 : index
        %get3A_374 = tpu.vector_load %arg7[%get3A_372, %get3A_373] {strides = array<i32>} : memref<288x128xf32, #tpu.memory_space<vmem>>, vector<16xf32>,
        %add3A_375 = arith.addf %get3A_369, %get3A_374 : vector<16xf32>
        %add3A_376 = arith.constant 2 : i32
        %add3A_377 = arith.addi %mul3A_183, %add3A_376 : i32
        %get3A_378 = arith.index_cast %add3A_377 : i32 to index
        %get3A_379 = arith.constant 48 : index
        %get3A_380 = tpu.vector_load %arg7[%get3A_378, %get3A_379] {strides = array<i32>} : memref<288x128xf32, #tpu.memory_space<vmem>>, vector<16xf32>,
        %add3A_381 = arith.addf %add3A_375, %get3A_380 : vector<16xf32>
        %add3A_382 = arith.constant 3 : i32
        %add3A_383 = arith.addi %mul3A_183, %add3A_382 : i32
        %get3A_384 = arith.index_cast %add3A_383 : i32 to index
        %get3A_385 = arith.constant 48 : index
        %get3A_386 = tpu.vector_load %arg7[%get3A_384, %get3A_385] {strides = array<i32>} : memref<288x128xf32, #tpu.memory_space<vmem>>, vector<16xf32>,
        %add3A_387 = arith.addf %add3A_381, %get3A_386 : vector<16xf32>
        %add3A_388 = arith.constant 4 : i32
        %add3A_389 = arith.addi %mul3A_183, %add3A_388 : i32
        %get3A_390 = arith.index_cast %add3A_389 : i32 to index
        %get3A_391 = arith.constant 48 : index
        %get3A_392 = tpu.vector_load %arg7[%get3A_390, %get3A_391] {strides = array<i32>} : memref<288x128xf32, #tpu.memory_space<vmem>>, vector<16xf32>,
        %add3A_393 = arith.addf %add3A_387, %get3A_392 : vector<16xf32>
        %add3A_394 = arith.constant 5 : i32
        %add3A_395 = arith.addi %mul3A_183, %add3A_394 : i32
        %get3A_396 = arith.index_cast %add3A_395 : i32 to index
        %get3A_397 = arith.constant 48 : index
        %get3A_398 = tpu.vector_load %arg7[%get3A_396, %get3A_397] {strides = array<i32>} : memref<288x128xf32, #tpu.memory_space<vmem>>, vector<16xf32>,
        %add3A_399 = arith.addf %add3A_393, %get3A_398 : vector<16xf32>
        %add3A_400 = arith.constant 6 : i32
        %add3A_401 = arith.addi %mul3A_183, %add3A_400 : i32
        %get3A_402 = arith.index_cast %add3A_401 : i32 to index
        %get3A_403 = arith.constant 48 : index
        %get3A_404 = tpu.vector_load %arg7[%get3A_402, %get3A_403] {strides = array<i32>} : memref<288x128xf32, #tpu.memory_space<vmem>>, vector<16xf32>,
        %add3A_405 = arith.addf %add3A_399, %get3A_404 : vector<16xf32>
        %add3A_406 = arith.constant 7 : i32
        %add3A_407 = arith.addi %mul3A_183, %add3A_406 : i32
        %get3A_408 = arith.index_cast %add3A_407 : i32 to index
        %get3A_409 = arith.constant 48 : index
        %get3A_410 = tpu.vector_load %arg7[%get3A_408, %get3A_409] {strides = array<i32>} : memref<288x128xf32, #tpu.memory_space<vmem>>, vector<16xf32>,
        %add3A_411 = arith.addf %add3A_405, %get3A_410 : vector<16xf32>
        %add3A_412 = arith.constant 8 : i32
        %add3A_413 = arith.addi %mul3A_183, %add3A_412 : i32
        %get3A_414 = arith.index_cast %add3A_413 : i32 to index
        %get3A_415 = arith.constant 48 : index
        %get3A_416 = tpu.vector_load %arg7[%get3A_414, %get3A_415] {strides = array<i32>} : memref<288x128xf32, #tpu.memory_space<vmem>>, vector<16xf32>,
        %add3A_417 = arith.addf %add3A_411, %get3A_416 : vector<16xf32>
        %max3A_418 = arith.constant 0.000000e+00 : f32
        %max3A_419 = vector.broadcast %max3A_418 : f32 to vector<16xf32>
        %max3A_420 = arith.maximumf %add3A_417, %max3A_419 : vector<16xf32>
        %mul3A_421 = vector.broadcast %select_n3A : f32 to vector<16xf32>
        %mul3A_422 = arith.mulf %max3A_420, %mul3A_421 : vector<16xf32>
        %swap3A_423 = arith.index_cast %scan3A_181 : i32 to index
        %swap3A_424 = arith.constant 48 : index
        %swap3A_425 = tpu.vector_load %arg9[%swap3A_423, %swap3A_424] {strides = array<i32>} : memref<32x128xf32, #tpu.memory_space<vmem>>, vector<16xf32>,
        tpu.vector_store %arg9[%swap3A_423, %swap3A_424], %mul3A_422 {strides = array<i32>} : memref<32x128xf32, #tpu.memory_space<vmem>>, vector<16xf32>,
        %get3A_426 = arith.index_cast %mul3A_183 : i32 to index
        %get3A_427 = arith.constant 64 : index
        %get3A_428 = tpu.vector_load %arg7[%get3A_426, %get3A_427] {strides = array<i32>} : memref<288x128xf32, #tpu.memory_space<vmem>>, vector<16xf32>,
        %add3A_429 = arith.constant 1 : i32
        %add3A_430 = arith.addi %mul3A_183, %add3A_429 : i32
        %get3A_431 = arith.index_cast %add3A_430 : i32 to index
        %get3A_432 = arith.constant 64 : index
        %get3A_433 = tpu.vector_load %arg7[%get3A_431, %get3A_432] {strides = array<i32>} : memref<288x128xf32, #tpu.memory_space<vmem>>, vector<16xf32>,
        %add3A_434 = arith.addf %get3A_428, %get3A_433 : vector<16xf32>
        %add3A_435 = arith.constant 2 : i32
        %add3A_436 = arith.addi %mul3A_183, %add3A_435 : i32
        %get3A_437 = arith.index_cast %add3A_436 : i32 to index
        %get3A_438 = arith.constant 64 : index
        %get3A_439 = tpu.vector_load %arg7[%get3A_437, %get3A_438] {strides = array<i32>} : memref<288x128xf32, #tpu.memory_space<vmem>>, vector<16xf32>,
        %add3A_440 = arith.addf %add3A_434, %get3A_439 : vector<16xf32>
        %add3A_441 = arith.constant 3 : i32
        %add3A_442 = arith.addi %mul3A_183, %add3A_441 : i32
        %get3A_443 = arith.index_cast %add3A_442 : i32 to index
        %get3A_444 = arith.constant 64 : index
        %get3A_445 = tpu.vector_load %arg7[%get3A_443, %get3A_444] {strides = array<i32>} : memref<288x128xf32, #tpu.memory_space<vmem>>, vector<16xf32>,
        %add3A_446 = arith.addf %add3A_440, %get3A_445 : vector<16xf32>
        %add3A_447 = arith.constant 4 : i32
        %add3A_448 = arith.addi %mul3A_183, %add3A_447 : i32
        %get3A_449 = arith.index_cast %add3A_448 : i32 to index
        %get3A_450 = arith.constant 64 : index
        %get3A_451 = tpu.vector_load %arg7[%get3A_449, %get3A_450] {strides = array<i32>} : memref<288x128xf32, #tpu.memory_space<vmem>>, vector<16xf32>,
        %add3A_452 = arith.addf %add3A_446, %get3A_451 : vector<16xf32>
        %add3A_453 = arith.constant 5 : i32
        %add3A_454 = arith.addi %mul3A_183, %add3A_453 : i32
        %get3A_455 = arith.index_cast %add3A_454 : i32 to index
        %get3A_456 = arith.constant 64 : index
        %get3A_457 = tpu.vector_load %arg7[%get3A_455, %get3A_456] {strides = array<i32>} : memref<288x128xf32, #tpu.memory_space<vmem>>, vector<16xf32>,
        %add3A_458 = arith.addf %add3A_452, %get3A_457 : vector<16xf32>
        %add3A_459 = arith.constant 6 : i32
        %add3A_460 = arith.addi %mul3A_183, %add3A_459 : i32
        %get3A_461 = arith.index_cast %add3A_460 : i32 to index
        %get3A_462 = arith.constant 64 : index
        %get3A_463 = tpu.vector_load %arg7[%get3A_461, %get3A_462] {strides = array<i32>} : memref<288x128xf32, #tpu.memory_space<vmem>>, vector<16xf32>,
        %add3A_464 = arith.addf %add3A_458, %get3A_463 : vector<16xf32>
        %add3A_465 = arith.constant 7 : i32
        %add3A_466 = arith.addi %mul3A_183, %add3A_465 : i32
        %get3A_467 = arith.index_cast %add3A_466 : i32 to index
        %get3A_468 = arith.constant 64 : index
        %get3A_469 = tpu.vector_load %arg7[%get3A_467, %get3A_468] {strides = array<i32>} : memref<288x128xf32, #tpu.memory_space<vmem>>, vector<16xf32>,
        %add3A_470 = arith.addf %add3A_464, %get3A_469 : vector<16xf32>
        %add3A_471 = arith.constant 8 : i32
        %add3A_472 = arith.addi %mul3A_183, %add3A_471 : i32
        %get3A_473 = arith.index_cast %add3A_472 : i32 to index
        %get3A_474 = arith.constant 64 : index
        %get3A_475 = tpu.vector_load %arg7[%get3A_473, %get3A_474] {strides = array<i32>} : memref<288x128xf32, #tpu.memory_space<vmem>>, vector<16xf32>,
        %add3A_476 = arith.addf %add3A_470, %get3A_475 : vector<16xf32>
        %max3A_477 = arith.constant 0.000000e+00 : f32
        %max3A_478 = vector.broadcast %max3A_477 : f32 to vector<16xf32>
        %max3A_479 = arith.maximumf %add3A_476, %max3A_478 : vector<16xf32>
        %mul3A_480 = vector.broadcast %select_n3A : f32 to vector<16xf32>
        %mul3A_481 = arith.mulf %max3A_479, %mul3A_480 : vector<16xf32>
        %swap3A_482 = arith.index_cast %scan3A_181 : i32 to index
        %swap3A_483 = arith.constant 64 : index
        %swap3A_484 = tpu.vector_load %arg9[%swap3A_482, %swap3A_483] {strides = array<i32>} : memref<32x128xf32, #tpu.memory_space<vmem>>, vector<16xf32>,
        tpu.vector_store %arg9[%swap3A_482, %swap3A_483], %mul3A_481 {strides = array<i32>} : memref<32x128xf32, #tpu.memory_space<vmem>>, vector<16xf32>,
        %get3A_485 = arith.index_cast %mul3A_183 : i32 to index
        %get3A_486 = arith.constant 80 : index
        %get3A_487 = tpu.vector_load %arg7[%get3A_485, %get3A_486] {strides = array<i32>} : memref<288x128xf32, #tpu.memory_space<vmem>>, vector<16xf32>,
        %add3A_488 = arith.constant 1 : i32
        %add3A_489 = arith.addi %mul3A_183, %add3A_488 : i32
        %get3A_490 = arith.index_cast %add3A_489 : i32 to index
        %get3A_491 = arith.constant 80 : index
        %get3A_492 = tpu.vector_load %arg7[%get3A_490, %get3A_491] {strides = array<i32>} : memref<288x128xf32, #tpu.memory_space<vmem>>, vector<16xf32>,
        %add3A_493 = arith.addf %get3A_487, %get3A_492 : vector<16xf32>
        %add3A_494 = arith.constant 2 : i32
        %add3A_495 = arith.addi %mul3A_183, %add3A_494 : i32
        %get3A_496 = arith.index_cast %add3A_495 : i32 to index
        %get3A_497 = arith.constant 80 : index
        %get3A_498 = tpu.vector_load %arg7[%get3A_496, %get3A_497] {strides = array<i32>} : memref<288x128xf32, #tpu.memory_space<vmem>>, vector<16xf32>,
        %add3A_499 = arith.addf %add3A_493, %get3A_498 : vector<16xf32>
        %add3A_500 = arith.constant 3 : i32
        %add3A_501 = arith.addi %mul3A_183, %add3A_500 : i32
        %get3A_502 = arith.index_cast %add3A_501 : i32 to index
        %get3A_503 = arith.constant 80 : index
        %get3A_504 = tpu.vector_load %arg7[%get3A_502, %get3A_503] {strides = array<i32>} : memref<288x128xf32, #tpu.memory_space<vmem>>, vector<16xf32>,
        %add3A_505 = arith.addf %add3A_499, %get3A_504 : vector<16xf32>
        %add3A_506 = arith.constant 4 : i32
        %add3A_507 = arith.addi %mul3A_183, %add3A_506 : i32
        %get3A_508 = arith.index_cast %add3A_507 : i32 to index
        %get3A_509 = arith.constant 80 : index
        %get3A_510 = tpu.vector_load %arg7[%get3A_508, %get3A_509] {strides = array<i32>} : memref<288x128xf32, #tpu.memory_space<vmem>>, vector<16xf32>,
        %add3A_511 = arith.addf %add3A_505, %get3A_510 : vector<16xf32>
        %add3A_512 = arith.constant 5 : i32
        %add3A_513 = arith.addi %mul3A_183, %add3A_512 : i32
        %get3A_514 = arith.index_cast %add3A_513 : i32 to index
        %get3A_515 = arith.constant 80 : index
        %get3A_516 = tpu.vector_load %arg7[%get3A_514, %get3A_515] {strides = array<i32>} : memref<288x128xf32, #tpu.memory_space<vmem>>, vector<16xf32>,
        %add3A_517 = arith.addf %add3A_511, %get3A_516 : vector<16xf32>
        %add3A_518 = arith.constant 6 : i32
        %add3A_519 = arith.addi %mul3A_183, %add3A_518 : i32
        %get3A_520 = arith.index_cast %add3A_519 : i32 to index
        %get3A_521 = arith.constant 80 : index
        %get3A_522 = tpu.vector_load %arg7[%get3A_520, %get3A_521] {strides = array<i32>} : memref<288x128xf32, #tpu.memory_space<vmem>>, vector<16xf32>,
        %add3A_523 = arith.addf %add3A_517, %get3A_522 : vector<16xf32>
        %add3A_524 = arith.constant 7 : i32
        %add3A_525 = arith.addi %mul3A_183, %add3A_524 : i32
        %get3A_526 = arith.index_cast %add3A_525 : i32 to index
        %get3A_527 = arith.constant 80 : index
        %get3A_528 = tpu.vector_load %arg7[%get3A_526, %get3A_527] {strides = array<i32>} : memref<288x128xf32, #tpu.memory_space<vmem>>, vector<16xf32>,
        %add3A_529 = arith.addf %add3A_523, %get3A_528 : vector<16xf32>
        %add3A_530 = arith.constant 8 : i32
        %add3A_531 = arith.addi %mul3A_183, %add3A_530 : i32
        %get3A_532 = arith.index_cast %add3A_531 : i32 to index
        %get3A_533 = arith.constant 80 : index
        %get3A_534 = tpu.vector_load %arg7[%get3A_532, %get3A_533] {strides = array<i32>} : memref<288x128xf32, #tpu.memory_space<vmem>>, vector<16xf32>,
        %add3A_535 = arith.addf %add3A_529, %get3A_534 : vector<16xf32>
        %max3A_536 = arith.constant 0.000000e+00 : f32
        %max3A_537 = vector.broadcast %max3A_536 : f32 to vector<16xf32>
        %max3A_538 = arith.maximumf %add3A_535, %max3A_537 : vector<16xf32>
        %mul3A_539 = vector.broadcast %select_n3A : f32 to vector<16xf32>
        %mul3A_540 = arith.mulf %max3A_538, %mul3A_539 : vector<16xf32>
        %swap3A_541 = arith.index_cast %scan3A_181 : i32 to index
        %swap3A_542 = arith.constant 80 : index
        %swap3A_543 = tpu.vector_load %arg9[%swap3A_541, %swap3A_542] {strides = array<i32>} : memref<32x128xf32, #tpu.memory_space<vmem>>, vector<16xf32>,
        tpu.vector_store %arg9[%swap3A_541, %swap3A_542], %mul3A_540 {strides = array<i32>} : memref<32x128xf32, #tpu.memory_space<vmem>>, vector<16xf32>,
        %get3A_544 = arith.index_cast %mul3A_183 : i32 to index
        %get3A_545 = arith.constant 96 : index
        %get3A_546 = tpu.vector_load %arg7[%get3A_544, %get3A_545] {strides = array<i32>} : memref<288x128xf32, #tpu.memory_space<vmem>>, vector<16xf32>,
        %add3A_547 = arith.constant 1 : i32
        %add3A_548 = arith.addi %mul3A_183, %add3A_547 : i32
        %get3A_549 = arith.index_cast %add3A_548 : i32 to index
        %get3A_550 = arith.constant 96 : index
        %get3A_551 = tpu.vector_load %arg7[%get3A_549, %get3A_550] {strides = array<i32>} : memref<288x128xf32, #tpu.memory_space<vmem>>, vector<16xf32>,
        %add3A_552 = arith.addf %get3A_546, %get3A_551 : vector<16xf32>
        %add3A_553 = arith.constant 2 : i32
        %add3A_554 = arith.addi %mul3A_183, %add3A_553 : i32
        %get3A_555 = arith.index_cast %add3A_554 : i32 to index
        %get3A_556 = arith.constant 96 : index
        %get3A_557 = tpu.vector_load %arg7[%get3A_555, %get3A_556] {strides = array<i32>} : memref<288x128xf32, #tpu.memory_space<vmem>>, vector<16xf32>,
        %add3A_558 = arith.addf %add3A_552, %get3A_557 : vector<16xf32>
        %add3A_559 = arith.constant 3 : i32
        %add3A_560 = arith.addi %mul3A_183, %add3A_559 : i32
        %get3A_561 = arith.index_cast %add3A_560 : i32 to index
        %get3A_562 = arith.constant 96 : index
        %get3A_563 = tpu.vector_load %arg7[%get3A_561, %get3A_562] {strides = array<i32>} : memref<288x128xf32, #tpu.memory_space<vmem>>, vector<16xf32>,
        %add3A_564 = arith.addf %add3A_558, %get3A_563 : vector<16xf32>
        %add3A_565 = arith.constant 4 : i32
        %add3A_566 = arith.addi %mul3A_183, %add3A_565 : i32
        %get3A_567 = arith.index_cast %add3A_566 : i32 to index
        %get3A_568 = arith.constant 96 : index
        %get3A_569 = tpu.vector_load %arg7[%get3A_567, %get3A_568] {strides = array<i32>} : memref<288x128xf32, #tpu.memory_space<vmem>>, vector<16xf32>,
        %add3A_570 = arith.addf %add3A_564, %get3A_569 : vector<16xf32>
        %add3A_571 = arith.constant 5 : i32
        %add3A_572 = arith.addi %mul3A_183, %add3A_571 : i32
        %get3A_573 = arith.index_cast %add3A_572 : i32 to index
        %get3A_574 = arith.constant 96 : index
        %get3A_575 = tpu.vector_load %arg7[%get3A_573, %get3A_574] {strides = array<i32>} : memref<288x128xf32, #tpu.memory_space<vmem>>, vector<16xf32>,
        %add3A_576 = arith.addf %add3A_570, %get3A_575 : vector<16xf32>
        %add3A_577 = arith.constant 6 : i32
        %add3A_578 = arith.addi %mul3A_183, %add3A_577 : i32
        %get3A_579 = arith.index_cast %add3A_578 : i32 to index
        %get3A_580 = arith.constant 96 : index
        %get3A_581 = tpu.vector_load %arg7[%get3A_579, %get3A_580] {strides = array<i32>} : memref<288x128xf32, #tpu.memory_space<vmem>>, vector<16xf32>,
        %add3A_582 = arith.addf %add3A_576, %get3A_581 : vector<16xf32>
        %add3A_583 = arith.constant 7 : i32
        %add3A_584 = arith.addi %mul3A_183, %add3A_583 : i32
        %get3A_585 = arith.index_cast %add3A_584 : i32 to index
        %get3A_586 = arith.constant 96 : index
        %get3A_587 = tpu.vector_load %arg7[%get3A_585, %get3A_586] {strides = array<i32>} : memref<288x128xf32, #tpu.memory_space<vmem>>, vector<16xf32>,
        %add3A_588 = arith.addf %add3A_582, %get3A_587 : vector<16xf32>
        %add3A_589 = arith.constant 8 : i32
        %add3A_590 = arith.addi %mul3A_183, %add3A_589 : i32
        %get3A_591 = arith.index_cast %add3A_590 : i32 to index
        %get3A_592 = arith.constant 96 : index
        %get3A_593 = tpu.vector_load %arg7[%get3A_591, %get3A_592] {strides = array<i32>} : memref<288x128xf32, #tpu.memory_space<vmem>>, vector<16xf32>,
        %add3A_594 = arith.addf %add3A_588, %get3A_593 : vector<16xf32>
        %max3A_595 = arith.constant 0.000000e+00 : f32
        %max3A_596 = vector.broadcast %max3A_595 : f32 to vector<16xf32>
        %max3A_597 = arith.maximumf %add3A_594, %max3A_596 : vector<16xf32>
        %mul3A_598 = vector.broadcast %select_n3A : f32 to vector<16xf32>
        %mul3A_599 = arith.mulf %max3A_597, %mul3A_598 : vector<16xf32>
        %swap3A_600 = arith.index_cast %scan3A_181 : i32 to index
        %swap3A_601 = arith.constant 96 : index
        %swap3A_602 = tpu.vector_load %arg9[%swap3A_600, %swap3A_601] {strides = array<i32>} : memref<32x128xf32, #tpu.memory_space<vmem>>, vector<16xf32>,
        tpu.vector_store %arg9[%swap3A_600, %swap3A_601], %mul3A_599 {strides = array<i32>} : memref<32x128xf32, #tpu.memory_space<vmem>>, vector<16xf32>,
        %get3A_603 = arith.index_cast %mul3A_183 : i32 to index
        %get3A_604 = arith.constant 112 : index
        %get3A_605 = tpu.vector_load %arg7[%get3A_603, %get3A_604] {strides = array<i32>} : memref<288x128xf32, #tpu.memory_space<vmem>>, vector<16xf32>,
        %add3A_606 = arith.constant 1 : i32
        %add3A_607 = arith.addi %mul3A_183, %add3A_606 : i32
        %get3A_608 = arith.index_cast %add3A_607 : i32 to index
        %get3A_609 = arith.constant 112 : index
        %get3A_610 = tpu.vector_load %arg7[%get3A_608, %get3A_609] {strides = array<i32>} : memref<288x128xf32, #tpu.memory_space<vmem>>, vector<16xf32>,
        %add3A_611 = arith.addf %get3A_605, %get3A_610 : vector<16xf32>
        %add3A_612 = arith.constant 2 : i32
        %add3A_613 = arith.addi %mul3A_183, %add3A_612 : i32
        %get3A_614 = arith.index_cast %add3A_613 : i32 to index
        %get3A_615 = arith.constant 112 : index
        %get3A_616 = tpu.vector_load %arg7[%get3A_614, %get3A_615] {strides = array<i32>} : memref<288x128xf32, #tpu.memory_space<vmem>>, vector<16xf32>,
        %add3A_617 = arith.addf %add3A_611, %get3A_616 : vector<16xf32>
        %add3A_618 = arith.constant 3 : i32
        %add3A_619 = arith.addi %mul3A_183, %add3A_618 : i32
        %get3A_620 = arith.index_cast %add3A_619 : i32 to index
        %get3A_621 = arith.constant 112 : index
        %get3A_622 = tpu.vector_load %arg7[%get3A_620, %get3A_621] {strides = array<i32>} : memref<288x128xf32, #tpu.memory_space<vmem>>, vector<16xf32>,
        %add3A_623 = arith.addf %add3A_617, %get3A_622 : vector<16xf32>
        %add3A_624 = arith.constant 4 : i32
        %add3A_625 = arith.addi %mul3A_183, %add3A_624 : i32
        %get3A_626 = arith.index_cast %add3A_625 : i32 to index
        %get3A_627 = arith.constant 112 : index
        %get3A_628 = tpu.vector_load %arg7[%get3A_626, %get3A_627] {strides = array<i32>} : memref<288x128xf32, #tpu.memory_space<vmem>>, vector<16xf32>,
        %add3A_629 = arith.addf %add3A_623, %get3A_628 : vector<16xf32>
        %add3A_630 = arith.constant 5 : i32
        %add3A_631 = arith.addi %mul3A_183, %add3A_630 : i32
        %get3A_632 = arith.index_cast %add3A_631 : i32 to index
        %get3A_633 = arith.constant 112 : index
        %get3A_634 = tpu.vector_load %arg7[%get3A_632, %get3A_633] {strides = array<i32>} : memref<288x128xf32, #tpu.memory_space<vmem>>, vector<16xf32>,
        %add3A_635 = arith.addf %add3A_629, %get3A_634 : vector<16xf32>
        %add3A_636 = arith.constant 6 : i32
        %add3A_637 = arith.addi %mul3A_183, %add3A_636 : i32
        %get3A_638 = arith.index_cast %add3A_637 : i32 to index
        %get3A_639 = arith.constant 112 : index
        %get3A_640 = tpu.vector_load %arg7[%get3A_638, %get3A_639] {strides = array<i32>} : memref<288x128xf32, #tpu.memory_space<vmem>>, vector<16xf32>,
        %add3A_641 = arith.addf %add3A_635, %get3A_640 : vector<16xf32>
        %add3A_642 = arith.constant 7 : i32
        %add3A_643 = arith.addi %mul3A_183, %add3A_642 : i32
        %get3A_644 = arith.index_cast %add3A_643 : i32 to index
        %get3A_645 = arith.constant 112 : index
        %get3A_646 = tpu.vector_load %arg7[%get3A_644, %get3A_645] {strides = array<i32>} : memref<288x128xf32, #tpu.memory_space<vmem>>, vector<16xf32>,
        %add3A_647 = arith.addf %add3A_641, %get3A_646 : vector<16xf32>
        %add3A_648 = arith.constant 8 : i32
        %add3A_649 = arith.addi %mul3A_183, %add3A_648 : i32
        %get3A_650 = arith.index_cast %add3A_649 : i32 to index
        %get3A_651 = arith.constant 112 : index
        %get3A_652 = tpu.vector_load %arg7[%get3A_650, %get3A_651] {strides = array<i32>} : memref<288x128xf32, #tpu.memory_space<vmem>>, vector<16xf32>,
        %add3A_653 = arith.addf %add3A_647, %get3A_652 : vector<16xf32>
        %max3A_654 = arith.constant 0.000000e+00 : f32
        %max3A_655 = vector.broadcast %max3A_654 : f32 to vector<16xf32>
        %max3A_656 = arith.maximumf %add3A_653, %max3A_655 : vector<16xf32>
        %mul3A_657 = vector.broadcast %select_n3A : f32 to vector<16xf32>
        %mul3A_658 = arith.mulf %max3A_656, %mul3A_657 : vector<16xf32>
        %swap3A_659 = arith.index_cast %scan3A_181 : i32 to index
        %swap3A_660 = arith.constant 112 : index
        %swap3A_661 = tpu.vector_load %arg9[%swap3A_659, %swap3A_660] {strides = array<i32>} : memref<32x128xf32, #tpu.memory_space<vmem>>, vector<16xf32>,
        tpu.vector_store %arg9[%swap3A_659, %swap3A_660], %mul3A_658 {strides = array<i32>} : memref<32x128xf32, #tpu.memory_space<vmem>>, vector<16xf32>,
      }
      %scan3A_171 = arith.constant 32 : i32
      %mul3A_172 = arith.constant 1600 : i32
      %mul3A_173 = arith.muli %add3A, %mul3A_172 : i32
      %mul3A_174 = arith.constant 32 : i32
      %mul3A_175 = arith.muli %add3A_132, %mul3A_174 : i32
      %add3A_176 = arith.addi %mul3A_173, %mul3A_175 : i32
      %dma_start3A_177 = arith.constant 0 : i32
      %dma_start3A_178 = tpu.memref_slice %arg4[%add3A_176, %dma_start3A_177] : memref<51200x128xf32, #tpu.memory_space<hbm>> -> memref<32x128xf32, #tpu.memory_space<hbm>>
      %dma_start3A_179 = arith.constant 0 : i32
      %dma_start3A_180 = tpu.memref_slice %arg4[%add3A_176, %dma_start3A_179] : memref<51200x128xf32, #tpu.memory_space<hbm>> -> memref<32x128xf32, #tpu.memory_space<hbm>>
      tpu.enqueue_dma source(%arg9 : memref<32x128xf32, #tpu.memory_space<vmem>>) target(%dma_start3A_180 : memref<32x128xf32, #tpu.memory_space<hbm>>) target_semaphore(%arg13 : memref<!tpu.dma_semaphore, #tpu.memory_space<semaphore_mem>>)
    }
    %scan3A_30 = arith.constant 25 : i32
    %mul3A_31 = arith.constant 1600 : i32
    %mul3A_32 = arith.muli %add3A, %mul3A_31 : i32
    %dma_wait3A = arith.constant 0 : i32
    %dma_wait3A_33 = tpu.memref_slice %arg4[%mul3A_32, %dma_wait3A] : memref<51200x128xf32, #tpu.memory_space<hbm>> -> memref<32x128xf32, #tpu.memory_space<hbm>>
    %dma_wait3A_34 = arith.constant 0 : i32
    %dma_wait3A_35 = tpu.memref_slice %arg4[%mul3A_32, %dma_wait3A_34] : memref<51200x128xf32, #tpu.memory_space<hbm>> -> memref<32x128xf32, #tpu.memory_space<hbm>>
    tpu.wait_dma2 semaphore(%arg12 : memref<!tpu.dma_semaphore, #tpu.memory_space<semaphore_mem>>) src(%arg8 : memref<32x128xf32, #tpu.memory_space<vmem>>) dst(%dma_wait3A_35 : memref<32x128xf32, #tpu.memory_space<hbm>>)
    %mul3A_36 = arith.constant 1600 : i32
    %mul3A_37 = arith.muli %add3A, %mul3A_36 : i32
    %dma_wait3A_38 = arith.constant 0 : i32
    %dma_wait3A_39 = tpu.memref_slice %arg4[%mul3A_37, %dma_wait3A_38] : memref<51200x128xf32, #tpu.memory_space<hbm>> -> memref<32x128xf32, #tpu.memory_space<hbm>>
    %dma_wait3A_40 = arith.constant 0 : i32
    %dma_wait3A_41 = tpu.memref_slice %arg4[%mul3A_37, %dma_wait3A_40] : memref<51200x128xf32, #tpu.memory_space<hbm>> -> memref<32x128xf32, #tpu.memory_space<hbm>>
    tpu.wait_dma2 semaphore(%arg13 : memref<!tpu.dma_semaphore, #tpu.memory_space<semaphore_mem>>) src(%arg9 : memref<32x128xf32, #tpu.memory_space<vmem>>) dst(%dma_wait3A_41 : memref<32x128xf32, #tpu.memory_space<hbm>>)
    return
  }
}

module attributes {stable_mosaic.version = 14 : i64} {
  func.func @body(%arg0: i32, %arg1: memref<27x512xf32, #tpu.memory_space<vmem>>, %arg2: memref<27x128xf32, #tpu.memory_space<vmem>>, %arg3: memref<1x128xf32, #tpu.memory_space<vmem>>, %arg4: memref<9x128x128xf32, #tpu.memory_space<vmem>>, %arg5: memref<1x128xf32, #tpu.memory_space<vmem>>, %arg6: memref<9x512x128xf32, #tpu.memory_space<vmem>>) attributes {dimension_semantics = [#tpu.dimension_semantics<arbitrary>], iteration_bounds = array<i64: 100>, scalar_prefetch = 0 : i64, scratch_operands = 0 : i64, tpu.core_type = #tpu.core_type<tc>, window_params = [{transform_indices = @transform_0, window_bounds = array<i64: 27, 512>}, {pipeline_mode = #tpu.pipeline_mode<synchronous>, transform_indices = @transform_1, window_bounds = array<i64: 27, 128>}, {pipeline_mode = #tpu.pipeline_mode<synchronous>, transform_indices = @transform_2, window_bounds = array<i64: 1, 128>}, {pipeline_mode = #tpu.pipeline_mode<synchronous>, transform_indices = @transform_3, window_bounds = array<i64: 9, 128, 128>}, {pipeline_mode = #tpu.pipeline_mode<synchronous>, transform_indices = @transform_4, window_bounds = array<i64: 1, 128>}, {transform_indices = @transform_5, window_bounds = array<i64: 9, 512, 128>}]} {
    %get3A = arith.constant 0 : index
    %get3A_0 = arith.constant 0 : index
    %get3A_1 = vector.load %arg1[%get3A, %get3A_0] : memref<27x512xf32, #tpu.memory_space<vmem>>, vector<27x512xf32>
    %get3A_2 = arith.constant 0 : index
    %get3A_3 = arith.constant 0 : index
    %get3A_4 = vector.load %arg2[%get3A_2, %get3A_3] : memref<27x128xf32, #tpu.memory_space<vmem>>, vector<27x128xf32>
    %dot_general3A = arith.constant dense<0.000000e+00> : vector<512x128xf32>
    %dot_general3A_5 = tpu.matmul %get3A_1, %get3A_4, %dot_general3A {dimension_numbers = #tpu.dot_dimension_numbers<[0], [0], [1], [1], [0, 1, 1, 1], [], []>, transpose_lhs_hint = false} : vector<27x512xf32>, vector<27x128xf32>, vector<512x128xf32> -> vector<512x128xf32>
    %get3A_6 = arith.constant 0 : index
    %get3A_7 = arith.constant 0 : index
    %get3A_8 = vector.load %arg3[%get3A_6, %get3A_7] : memref<1x128xf32, #tpu.memory_space<vmem>>, vector<1x128xf32>
    %add3A = vector.broadcast %get3A_8 : vector<1x128xf32> to vector<512x128xf32>
    %add3A_9 = arith.addf %dot_general3A_5, %add3A : vector<512x128xf32>
    %max3A = arith.constant 0.000000e+00 : f32
    %max3A_10 = vector.broadcast %max3A : f32 to vector<512x128xf32>
    %max3A_11 = arith.maximumf %add3A_9, %max3A_10 : vector<512x128xf32>
    %get3A_12 = arith.constant 0 : index
    %get3A_13 = arith.constant 0 : index
    %get3A_14 = arith.constant 0 : index
    %get3A_15 = vector.load %arg4[%get3A_12, %get3A_13, %get3A_14] : memref<9x128x128xf32, #tpu.memory_space<vmem>>, vector<1x128x128xf32>
    %get3A_16 = vector.shape_cast %get3A_15 : vector<1x128x128xf32> to vector<128x128xf32>
    %dot_general3A_17 = arith.constant dense<0.000000e+00> : vector<512x128xf32>
    %dot_general3A_18 = tpu.matmul %max3A_11, %get3A_16, %dot_general3A_17 {dimension_numbers = #tpu.dot_dimension_numbers<[1], [0], [0], [1], [0, 0, 1, 1], [], []>, transpose_lhs_hint = false} : vector<512x128xf32>, vector<128x128xf32>, vector<512x128xf32> -> vector<512x128xf32>
    %get3A_19 = arith.constant 0 : index
    %get3A_20 = arith.constant 0 : index
    %get3A_21 = vector.load %arg5[%get3A_19, %get3A_20] : memref<1x128xf32, #tpu.memory_space<vmem>>, vector<1x128xf32>
    %add3A_22 = vector.broadcast %get3A_21 : vector<1x128xf32> to vector<512x128xf32>
    %add3A_23 = arith.addf %dot_general3A_18, %add3A_22 : vector<512x128xf32>
    %swap3A = arith.constant 0 : index
    %swap3A_24 = arith.constant 0 : index
    %swap3A_25 = arith.constant 0 : index
    %swap3A_26 = vector.load %arg6[%swap3A, %swap3A_24, %swap3A_25] : memref<9x512x128xf32, #tpu.memory_space<vmem>>, vector<1x512x128xf32>
    %swap3A_27 = vector.shape_cast %swap3A_26 : vector<1x512x128xf32> to vector<512x128xf32>
    %swap3A_28 = vector.shape_cast %add3A_23 : vector<512x128xf32> to vector<1x512x128xf32>
    tpu.vector_store %arg6[%swap3A, %swap3A_24, %swap3A_25], %swap3A_28 {strides = array<i32>} : memref<9x512x128xf32, #tpu.memory_space<vmem>>, vector<1x512x128xf32>,
    %get3A_29 = arith.constant 1 : index
    %get3A_30 = arith.constant 0 : index
    %get3A_31 = arith.constant 0 : index
    %get3A_32 = vector.load %arg4[%get3A_29, %get3A_30, %get3A_31] : memref<9x128x128xf32, #tpu.memory_space<vmem>>, vector<1x128x128xf32>
    %get3A_33 = vector.shape_cast %get3A_32 : vector<1x128x128xf32> to vector<128x128xf32>
    %dot_general3A_34 = arith.constant dense<0.000000e+00> : vector<512x128xf32>
    %dot_general3A_35 = tpu.matmul %max3A_11, %get3A_33, %dot_general3A_34 {dimension_numbers = #tpu.dot_dimension_numbers<[1], [0], [0], [1], [0, 0, 1, 1], [], []>, transpose_lhs_hint = false} : vector<512x128xf32>, vector<128x128xf32>, vector<512x128xf32> -> vector<512x128xf32>
    %swap3A_36 = arith.constant 1 : index
    %swap3A_37 = arith.constant 0 : index
    %swap3A_38 = arith.constant 0 : index
    %swap3A_39 = vector.load %arg6[%swap3A_36, %swap3A_37, %swap3A_38] : memref<9x512x128xf32, #tpu.memory_space<vmem>>, vector<1x512x128xf32>
    %swap3A_40 = vector.shape_cast %swap3A_39 : vector<1x512x128xf32> to vector<512x128xf32>
    %swap3A_41 = vector.shape_cast %dot_general3A_35 : vector<512x128xf32> to vector<1x512x128xf32>
    tpu.vector_store %arg6[%swap3A_36, %swap3A_37, %swap3A_38], %swap3A_41 {strides = array<i32>} : memref<9x512x128xf32, #tpu.memory_space<vmem>>, vector<1x512x128xf32>,
    %get3A_42 = arith.constant 2 : index
    %get3A_43 = arith.constant 0 : index
    %get3A_44 = arith.constant 0 : index
    %get3A_45 = vector.load %arg4[%get3A_42, %get3A_43, %get3A_44] : memref<9x128x128xf32, #tpu.memory_space<vmem>>, vector<1x128x128xf32>
    %get3A_46 = vector.shape_cast %get3A_45 : vector<1x128x128xf32> to vector<128x128xf32>
    %dot_general3A_47 = arith.constant dense<0.000000e+00> : vector<512x128xf32>
    %dot_general3A_48 = tpu.matmul %max3A_11, %get3A_46, %dot_general3A_47 {dimension_numbers = #tpu.dot_dimension_numbers<[1], [0], [0], [1], [0, 0, 1, 1], [], []>, transpose_lhs_hint = false} : vector<512x128xf32>, vector<128x128xf32>, vector<512x128xf32> -> vector<512x128xf32>
    %swap3A_49 = arith.constant 2 : index
    %swap3A_50 = arith.constant 0 : index
    %swap3A_51 = arith.constant 0 : index
    %swap3A_52 = vector.load %arg6[%swap3A_49, %swap3A_50, %swap3A_51] : memref<9x512x128xf32, #tpu.memory_space<vmem>>, vector<1x512x128xf32>
    %swap3A_53 = vector.shape_cast %swap3A_52 : vector<1x512x128xf32> to vector<512x128xf32>
    %swap3A_54 = vector.shape_cast %dot_general3A_48 : vector<512x128xf32> to vector<1x512x128xf32>
    tpu.vector_store %arg6[%swap3A_49, %swap3A_50, %swap3A_51], %swap3A_54 {strides = array<i32>} : memref<9x512x128xf32, #tpu.memory_space<vmem>>, vector<1x512x128xf32>,
    %get3A_55 = arith.constant 3 : index
    %get3A_56 = arith.constant 0 : index
    %get3A_57 = arith.constant 0 : index
    %get3A_58 = vector.load %arg4[%get3A_55, %get3A_56, %get3A_57] : memref<9x128x128xf32, #tpu.memory_space<vmem>>, vector<1x128x128xf32>
    %get3A_59 = vector.shape_cast %get3A_58 : vector<1x128x128xf32> to vector<128x128xf32>
    %dot_general3A_60 = arith.constant dense<0.000000e+00> : vector<512x128xf32>
    %dot_general3A_61 = tpu.matmul %max3A_11, %get3A_59, %dot_general3A_60 {dimension_numbers = #tpu.dot_dimension_numbers<[1], [0], [0], [1], [0, 0, 1, 1], [], []>, transpose_lhs_hint = false} : vector<512x128xf32>, vector<128x128xf32>, vector<512x128xf32> -> vector<512x128xf32>
    %swap3A_62 = arith.constant 3 : index
    %swap3A_63 = arith.constant 0 : index
    %swap3A_64 = arith.constant 0 : index
    %swap3A_65 = vector.load %arg6[%swap3A_62, %swap3A_63, %swap3A_64] : memref<9x512x128xf32, #tpu.memory_space<vmem>>, vector<1x512x128xf32>
    %swap3A_66 = vector.shape_cast %swap3A_65 : vector<1x512x128xf32> to vector<512x128xf32>
    %swap3A_67 = vector.shape_cast %dot_general3A_61 : vector<512x128xf32> to vector<1x512x128xf32>
    tpu.vector_store %arg6[%swap3A_62, %swap3A_63, %swap3A_64], %swap3A_67 {strides = array<i32>} : memref<9x512x128xf32, #tpu.memory_space<vmem>>, vector<1x512x128xf32>,
    %get3A_68 = arith.constant 4 : index
    %get3A_69 = arith.constant 0 : index
    %get3A_70 = arith.constant 0 : index
    %get3A_71 = vector.load %arg4[%get3A_68, %get3A_69, %get3A_70] : memref<9x128x128xf32, #tpu.memory_space<vmem>>, vector<1x128x128xf32>
    %get3A_72 = vector.shape_cast %get3A_71 : vector<1x128x128xf32> to vector<128x128xf32>
    %dot_general3A_73 = arith.constant dense<0.000000e+00> : vector<512x128xf32>
    %dot_general3A_74 = tpu.matmul %max3A_11, %get3A_72, %dot_general3A_73 {dimension_numbers = #tpu.dot_dimension_numbers<[1], [0], [0], [1], [0, 0, 1, 1], [], []>, transpose_lhs_hint = false} : vector<512x128xf32>, vector<128x128xf32>, vector<512x128xf32> -> vector<512x128xf32>
    %swap3A_75 = arith.constant 4 : index
    %swap3A_76 = arith.constant 0 : index
    %swap3A_77 = arith.constant 0 : index
    %swap3A_78 = vector.load %arg6[%swap3A_75, %swap3A_76, %swap3A_77] : memref<9x512x128xf32, #tpu.memory_space<vmem>>, vector<1x512x128xf32>
    %swap3A_79 = vector.shape_cast %swap3A_78 : vector<1x512x128xf32> to vector<512x128xf32>
    %swap3A_80 = vector.shape_cast %dot_general3A_74 : vector<512x128xf32> to vector<1x512x128xf32>
    tpu.vector_store %arg6[%swap3A_75, %swap3A_76, %swap3A_77], %swap3A_80 {strides = array<i32>} : memref<9x512x128xf32, #tpu.memory_space<vmem>>, vector<1x512x128xf32>,
    %get3A_81 = arith.constant 5 : index
    %get3A_82 = arith.constant 0 : index
    %get3A_83 = arith.constant 0 : index
    %get3A_84 = vector.load %arg4[%get3A_81, %get3A_82, %get3A_83] : memref<9x128x128xf32, #tpu.memory_space<vmem>>, vector<1x128x128xf32>
    %get3A_85 = vector.shape_cast %get3A_84 : vector<1x128x128xf32> to vector<128x128xf32>
    %dot_general3A_86 = arith.constant dense<0.000000e+00> : vector<512x128xf32>
    %dot_general3A_87 = tpu.matmul %max3A_11, %get3A_85, %dot_general3A_86 {dimension_numbers = #tpu.dot_dimension_numbers<[1], [0], [0], [1], [0, 0, 1, 1], [], []>, transpose_lhs_hint = false} : vector<512x128xf32>, vector<128x128xf32>, vector<512x128xf32> -> vector<512x128xf32>
    %swap3A_88 = arith.constant 5 : index
    %swap3A_89 = arith.constant 0 : index
    %swap3A_90 = arith.constant 0 : index
    %swap3A_91 = vector.load %arg6[%swap3A_88, %swap3A_89, %swap3A_90] : memref<9x512x128xf32, #tpu.memory_space<vmem>>, vector<1x512x128xf32>
    %swap3A_92 = vector.shape_cast %swap3A_91 : vector<1x512x128xf32> to vector<512x128xf32>
    %swap3A_93 = vector.shape_cast %dot_general3A_87 : vector<512x128xf32> to vector<1x512x128xf32>
    tpu.vector_store %arg6[%swap3A_88, %swap3A_89, %swap3A_90], %swap3A_93 {strides = array<i32>} : memref<9x512x128xf32, #tpu.memory_space<vmem>>, vector<1x512x128xf32>,
    %get3A_94 = arith.constant 6 : index
    %get3A_95 = arith.constant 0 : index
    %get3A_96 = arith.constant 0 : index
    %get3A_97 = vector.load %arg4[%get3A_94, %get3A_95, %get3A_96] : memref<9x128x128xf32, #tpu.memory_space<vmem>>, vector<1x128x128xf32>
    %get3A_98 = vector.shape_cast %get3A_97 : vector<1x128x128xf32> to vector<128x128xf32>
    %dot_general3A_99 = arith.constant dense<0.000000e+00> : vector<512x128xf32>
    %dot_general3A_100 = tpu.matmul %max3A_11, %get3A_98, %dot_general3A_99 {dimension_numbers = #tpu.dot_dimension_numbers<[1], [0], [0], [1], [0, 0, 1, 1], [], []>, transpose_lhs_hint = false} : vector<512x128xf32>, vector<128x128xf32>, vector<512x128xf32> -> vector<512x128xf32>
    %swap3A_101 = arith.constant 6 : index
    %swap3A_102 = arith.constant 0 : index
    %swap3A_103 = arith.constant 0 : index
    %swap3A_104 = vector.load %arg6[%swap3A_101, %swap3A_102, %swap3A_103] : memref<9x512x128xf32, #tpu.memory_space<vmem>>, vector<1x512x128xf32>
    %swap3A_105 = vector.shape_cast %swap3A_104 : vector<1x512x128xf32> to vector<512x128xf32>
    %swap3A_106 = vector.shape_cast %dot_general3A_100 : vector<512x128xf32> to vector<1x512x128xf32>
    tpu.vector_store %arg6[%swap3A_101, %swap3A_102, %swap3A_103], %swap3A_106 {strides = array<i32>} : memref<9x512x128xf32, #tpu.memory_space<vmem>>, vector<1x512x128xf32>,
    %get3A_107 = arith.constant 7 : index
    %get3A_108 = arith.constant 0 : index
    %get3A_109 = arith.constant 0 : index
    %get3A_110 = vector.load %arg4[%get3A_107, %get3A_108, %get3A_109] : memref<9x128x128xf32, #tpu.memory_space<vmem>>, vector<1x128x128xf32>
    %get3A_111 = vector.shape_cast %get3A_110 : vector<1x128x128xf32> to vector<128x128xf32>
    %dot_general3A_112 = arith.constant dense<0.000000e+00> : vector<512x128xf32>
    %dot_general3A_113 = tpu.matmul %max3A_11, %get3A_111, %dot_general3A_112 {dimension_numbers = #tpu.dot_dimension_numbers<[1], [0], [0], [1], [0, 0, 1, 1], [], []>, transpose_lhs_hint = false} : vector<512x128xf32>, vector<128x128xf32>, vector<512x128xf32> -> vector<512x128xf32>
    %swap3A_114 = arith.constant 7 : index
    %swap3A_115 = arith.constant 0 : index
    %swap3A_116 = arith.constant 0 : index
    %swap3A_117 = vector.load %arg6[%swap3A_114, %swap3A_115, %swap3A_116] : memref<9x512x128xf32, #tpu.memory_space<vmem>>, vector<1x512x128xf32>
    %swap3A_118 = vector.shape_cast %swap3A_117 : vector<1x512x128xf32> to vector<512x128xf32>
    %swap3A_119 = vector.shape_cast %dot_general3A_113 : vector<512x128xf32> to vector<1x512x128xf32>
    tpu.vector_store %arg6[%swap3A_114, %swap3A_115, %swap3A_116], %swap3A_119 {strides = array<i32>} : memref<9x512x128xf32, #tpu.memory_space<vmem>>, vector<1x512x128xf32>,
    %get3A_120 = arith.constant 8 : index
    %get3A_121 = arith.constant 0 : index
    %get3A_122 = arith.constant 0 : index
    %get3A_123 = vector.load %arg4[%get3A_120, %get3A_121, %get3A_122] : memref<9x128x128xf32, #tpu.memory_space<vmem>>, vector<1x128x128xf32>
    %get3A_124 = vector.shape_cast %get3A_123 : vector<1x128x128xf32> to vector<128x128xf32>
    %dot_general3A_125 = arith.constant dense<0.000000e+00> : vector<512x128xf32>
    %dot_general3A_126 = tpu.matmul %max3A_11, %get3A_124, %dot_general3A_125 {dimension_numbers = #tpu.dot_dimension_numbers<[1], [0], [0], [1], [0, 0, 1, 1], [], []>, transpose_lhs_hint = false} : vector<512x128xf32>, vector<128x128xf32>, vector<512x128xf32> -> vector<512x128xf32>
    %swap3A_127 = arith.constant 8 : index
    %swap3A_128 = arith.constant 0 : index
    %swap3A_129 = arith.constant 0 : index
    %swap3A_130 = vector.load %arg6[%swap3A_127, %swap3A_128, %swap3A_129] : memref<9x512x128xf32, #tpu.memory_space<vmem>>, vector<1x512x128xf32>
    %swap3A_131 = vector.shape_cast %swap3A_130 : vector<1x512x128xf32> to vector<512x128xf32>
    %swap3A_132 = vector.shape_cast %dot_general3A_126 : vector<512x128xf32> to vector<1x512x128xf32>
    tpu.vector_store %arg6[%swap3A_127, %swap3A_128, %swap3A_129], %swap3A_132 {strides = array<i32>} : memref<9x512x128xf32, #tpu.memory_space<vmem>>, vector<1x512x128xf32>,
    return
  }
  func.func @transform_0(%arg0: i32) -> (i32, i32) {
    %c0_i32 = arith.constant 0 : i32
    %c0_i32_0 = arith.constant 0 : i32
    return %c0_i32, %arg0 : i32, i32
  }
  func.func @transform_1(%arg0: i32) -> (i32, i32) {
    %c0_i32 = arith.constant 0 : i32
    %c0_i32_0 = arith.constant 0 : i32
    %c0_i32_1 = arith.constant 0 : i32
    return %c0_i32, %c0_i32_0 : i32, i32
  }
  func.func @transform_2(%arg0: i32) -> (i32, i32) {
    %c0_i32 = arith.constant 0 : i32
    %c0_i32_0 = arith.constant 0 : i32
    %c0_i32_1 = arith.constant 0 : i32
    return %c0_i32, %c0_i32_0 : i32, i32
  }
  func.func @transform_3(%arg0: i32) -> (i32, i32, i32) {
    %c0_i32 = arith.constant 0 : i32
    %c0_i32_0 = arith.constant 0 : i32
    %c0_i32_1 = arith.constant 0 : i32
    %c0_i32_2 = arith.constant 0 : i32
    return %c0_i32, %c0_i32_0, %c0_i32_1 : i32, i32, i32
  }
  func.func @transform_4(%arg0: i32) -> (i32, i32) {
    %c0_i32 = arith.constant 0 : i32
    %c0_i32_0 = arith.constant 0 : i32
    %c0_i32_1 = arith.constant 0 : i32
    return %c0_i32, %c0_i32_0 : i32, i32
  }
  func.func @transform_5(%arg0: i32) -> (i32, i32, i32) {
    %c0_i32 = arith.constant 0 : i32
    %c0_i32_0 = arith.constant 0 : i32
    %c0_i32_1 = arith.constant 0 : i32
    return %c0_i32, %arg0, %c0_i32_0 : i32, i32, i32
  }
}

</mosaic_0001>

<sc_bundles>
// kernel: sc_conv2_gsum.3.cloned.1.call-start
scs
__scs_entry_jumppad:
0x0: {  	(pc) =	sbr.rel $0x88, $3  }
0x1: {  	(tag) =	ssettag $0x0;
	lr =	simm.s32 $0x1  }
0x2: {  	[smem:$0x3F9A] =	sst lr;
	_ =	strace $0xD0000000  }
0x3: {  	_ = 	snop  }
0x4: {  	_ = 	snop  }
0x5: {  	_ = 	snop  }
0x6: {  	_ = 	snop  }
0x7: {  	_ = 	snop  }
__scs_overlays_trampoline_lowered:
0x8: {  	[smem:$0x3FA9] =	sst s0  }
0x9: {  	[smem:$0x3FAA] =	sst s1  }
0xa: {  	[smem:$0x3FAB] =	sst s2  }
0xb: {  	[smem:$0x3FAC] =	sst s3  }
0xc: {  	[smem:$0x3FAD] =	sst s4  }
0xd: {  	[smem:$0x3FAE] =	sst s5  }
0xe: {  	[smem:$0x3FAF] =	sst s6  }
0xf: {  	[smem:$0x3FB0] =	sst s7  }
0x10: {  	[smem:$0x3FB1] =	sst s8  }
0x11: {  	[smem:$0x3FB2] =	sst s9;
	s0 =	simm.s32 @!p0 $0x0  }
0x12: {  	s1 =	sld [smem:$0x3F98];
	s0 =	simm.s32 @p0 $0x1  }
0x13: {  	[smem:$0x3FB3] =	sst s0;
	s0 =	simm.s32 @!p1 $0x0  }
0x14: {  	s2 =	sld [smem:$0x3F97];
	s0 =	simm.s32 @p1 $0x1  }
0x15: {  	[smem:$0x3FB4] =	sst s0;
	s0 =	simm.s32 @!p2 $0x0  }
0x16: {  	s3 =	sld [smem:$0x3FDB];
	s0 =	simm.s32 @p2 $0x1  }
0x17: {  	s4 =	simm.s32 $0x1BF5;
	[smem:$0x3FB6] =	sst s0  }
0x18: {  	s0 =	sld [smem:$0x3F99];
	_ =	swait.ge [sflag:s4], $0x0  }
0x19: {  	s7 =	sld [smem:$0x3F9A]  }
0x1a: {  	s8 =	sadd.s32 $0xFFFFE003, lr  }
0x1b: {  	s9 =	sadd.s32 $0xFFFFFEF7, lr;
	s5 =	simm.s32 $0xFFFFFFFF;
	p2 =	slt.u32 s8, $0xFFFFF086  }
0x1c: {  	p1 =	slt.u32 s9, $0xF7A;
	s5 =	simm.s32 @!p2 $0x0  }
0x1d: {  	s5 =	simm.s32 @p1 $0x1;
	p0 =	seq.s32 s7, s2  }
0x1e: {  	s7 =	smul.u32 @!p0 $0xF7A, s2;
	p2 =	seq.s32 @!p0 s5, $0x0  }
0x1f: {  	s9 =	smul.u32 $0xF7A, s1;
	s8 =	simm.s32 @!p0 $0x1BF5;
	p2 =	por !p2, p0  }
0x20: {  	[sflag:s8] =	ssyncset.s32 @!p0 $0xFFFFF086;
	s6 =	sadd.s32 @!p0 s3, s7;
	s7 =	simm.s32 @!p0 $0x108  }
0x21: {  	s3 =	sadd.s32 s3, s9;
	s6 =	sadd.s32 @!p0 $0x88, s6;
	s7 =	simm.s32 @p2 $0x1082  }
0x22: {  	[simem:s7], [sflag:s8] =	dma.local @!p0 [hbm:s6], $0xF7A  }
0x23: {  	s9 =	sor.u32 $0xD0000000, s2;
	s6 =	simm.s32 $0x108;
	_ =	swait.ge @!p0 [sflag:s8], $0x0  }
0x24: {  	s3 =	sadd.s32 $0x88, s3;
	s6 =	simm.s32 @!p1 $0x1082;
	[sflag:s4] =	ssyncset.s32 $0xFFFFF086  }
0x25: {  	[simem:s6], [sflag:s4] =	dma.local [hbm:s3], $0xF7A  }
0x26: {  	[smem:$0x3F9A] =	sst s1;
	(tag) =	ssettag s2;
	_ =	strace s9  }
0x27: {  	s1 =	sld [smem:$0x3FAA]  }
0x28: {  	s2 =	sld [smem:$0x3FAB]  }
0x29: {  	s4 =	sld [smem:$0x3FAD]  }
0x2a: {  	p0 =	seq.s32 s5, $0x0;
	s5 =	sld [smem:$0x3FAE]  }
0x2b: {  	s6 =	sld [smem:$0x3FAF]  }
0x2c: {  	s7 =	sld [smem:$0x3FB0]  }
0x2d: {  	s3 =	simm.s32 $0x108;
	s8 =	sld [smem:$0x3FB1]  }
0x2e: {  	s3 =	simm.s32 @!p0 $0x1082;
	s9 =	sld [smem:$0x3FB2]  }
0x2f: {  	lr =	sadd.s32 s0, s3;
	s0 =	sld [smem:$0x3FA9]  }
0x30: {  	s3 =	sld [smem:$0x3FAC]  }
0x31: {  	[smem:$0x3FB5] =	sst s10  }
0x32: {  	s10 =	sld [smem:$0x3FB3];
	_ =	sdelay $0x3  }
0x33: {  	p0 =	seq.s32 s10, $0x1;
	s10 =	sld [smem:$0x3FB5];
	_ =	sdelay $0x3  }
0x34: {  	[smem:$0x3FB5] =	sst s10  }
0x35: {  	s10 =	sld [smem:$0x3FB4];
	_ =	sdelay $0x3  }
0x36: {  	p1 =	seq.s32 s10, $0x1;
	s10 =	sld [smem:$0x3FB5];
	_ =	sdelay $0x3  }
0x37: {  	[smem:$0x3FB5] =	sst s10  }
0x38: {  	s10 =	sld [smem:$0x3FB6]  }
0x39: {  	_ = 	snop;
	(pc) =	sbr.ind lr, $3  }
0x3a: {  	_ = 	snop  }
0x3b: {  	_ = 	snop  }
0x3c: {  	p2 =	seq.s32 s10, $0x1;
	s10 =	sld [smem:$0x3FB5]  }
0x3d: {  	_ =	shalt  }
0x3e: {  	_ =	shalt  }
0x3f: {  	_ =	shalt  }
0x40: {  	_ =	shalt  }
0x41: {  	_ =	shalt  }
0x42: {  	_ =	shalt  }
0x43: {  	_ =	shalt  }
0x44: {  	_ =	shalt  }
0x45: {  	_ =	shalt  }
0x46: {  	_ =	shalt  }
0x47: {  	_ =	shalt  }
0x48: {  	_ =	shalt  }
0x49: {  	_ =	shalt  }
0x4a: {  	_ =	shalt  }
0x4b: {  	_ =	shalt  }
0x4c: {  	_ =	shalt  }
0x4d: {  	_ =	shalt  }
0x4e: {  	_ =	shalt  }
0x4f: {  	_ =	shalt  }
0x50: {  	_ =	shalt  }
0x51: {  	_ =	shalt  }
0x52: {  	_ =	shalt  }
0x53: {  	_ =	shalt  }
0x54: {  	_ =	shalt  }
0x55: {  	_ =	shalt  }
0x56: {  	_ =	shalt  }
0x57: {  	_ =	shalt  }
0x58: {  	_ =	shalt  }
0x59: {  	_ =	shalt  }
0x5a: {  	_ =	shalt  }
0x5b: {  	_ =	shalt  }
0x5c: {  	_ =	shalt  }
0x5d: {  	_ =	shalt  }
0x5e: {  	_ =	shalt  }
0x5f: {  	_ =	shalt  }
0x60: {  	_ =	shalt  }
0x61: {  	_ =	shalt  }
0x62: {  	_ =	shalt  }
0x63: {  	_ =	shalt  }
0x64: {  	_ =	shalt  }
0x65: {  	_ =	shalt  }
0x66: {  	_ =	shalt  }
0x67: {  	_ =	shalt  }
0x68: {  	_ =	shalt  }
0x69: {  	_ =	shalt  }
0x6a: {  	_ =	shalt  }
0x6b: {  	_ =	shalt  }
0x6c: {  	_ =	shalt  }
0x6d: {  	_ =	shalt  }
0x6e: {  	_ =	shalt  }
0x6f: {  	_ =	shalt  }
0x70: {  	_ =	shalt  }
0x71: {  	_ =	shalt  }
0x72: {  	_ =	shalt  }
0x73: {  	_ =	shalt  }
0x74: {  	_ =	shalt  }
0x75: {  	_ =	shalt  }
0x76: {  	_ =	shalt  }
0x77: {  	_ =	shalt  }
0x78: {  	_ =	shalt  }
0x79: {  	_ =	shalt  }
0x7a: {  	_ =	shalt  }
0x7b: {  	_ =	shalt  }
0x7c: {  	_ =	shalt  }
0x7d: {  	_ =	shalt  }
0x7e: {  	_ =	shalt  }
0x7f: {  	_ =	shalt  }
0x80: {  	_ =	shalt  }
0x81: {  	_ =	shalt  }
0x82: {  	_ =	shalt  }
0x83: {  	_ =	shalt  }
0x84: {  	_ =	shalt  }
0x85: {  	_ =	shalt  }
0x86: {  	_ =	shalt  }
0x87: {  	_ =	shalt  }
.Lfunc_end0:
.L_simem_size_0:
called_computation.1_lowered:
.L_overlay_start_0:
0x88: {  	s2 =	sld [smem:$0x3FD9]  }
0x89: {  	s3 =	sld [smem:$0x3FFE];
	_ =	sdelay $0x1  }
0x8a: {  	s1 =	srdreg.scid  }
0x8b: {  	s0 =	sand.u32 $0x1, s1  }
0x8c: {  	s16 =	sshll.u32 s0, $0xA;
	s2 =	sadd.s32 s3, s2  }
0x8d: {  	s2 =	sadd.s32 s2, s16  }
0x8e: {  	[smem:$0x3FC1] =	sst s2  }
0x8f: {  	_ = 	snop  }
0x90: {  	(tm) =	ssettm $0x1  }
0x91: {  	s17 =	sld [smem:$0x3FFB];
	_ =	sdelay $0x3  }
0x92: {  	_ =	strace s17  }
0x93: {  	s2 =	sld [smem:$0x3FFC];
	_ =	sdelay $0x3  }
0x94: {  	_ =	strace s2  }
0x95: {  	s2 =	sld [smem:$0x3FFD];
	_ =	sdelay $0x3  }
0x96: {  	_ =	strace s2  }
0x97: {  	_ =	strace $0x8FFFFFFF  }
0x98: {  	s18 =	sld [smem:$0x3FDB];
	_ =	sdelay $0x1  }
0x99: {  	s19 =	simm.s32 $_scs_section_size  }
0x9a: {  	s4 =	simm.s32 $_size__tile_overlayer_lowered;
	s5 =	simm.s32 $_tile_overlayer_lowered  }
0x9b: {  	s22 =	simm.s32 $0x1BFF;
	s21 =	sshll.u32 s5, $0x1;
	s2 =	sadd.s32 s19, s18  }
0x9c: {  	s6 =	simm.s32 $0x0;
	s20 =	sshll.u32 s4, $0x1;
	s4 =	sadd.s32 s21, s2  }
0x9d: {  	[timem:s6], [sflag:s22] =	dma.local [hbm:s4], s20  }
0x9e: {  	_ =	swait.ge [sflag:s22], s20  }
0x9f: {  	s3 =	ssub.s32 $0x0, s20;
	[sflag:s22] =	ssyncset.done $0x0  }
0xa0: {  	[sflag:s22] =	ssyncadd.s32 s3;
	_ =	sdelay $0x1  }
0xa1: {  	s23 =	simm.s32 $0x1B8B  }
0xa2: {  	_ =	swait.ge [sflag:s23], $0x1  }
0xa3: {  	[sflag:s23] =	ssyncset.done $0x0  }
0xa4: {  	s25 =	simm.s32 $0x1B8E;
	s24 =	sld [smem:$0x3FFE];
	[sflag:s23] =	ssyncadd.s32 $0xFFFFFFFF  }
0xa5: {  	s26 =	simm.s32 $execute0_lowered;
	[smem:$0x3FD2] =	sst s25  }
0xa6: {  	s4 =	sshll.u32 s26, $0x1;
	_ =	strace $0x80000049;
	[dreg:$0x1] =	wrdreg $0xFFFFFFFF  }
0xa7: {  	s28 =	simm.s32 $_size_execute0_lowered;
	s2 =	sadd.s32 s2, s4;
	[dreg:$0x0] =	wrdreg $0x0  }
0xa8: {  	s4 =	sshll.u32 s28, $0x1;
	[dreg:$0x2] =	wrdreg s2  }
0xa9: {  	[dreg:$0x3] =	wrdreg s4  }
0xaa: {  	[dreg:$0x4] =	wrdreg $0xC0  }
0xab: {  	_ =	task [dreg:s6], $0x5FFFF  }
0xac: {  	[dreg:$0x1] =	wrdreg $0xFFFFFFFF  }
0xad: {  	[dreg:$0x0] =	wrdreg $0x60  }
0xae: {  	[dreg:$0x2] =	wrdreg s24  }
0xaf: {  	[dreg:$0x3] =	wrdreg $0x9  }
0xb0: {  	_ =	task.clear_ibuf [dreg:s6], $0x4FFFF;
	_ =	strace $0x90000049  }
0xb1: {  	s29 =	simm.s32 $0x9;
	_ =	strace $0x8000004B  }
0xb2: {  	_ =	swait.ge [sflag:s29], $0x1  }
0xb3: {  	[sflag:s29] =	ssyncadd.s32 $0xFFFFFFFF  }
0xb4: {  	_ =	strace $0x9000004B  }
0xb5: {  	_ =	sfence  }
0xb6: {  	s30 =	sld [smem:$0x0];
	_ =	sdelay $0x2  }
0xb7: {  	s31 =	sshll.u32 s1, $0xD;
	s1 =	sshrl.u32 s1, $0x2  }
0xb8: {  	s3 =	sand.u32 $0x4000, s31;
	s1 =	sadd.s32 s1, s30  }
0xb9: {  	s0 =	sor.u32 s3, s0;
	s1 =	sshll.u32 s1, $0x11  }
0xba: {  	s0 =	sor.u32 s1, s0  }
0xbb: {  	s0 =	sadd.s32 $0x8F2B, s0  }
0xbc: {  	[sflag:s0] =	ssyncadd.remote.s32 $0x1  }
0xbd: {  	_ =	sfence.sel $0xFFFF  }
0xbe: {  	[dreg:$0x0] =	wrdreg $0xFFFFFFFF;
	(pc) =	sbr.abs _section_cstart, $3  }
0xbf: {  	[dreg:$0x1] =	wrdreg $0xFFFFFFFF  }
0xc0: {  	_ =	task.clear_ibuf [dreg:s6], $0x2FFFF;
	_ =	strace $0x9FFFFFFF  }
0xc1: {  	(tm) =	ssettm $0x7FFFFFFF  }
tec
execute0_lowered:
.L_overlay_start_1:
0x0: {  	(tag) =	ssettag $0x1  }
0x1: {  	s0 =	srdreg.scid  }
0x2: {  	s1 =	rddreg [dreg:$0x0];
	s8 =	stileid.u32  }
0x3: {  	s2 =	simm.s32 $0x0;
	s10 =	simm.s32 $0x5;
	s11 =	simm.s32 $0x60  }
0x4: {  	s15 =	simm.s32 $0x9880;
	s16 =	simm.s32 $0xC880;
	s17 =	simm.s32 $0xF880  }
0x5: {  	s18 =	simm.s32 $0x12880;
	s19 =	simm.s32 $0x1;
	s20 =	simm.s32 $0x15880  }
0x6: {  	s21 =	simm.s32 $0x2;
	s22 =	simm.s32 $0x16880;
	s23 =	simm.s32 $0x3  }
0x7: {  	s24 =	simm.s32 $0x4;
	s25 =	simm.s32 $0x0;
	s0 =	sand.u32 $0x1, s0  }
0x8: {  	s3 =	sshll.u32 s0, $0x4;
	s5 =	ssub.s32 $0x2, s0;
	s0 =	smul.u32 $0x6400, s0  }
0x9: {  	[smem:$0x7FF] =	sst s2;
	s6 =	sor.u32 s8, s3;
	s8 =	smul.u32 $0x640, s8  }
0xa: {  	_ =	strace $0x8000004A;
	s7 =	sshrl.u32 s5, $0x1;
	s4 =	smul.u32 $0x708, s6  }
0xb: {  	s3 =	sadd.s32 $0x22600, s1;
	s31 =	ssub.s32 s5, s7;
	s6 =	smul.u32 $0x32000, s6  }
0xc: {  	s7 =	sadd.s32 s8, s0;
	s8 =	smax.u32 s31, $0x1;
	s9 =	sadd.s32 s4, s1  }
0xd: {  	s4 =	sadd.s32 $0x72A600, s1;
	s5 =	sadd.s32 $0x14400, s9;
	s9 =	sor.u32 $0x20, s7  }
.LBB2_1:
0xe: {  	[tilespmem:s2], [sflag:$0x5] =	stream.linear.gather [hbm4b:s5+s2], $0x3840, $0x38;
	[tilespmem:$0x17880] =	vst v63  }
0xf: {  	_ =	swait.ge [sflag:s10], $0x3840  }
0x10: {  	[sflag:s10] =	ssyncset.done $0x0  }
0x11: {  	s0 =	simm.s32 $0x3880;
	[sflag:s10] =	ssyncadd.s32 $0xFFFFC7C0  }
0x12: {  	[tilespmem:s0], [sflag:$0x1] =	stream.indirect.gather [hbm4b:s3+s11], $0x80, s2, s11, $0xb8;
	[tilespmem:$0x17880] =	vst v63  }
0x13: {  	s30 =	simm.s32 $0x6880;
	s31 =	simm.s32 $0xC0  }
0x14: {  	[tilespmem:s30], [sflag:$0x1] =	stream.indirect.gather [hbm4b:s3+s11], $0x80, s11, s11, $0xb8;
	[tilespmem:$0x17880] =	vst v63  }
0x15: {  	s26 =	smov.u32 s9;
	s28 =	smov.u32 s7;
	s29 =	simm.s32 $0x0  }
0x16: {  	[tilespmem:s15], [sflag:$0x1] =	stream.indirect.gather [hbm4b:s3+s11], $0x80, s31, s11, $0xb8;
	[tilespmem:$0x17880] =	vst v63  }
.LBB2_2:
0x17: {  	s30 =	sshllo.u32 s29, $0x1  }
0x18: {  	s0 =	smul.u32 $0x480, s30;
	_ =	sdelay $0x1  }
0x19: {  	s0 =	sshra.s32 s0, $0x2  }
0x1a: {  	[tilespmem:s16], [sflag:$0x2] =	stream.indirect.gather [hbm4b:s3+s11], $0x80, s0, s11, $0xb8;
	[tilespmem:$0x17880] =	vst v63  }
0x1b: {  	s1 =	sadd.s32 $0x60, s0  }
0x1c: {  	[tilespmem:s17], [sflag:$0x2] =	stream.indirect.gather [hbm4b:s3+s11], $0x80, s1, s11, $0xb8;
	[tilespmem:$0x17880] =	vst v63  }
0x1d: {  	p0 =	seq.s32 s29, $0x0;
	s0 =	sadd.s32 $0xC0, s0  }
0x1e: {  	[tilespmem:s18], [sflag:$0x2] =	stream.indirect.gather [hbm4b:s3+s11], $0x80, s0, s11, $0xb8;
	[tilespmem:$0x17880] =	vst v63  }
0x1f: {  	s0 =	simm.s32 @!p0 $0x3  }
0x20: {  	_ =	swait.ge @!p0 [sflag:s0], $0x1000  }
0x21: {  	[sflag:s0] =	ssyncset.done @!p0 $0x0  }
0x22: {  	[sflag:s0] =	ssyncadd.s32 @!p0 $0xFFFFF000  }
0x23: {  	_ =	swait.ge [sflag:s19], $0x3000  }
0x24: {  	[sflag:s19] =	ssyncset.done $0x0  }
0x25: {  	[sflag:s19] =	ssyncadd.s32 $0xFFFFD000  }
0x26: {  	_ =	swait.ge [sflag:s19], $0x3000  }
0x27: {  	[sflag:s19] =	ssyncset.done $0x0  }
0x28: {  	[sflag:s19] =	ssyncadd.s32 $0xFFFFD000  }
0x29: {  	_ =	swait.ge [sflag:s19], $0x3000  }
0x2a: {  	[sflag:s19] =	ssyncset.done $0x0  }
0x2b: {  	s31 =	simm.s32 $0x3AC0;
	[sflag:s19] =	ssyncadd.s32 $0xFFFFD000  }
0x2c: {  	v0 =	vld [tilespmem:s31+$0xFFFFFDC0]  }
0x2d: {  	v1 =	vld [tilespmem:s31+$0xFFFFFE40];
	_ =	sdelay $0x1  }
0x2e: {  	v2 =	vld [tilespmem:s31+$0xFFFFFEC0];
	_ =	sdelay $0x1  }
0x2f: {  	v3 =	vld [tilespmem:s31+$0xFFFFFF40]  }
0x30: {  	v0 =	vadd.f32 v1, v0  }
0x31: {  	v1 =	vld [tilespmem:s31+$0xFFFFFFC0]  }
0x32: {  	v0 =	vadd.f32 v2, v0  }
0x33: {  	v2 =	vld [tilespmem:s31+$0x40]  }
0x34: {  	v0 =	vadd.f32 v3, v0  }
0x35: {  	v3 =	vld [tilespmem:s31+$0xC0]  }
0x36: {  	v0 =	vadd.f32 v1, v0  }
0x37: {  	v1 =	vld [tilespmem:s31+$0x140]  }
0x38: {  	v0 =	vadd.f32 v2, v0  }
0x39: {  	v2 =	vld [tilespmem:s31+$0x1C0]  }
0x3a: {  	v0 =	vadd.f32 v3, v0;
	_ =	sdelay $0x1  }
0x3b: {  	v0 =	vadd.f32 v1, v0;
	_ =	sdelay $0x1  }
0x3c: {  	s14 =	sadd.s32 $0x0, s28;
	v0 =	vadd.f32 v2, v0  }
0x3d: {  	s1 =	simm.f32 $1.000000000e+00;
	p0 =	slt.u32 s14, $0xC350  }
0x3e: {  	s1 =	simm.s32 @!p0 $0x0;
	v0 =	vmax.f32 v0, $0.0e+00  }
0x3f: {  	v0 =	vmul.f32 s1, v0  }
0x40: {  	s0 =	simm.s32 $0x158C0  }
0x41: {  	[tilespmem:s0+$0xFFFFFFC0] =	vst v0  }
0x42: {  	v0 =	vld [tilespmem:s31+$0xFFFFFDD0]  }
0x43: {  	v1 =	vld [tilespmem:s31+$0xFFFFFE50];
	_ =	sdelay $0x1  }
0x44: {  	v2 =	vld [tilespmem:s31+$0xFFFFFED0];
	_ =	sdelay $0x1  }
0x45: {  	v3 =	vld [tilespmem:s31+$0xFFFFFF50]  }
0x46: {  	v0 =	vadd.f32 v1, v0  }
0x47: {  	v1 =	vld [tilespmem:s31+$0xFFFFFFD0]  }
0x48: {  	v0 =	vadd.f32 v2, v0  }
0x49: {  	v2 =	vld [tilespmem:s31+$0x50]  }
0x4a: {  	v0 =	vadd.f32 v3, v0  }
0x4b: {  	v3 =	vld [tilespmem:s31+$0xD0]  }
0x4c: {  	v0 =	vadd.f32 v1, v0  }
0x4d: {  	v1 =	vld [tilespmem:s31+$0x150]  }
0x4e: {  	v0 =	vadd.f32 v2, v0  }
0x4f: {  	v2 =	vld [tilespmem:s31+$0x1D0]  }
0x50: {  	v0 =	vadd.f32 v3, v0;
	_ =	sdelay $0x1  }
0x51: {  	v0 =	vadd.f32 v1, v0;
	_ =	sdelay $0x1  }
0x52: {  	v0 =	vadd.f32 v2, v0;
	_ =	sdelay $0x1  }
0x53: {  	v0 =	vmax.f32 v0, $0.0e+00  }
0x54: {  	v0 =	vmul.f32 s1, v0;
	_ =	sdelay $0x1  }
0x55: {  	[tilespmem:s0+$0xFFFFFFD0] =	vst v0  }
0x56: {  	v0 =	vld [tilespmem:s31+$0xFFFFFDE0]  }
0x57: {  	v1 =	vld [tilespmem:s31+$0xFFFFFE60];
	_ =	sdelay $0x1  }
0x58: {  	v2 =	vld [tilespmem:s31+$0xFFFFFEE0];
	_ =	sdelay $0x1  }
0x59: {  	v3 =	vld [tilespmem:s31+$0xFFFFFF60]  }
0x5a: {  	v0 =	vadd.f32 v1, v0  }
0x5b: {  	v1 =	vld [tilespmem:s31+$0xFFFFFFE0]  }
0x5c: {  	v0 =	vadd.f32 v2, v0  }
0x5d: {  	v2 =	vld [tilespmem:s31+$0x60]  }
0x5e: {  	v0 =	vadd.f32 v3, v0  }
0x5f: {  	v3 =	vld [tilespmem:s31+$0xE0]  }
0x60: {  	v0 =	vadd.f32 v1, v0  }
0x61: {  	v1 =	vld [tilespmem:s31+$0x160]  }
0x62: {  	v0 =	vadd.f32 v2, v0  }
0x63: {  	v2 =	vld [tilespmem:s31+$0x1E0]  }
0x64: {  	v0 =	vadd.f32 v3, v0;
	_ =	sdelay $0x1  }
0x65: {  	v0 =	vadd.f32 v1, v0;
	_ =	sdelay $0x1  }
0x66: {  	v0 =	vadd.f32 v2, v0;
	_ =	sdelay $0x1  }
0x67: {  	v0 =	vmax.f32 v0, $0.0e+00  }
0x68: {  	v0 =	vmul.f32 s1, v0;
	_ =	sdelay $0x1  }
0x69: {  	[tilespmem:s0+$0xFFFFFFE0] =	vst v0  }
0x6a: {  	v0 =	vld [tilespmem:s31+$0xFFFFFDF0]  }
0x6b: {  	v1 =	vld [tilespmem:s31+$0xFFFFFE70];
	_ =	sdelay $0x1  }
0x6c: {  	v2 =	vld [tilespmem:s31+$0xFFFFFEF0];
	_ =	sdelay $0x1  }
0x6d: {  	v3 =	vld [tilespmem:s31+$0xFFFFFF70]  }
0x6e: {  	v0 =	vadd.f32 v1, v0  }
0x6f: {  	v1 =	vld [tilespmem:s31+$0xFFFFFFF0]  }
0x70: {  	v0 =	vadd.f32 v2, v0  }
0x71: {  	v2 =	vld [tilespmem:s31+$0x70]  }
0x72: {  	v0 =	vadd.f32 v3, v0  }
0x73: {  	v3 =	vld [tilespmem:s31+$0xF0]  }
0x74: {  	v0 =	vadd.f32 v1, v0  }
0x75: {  	v1 =	vld [tilespmem:s31+$0x170]  }
0x76: {  	v0 =	vadd.f32 v2, v0  }
0x77: {  	v2 =	vld [tilespmem:s31+$0x1F0]  }
0x78: {  	v0 =	vadd.f32 v3, v0;
	_ =	sdelay $0x1  }
0x79: {  	v0 =	vadd.f32 v1, v0;
	_ =	sdelay $0x1  }
0x7a: {  	v0 =	vadd.f32 v2, v0;
	_ =	sdelay $0x1  }
0x7b: {  	v0 =	vmax.f32 v0, $0.0e+00  }
0x7c: {  	v0 =	vmul.f32 s1, v0;
	_ =	sdelay $0x1  }
0x7d: {  	[tilespmem:s0+$0xFFFFFFF0] =	vst v0  }
0x7e: {  	v0 =	vld [tilespmem:s31+$0xFFFFFE00]  }
0x7f: {  	v1 =	vld [tilespmem:s31+$0xFFFFFE80];
	_ =	sdelay $0x1  }
0x80: {  	v2 =	vld [tilespmem:s31+$0xFFFFFF00];
	_ =	sdelay $0x1  }
0x81: {  	v3 =	vld [tilespmem:s31+$0xFFFFFF80]  }
0x82: {  	v0 =	vadd.f32 v1, v0  }
0x83: {  	v1 =	vld [tilespmem:s31+$0x0]  }
0x84: {  	v0 =	vadd.f32 v2, v0  }
0x85: {  	v2 =	vld [tilespmem:s31+$0x80]  }
0x86: {  	v0 =	vadd.f32 v3, v0  }
0x87: {  	v3 =	vld [tilespmem:s31+$0x100]  }
0x88: {  	v0 =	vadd.f32 v1, v0  }
0x89: {  	v1 =	vld [tilespmem:s31+$0x180]  }
0x8a: {  	v0 =	vadd.f32 v2, v0  }
0x8b: {  	v2 =	vld [tilespmem:s31+$0x200]  }
0x8c: {  	v0 =	vadd.f32 v3, v0;
	_ =	sdelay $0x1  }
0x8d: {  	v0 =	vadd.f32 v1, v0;
	_ =	sdelay $0x1  }
0x8e: {  	v0 =	vadd.f32 v2, v0;
	_ =	sdelay $0x1  }
0x8f: {  	v0 =	vmax.f32 v0, $0.0e+00  }
0x90: {  	v0 =	vmul.f32 s1, v0;
	_ =	sdelay $0x1  }
0x91: {  	[tilespmem:s0+$0x0] =	vst v0  }
0x92: {  	v0 =	vld [tilespmem:s31+$0xFFFFFE10]  }
0x93: {  	v1 =	vld [tilespmem:s31+$0xFFFFFE90];
	_ =	sdelay $0x1  }
0x94: {  	v2 =	vld [tilespmem:s31+$0xFFFFFF10];
	_ =	sdelay $0x1  }
0x95: {  	v3 =	vld [tilespmem:s31+$0xFFFFFF90]  }
0x96: {  	v0 =	vadd.f32 v1, v0  }
0x97: {  	v1 =	vld [tilespmem:s31+$0x10]  }
0x98: {  	v0 =	vadd.f32 v2, v0  }
0x99: {  	v2 =	vld [tilespmem:s31+$0x90]  }
0x9a: {  	v0 =	vadd.f32 v3, v0  }
0x9b: {  	v3 =	vld [tilespmem:s31+$0x110]  }
0x9c: {  	v0 =	vadd.f32 v1, v0  }
0x9d: {  	v1 =	vld [tilespmem:s31+$0x190]  }
0x9e: {  	v0 =	vadd.f32 v2, v0  }
0x9f: {  	v2 =	vld [tilespmem:s31+$0x210]  }
0xa0: {  	v0 =	vadd.f32 v3, v0;
	_ =	sdelay $0x1  }
0xa1: {  	v0 =	vadd.f32 v1, v0;
	_ =	sdelay $0x1  }
0xa2: {  	v0 =	vadd.f32 v2, v0;
	_ =	sdelay $0x1  }
0xa3: {  	v0 =	vmax.f32 v0, $0.0e+00  }
0xa4: {  	v0 =	vmul.f32 s1, v0;
	_ =	sdelay $0x1  }
0xa5: {  	[tilespmem:s0+$0x10] =	vst v0  }
0xa6: {  	v0 =	vld [tilespmem:s31+$0xFFFFFE20]  }
0xa7: {  	v1 =	vld [tilespmem:s31+$0xFFFFFEA0];
	_ =	sdelay $0x1  }
0xa8: {  	v2 =	vld [tilespmem:s31+$0xFFFFFF20];
	_ =	sdelay $0x1  }
0xa9: {  	v3 =	vld [tilespmem:s31+$0xFFFFFFA0]  }
0xaa: {  	v0 =	vadd.f32 v1, v0  }
0xab: {  	v1 =	vld [tilespmem:s31+$0x20]  }
0xac: {  	v0 =	vadd.f32 v2, v0  }
0xad: {  	v2 =	vld [tilespmem:s31+$0xA0]  }
0xae: {  	v0 =	vadd.f32 v3, v0  }
0xaf: {  	v3 =	vld [tilespmem:s31+$0x120]  }
0xb0: {  	v0 =	vadd.f32 v1, v0  }
0xb1: {  	v1 =	vld [tilespmem:s31+$0x1A0]  }
0xb2: {  	v0 =	vadd.f32 v2, v0  }
0xb3: {  	v2 =	vld [tilespmem:s31+$0x220]  }
0xb4: {  	v0 =	vadd.f32 v3, v0;
	_ =	sdelay $0x1  }
0xb5: {  	v0 =	vadd.f32 v1, v0;
	_ =	sdelay $0x1  }
0xb6: {  	v0 =	vadd.f32 v2, v0;
	_ =	sdelay $0x1  }
0xb7: {  	v0 =	vmax.f32 v0, $0.0e+00  }
0xb8: {  	v0 =	vmul.f32 s1, v0;
	_ =	sdelay $0x1  }
0xb9: {  	[tilespmem:s0+$0x20] =	vst v0  }
0xba: {  	v0 =	vld [tilespmem:s31+$0xFFFFFE30]  }
0xbb: {  	v1 =	vld [tilespmem:s31+$0xFFFFFEB0];
	_ =	sdelay $0x1  }
0xbc: {  	v2 =	vld [tilespmem:s31+$0xFFFFFF30];
	_ =	sdelay $0x1  }
0xbd: {  	v3 =	vld [tilespmem:s31+$0xFFFFFFB0]  }
0xbe: {  	v0 =	vadd.f32 v1, v0  }
0xbf: {  	v1 =	vld [tilespmem:s31+$0x30]  }
0xc0: {  	v0 =	vadd.f32 v2, v0  }
0xc1: {  	v2 =	vld [tilespmem:s31+$0xB0]  }
0xc2: {  	v0 =	vadd.f32 v3, v0  }
0xc3: {  	v3 =	vld [tilespmem:s31+$0x130]  }
0xc4: {  	v0 =	vadd.f32 v1, v0  }
0xc5: {  	v1 =	vld [tilespmem:s31+$0x1B0]  }
0xc6: {  	v2 =	vadd.f32 v2, v0  }
0xc7: {  	v0 =	vld [tilespmem:s31+$0x230]  }
0xc8: {  	s13 =	simm.s32 $0x1;
	s12 =	simm.s32 $0x158C0;
	v2 =	vadd.f32 v3, v2  }
.LBB2_3:
0xc9: {  	p0 =	sne.s32 s13, $0x1F;
	s0 =	sadd.s32 $0x80, s0;
	s31 =	sadd.s32 $0x480, s31  }
0xca: {  	s14 =	smov.u32 s13;
	s13 =	sadd.s32 $0x1, s13;
	v1 =	vadd.f32 v1, v2;
	_ =	sdelay $0x1  }
0xcb: {  	v0 =	vadd.f32 v0, v1;
	_ =	sdelay $0x1  }
0xcc: {  	v0 =	vmax.f32 v0, $0.0e+00  }
0xcd: {  	v0 =	vmul.f32 s1, v0;
	_ =	sdelay $0x1  }
0xce: {  	[tilespmem:s12+$0x30] =	vst v0;
	s12 =	smov.u32 s0  }
0xcf: {  	v0 =	vld [tilespmem:s31+$0xFFFFFDC0]  }
0xd0: {  	v1 =	vld [tilespmem:s31+$0xFFFFFE40]  }
0xd1: {  	v2 =	vld [tilespmem:s31+$0xFFFFFEC0];
	_ =	sdelay $0x2  }
0xd2: {  	v3 =	vld [tilespmem:s31+$0xFFFFFF40]  }
0xd3: {  	v0 =	vadd.f32 v1, v0  }
0xd4: {  	v1 =	vld [tilespmem:s31+$0xFFFFFFC0]  }
0xd5: {  	v0 =	vadd.f32 v2, v0  }
0xd6: {  	v2 =	vld [tilespmem:s31+$0x40]  }
0xd7: {  	v0 =	vadd.f32 v3, v0  }
0xd8: {  	v3 =	vld [tilespmem:s31+$0xC0]  }
0xd9: {  	v0 =	vadd.f32 v1, v0  }
0xda: {  	v1 =	vld [tilespmem:s31+$0x140]  }
0xdb: {  	v0 =	vadd.f32 v2, v0  }
0xdc: {  	v2 =	vld [tilespmem:s31+$0x1C0]  }
0xdd: {  	v0 =	vadd.f32 v3, v0;
	_ =	sdelay $0x1  }
0xde: {  	v0 =	vadd.f32 v1, v0;
	_ =	sdelay $0x1  }
0xdf: {  	s1 =	sadd.s32 s14, s28;
	v0 =	vadd.f32 v2, v0  }
0xe0: {  	p1 =	slt.u32 s1, $0xC350;
	s1 =	simm.f32 $1.000000000e+00  }
0xe1: {  	s1 =	simm.s32 @!p1 $0x0;
	v0 =	vmax.f32 v0, $0.0e+00  }
0xe2: {  	v0 =	vmul.f32 s1, v0;
	_ =	sdelay $0x1  }
0xe3: {  	[tilespmem:s0+$0xFFFFFFC0] =	vst v0  }
0xe4: {  	v0 =	vld [tilespmem:s31+$0xFFFFFDD0]  }
0xe5: {  	v1 =	vld [tilespmem:s31+$0xFFFFFE50];
	_ =	sdelay $0x1  }
0xe6: {  	v2 =	vld [tilespmem:s31+$0xFFFFFED0];
	_ =	sdelay $0x1  }
0xe7: {  	v3 =	vld [tilespmem:s31+$0xFFFFFF50]  }
0xe8: {  	v0 =	vadd.f32 v1, v0  }
0xe9: {  	v1 =	vld [tilespmem:s31+$0xFFFFFFD0]  }
0xea: {  	v0 =	vadd.f32 v2, v0  }
0xeb: {  	v2 =	vld [tilespmem:s31+$0x50]  }
0xec: {  	v0 =	vadd.f32 v3, v0  }
0xed: {  	v3 =	vld [tilespmem:s31+$0xD0]  }
0xee: {  	v0 =	vadd.f32 v1, v0  }
0xef: {  	v1 =	vld [tilespmem:s31+$0x150]  }
0xf0: {  	v0 =	vadd.f32 v2, v0  }
0xf1: {  	v2 =	vld [tilespmem:s31+$0x1D0]  }
0xf2: {  	v0 =	vadd.f32 v3, v0;
	_ =	sdelay $0x1  }
0xf3: {  	v0 =	vadd.f32 v1, v0;
	_ =	sdelay $0x1  }
0xf4: {  	v0 =	vadd.f32 v2, v0;
	_ =	sdelay $0x1  }
0xf5: {  	v0 =	vmax.f32 v0, $0.0e+00  }
0xf6: {  	v0 =	vmul.f32 s1, v0;
	_ =	sdelay $0x1  }
0xf7: {  	[tilespmem:s0+$0xFFFFFFD0] =	vst v0  }
0xf8: {  	v0 =	vld [tilespmem:s31+$0xFFFFFDE0]  }
0xf9: {  	v1 =	vld [tilespmem:s31+$0xFFFFFE60];
	_ =	sdelay $0x1  }
0xfa: {  	v2 =	vld [tilespmem:s31+$0xFFFFFEE0];
	_ =	sdelay $0x1  }
0xfb: {  	v3 =	vld [tilespmem:s31+$0xFFFFFF60]  }
0xfc: {  	v0 =	vadd.f32 v1, v0  }
0xfd: {  	v1 =	vld [tilespmem:s31+$0xFFFFFFE0]  }
0xfe: {  	v0 =	vadd.f32 v2, v0  }
0xff: {  	v2 =	vld [tilespmem:s31+$0x60]  }
0x100: {  	v0 =	vadd.f32 v3, v0  }
0x101: {  	v3 =	vld [tilespmem:s31+$0xE0]  }
0x102: {  	v0 =	vadd.f32 v1, v0  }
0x103: {  	v1 =	vld [tilespmem:s31+$0x160]  }
0x104: {  	v0 =	vadd.f32 v2, v0  }
0x105: {  	v2 =	vld [tilespmem:s31+$0x1E0]  }
0x106: {  	v0 =	vadd.f32 v3, v0;
	_ =	sdelay $0x1  }
0x107: {  	v0 =	vadd.f32 v1, v0;
	_ =	sdelay $0x1  }
0x108: {  	v0 =	vadd.f32 v2, v0;
	_ =	sdelay $0x1  }
0x109: {  	v0 =	vmax.f32 v0, $0.0e+00  }
0x10a: {  	v0 =	vmul.f32 s1, v0;
	_ =	sdelay $0x1  }
0x10b: {  	[tilespmem:s0+$0xFFFFFFE0] =	vst v0  }
0x10c: {  	v0 =	vld [tilespmem:s31+$0xFFFFFDF0]  }
0x10d: {  	v1 =	vld [tilespmem:s31+$0xFFFFFE70];
	_ =	sdelay $0x1  }
0x10e: {  	v2 =	vld [tilespmem:s31+$0xFFFFFEF0];
	_ =	sdelay $0x1  }
0x10f: {  	v3 =	vld [tilespmem:s31+$0xFFFFFF70]  }
0x110: {  	v0 =	vadd.f32 v1, v0  }
0x111: {  	v1 =	vld [tilespmem:s31+$0xFFFFFFF0]  }
0x112: {  	v0 =	vadd.f32 v2, v0  }
0x113: {  	v2 =	vld [tilespmem:s31+$0x70]  }
0x114: {  	v0 =	vadd.f32 v3, v0  }
0x115: {  	v3 =	vld [tilespmem:s31+$0xF0]  }
0x116: {  	v0 =	vadd.f32 v1, v0  }
0x117: {  	v1 =	vld [tilespmem:s31+$0x170]  }
0x118: {  	v0 =	vadd.f32 v2, v0  }
0x119: {  	v2 =	vld [tilespmem:s31+$0x1F0]  }
0x11a: {  	v0 =	vadd.f32 v3, v0;
	_ =	sdelay $0x1  }
0x11b: {  	v0 =	vadd.f32 v1, v0;
	_ =	sdelay $0x1  }
0x11c: {  	v0 =	vadd.f32 v2, v0;
	_ =	sdelay $0x1  }
0x11d: {  	v0 =	vmax.f32 v0, $0.0e+00  }
0x11e: {  	v0 =	vmul.f32 s1, v0;
	_ =	sdelay $0x1  }
0x11f: {  	[tilespmem:s0+$0xFFFFFFF0] =	vst v0  }
0x120: {  	v0 =	vld [tilespmem:s31+$0xFFFFFE00]  }
0x121: {  	v1 =	vld [tilespmem:s31+$0xFFFFFE80];
	_ =	sdelay $0x1  }
0x122: {  	v2 =	vld [tilespmem:s31+$0xFFFFFF00];
	_ =	sdelay $0x1  }
0x123: {  	v3 =	vld [tilespmem:s31+$0xFFFFFF80]  }
0x124: {  	v0 =	vadd.f32 v1, v0  }
0x125: {  	v1 =	vld [tilespmem:s31+$0x0]  }
0x126: {  	v0 =	vadd.f32 v2, v0  }
0x127: {  	v2 =	vld [tilespmem:s31+$0x80]  }
0x128: {  	v0 =	vadd.f32 v3, v0  }
0x129: {  	v3 =	vld [tilespmem:s31+$0x100]  }
0x12a: {  	v0 =	vadd.f32 v1, v0  }
0x12b: {  	v1 =	vld [tilespmem:s31+$0x180]  }
0x12c: {  	v0 =	vadd.f32 v2, v0  }
0x12d: {  	v2 =	vld [tilespmem:s31+$0x200]  }
0x12e: {  	v0 =	vadd.f32 v3, v0;
	_ =	sdelay $0x1  }
0x12f: {  	v0 =	vadd.f32 v1, v0;
	_ =	sdelay $0x1  }
0x130: {  	v0 =	vadd.f32 v2, v0;
	_ =	sdelay $0x1  }
0x131: {  	v0 =	vmax.f32 v0, $0.0e+00  }
0x132: {  	v0 =	vmul.f32 s1, v0;
	_ =	sdelay $0x1  }
0x133: {  	[tilespmem:s0+$0x0] =	vst v0  }
0x134: {  	v0 =	vld [tilespmem:s31+$0xFFFFFE10]  }
0x135: {  	v1 =	vld [tilespmem:s31+$0xFFFFFE90]  }
0x136: {  	v2 =	vld [tilespmem:s31+$0xFFFFFF10]  }
0x137: {  	v3 =	vld [tilespmem:s31+$0xFFFFFF90]  }
0x138: {  	v4 =	vld [tilespmem:s31+$0x10]  }
0x139: {  	v5 =	vld [tilespmem:s31+$0x90]  }
0x13a: {  	v0 =	vadd.f32 v1, v0;
	v1 =	vld [tilespmem:s31+$0x110]  }
0x13b: {  	v6 =	vld [tilespmem:s31+$0x190]  }
0x13c: {  	v0 =	vadd.f32 v2, v0;
	v2 =	vld [tilespmem:s31+$0x210];
	_ =	sdelay $0x1  }
0x13d: {  	v0 =	vadd.f32 v3, v0;
	_ =	sdelay $0x1  }
0x13e: {  	v0 =	vadd.f32 v4, v0;
	_ =	sdelay $0x1  }
0x13f: {  	v0 =	vadd.f32 v5, v0;
	_ =	sdelay $0x1  }
0x140: {  	v0 =	vadd.f32 v1, v0;
	_ =	sdelay $0x1  }
0x141: {  	v0 =	vadd.f32 v6, v0;
	_ =	sdelay $0x1  }
0x142: {  	v0 =	vadd.f32 v2, v0;
	_ =	sdelay $0x1  }
0x143: {  	v0 =	vmax.f32 v0, $0.0e+00  }
0x144: {  	v0 =	vmul.f32 s1, v0;
	_ =	sdelay $0x1  }
0x145: {  	[tilespmem:s0+$0x10] =	vst v0  }
0x146: {  	v0 =	vld [tilespmem:s31+$0xFFFFFE20]  }
0x147: {  	v1 =	vld [tilespmem:s31+$0xFFFFFEA0]  }
0x148: {  	v2 =	vld [tilespmem:s31+$0xFFFFFF20]  }
0x149: {  	v3 =	vld [tilespmem:s31+$0xFFFFFFA0]  }
0x14a: {  	v4 =	vld [tilespmem:s31+$0x20]  }
0x14b: {  	v5 =	vld [tilespmem:s31+$0xA0]  }
0x14c: {  	v0 =	vadd.f32 v1, v0;
	v1 =	vld [tilespmem:s31+$0x120]  }
0x14d: {  	v6 =	vld [tilespmem:s31+$0x1A0]  }
0x14e: {  	v0 =	vadd.f32 v2, v0;
	v2 =	vld [tilespmem:s31+$0x220];
	_ =	sdelay $0x1  }
0x14f: {  	v0 =	vadd.f32 v3, v0;
	_ =	sdelay $0x1  }
0x150: {  	v0 =	vadd.f32 v4, v0;
	_ =	sdelay $0x1  }
0x151: {  	v0 =	vadd.f32 v5, v0;
	_ =	sdelay $0x1  }
0x152: {  	v0 =	vadd.f32 v1, v0;
	_ =	sdelay $0x1  }
0x153: {  	v0 =	vadd.f32 v6, v0;
	_ =	sdelay $0x1  }
0x154: {  	v0 =	vadd.f32 v2, v0;
	_ =	sdelay $0x1  }
0x155: {  	v0 =	vmax.f32 v0, $0.0e+00  }
0x156: {  	v0 =	vmul.f32 s1, v0;
	_ =	sdelay $0x1  }
0x157: {  	[tilespmem:s0+$0x20] =	vst v0  }
0x158: {  	v0 =	vld [tilespmem:s31+$0xFFFFFE30]  }
0x159: {  	v1 =	vld [tilespmem:s31+$0xFFFFFEB0]  }
0x15a: {  	v2 =	vld [tilespmem:s31+$0xFFFFFF30]  }
0x15b: {  	v3 =	vld [tilespmem:s31+$0xFFFFFFB0]  }
0x15c: {  	v4 =	vld [tilespmem:s31+$0x30]  }
0x15d: {  	v5 =	vld [tilespmem:s31+$0xB0]  }
0x15e: {  	v0 =	vadd.f32 v1, v0;
	v6 =	vld [tilespmem:s31+$0x130]  }
0x15f: {  	v1 =	vld [tilespmem:s31+$0x1B0]  }
0x160: {  	v2 =	vadd.f32 v2, v0;
	v0 =	vld [tilespmem:s31+$0x230];
	_ =	sdelay $0x1  }
0x161: {  	v2 =	vadd.f32 v3, v2;
	_ =	sdelay $0x1  }
.Ltmp0:
0x162: {  	v2 =	vadd.f32 v4, v2;
	(pc) =	sbr.rel @p0 .LBB2_3-.Ltmp0, $3  }
0x163: {  	_ = 	snop  }
0x164: {  	v2 =	vadd.f32 v5, v2;
	_ =	sdelay $0x1  }
0x165: {  	v2 =	vadd.f32 v6, v2  }
0x166: {  	_ = 	snop  }
0x167: {  	v1 =	vadd.f32 v1, v2;
	_ =	sdelay $0x1  }
0x168: {  	v0 =	vadd.f32 v0, v1;
	_ =	sdelay $0x1  }
0x169: {  	s0 =	sshll.u32 s29, $0xD;
	v0 =	vmax.f32 v0, $0.0e+00  }
0x16a: {  	s0 =	sadd.s32 s6, s0;
	v0 =	vmul.f32 s1, v0  }
0x16b: {  	p0 =	seq.s32 s29, $0x18;
	s0 =	sshrl.u32 s0, $0x3  }
0x16c: {  	s0 =	sadd.s32 s4, s0;
	s1 =	smul.u32 @!p0 $0x900, s29;
	[tilespmem:s12+$0x30] =	vst v0  }
0x16d: {  	[hbm4b:s0+s2] =	stream.linear.scatter [tilespmem:s20], [sflag:$0x3], $0x1000, $0x38;
	[tilespmem:$0x17880] =	vst v63  }
0x16e: {  	s0 =	sshra.s32 @!p0 s1, $0x2  }
0x16f: {  	s13 =	simm.s32 @!p0 $0x3880;
	s12 =	simm.s32 @!p0 $0x60;
	s1 =	sadd.s32 @!p0 $0x240, s0  }
0x170: {  	[tilespmem:s13], [sflag:$0x1] =	stream.indirect.gather @!p0 [hbm4b:s3+s12], $0x80, s1, s12, $0xb8;
	[tilespmem:$0x17880] =	vst v63  }
0x171: {  	s1 =	sadd.s32 @!p0 $0x2A0, s0;
	s13 =	simm.s32 @!p0 $0x6880  }
0x172: {  	[tilespmem:s13], [sflag:$0x1] =	stream.indirect.gather @!p0 [hbm4b:s3+s12], $0x80, s1, s12, $0xb8;
	[tilespmem:$0x17880] =	vst v63  }
0x173: {  	p1 =	seq.s32 @!p0 s29, $0x0;
	s0 =	sadd.s32 @!p0 $0x300, s0;
	s1 =	simm.s32 @!p0 $0x9880  }
0x174: {  	[tilespmem:s1], [sflag:$0x1] =	stream.indirect.gather @!p0 [hbm4b:s3+s12], $0x80, s0, s12, $0xb8;
	[tilespmem:$0x17880] =	vst v63  }
0x175: {  	p0 =	por p0, !p1  }
0x176: {  	_ =	swait.ge @p0 [sflag:s24], $0x1000  }
0x177: {  	[sflag:s24] =	ssyncset.done @p0 $0x0  }
0x178: {  	[sflag:s24] =	ssyncadd.s32 @p0 $0xFFFFF000  }
0x179: {  	_ =	swait.ge [sflag:s21], $0x3000  }
0x17a: {  	[sflag:s21] =	ssyncset.done $0x0  }
0x17b: {  	[sflag:s21] =	ssyncadd.s32 $0xFFFFD000  }
0x17c: {  	_ =	swait.ge [sflag:s21], $0x3000  }
0x17d: {  	[sflag:s21] =	ssyncset.done $0x0  }
0x17e: {  	[sflag:s21] =	ssyncadd.s32 $0xFFFFD000  }
0x17f: {  	_ =	swait.ge [sflag:s21], $0x3000  }
0x180: {  	[sflag:s21] =	ssyncset.done $0x0  }
0x181: {  	s31 =	simm.s32 $0xCAC0;
	[sflag:s21] =	ssyncadd.s32 $0xFFFFD000  }
0x182: {  	v0 =	vld [tilespmem:s31+$0xFFFFFDC0]  }
0x183: {  	v1 =	vld [tilespmem:s31+$0xFFFFFE40];
	_ =	sdelay $0x1  }
0x184: {  	v2 =	vld [tilespmem:s31+$0xFFFFFEC0];
	_ =	sdelay $0x1  }
0x185: {  	v3 =	vld [tilespmem:s31+$0xFFFFFF40]  }
0x186: {  	v0 =	vadd.f32 v1, v0  }
0x187: {  	v1 =	vld [tilespmem:s31+$0xFFFFFFC0]  }
0x188: {  	v0 =	vadd.f32 v2, v0  }
0x189: {  	v2 =	vld [tilespmem:s31+$0x40]  }
0x18a: {  	v0 =	vadd.f32 v3, v0  }
0x18b: {  	v3 =	vld [tilespmem:s31+$0xC0]  }
0x18c: {  	v0 =	vadd.f32 v1, v0  }
0x18d: {  	v1 =	vld [tilespmem:s31+$0x140]  }
0x18e: {  	v0 =	vadd.f32 v2, v0  }
0x18f: {  	v2 =	vld [tilespmem:s31+$0x1C0]  }
0x190: {  	v0 =	vadd.f32 v3, v0;
	_ =	sdelay $0x1  }
0x191: {  	v0 =	vadd.f32 v1, v0;
	_ =	sdelay $0x1  }
0x192: {  	s14 =	sadd.s32 $0x0, s26;
	v0 =	vadd.f32 v2, v0  }
0x193: {  	s1 =	simm.f32 $1.000000000e+00;
	p0 =	slt.u32 s14, $0xC350  }
0x194: {  	s1 =	simm.s32 @!p0 $0x0;
	v0 =	vmax.f32 v0, $0.0e+00  }
0x195: {  	v0 =	vmul.f32 s1, v0  }
0x196: {  	s0 =	simm.s32 $0x168C0  }
0x197: {  	[tilespmem:s0+$0xFFFFFFC0] =	vst v0  }
0x198: {  	v0 =	vld [tilespmem:s31+$0xFFFFFDD0]  }
0x199: {  	v1 =	vld [tilespmem:s31+$0xFFFFFE50];
	_ =	sdelay $0x1  }
0x19a: {  	v2 =	vld [tilespmem:s31+$0xFFFFFED0];
	_ =	sdelay $0x1  }
0x19b: {  	v3 =	vld [tilespmem:s31+$0xFFFFFF50]  }
0x19c: {  	v0 =	vadd.f32 v1, v0  }
0x19d: {  	v1 =	vld [tilespmem:s31+$0xFFFFFFD0]  }
0x19e: {  	v0 =	vadd.f32 v2, v0  }
0x19f: {  	v2 =	vld [tilespmem:s31+$0x50]  }
0x1a0: {  	v0 =	vadd.f32 v3, v0  }
0x1a1: {  	v3 =	vld [tilespmem:s31+$0xD0]  }
0x1a2: {  	v0 =	vadd.f32 v1, v0  }
0x1a3: {  	v1 =	vld [tilespmem:s31+$0x150]  }
0x1a4: {  	v0 =	vadd.f32 v2, v0  }
0x1a5: {  	v2 =	vld [tilespmem:s31+$0x1D0]  }
0x1a6: {  	v0 =	vadd.f32 v3, v0;
	_ =	sdelay $0x1  }
0x1a7: {  	v0 =	vadd.f32 v1, v0;
	_ =	sdelay $0x1  }
0x1a8: {  	v0 =	vadd.f32 v2, v0;
	_ =	sdelay $0x1  }
0x1a9: {  	v0 =	vmax.f32 v0, $0.0e+00  }
0x1aa: {  	v0 =	vmul.f32 s1, v0;
	_ =	sdelay $0x1  }
0x1ab: {  	[tilespmem:s0+$0xFFFFFFD0] =	vst v0  }
0x1ac: {  	v0 =	vld [tilespmem:s31+$0xFFFFFDE0]  }
0x1ad: {  	v1 =	vld [tilespmem:s31+$0xFFFFFE60];
	_ =	sdelay $0x1  }
0x1ae: {  	v2 =	vld [tilespmem:s31+$0xFFFFFEE0];
	_ =	sdelay $0x1  }
0x1af: {  	v3 =	vld [tilespmem:s31+$0xFFFFFF60]  }
0x1b0: {  	v0 =	vadd.f32 v1, v0  }
0x1b1: {  	v1 =	vld [tilespmem:s31+$0xFFFFFFE0]  }
0x1b2: {  	v0 =	vadd.f32 v2, v0  }
0x1b3: {  	v2 =	vld [tilespmem:s31+$0x60]  }
0x1b4: {  	v0 =	vadd.f32 v3, v0  }
0x1b5: {  	v3 =	vld [tilespmem:s31+$0xE0]  }
0x1b6: {  	v0 =	vadd.f32 v1, v0  }
0x1b7: {  	v1 =	vld [tilespmem:s31+$0x160]  }
0x1b8: {  	v0 =	vadd.f32 v2, v0  }
0x1b9: {  	v2 =	vld [tilespmem:s31+$0x1E0]  }
0x1ba: {  	v0 =	vadd.f32 v3, v0;
	_ =	sdelay $0x1  }
0x1bb: {  	v0 =	vadd.f32 v1, v0;
	_ =	sdelay $0x1  }
0x1bc: {  	v0 =	vadd.f32 v2, v0;
	_ =	sdelay $0x1  }
0x1bd: {  	v0 =	vmax.f32 v0, $0.0e+00  }
0x1be: {  	v0 =	vmul.f32 s1, v0;
	_ =	sdelay $0x1  }
0x1bf: {  	[tilespmem:s0+$0xFFFFFFE0] =	vst v0  }
0x1c0: {  	v0 =	vld [tilespmem:s31+$0xFFFFFDF0]  }
0x1c1: {  	v1 =	vld [tilespmem:s31+$0xFFFFFE70];
	_ =	sdelay $0x1  }
0x1c2: {  	v2 =	vld [tilespmem:s31+$0xFFFFFEF0];
	_ =	sdelay $0x1  }
0x1c3: {  	v3 =	vld [tilespmem:s31+$0xFFFFFF70]  }
0x1c4: {  	v0 =	vadd.f32 v1, v0  }
0x1c5: {  	v1 =	vld [tilespmem:s31+$0xFFFFFFF0]  }
0x1c6: {  	v0 =	vadd.f32 v2, v0  }
0x1c7: {  	v2 =	vld [tilespmem:s31+$0x70]  }
0x1c8: {  	v0 =	vadd.f32 v3, v0  }
0x1c9: {  	v3 =	vld [tilespmem:s31+$0xF0]  }
0x1ca: {  	v0 =	vadd.f32 v1, v0  }
0x1cb: {  	v1 =	vld [tilespmem:s31+$0x170]  }
0x1cc: {  	v0 =	vadd.f32 v2, v0  }
0x1cd: {  	v2 =	vld [tilespmem:s31+$0x1F0]  }
0x1ce: {  	v0 =	vadd.f32 v3, v0;
	_ =	sdelay $0x1  }
0x1cf: {  	v0 =	vadd.f32 v1, v0;
	_ =	sdelay $0x1  }
0x1d0: {  	v0 =	vadd.f32 v2, v0;
	_ =	sdelay $0x1  }
0x1d1: {  	v0 =	vmax.f32 v0, $0.0e+00  }
0x1d2: {  	v0 =	vmul.f32 s1, v0;
	_ =	sdelay $0x1  }
0x1d3: {  	[tilespmem:s0+$0xFFFFFFF0] =	vst v0  }
0x1d4: {  	v0 =	vld [tilespmem:s31+$0xFFFFFE00]  }
0x1d5: {  	v1 =	vld [tilespmem:s31+$0xFFFFFE80];
	_ =	sdelay $0x1  }
0x1d6: {  	v2 =	vld [tilespmem:s31+$0xFFFFFF00];
	_ =	sdelay $0x1  }
0x1d7: {  	v3 =	vld [tilespmem:s31+$0xFFFFFF80]  }
0x1d8: {  	v0 =	vadd.f32 v1, v0  }
0x1d9: {  	v1 =	vld [tilespmem:s31+$0x0]  }
0x1da: {  	v0 =	vadd.f32 v2, v0  }
0x1db: {  	v2 =	vld [tilespmem:s31+$0x80]  }
0x1dc: {  	v0 =	vadd.f32 v3, v0  }
0x1dd: {  	v3 =	vld [tilespmem:s31+$0x100]  }
0x1de: {  	v0 =	vadd.f32 v1, v0  }
0x1df: {  	v1 =	vld [tilespmem:s31+$0x180]  }
0x1e0: {  	v0 =	vadd.f32 v2, v0  }
0x1e1: {  	v2 =	vld [tilespmem:s31+$0x200]  }
0x1e2: {  	v0 =	vadd.f32 v3, v0;
	_ =	sdelay $0x1  }
0x1e3: {  	v0 =	vadd.f32 v1, v0;
	_ =	sdelay $0x1  }
0x1e4: {  	v0 =	vadd.f32 v2, v0;
	_ =	sdelay $0x1  }
0x1e5: {  	v0 =	vmax.f32 v0, $0.0e+00  }
0x1e6: {  	v0 =	vmul.f32 s1, v0;
	_ =	sdelay $0x1  }
0x1e7: {  	[tilespmem:s0+$0x0] =	vst v0  }
0x1e8: {  	v0 =	vld [tilespmem:s31+$0xFFFFFE10]  }
0x1e9: {  	v1 =	vld [tilespmem:s31+$0xFFFFFE90];
	_ =	sdelay $0x1  }
0x1ea: {  	v2 =	vld [tilespmem:s31+$0xFFFFFF10];
	_ =	sdelay $0x1  }
0x1eb: {  	v3 =	vld [tilespmem:s31+$0xFFFFFF90]  }
0x1ec: {  	v0 =	vadd.f32 v1, v0  }
0x1ed: {  	v1 =	vld [tilespmem:s31+$0x10]  }
0x1ee: {  	v0 =	vadd.f32 v2, v0  }
0x1ef: {  	v2 =	vld [tilespmem:s31+$0x90]  }
0x1f0: {  	v0 =	vadd.f32 v3, v0  }
0x1f1: {  	v3 =	vld [tilespmem:s31+$0x110]  }
0x1f2: {  	v0 =	vadd.f32 v1, v0  }
0x1f3: {  	v1 =	vld [tilespmem:s31+$0x190]  }
0x1f4: {  	v0 =	vadd.f32 v2, v0  }
0x1f5: {  	v2 =	vld [tilespmem:s31+$0x210]  }
0x1f6: {  	v0 =	vadd.f32 v3, v0;
	_ =	sdelay $0x1  }
0x1f7: {  	v0 =	vadd.f32 v1, v0;
	_ =	sdelay $0x1  }
0x1f8: {  	v0 =	vadd.f32 v2, v0;
	_ =	sdelay $0x1  }
0x1f9: {  	v0 =	vmax.f32 v0, $0.0e+00  }
0x1fa: {  	v0 =	vmul.f32 s1, v0;
	_ =	sdelay $0x1  }
0x1fb: {  	[tilespmem:s0+$0x10] =	vst v0  }
0x1fc: {  	v0 =	vld [tilespmem:s31+$0xFFFFFE20]  }
0x1fd: {  	v1 =	vld [tilespmem:s31+$0xFFFFFEA0];
	_ =	sdelay $0x1  }
0x1fe: {  	v2 =	vld [tilespmem:s31+$0xFFFFFF20];
	_ =	sdelay $0x1  }
0x1ff: {  	v3 =	vld [tilespmem:s31+$0xFFFFFFA0]  }
0x200: {  	v0 =	vadd.f32 v1, v0  }
0x201: {  	v1 =	vld [tilespmem:s31+$0x20]  }
0x202: {  	v0 =	vadd.f32 v2, v0  }
0x203: {  	v2 =	vld [tilespmem:s31+$0xA0]  }
0x204: {  	v0 =	vadd.f32 v3, v0  }
0x205: {  	v3 =	vld [tilespmem:s31+$0x120]  }
0x206: {  	v0 =	vadd.f32 v1, v0  }
0x207: {  	v1 =	vld [tilespmem:s31+$0x1A0]  }
0x208: {  	v0 =	vadd.f32 v2, v0  }
0x209: {  	v2 =	vld [tilespmem:s31+$0x220]  }
0x20a: {  	v0 =	vadd.f32 v3, v0;
	_ =	sdelay $0x1  }
0x20b: {  	v0 =	vadd.f32 v1, v0;
	_ =	sdelay $0x1  }
0x20c: {  	v0 =	vadd.f32 v2, v0;
	_ =	sdelay $0x1  }
0x20d: {  	v0 =	vmax.f32 v0, $0.0e+00  }
0x20e: {  	v0 =	vmul.f32 s1, v0;
	_ =	sdelay $0x1  }
0x20f: {  	[tilespmem:s0+$0x20] =	vst v0  }
0x210: {  	v0 =	vld [tilespmem:s31+$0xFFFFFE30]  }
0x211: {  	v1 =	vld [tilespmem:s31+$0xFFFFFEB0];
	_ =	sdelay $0x1  }
0x212: {  	v2 =	vld [tilespmem:s31+$0xFFFFFF30];
	_ =	sdelay $0x1  }
0x213: {  	v3 =	vld [tilespmem:s31+$0xFFFFFFB0]  }
0x214: {  	v0 =	vadd.f32 v1, v0  }
0x215: {  	v1 =	vld [tilespmem:s31+$0x30]  }
0x216: {  	v0 =	vadd.f32 v2, v0  }
0x217: {  	v2 =	vld [tilespmem:s31+$0xB0]  }
0x218: {  	v0 =	vadd.f32 v3, v0  }
0x219: {  	v3 =	vld [tilespmem:s31+$0x130]  }
0x21a: {  	v0 =	vadd.f32 v1, v0  }
0x21b: {  	v1 =	vld [tilespmem:s31+$0x1B0]  }
0x21c: {  	v2 =	vadd.f32 v2, v0  }
0x21d: {  	v0 =	vld [tilespmem:s31+$0x230]  }
0x21e: {  	s13 =	simm.s32 $0x1;
	s12 =	simm.s32 $0x168C0;
	v2 =	vadd.f32 v3, v2  }
.LBB2_5:
0x21f: {  	p0 =	sne.s32 s13, $0x1F;
	s0 =	sadd.s32 $0x80, s0;
	s31 =	sadd.s32 $0x480, s31  }
0x220: {  	s14 =	smov.u32 s13;
	s13 =	sadd.s32 $0x1, s13;
	v1 =	vadd.f32 v1, v2;
	_ =	sdelay $0x1  }
0x221: {  	v0 =	vadd.f32 v0, v1;
	_ =	sdelay $0x1  }
0x222: {  	v0 =	vmax.f32 v0, $0.0e+00  }
0x223: {  	v0 =	vmul.f32 s1, v0;
	_ =	sdelay $0x1  }
0x224: {  	[tilespmem:s12+$0x30] =	vst v0;
	s12 =	smov.u32 s0  }
0x225: {  	v0 =	vld [tilespmem:s31+$0xFFFFFDC0]  }
0x226: {  	v1 =	vld [tilespmem:s31+$0xFFFFFE40]  }
0x227: {  	v2 =	vld [tilespmem:s31+$0xFFFFFEC0];
	_ =	sdelay $0x2  }
0x228: {  	v3 =	vld [tilespmem:s31+$0xFFFFFF40]  }
0x229: {  	v0 =	vadd.f32 v1, v0  }
0x22a: {  	v1 =	vld [tilespmem:s31+$0xFFFFFFC0]  }
0x22b: {  	v0 =	vadd.f32 v2, v0  }
0x22c: {  	v2 =	vld [tilespmem:s31+$0x40]  }
0x22d: {  	v0 =	vadd.f32 v3, v0  }
0x22e: {  	v3 =	vld [tilespmem:s31+$0xC0]  }
0x22f: {  	v0 =	vadd.f32 v1, v0  }
0x230: {  	v1 =	vld [tilespmem:s31+$0x140]  }
0x231: {  	v0 =	vadd.f32 v2, v0  }
0x232: {  	v2 =	vld [tilespmem:s31+$0x1C0]  }
0x233: {  	v0 =	vadd.f32 v3, v0;
	_ =	sdelay $0x1  }
0x234: {  	v0 =	vadd.f32 v1, v0;
	_ =	sdelay $0x1  }
0x235: {  	s1 =	sadd.s32 s14, s26;
	v0 =	vadd.f32 v2, v0  }
0x236: {  	p1 =	slt.u32 s1, $0xC350;
	s1 =	simm.f32 $1.000000000e+00  }
0x237: {  	s1 =	simm.s32 @!p1 $0x0;
	v0 =	vmax.f32 v0, $0.0e+00  }
0x238: {  	v0 =	vmul.f32 s1, v0;
	_ =	sdelay $0x1  }
0x239: {  	[tilespmem:s0+$0xFFFFFFC0] =	vst v0  }
0x23a: {  	v0 =	vld [tilespmem:s31+$0xFFFFFDD0]  }
0x23b: {  	v1 =	vld [tilespmem:s31+$0xFFFFFE50];
	_ =	sdelay $0x1  }
0x23c: {  	v2 =	vld [tilespmem:s31+$0xFFFFFED0];
	_ =	sdelay $0x1  }
0x23d: {  	v3 =	vld [tilespmem:s31+$0xFFFFFF50]  }
0x23e: {  	v0 =	vadd.f32 v1, v0  }
0x23f: {  	v1 =	vld [tilespmem:s31+$0xFFFFFFD0]  }
0x240: {  	v0 =	vadd.f32 v2, v0  }
0x241: {  	v2 =	vld [tilespmem:s31+$0x50]  }
0x242: {  	v0 =	vadd.f32 v3, v0  }
0x243: {  	v3 =	vld [tilespmem:s31+$0xD0]  }
0x244: {  	v0 =	vadd.f32 v1, v0  }
0x245: {  	v1 =	vld [tilespmem:s31+$0x150]  }
0x246: {  	v0 =	vadd.f32 v2, v0  }
0x247: {  	v2 =	vld [tilespmem:s31+$0x1D0]  }
0x248: {  	v0 =	vadd.f32 v3, v0;
	_ =	sdelay $0x1  }
0x249: {  	v0 =	vadd.f32 v1, v0;
	_ =	sdelay $0x1  }
0x24a: {  	v0 =	vadd.f32 v2, v0;
	_ =	sdelay $0x1  }
0x24b: {  	v0 =	vmax.f32 v0, $0.0e+00  }
0x24c: {  	v0 =	vmul.f32 s1, v0;
	_ =	sdelay $0x1  }
0x24d: {  	[tilespmem:s0+$0xFFFFFFD0] =	vst v0  }
0x24e: {  	v0 =	vld [tilespmem:s31+$0xFFFFFDE0]  }
0x24f: {  	v1 =	vld [tilespmem:s31+$0xFFFFFE60];
	_ =	sdelay $0x1  }
0x250: {  	v2 =	vld [tilespmem:s31+$0xFFFFFEE0];
	_ =	sdelay $0x1  }
0x251: {  	v3 =	vld [tilespmem:s31+$0xFFFFFF60]  }
0x252: {  	v0 =	vadd.f32 v1, v0  }
0x253: {  	v1 =	vld [tilespmem:s31+$0xFFFFFFE0]  }
0x254: {  	v0 =	vadd.f32 v2, v0  }
0x255: {  	v2 =	vld [tilespmem:s31+$0x60]  }
0x256: {  	v0 =	vadd.f32 v3, v0  }
0x257: {  	v3 =	vld [tilespmem:s31+$0xE0]  }
0x258: {  	v0 =	vadd.f32 v1, v0  }
0x259: {  	v1 =	vld [tilespmem:s31+$0x160]  }
0x25a: {  	v0 =	vadd.f32 v2, v0  }
0x25b: {  	v2 =	vld [tilespmem:s31+$0x1E0]  }
0x25c: {  	v0 =	vadd.f32 v3, v0;
	_ =	sdelay $0x1  }
0x25d: {  	v0 =	vadd.f32 v1, v0;
	_ =	sdelay $0x1  }
0x25e: {  	v0 =	vadd.f32 v2, v0;
	_ =	sdelay $0x1  }
0x25f: {  	v0 =	vmax.f32 v0, $0.0e+00  }
0x260: {  	v0 =	vmul.f32 s1, v0;
	_ =	sdelay $0x1  }
0x261: {  	[tilespmem:s0+$0xFFFFFFE0] =	vst v0  }
0x262: {  	v0 =	vld [tilespmem:s31+$0xFFFFFDF0]  }
0x263: {  	v1 =	vld [tilespmem:s31+$0xFFFFFE70];
	_ =	sdelay $0x1  }
0x264: {  	v2 =	vld [tilespmem:s31+$0xFFFFFEF0];
	_ =	sdelay $0x1  }
0x265: {  	v3 =	vld [tilespmem:s31+$0xFFFFFF70]  }
0x266: {  	v0 =	vadd.f32 v1, v0  }
0x267: {  	v1 =	vld [tilespmem:s31+$0xFFFFFFF0]  }
0x268: {  	v0 =	vadd.f32 v2, v0  }
0x269: {  	v2 =	vld [tilespmem:s31+$0x70]  }
0x26a: {  	v0 =	vadd.f32 v3, v0  }
0x26b: {  	v3 =	vld [tilespmem:s31+$0xF0]  }
0x26c: {  	v0 =	vadd.f32 v1, v0  }
0x26d: {  	v1 =	vld [tilespmem:s31+$0x170]  }
0x26e: {  	v0 =	vadd.f32 v2, v0  }
0x26f: {  	v2 =	vld [tilespmem:s31+$0x1F0]  }
0x270: {  	v0 =	vadd.f32 v3, v0;
	_ =	sdelay $0x1  }
0x271: {  	v0 =	vadd.f32 v1, v0;
	_ =	sdelay $0x1  }
0x272: {  	v0 =	vadd.f32 v2, v0;
	_ =	sdelay $0x1  }
0x273: {  	v0 =	vmax.f32 v0, $0.0e+00  }
0x274: {  	v0 =	vmul.f32 s1, v0;
	_ =	sdelay $0x1  }
0x275: {  	[tilespmem:s0+$0xFFFFFFF0] =	vst v0  }
0x276: {  	v0 =	vld [tilespmem:s31+$0xFFFFFE00]  }
0x277: {  	v1 =	vld [tilespmem:s31+$0xFFFFFE80];
	_ =	sdelay $0x1  }
0x278: {  	v2 =	vld [tilespmem:s31+$0xFFFFFF00];
	_ =	sdelay $0x1  }
0x279: {  	v3 =	vld [tilespmem:s31+$0xFFFFFF80]  }
0x27a: {  	v0 =	vadd.f32 v1, v0  }
0x27b: {  	v1 =	vld [tilespmem:s31+$0x0]  }
0x27c: {  	v0 =	vadd.f32 v2, v0  }
0x27d: {  	v2 =	vld [tilespmem:s31+$0x80]  }
0x27e: {  	v0 =	vadd.f32 v3, v0  }
0x27f: {  	v3 =	vld [tilespmem:s31+$0x100]  }
0x280: {  	v0 =	vadd.f32 v1, v0  }
0x281: {  	v1 =	vld [tilespmem:s31+$0x180]  }
0x282: {  	v0 =	vadd.f32 v2, v0  }
0x283: {  	v2 =	vld [tilespmem:s31+$0x200]  }
0x284: {  	v0 =	vadd.f32 v3, v0;
	_ =	sdelay $0x1  }
0x285: {  	v0 =	vadd.f32 v1, v0;
	_ =	sdelay $0x1  }
0x286: {  	v0 =	vadd.f32 v2, v0;
	_ =	sdelay $0x1  }
0x287: {  	v0 =	vmax.f32 v0, $0.0e+00  }
0x288: {  	v0 =	vmul.f32 s1, v0;
	_ =	sdelay $0x1  }
0x289: {  	[tilespmem:s0+$0x0] =	vst v0  }
0x28a: {  	v0 =	vld [tilespmem:s31+$0xFFFFFE10]  }
0x28b: {  	v1 =	vld [tilespmem:s31+$0xFFFFFE90]  }
0x28c: {  	v2 =	vld [tilespmem:s31+$0xFFFFFF10]  }
0x28d: {  	v3 =	vld [tilespmem:s31+$0xFFFFFF90]  }
0x28e: {  	v4 =	vld [tilespmem:s31+$0x10]  }
0x28f: {  	v5 =	vld [tilespmem:s31+$0x90]  }
0x290: {  	v0 =	vadd.f32 v1, v0;
	v1 =	vld [tilespmem:s31+$0x110]  }
0x291: {  	v6 =	vld [tilespmem:s31+$0x190]  }
0x292: {  	v0 =	vadd.f32 v2, v0;
	v2 =	vld [tilespmem:s31+$0x210];
	_ =	sdelay $0x1  }
0x293: {  	v0 =	vadd.f32 v3, v0;
	_ =	sdelay $0x1  }
0x294: {  	v0 =	vadd.f32 v4, v0;
	_ =	sdelay $0x1  }
0x295: {  	v0 =	vadd.f32 v5, v0;
	_ =	sdelay $0x1  }
0x296: {  	v0 =	vadd.f32 v1, v0;
	_ =	sdelay $0x1  }
0x297: {  	v0 =	vadd.f32 v6, v0;
	_ =	sdelay $0x1  }
0x298: {  	v0 =	vadd.f32 v2, v0;
	_ =	sdelay $0x1  }
0x299: {  	v0 =	vmax.f32 v0, $0.0e+00  }
0x29a: {  	v0 =	vmul.f32 s1, v0;
	_ =	sdelay $0x1  }
0x29b: {  	[tilespmem:s0+$0x10] =	vst v0  }
0x29c: {  	v0 =	vld [tilespmem:s31+$0xFFFFFE20]  }
0x29d: {  	v1 =	vld [tilespmem:s31+$0xFFFFFEA0]  }
0x29e: {  	v2 =	vld [tilespmem:s31+$0xFFFFFF20]  }
0x29f: {  	v3 =	vld [tilespmem:s31+$0xFFFFFFA0]  }
0x2a0: {  	v4 =	vld [tilespmem:s31+$0x20]  }
0x2a1: {  	v5 =	vld [tilespmem:s31+$0xA0]  }
0x2a2: {  	v0 =	vadd.f32 v1, v0;
	v1 =	vld [tilespmem:s31+$0x120]  }
0x2a3: {  	v6 =	vld [tilespmem:s31+$0x1A0]  }
0x2a4: {  	v0 =	vadd.f32 v2, v0;
	v2 =	vld [tilespmem:s31+$0x220];
	_ =	sdelay $0x1  }
0x2a5: {  	v0 =	vadd.f32 v3, v0;
	_ =	sdelay $0x1  }
0x2a6: {  	v0 =	vadd.f32 v4, v0;
	_ =	sdelay $0x1  }
0x2a7: {  	v0 =	vadd.f32 v5, v0;
	_ =	sdelay $0x1  }
0x2a8: {  	v0 =	vadd.f32 v1, v0;
	_ =	sdelay $0x1  }
0x2a9: {  	v0 =	vadd.f32 v6, v0;
	_ =	sdelay $0x1  }
0x2aa: {  	v0 =	vadd.f32 v2, v0;
	_ =	sdelay $0x1  }
0x2ab: {  	v0 =	vmax.f32 v0, $0.0e+00  }
0x2ac: {  	v0 =	vmul.f32 s1, v0;
	_ =	sdelay $0x1  }
0x2ad: {  	[tilespmem:s0+$0x20] =	vst v0  }
0x2ae: {  	v0 =	vld [tilespmem:s31+$0xFFFFFE30]  }
0x2af: {  	v1 =	vld [tilespmem:s31+$0xFFFFFEB0]  }
0x2b0: {  	v2 =	vld [tilespmem:s31+$0xFFFFFF30]  }
0x2b1: {  	v3 =	vld [tilespmem:s31+$0xFFFFFFB0]  }
0x2b2: {  	v4 =	vld [tilespmem:s31+$0x30]  }
0x2b3: {  	v5 =	vld [tilespmem:s31+$0xB0]  }
0x2b4: {  	v0 =	vadd.f32 v1, v0;
	v6 =	vld [tilespmem:s31+$0x130]  }
0x2b5: {  	v1 =	vld [tilespmem:s31+$0x1B0]  }
0x2b6: {  	v2 =	vadd.f32 v2, v0;
	v0 =	vld [tilespmem:s31+$0x230];
	_ =	sdelay $0x1  }
0x2b7: {  	v2 =	vadd.f32 v3, v2;
	_ =	sdelay $0x1  }
.Ltmp1:
0x2b8: {  	v2 =	vadd.f32 v4, v2;
	(pc) =	sbr.rel @p0 .LBB2_5-.Ltmp1, $3  }
0x2b9: {  	_ = 	snop  }
0x2ba: {  	v2 =	vadd.f32 v5, v2;
	_ =	sdelay $0x1  }
0x2bb: {  	v2 =	vadd.f32 v6, v2  }
0x2bc: {  	_ = 	snop  }
0x2bd: {  	v1 =	vadd.f32 v1, v2;
	_ =	sdelay $0x1  }
0x2be: {  	s29 =	sadd.s32 $0x1, s29;
	v0 =	vadd.f32 v0, v1  }
0x2bf: {  	p0 =	sne.s32 s29, $0x19  }
.Ltmp2:
0x2c0: {  	s0 =	sshll.u32 s30, $0xC;
	v0 =	vmax.f32 v0, $0.0e+00;
	(pc) =	sbr.rel @p0 .LBB2_2-.Ltmp2, $4  }
0x2c1: {  	s0 =	sadd.s32 s6, s0;
	v0 =	vmul.f32 s1, v0  }
0x2c2: {  	s0 =	sshrl.u32 s0, $0x3  }
0x2c3: {  	s28 =	sadd.s32 $0x40, s28;
	s26 =	sadd.s32 $0x40, s26;
	s0 =	sadd.s32 s4, s0;
	[tilespmem:s12+$0x30] =	vst v0  }
0x2c4: {  	[hbm4b:s0+s2] =	stream.linear.scatter [tilespmem:s22], [sflag:$0x4], $0x1000, $0x38;
	[tilespmem:$0x17880] =	vst v63  }
0x2c5: {  	s25 =	sadd.s32 $0x1, s25  }
0x2c6: {  	_ =	swait.ge [sflag:s23], $0x1000;
	p0 =	sne.s32 s25, s8  }
.Ltmp3:
0x2c7: {  	[sflag:s23] =	ssyncset.done $0x0;
	(pc) =	sbr.rel @p0 .LBB2_1-.Ltmp3, $4  }
0x2c8: {  	[sflag:s23] =	ssyncadd.s32 $0xFFFFF000  }
0x2c9: {  	_ =	swait.ge [sflag:s24], $0x1000  }
0x2ca: {  	[sflag:s24] =	ssyncset.done $0x0  }
0x2cb: {  	[sflag:s24] =	ssyncadd.s32 $0xFFFFF000  }
0x2cc: {  	_ =	sfence.sel $0x180000  }
0x2cd: {  	[bflag:$0x0] =	sbarrier.arrive $0xFFFF  }
0x2ce: {  	_ =	strace $0x9000004A  }
0x2cf: {  	s0 =	stileid.u32;
	[bflag:$0x2] =	sbarrier.arrive $0xFFFF  }
0x2d0: {  	p0 =	sne.s32 s0, $0x0;
	s0 =	rddreg [dreg:$0x1]  }
0x2d1: {  	s0 =	sadd.s32 @!p0 $0x100000, s0  }
0x2d2: {  	[sflag:s0] =	ssyncadd.tile.s32 @!p0 $0x1;
	_ =	shalt  }
.Lfunc_end2:
_tile_overlayer_lowered:
.L_overlay_start_2:
0x2d3: {  	(tag) =	ssettag $0x2  }
0x2d4: {  	s0 =	rddreg [dreg:$0x0];
	s2 =	stileid.u32  }
0x2d5: {  	s1 =	rddreg [dreg:$0x1];
	p0 =	sne.s32 s2, $0x0  }
0x2d6: {  	s3 =	rddreg [dreg:$0x2];
	[bflag:$0x3] =	sbarrier.arrive $0xFFFF;
	s2 =	simm.s32 @!p0 $0x1C05  }
0x2d7: {  	[timem:s3], [sflag:s2] =	dma.local @!p0 [hbm:s0], s1  }
0x2d8: {  	s0 =	simm.s32 @!p0 $0x5  }
0x2d9: {  	_ =	swait.ge @!p0 [sflag:s0], s1  }
0x2da: {  	s1 =	ssub.s32 @!p0 $0x0, s1;
	[sflag:s0] =	ssyncset.done @!p0 $0x0  }
0x2db: {  	[sflag:s0] =	ssyncadd.s32 @!p0 s1  }
0x2dc: {  	[bflag:$0x3] =	sbarrier.arrive $0xFFFF  }
0x2dd: {  	_ =	shalt  }

// kernel: sc_gather_x.3.cloned.1.call-start
scs
__scs_entry_jumppad:
0x0: {  	(pc) =	sbr.rel $0x88, $3  }
0x1: {  	(tag) =	ssettag $0x0;
	lr =	simm.s32 $0x1  }
0x2: {  	[smem:$0x3F9A] =	sst lr;
	_ =	strace $0xD0000000  }
0x3: {  	_ = 	snop  }
0x4: {  	_ = 	snop  }
0x5: {  	_ = 	snop  }
0x6: {  	_ = 	snop  }
0x7: {  	_ = 	snop  }
__scs_overlays_trampoline_lowered:
0x8: {  	[smem:$0x3FA9] =	sst s0  }
0x9: {  	[smem:$0x3FAA] =	sst s1  }
0xa: {  	[smem:$0x3FAB] =	sst s2  }
0xb: {  	[smem:$0x3FAC] =	sst s3  }
0xc: {  	[smem:$0x3FAD] =	sst s4  }
0xd: {  	[smem:$0x3FAE] =	sst s5  }
0xe: {  	[smem:$0x3FAF] =	sst s6  }
0xf: {  	[smem:$0x3FB0] =	sst s7  }
0x10: {  	[smem:$0x3FB1] =	sst s8  }
0x11: {  	[smem:$0x3FB2] =	sst s9;
	s0 =	simm.s32 @!p0 $0x0  }
0x12: {  	s1 =	sld [smem:$0x3F98];
	s0 =	simm.s32 @p0 $0x1  }
0x13: {  	[smem:$0x3FB3] =	sst s0;
	s0 =	simm.s32 @!p1 $0x0  }
0x14: {  	s2 =	sld [smem:$0x3F97];
	s0 =	simm.s32 @p1 $0x1  }
0x15: {  	[smem:$0x3FB4] =	sst s0;
	s0 =	simm.s32 @!p2 $0x0  }
0x16: {  	s3 =	sld [smem:$0x3FDB];
	s0 =	simm.s32 @p2 $0x1  }
0x17: {  	s4 =	simm.s32 $0x1BF5;
	[smem:$0x3FB6] =	sst s0  }
0x18: {  	s0 =	sld [smem:$0x3F99];
	_ =	swait.ge [sflag:s4], $0x0  }
0x19: {  	s7 =	sld [smem:$0x3F9A]  }
0x1a: {  	s8 =	sadd.s32 $0xFFFFE003, lr  }
0x1b: {  	s9 =	sadd.s32 $0xFFFFFEF7, lr;
	s5 =	simm.s32 $0xFFFFFFFF;
	p2 =	slt.u32 s8, $0xFFFFF086  }
0x1c: {  	p1 =	slt.u32 s9, $0xF7A;
	s5 =	simm.s32 @!p2 $0x0  }
0x1d: {  	s5 =	simm.s32 @p1 $0x1;
	p0 =	seq.s32 s7, s2  }
0x1e: {  	s7 =	smul.u32 @!p0 $0xF7A, s2;
	p2 =	seq.s32 @!p0 s5, $0x0  }
0x1f: {  	s9 =	smul.u32 $0xF7A, s1;
	s8 =	simm.s32 @!p0 $0x1BF5;
	p2 =	por !p2, p0  }
0x20: {  	[sflag:s8] =	ssyncset.s32 @!p0 $0xFFFFF086;
	s6 =	sadd.s32 @!p0 s3, s7;
	s7 =	simm.s32 @!p0 $0x108  }
0x21: {  	s3 =	sadd.s32 s3, s9;
	s6 =	sadd.s32 @!p0 $0x88, s6;
	s7 =	simm.s32 @p2 $0x1082  }
0x22: {  	[simem:s7], [sflag:s8] =	dma.local @!p0 [hbm:s6], $0xF7A  }
0x23: {  	s9 =	sor.u32 $0xD0000000, s2;
	s6 =	simm.s32 $0x108;
	_ =	swait.ge @!p0 [sflag:s8], $0x0  }
0x24: {  	s3 =	sadd.s32 $0x88, s3;
	s6 =	simm.s32 @!p1 $0x1082;
	[sflag:s4] =	ssyncset.s32 $0xFFFFF086  }
0x25: {  	[simem:s6], [sflag:s4] =	dma.local [hbm:s3], $0xF7A  }
0x26: {  	[smem:$0x3F9A] =	sst s1;
	(tag) =	ssettag s2;
	_ =	strace s9  }
0x27: {  	s1 =	sld [smem:$0x3FAA]  }
0x28: {  	s2 =	sld [smem:$0x3FAB]  }
0x29: {  	s4 =	sld [smem:$0x3FAD]  }
0x2a: {  	p0 =	seq.s32 s5, $0x0;
	s5 =	sld [smem:$0x3FAE]  }
0x2b: {  	s6 =	sld [smem:$0x3FAF]  }
0x2c: {  	s7 =	sld [smem:$0x3FB0]  }
0x2d: {  	s3 =	simm.s32 $0x108;
	s8 =	sld [smem:$0x3FB1]  }
0x2e: {  	s3 =	simm.s32 @!p0 $0x1082;
	s9 =	sld [smem:$0x3FB2]  }
0x2f: {  	lr =	sadd.s32 s0, s3;
	s0 =	sld [smem:$0x3FA9]  }
0x30: {  	s3 =	sld [smem:$0x3FAC]  }
0x31: {  	[smem:$0x3FB5] =	sst s10  }
0x32: {  	s10 =	sld [smem:$0x3FB3];
	_ =	sdelay $0x3  }
0x33: {  	p0 =	seq.s32 s10, $0x1;
	s10 =	sld [smem:$0x3FB5];
	_ =	sdelay $0x3  }
0x34: {  	[smem:$0x3FB5] =	sst s10  }
0x35: {  	s10 =	sld [smem:$0x3FB4];
	_ =	sdelay $0x3  }
0x36: {  	p1 =	seq.s32 s10, $0x1;
	s10 =	sld [smem:$0x3FB5];
	_ =	sdelay $0x3  }
0x37: {  	[smem:$0x3FB5] =	sst s10  }
0x38: {  	s10 =	sld [smem:$0x3FB6]  }
0x39: {  	_ = 	snop;
	(pc) =	sbr.ind lr, $3  }
0x3a: {  	_ = 	snop  }
0x3b: {  	_ = 	snop  }
0x3c: {  	p2 =	seq.s32 s10, $0x1;
	s10 =	sld [smem:$0x3FB5]  }
0x3d: {  	_ =	shalt  }
0x3e: {  	_ =	shalt  }
0x3f: {  	_ =	shalt  }
0x40: {  	_ =	shalt  }
0x41: {  	_ =	shalt  }
0x42: {  	_ =	shalt  }
0x43: {  	_ =	shalt  }
0x44: {  	_ =	shalt  }
0x45: {  	_ =	shalt  }
0x46: {  	_ =	shalt  }
0x47: {  	_ =	shalt  }
0x48: {  	_ =	shalt  }
0x49: {  	_ =	shalt  }
0x4a: {  	_ =	shalt  }
0x4b: {  	_ =	shalt  }
0x4c: {  	_ =	shalt  }
0x4d: {  	_ =	shalt  }
0x4e: {  	_ =	shalt  }
0x4f: {  	_ =	shalt  }
0x50: {  	_ =	shalt  }
0x51: {  	_ =	shalt  }
0x52: {  	_ =	shalt  }
0x53: {  	_ =	shalt  }
0x54: {  	_ =	shalt  }
0x55: {  	_ =	shalt  }
0x56: {  	_ =	shalt  }
0x57: {  	_ =	shalt  }
0x58: {  	_ =	shalt  }
0x59: {  	_ =	shalt  }
0x5a: {  	_ =	shalt  }
0x5b: {  	_ =	shalt  }
0x5c: {  	_ =	shalt  }
0x5d: {  	_ =	shalt  }
0x5e: {  	_ =	shalt  }
0x5f: {  	_ =	shalt  }
0x60: {  	_ =	shalt  }
0x61: {  	_ =	shalt  }
0x62: {  	_ =	shalt  }
0x63: {  	_ =	shalt  }
0x64: {  	_ =	shalt  }
0x65: {  	_ =	shalt  }
0x66: {  	_ =	shalt  }
0x67: {  	_ =	shalt  }
0x68: {  	_ =	shalt  }
0x69: {  	_ =	shalt  }
0x6a: {  	_ =	shalt  }
0x6b: {  	_ =	shalt  }
0x6c: {  	_ =	shalt  }
0x6d: {  	_ =	shalt  }
0x6e: {  	_ =	shalt  }
0x6f: {  	_ =	shalt  }
0x70: {  	_ =	shalt  }
0x71: {  	_ =	shalt  }
0x72: {  	_ =	shalt  }
0x73: {  	_ =	shalt  }
0x74: {  	_ =	shalt  }
0x75: {  	_ =	shalt  }
0x76: {  	_ =	shalt  }
0x77: {  	_ =	shalt  }
0x78: {  	_ =	shalt  }
0x79: {  	_ =	shalt  }
0x7a: {  	_ =	shalt  }
0x7b: {  	_ =	shalt  }
0x7c: {  	_ =	shalt  }
0x7d: {  	_ =	shalt  }
0x7e: {  	_ =	shalt  }
0x7f: {  	_ =	shalt  }
0x80: {  	_ =	shalt  }
0x81: {  	_ =	shalt  }
0x82: {  	_ =	shalt  }
0x83: {  	_ =	shalt  }
0x84: {  	_ =	shalt  }
0x85: {  	_ =	shalt  }
0x86: {  	_ =	shalt  }
0x87: {  	_ =	shalt  }
.Lfunc_end0:
.L_simem_size_0:
called_computation_lowered:
.L_overlay_start_0:
0x88: {  	s2 =	sld [smem:$0x3FD9]  }
0x89: {  	s3 =	sld [smem:$0x3FFE];
	_ =	sdelay $0x1  }
0x8a: {  	s1 =	srdreg.scid  }
0x8b: {  	s0 =	sand.u32 $0x1, s1  }
0x8c: {  	s17 =	sshll.u32 s0, $0xA;
	s2 =	sadd.s32 s3, s2  }
0x8d: {  	s2 =	sadd.s32 s2, s17  }
0x8e: {  	[smem:$0x3FC1] =	sst s2  }
0x8f: {  	_ = 	snop  }
0x90: {  	s2 =	sld [smem:$0x3FD0];
	(tm) =	ssettm $0x1  }
0x91: {  	s18 =	sld [smem:$0x3FFB];
	_ =	sdelay $0x3  }
0x92: {  	_ =	strace s18  }
0x93: {  	s3 =	sld [smem:$0x3FFC];
	_ =	sdelay $0x3  }
0x94: {  	_ =	strace s3  }
0x95: {  	s3 =	sld [smem:$0x3FFD];
	_ =	sdelay $0x3  }
0x96: {  	_ =	strace s3  }
0x97: {  	_ =	strace $0x8FFFFFFF  }
0x98: {  	s19 =	sld [smem:$0x3FDB];
	_ =	sdelay $0x1  }
0x99: {  	s4 =	simm.s32 $_scs_section_size  }
0x9a: {  	s5 =	simm.s32 $_size__tile_overlayer_lowered;
	s6 =	simm.s32 $_tile_overlayer_lowered  }
0x9b: {  	s22 =	simm.s32 $0x1BFF;
	s21 =	sshll.u32 s6, $0x1;
	s3 =	sadd.s32 s4, s19  }
0x9c: {  	s7 =	simm.s32 $0x0;
	s20 =	sshll.u32 s5, $0x1;
	s5 =	sadd.s32 s21, s3  }
0x9d: {  	[timem:s7], [sflag:s22] =	dma.local [hbm:s5], s20  }
0x9e: {  	_ =	swait.ge [sflag:s22], s20  }
0x9f: {  	s4 =	ssub.s32 $0x0, s20;
	[sflag:s22] =	ssyncset.done $0x0  }
0xa0: {  	[sflag:s22] =	ssyncadd.s32 s4;
	_ =	sdelay $0x1  }
0xa1: {  	s23 =	simm.s32 $0x1B8B  }
0xa2: {  	_ =	swait.ge [sflag:s23], $0x1  }
0xa3: {  	[sflag:s23] =	ssyncset.done $0x0  }
0xa4: {  	s25 =	simm.s32 $0x1B8E;
	s24 =	sld [smem:$0x3FFE];
	[sflag:s23] =	ssyncadd.s32 $0xFFFFFFFF  }
0xa5: {  	s26 =	simm.s32 $execute0_lowered;
	[smem:$0x3FD2] =	sst s25  }
0xa6: {  	s5 =	sshll.u32 s26, $0x1;
	_ =	strace $0x80000046;
	[dreg:$0x1] =	wrdreg $0xFFFFFFFF  }
0xa7: {  	s28 =	simm.s32 $_size_execute0_lowered;
	s3 =	sadd.s32 s3, s5;
	[dreg:$0x0] =	wrdreg $0x0  }
0xa8: {  	s5 =	sshll.u32 s28, $0x1;
	[dreg:$0x2] =	wrdreg s3  }
0xa9: {  	[dreg:$0x3] =	wrdreg s5  }
0xaa: {  	[dreg:$0x4] =	wrdreg $0xC0  }
0xab: {  	_ =	task [dreg:s7], $0x5FFFF  }
0xac: {  	[dreg:$0x1] =	wrdreg $0xFFFFFFFF  }
0xad: {  	[dreg:$0x0] =	wrdreg $0x60  }
0xae: {  	[dreg:$0x2] =	wrdreg s24  }
0xaf: {  	[dreg:$0x3] =	wrdreg s2  }
0xb0: {  	[dreg:$0x4] =	wrdreg $0x9  }
0xb1: {  	_ =	task.clear_ibuf [dreg:s7], $0x5FFFF;
	_ =	strace $0x90000046  }
0xb2: {  	s29 =	simm.s32 $0x9;
	_ =	strace $0x80000048  }
0xb3: {  	_ =	swait.ge [sflag:s29], $0x1  }
0xb4: {  	[sflag:s29] =	ssyncadd.s32 $0xFFFFFFFF  }
0xb5: {  	_ =	strace $0x90000048  }
0xb6: {  	_ =	sfence  }
0xb7: {  	s30 =	sld [smem:$0x0];
	_ =	sdelay $0x2  }
0xb8: {  	s31 =	sshll.u32 s1, $0xD;
	s1 =	sshrl.u32 s1, $0x2  }
0xb9: {  	s3 =	sand.u32 $0x4000, s31;
	s1 =	sadd.s32 s1, s30  }
0xba: {  	s0 =	sor.u32 s3, s0;
	s1 =	sshll.u32 s1, $0x11  }
0xbb: {  	s0 =	sor.u32 s1, s0  }
0xbc: {  	s0 =	sadd.s32 $0x8F2B, s0  }
0xbd: {  	[sflag:s0] =	ssyncadd.remote.s32 $0x1  }
0xbe: {  	_ =	sfence.sel $0xFFFF  }
0xbf: {  	[dreg:$0x0] =	wrdreg $0xFFFFFFFF;
	(pc) =	sbr.abs _section_cstart, $3  }
0xc0: {  	[dreg:$0x1] =	wrdreg $0xFFFFFFFF  }
0xc1: {  	_ =	task.clear_ibuf [dreg:s7], $0x2FFFF;
	_ =	strace $0x9FFFFFFF  }
0xc2: {  	(tm) =	ssettm $0x7FFFFFFF  }
0xc3: {  	_ =	shalt  }
tec
execute0_lowered:
.L_overlay_start_1:
0x0: {  	(tag) =	ssettag $0x1  }
0x1: {  	s0 =	srdreg.scid;
	s1 =	rddreg [dreg:$0x0]  }
0x2: {  	s4 =	stileid.u32;
	s3 =	rddreg [dreg:$0x1];
	s0 =	sand.u32 $0x1, s0  }
0x3: {  	s7 =	simm.s32 $0xFC00;
	s6 =	sadd.s32 $0x1800, s1;
	s2 =	sshll.u32 s0, $0x4  }
0x4: {  	s23 =	sadd.s32 $0x306A, s1;
	s4 =	sor.u32 s4, s2;
	s2 =	simm.s32 $0x0  }
0x5: {  	s0 =	ssub.s32 $0x2, s0;
	s5 =	smul.u32 $0x708, s4;
	[smem:$0x7FF] =	sst s2  }
0x6: {  	s4 =	smul.u32 $0x640, s4;
	_ =	strace $0x80000047;
	[dreg:$0x3] =	wrdreg s6  }
0x7: {  	s8 =	simm.s32 $0x0;
	s22 =	sshrl.u32 s0, $0x1;
	[dreg:$0x5] =	wrdreg s23  }
0x8: {  	s5 =	sadd.s32 s5, s1;
	s4 =	sshrl.u32 s4, $0x3;
	s1 =	sadd.s32 $0x48D4, s1  }
0x9: {  	s5 =	sadd.s32 $0x6200, s5;
	s6 =	sadd.s32 s3, s4;
	[dreg:$0x6] =	wrdreg s1  }
0xa: {  	s0 =	ssub.s32 s0, s22;
	[dreg:$0x4] =	wrdreg s5;
	s24 =	sadd.s32 $0x1900, s6  }
0xb: {  	s25 =	sadd.s32 $0x3200, s6;
	s26 =	sadd.s32 $0x4B00, s6;
	s11 =	sadd.s32 $0x6400, s6  }
0xc: {  	s12 =	sadd.s32 $0x7D00, s6;
	s13 =	sadd.s32 $0x9600, s6;
	s14 =	sadd.s32 $0xAF00, s6  }
0xd: {  	s15 =	sadd.s32 $0xC800, s6;
	s16 =	sadd.s32 $0xE100, s6;
	s17 =	sadd.s32 $0xFA00, s6  }
0xe: {  	s18 =	sadd.s32 $0x11300, s6;
	s19 =	sadd.s32 $0x12C00, s6;
	s20 =	sadd.s32 $0x14500, s6  }
0xf: {  	s21 =	sadd.s32 $0x15E00, s6;
	s22 =	sadd.s32 $0x17700, s6;
	s23 =	sadd.s32 $0x19000, s6  }
0x10: {  	s28 =	sadd.s32 $0x1DB00, s6;
	s29 =	sadd.s32 $0x1F400, s6;
	s30 =	sadd.s32 $0x20D00, s6  }
0x11: {  	s31 =	sadd.s32 $0x22600, s6;
	s1 =	sadd.s32 $0x23F00, s6;
	[dreg:$0x7] =	wrdreg s24  }
0x12: {  	s3 =	sadd.s32 $0x27100, s6;
	s4 =	sadd.s32 $0x28A00, s6;
	[dreg:$0x8] =	wrdreg s25  }
0x13: {  	s5 =	simm.s32 $0x1;
	[dreg:$0x9] =	wrdreg s26;
	s24 =	sadd.s32 $0x1A900, s6  }
0x14: {  	v0 =	vlaneseq.u32;
	s25 =	smax.u32 s0, $0x1;
	s26 =	sadd.s32 $0x1C200, s6;
	s0 =	sadd.s32 $0x25800, s6  }
.LBB2_1:
0x15: {  	s9 =	simm.s32 $0xC380;
	s10 =	rddreg [dreg:$0x4]  }
0x16: {  	[tilespmem:s9], [sflag:$0x1] =	stream.linear.gather [hbm4b:s10+s2], $0x3840, $0x38;
	[tilespmem:$0x1A500] =	vst v63  }
0x17: {  	_ =	swait.ge [sflag:s5], $0x3840  }
0x18: {  	[sflag:s5] =	ssyncset.done $0x0  }
0x19: {  	s10 =	rddreg [dreg:$0x3];
	[sflag:s5] =	ssyncadd.s32 $0xFFFFC7C0  }
0x1a: {  	[tilespmem:s2], [sflag:$0x1] =	stream.linear.gather [hbm4b:s10+s2], $0xC350, $0x38;
	[tilespmem:$0x1A500] =	vst v63  }
0x1b: {  	_ =	swait.ge [sflag:s5], $0xC350  }
0x1c: {  	[sflag:s5] =	ssyncset.done $0x0  }
0x1d: {  	[sflag:s5] =	ssyncadd.s32 $0xFFFF3CB0  }
0x1e: {  	v2 =	vor.u32 s2, v0;
	s10 =	simm.s32 $0x10;
	v1 =	vld [tilespmem:s9+$0x0]  }
.LBB2_2:
0x1f: {  	p0 =	sne.s32 s10, $0x3830;
	v3 =	vmulhi.u32 $0x38E38E39, v2;
	_ =	sdelay $0x1  }
0x20: {  	v3 =	vshrl.u32 v3, $0x1  }
0x21: {  	v4 =	vmul.u32 $0xFFFFFFF7, v3;
	_ =	sdelay $0x1  }
0x22: {  	v2 =	vadd.s32 v2, v4  }
0x23: {  	v2 =	vmul.u32 $0x12C0, v2  }
0x24: {  	v1 =	vld.idx.msk [tilespmem:v1+s2+$0x0], $0xffff  }
0x25: {  	v2 =	vadd.s32 v3, v2;
	_ =	sdelay $0x1  }
.Ltmp0:
0x26: {  	(pc) =	sbr.rel @p0 .LBB2_2-.Ltmp0, $3  }
0x27: {  	_ =	sdelay $0x1  }
0x28: {  	s9 =	sadd.s32 $0x10, s9;
	[tilespmem:v2+s7+$0x0] =	vst.idx.msk $0xffff, v1  }
0x29: {  	v2 =	vor.u32 s10, v0;
	s10 =	sadd.s32 $0x10, s10;
	v1 =	vld [tilespmem:s9+$0x0]  }
0x2a: {  	v3 =	vmulhi.u32 $0x38E38E39, v2;
	_ =	sdelay $0x1  }
0x2b: {  	v3 =	vshrl.u32 v3, $0x1  }
0x2c: {  	v4 =	vmul.u32 $0xFFFFFFF7, v3;
	_ =	sdelay $0x1  }
0x2d: {  	v2 =	vadd.s32 v2, v4  }
0x2e: {  	v2 =	vmul.u32 $0x12C0, v2;
	_ =	sdelay $0x1  }
0x2f: {  	v1 =	vld.idx.msk [tilespmem:v1+s2+$0x0], $0xffff;
	v2 =	vadd.s32 v3, v2;
	_ =	sdelay $0x4  }
0x30: {  	s10 =	simm.s32 $0x0;
	s9 =	rddreg [dreg:$0x5];
	[tilespmem:v2+s7+$0x0] =	vst.idx.msk $0xffff, v1  }
0x31: {  	[tilespmem:s10], [sflag:$0x1] =	stream.linear.gather [hbm4b:s9+s10], $0xC350, $0x38;
	[tilespmem:$0x1A500] =	vst v63  }
0x32: {  	_ =	swait.ge [sflag:s5], $0xC350  }
0x33: {  	[sflag:s5] =	ssyncset.done $0x0  }
0x34: {  	v1 =	vor.u32 s10, v0;
	s9 =	simm.s32 $0xC380;
	s10 =	simm.s32 $0x10;
	[sflag:s5] =	ssyncadd.s32 $0xFFFF3CB0  }
.LBB2_4:
0x35: {  	p0 =	sne.s32 s10, $0x3830;
	v2 =	vld [tilespmem:s9+$0x0];
	v3 =	vmulhi.u32 $0x38E38E39, v1;
	_ =	sdelay $0x1  }
0x36: {  	v3 =	vshrl.u32 v3, $0x1  }
0x37: {  	v4 =	vmul.u32 $0xFFFFFFF7, v3;
	_ =	sdelay $0x1  }
0x38: {  	v1 =	vadd.s32 v1, v4  }
0x39: {  	v1 =	vmul.u32 $0x12C0, v1;
	_ =	sdelay $0x1  }
0x3a: {  	v2 =	vld.idx.msk [tilespmem:v2+s2+$0x0], $0xffff;
	v1 =	vadd.s32 v1, v3  }
0x3b: {  	v3 =	vadd.s32 $0x640, v1  }
.Ltmp1:
0x3c: {  	(pc) =	sbr.rel @p0 .LBB2_4-.Ltmp1, $2  }
0x3d: {  	_ =	sdelay $0x2  }
0x3e: {  	s9 =	sadd.s32 $0x10, s9;
	v1 =	vor.u32 s10, v0;
	s10 =	sadd.s32 $0x10, s10;
	[tilespmem:v3+s7+$0x0] =	vst.idx.msk $0xffff, v2  }
0x3f: {  	v2 =	vmulhi.u32 $0x38E38E39, v1  }
0x40: {  	v3 =	vld [tilespmem:s9+$0x0]  }
0x41: {  	v2 =	vshrl.u32 v2, $0x1  }
0x42: {  	v4 =	vmul.u32 $0xFFFFFFF7, v2;
	_ =	sdelay $0x1  }
0x43: {  	v1 =	vadd.s32 v1, v4  }
0x44: {  	v1 =	vmul.u32 $0x12C0, v1;
	_ =	sdelay $0x1  }
0x45: {  	v1 =	vadd.s32 v1, v2  }
0x46: {  	v2 =	vld.idx.msk [tilespmem:v3+s2+$0x0], $0xffff;
	v1 =	vadd.s32 $0x640, v1;
	_ =	sdelay $0x4  }
0x47: {  	s10 =	simm.s32 $0x0;
	s9 =	rddreg [dreg:$0x6];
	[tilespmem:v1+s7+$0x0] =	vst.idx.msk $0xffff, v2  }
0x48: {  	[tilespmem:s10], [sflag:$0x1] =	stream.linear.gather [hbm4b:s9+s10], $0xC350, $0x38;
	[tilespmem:$0x1A500] =	vst v63  }
0x49: {  	_ =	swait.ge [sflag:s5], $0xC350  }
0x4a: {  	[sflag:s5] =	ssyncset.done $0x0  }
0x4b: {  	v1 =	vor.u32 s10, v0;
	s9 =	simm.s32 $0xC380;
	s10 =	simm.s32 $0x10;
	[sflag:s5] =	ssyncadd.s32 $0xFFFF3CB0  }
.LBB2_6:
0x4c: {  	p0 =	sne.s32 s10, $0x3830;
	v2 =	vld [tilespmem:s9+$0x0];
	v3 =	vmulhi.u32 $0x38E38E39, v1;
	_ =	sdelay $0x1  }
0x4d: {  	v3 =	vshrl.u32 v3, $0x1  }
0x4e: {  	v4 =	vmul.u32 $0xFFFFFFF7, v3;
	_ =	sdelay $0x1  }
0x4f: {  	v1 =	vadd.s32 v1, v4  }
0x50: {  	v1 =	vmul.u32 $0x12C0, v1;
	_ =	sdelay $0x1  }
0x51: {  	v2 =	vld.idx.msk [tilespmem:v2+s2+$0x0], $0xffff;
	v1 =	vadd.s32 v1, v3  }
0x52: {  	v3 =	vadd.s32 $0xC80, v1  }
.Ltmp2:
0x53: {  	(pc) =	sbr.rel @p0 .LBB2_6-.Ltmp2, $2  }
0x54: {  	_ =	sdelay $0x2  }
0x55: {  	s9 =	sadd.s32 $0x10, s9;
	v1 =	vor.u32 s10, v0;
	s10 =	sadd.s32 $0x10, s10;
	[tilespmem:v3+s7+$0x0] =	vst.idx.msk $0xffff, v2  }
0x56: {  	v2 =	vmulhi.u32 $0x38E38E39, v1  }
0x57: {  	v3 =	vld [tilespmem:s9+$0x0]  }
0x58: {  	v2 =	vshrl.u32 v2, $0x1  }
0x59: {  	v4 =	vmul.u32 $0xFFFFFFF7, v2;
	_ =	sdelay $0x1  }
0x5a: {  	v1 =	vadd.s32 v1, v4  }
0x5b: {  	v1 =	vmul.u32 $0x12C0, v1;
	_ =	sdelay $0x1  }
0x5c: {  	v1 =	vadd.s32 v1, v2  }
0x5d: {  	v2 =	vld.idx.msk [tilespmem:v3+s2+$0x0], $0xffff;
	v1 =	vadd.s32 $0xC80, v1;
	_ =	sdelay $0x4  }
0x5e: {  	[tilespmem:v1+s7+$0x0] =	vst.idx.msk $0xffff, v2  }
0x5f: {  	[hbm4b:s6+s2] =	stream.linear.scatter [tilespmem:s7], [sflag:$0x1], $0x640, $0x38;
	[tilespmem:$0x1A500] =	vst v63  }
0x60: {  	_ =	swait.ge [sflag:s5], $0x640  }
0x61: {  	[sflag:s5] =	ssyncset.done $0x0  }
0x62: {  	s10 =	simm.s32 $0x10240;
	s9 =	rddreg [dreg:$0x7];
	[sflag:s5] =	ssyncadd.s32 $0xFFFFF9C0  }
0x63: {  	[hbm4b:s9+s2] =	stream.linear.scatter [tilespmem:s10], [sflag:$0x1], $0x640, $0x38;
	[tilespmem:$0x1A500] =	vst v63  }
0x64: {  	_ =	swait.ge [sflag:s5], $0x640  }
0x65: {  	[sflag:s5] =	ssyncset.done $0x0  }
0x66: {  	s10 =	simm.s32 $0x10880;
	s9 =	rddreg [dreg:$0x8];
	[sflag:s5] =	ssyncadd.s32 $0xFFFFF9C0  }
0x67: {  	[hbm4b:s9+s2] =	stream.linear.scatter [tilespmem:s10], [sflag:$0x1], $0x640, $0x38;
	[tilespmem:$0x1A500] =	vst v63  }
0x68: {  	_ =	swait.ge [sflag:s5], $0x640  }
0x69: {  	[sflag:s5] =	ssyncset.done $0x0  }
0x6a: {  	s10 =	simm.s32 $0x10EC0;
	s9 =	rddreg [dreg:$0x9];
	[sflag:s5] =	ssyncadd.s32 $0xFFFFF9C0  }
0x6b: {  	[hbm4b:s9+s2] =	stream.linear.scatter [tilespmem:s10], [sflag:$0x1], $0x640, $0x38;
	[tilespmem:$0x1A500] =	vst v63  }
0x6c: {  	_ =	swait.ge [sflag:s5], $0x640  }
0x6d: {  	[sflag:s5] =	ssyncset.done $0x0  }
0x6e: {  	s10 =	simm.s32 $0x11500;
	[sflag:s5] =	ssyncadd.s32 $0xFFFFF9C0  }
0x6f: {  	[hbm4b:s11+s2] =	stream.linear.scatter [tilespmem:s10], [sflag:$0x1], $0x640, $0x38;
	[tilespmem:$0x1A500] =	vst v63  }
0x70: {  	_ =	swait.ge [sflag:s5], $0x640  }
0x71: {  	[sflag:s5] =	ssyncset.done $0x0  }
0x72: {  	s10 =	simm.s32 $0x11B40;
	[sflag:s5] =	ssyncadd.s32 $0xFFFFF9C0  }
0x73: {  	[hbm4b:s12+s2] =	stream.linear.scatter [tilespmem:s10], [sflag:$0x1], $0x640, $0x38;
	[tilespmem:$0x1A500] =	vst v63  }
0x74: {  	_ =	swait.ge [sflag:s5], $0x640  }
0x75: {  	[sflag:s5] =	ssyncset.done $0x0  }
0x76: {  	s10 =	simm.s32 $0x12180;
	[sflag:s5] =	ssyncadd.s32 $0xFFFFF9C0  }
0x77: {  	[hbm4b:s13+s2] =	stream.linear.scatter [tilespmem:s10], [sflag:$0x1], $0x640, $0x38;
	[tilespmem:$0x1A500] =	vst v63  }
0x78: {  	_ =	swait.ge [sflag:s5], $0x640  }
0x79: {  	[sflag:s5] =	ssyncset.done $0x0  }
0x7a: {  	s10 =	simm.s32 $0x127C0;
	[sflag:s5] =	ssyncadd.s32 $0xFFFFF9C0  }
0x7b: {  	[hbm4b:s14+s2] =	stream.linear.scatter [tilespmem:s10], [sflag:$0x1], $0x640, $0x38;
	[tilespmem:$0x1A500] =	vst v63  }
0x7c: {  	_ =	swait.ge [sflag:s5], $0x640  }
0x7d: {  	[sflag:s5] =	ssyncset.done $0x0  }
0x7e: {  	s10 =	simm.s32 $0x12E00;
	[sflag:s5] =	ssyncadd.s32 $0xFFFFF9C0  }
0x7f: {  	[hbm4b:s15+s2] =	stream.linear.scatter [tilespmem:s10], [sflag:$0x1], $0x640, $0x38;
	[tilespmem:$0x1A500] =	vst v63  }
0x80: {  	_ =	swait.ge [sflag:s5], $0x640  }
0x81: {  	[sflag:s5] =	ssyncset.done $0x0  }
0x82: {  	s10 =	simm.s32 $0x13440;
	[sflag:s5] =	ssyncadd.s32 $0xFFFFF9C0  }
0x83: {  	[hbm4b:s16+s2] =	stream.linear.scatter [tilespmem:s10], [sflag:$0x1], $0x640, $0x38;
	[tilespmem:$0x1A500] =	vst v63  }
0x84: {  	_ =	swait.ge [sflag:s5], $0x640  }
0x85: {  	[sflag:s5] =	ssyncset.done $0x0  }
0x86: {  	s10 =	simm.s32 $0x13A80;
	[sflag:s5] =	ssyncadd.s32 $0xFFFFF9C0  }
0x87: {  	[hbm4b:s17+s2] =	stream.linear.scatter [tilespmem:s10], [sflag:$0x1], $0x640, $0x38;
	[tilespmem:$0x1A500] =	vst v63  }
0x88: {  	_ =	swait.ge [sflag:s5], $0x640  }
0x89: {  	[sflag:s5] =	ssyncset.done $0x0  }
0x8a: {  	s10 =	simm.s32 $0x140C0;
	[sflag:s5] =	ssyncadd.s32 $0xFFFFF9C0  }
0x8b: {  	[hbm4b:s18+s2] =	stream.linear.scatter [tilespmem:s10], [sflag:$0x1], $0x640, $0x38;
	[tilespmem:$0x1A500] =	vst v63  }
0x8c: {  	_ =	swait.ge [sflag:s5], $0x640  }
0x8d: {  	[sflag:s5] =	ssyncset.done $0x0  }
0x8e: {  	s10 =	simm.s32 $0x14700;
	[sflag:s5] =	ssyncadd.s32 $0xFFFFF9C0  }
0x8f: {  	[hbm4b:s19+s2] =	stream.linear.scatter [tilespmem:s10], [sflag:$0x1], $0x640, $0x38;
	[tilespmem:$0x1A500] =	vst v63  }
0x90: {  	_ =	swait.ge [sflag:s5], $0x640  }
0x91: {  	[sflag:s5] =	ssyncset.done $0x0  }
0x92: {  	s10 =	simm.s32 $0x14D40;
	[sflag:s5] =	ssyncadd.s32 $0xFFFFF9C0  }
0x93: {  	[hbm4b:s20+s2] =	stream.linear.scatter [tilespmem:s10], [sflag:$0x1], $0x640, $0x38;
	[tilespmem:$0x1A500] =	vst v63  }
0x94: {  	_ =	swait.ge [sflag:s5], $0x640  }
0x95: {  	[sflag:s5] =	ssyncset.done $0x0  }
0x96: {  	s10 =	simm.s32 $0x15380;
	[sflag:s5] =	ssyncadd.s32 $0xFFFFF9C0  }
0x97: {  	[hbm4b:s21+s2] =	stream.linear.scatter [tilespmem:s10], [sflag:$0x1], $0x640, $0x38;
	[tilespmem:$0x1A500] =	vst v63  }
0x98: {  	_ =	swait.ge [sflag:s5], $0x640  }
0x99: {  	[sflag:s5] =	ssyncset.done $0x0  }
0x9a: {  	s10 =	simm.s32 $0x159C0;
	[sflag:s5] =	ssyncadd.s32 $0xFFFFF9C0  }
0x9b: {  	[hbm4b:s22+s2] =	stream.linear.scatter [tilespmem:s10], [sflag:$0x1], $0x640, $0x38;
	[tilespmem:$0x1A500] =	vst v63  }
0x9c: {  	_ =	swait.ge [sflag:s5], $0x640  }
0x9d: {  	[sflag:s5] =	ssyncset.done $0x0  }
0x9e: {  	s10 =	simm.s32 $0x16000;
	[sflag:s5] =	ssyncadd.s32 $0xFFFFF9C0  }
0x9f: {  	[hbm4b:s23+s2] =	stream.linear.scatter [tilespmem:s10], [sflag:$0x1], $0x640, $0x38;
	[tilespmem:$0x1A500] =	vst v63  }
0xa0: {  	_ =	swait.ge [sflag:s5], $0x640  }
0xa1: {  	[sflag:s5] =	ssyncset.done $0x0  }
0xa2: {  	s10 =	simm.s32 $0x16640;
	[sflag:s5] =	ssyncadd.s32 $0xFFFFF9C0  }
0xa3: {  	[hbm4b:s24+s2] =	stream.linear.scatter [tilespmem:s10], [sflag:$0x1], $0x640, $0x38;
	[tilespmem:$0x1A500] =	vst v63  }
0xa4: {  	_ =	swait.ge [sflag:s5], $0x640  }
0xa5: {  	[sflag:s5] =	ssyncset.done $0x0  }
0xa6: {  	s10 =	simm.s32 $0x16C80;
	[sflag:s5] =	ssyncadd.s32 $0xFFFFF9C0  }
0xa7: {  	[hbm4b:s26+s2] =	stream.linear.scatter [tilespmem:s10], [sflag:$0x1], $0x640, $0x38;
	[tilespmem:$0x1A500] =	vst v63  }
0xa8: {  	_ =	swait.ge [sflag:s5], $0x640  }
0xa9: {  	[sflag:s5] =	ssyncset.done $0x0  }
0xaa: {  	s10 =	simm.s32 $0x172C0;
	[sflag:s5] =	ssyncadd.s32 $0xFFFFF9C0  }
0xab: {  	[hbm4b:s28+s2] =	stream.linear.scatter [tilespmem:s10], [sflag:$0x1], $0x640, $0x38;
	[tilespmem:$0x1A500] =	vst v63  }
0xac: {  	_ =	swait.ge [sflag:s5], $0x640  }
0xad: {  	[sflag:s5] =	ssyncset.done $0x0  }
0xae: {  	s10 =	simm.s32 $0x17900;
	[sflag:s5] =	ssyncadd.s32 $0xFFFFF9C0  }
0xaf: {  	[hbm4b:s29+s2] =	stream.linear.scatter [tilespmem:s10], [sflag:$0x1], $0x640, $0x38;
	[tilespmem:$0x1A500] =	vst v63  }
0xb0: {  	_ =	swait.ge [sflag:s5], $0x640  }
0xb1: {  	[sflag:s5] =	ssyncset.done $0x0  }
0xb2: {  	s10 =	simm.s32 $0x17F40;
	[sflag:s5] =	ssyncadd.s32 $0xFFFFF9C0  }
0xb3: {  	[hbm4b:s30+s2] =	stream.linear.scatter [tilespmem:s10], [sflag:$0x1], $0x640, $0x38;
	[tilespmem:$0x1A500] =	vst v63  }
0xb4: {  	_ =	swait.ge [sflag:s5], $0x640  }
0xb5: {  	[sflag:s5] =	ssyncset.done $0x0  }
0xb6: {  	s10 =	simm.s32 $0x18580;
	[sflag:s5] =	ssyncadd.s32 $0xFFFFF9C0  }
0xb7: {  	[hbm4b:s31+s2] =	stream.linear.scatter [tilespmem:s10], [sflag:$0x1], $0x640, $0x38;
	[tilespmem:$0x1A500] =	vst v63  }
0xb8: {  	_ =	swait.ge [sflag:s5], $0x640  }
0xb9: {  	[sflag:s5] =	ssyncset.done $0x0  }
0xba: {  	s10 =	simm.s32 $0x18BC0;
	[sflag:s5] =	ssyncadd.s32 $0xFFFFF9C0  }
0xbb: {  	[hbm4b:s1+s2] =	stream.linear.scatter [tilespmem:s10], [sflag:$0x1], $0x640, $0x38;
	[tilespmem:$0x1A500] =	vst v63  }
0xbc: {  	_ =	swait.ge [sflag:s5], $0x640  }
0xbd: {  	[sflag:s5] =	ssyncset.done $0x0  }
0xbe: {  	s10 =	simm.s32 $0x19200;
	[sflag:s5] =	ssyncadd.s32 $0xFFFFF9C0  }
0xbf: {  	[hbm4b:s0+s2] =	stream.linear.scatter [tilespmem:s10], [sflag:$0x1], $0x640, $0x38;
	[tilespmem:$0x1A500] =	vst v63  }
0xc0: {  	_ =	swait.ge [sflag:s5], $0x640  }
0xc1: {  	[sflag:s5] =	ssyncset.done $0x0  }
0xc2: {  	s10 =	simm.s32 $0x19840;
	[sflag:s5] =	ssyncadd.s32 $0xFFFFF9C0  }
0xc3: {  	[hbm4b:s3+s2] =	stream.linear.scatter [tilespmem:s10], [sflag:$0x1], $0x640, $0x38;
	[tilespmem:$0x1A500] =	vst v63  }
0xc4: {  	s8 =	sadd.s32 $0x1, s8;
	_ =	swait.ge [sflag:s5], $0x640  }
0xc5: {  	p0 =	sne.s32 s8, s25;
	[sflag:s5] =	ssyncset.done $0x0  }
.Ltmp3:
0xc6: {  	s10 =	simm.s32 $0x19E80;
	[sflag:s5] =	ssyncadd.s32 $0xFFFFF9C0;
	(pc) =	sbr.rel @p0 .LBB2_1-.Ltmp3, $4  }
0xc7: {  	[hbm4b:s4+s2] =	stream.linear.scatter [tilespmem:s10], [sflag:$0x1], $0x640, $0x38;
	[tilespmem:$0x1A500] =	vst v63  }
0xc8: {  	_ =	swait.ge [sflag:s5], $0x640  }
0xc9: {  	[sflag:s5] =	ssyncset.done $0x0  }
0xca: {  	[sflag:s5] =	ssyncadd.s32 $0xFFFFF9C0  }
0xcb: {  	_ =	sfence.sel $0x180000  }
0xcc: {  	[bflag:$0x0] =	sbarrier.arrive $0xFFFF  }
0xcd: {  	_ =	strace $0x90000047  }
0xce: {  	s0 =	stileid.u32;
	[bflag:$0x2] =	sbarrier.arrive $0xFFFF  }
0xcf: {  	p0 =	sne.s32 s0, $0x0;
	s0 =	rddreg [dreg:$0x2]  }
0xd0: {  	s0 =	sadd.s32 @!p0 $0x100000, s0  }
0xd1: {  	[sflag:s0] =	ssyncadd.tile.s32 @!p0 $0x1;
	_ =	shalt  }
.Lfunc_end2:
_tile_overlayer_lowered:
.L_overlay_start_2:
0xd2: {  	(tag) =	ssettag $0x2  }
0xd3: {  	s0 =	rddreg [dreg:$0x0];
	s2 =	stileid.u32  }
0xd4: {  	s1 =	rddreg [dreg:$0x1];
	p0 =	sne.s32 s2, $0x0  }
0xd5: {  	s3 =	rddreg [dreg:$0x2];
	[bflag:$0x3] =	sbarrier.arrive $0xFFFF;
	s2 =	simm.s32 @!p0 $0x1C01  }
0xd6: {  	[timem:s3], [sflag:s2] =	dma.local @!p0 [hbm:s0], s1  }
0xd7: {  	s0 =	simm.s32 @!p0 $0x1  }
0xd8: {  	_ =	swait.ge @!p0 [sflag:s0], s1  }
0xd9: {  	s1 =	ssub.s32 @!p0 $0x0, s1;
	[sflag:s0] =	ssyncset.done @!p0 $0x0  }
0xda: {  	[sflag:s0] =	ssyncadd.s32 @!p0 s1  }
0xdb: {  	[bflag:$0x3] =	sbarrier.arrive $0xFFFF  }
0xdc: {  	_ =	shalt  }

// kernel: sc_pool.3.cloned.1.call-start
scs
__scs_entry_jumppad:
0x0: {  	(pc) =	sbr.rel $0x88, $3  }
0x1: {  	(tag) =	ssettag $0x0;
	lr =	simm.s32 $0x1  }
0x2: {  	[smem:$0x3F9A] =	sst lr;
	_ =	strace $0xD0000000  }
0x3: {  	_ = 	snop  }
0x4: {  	_ = 	snop  }
0x5: {  	_ = 	snop  }
0x6: {  	_ = 	snop  }
0x7: {  	_ = 	snop  }
__scs_overlays_trampoline_lowered:
0x8: {  	[smem:$0x3FA9] =	sst s0  }
0x9: {  	[smem:$0x3FAA] =	sst s1  }
0xa: {  	[smem:$0x3FAB] =	sst s2  }
0xb: {  	[smem:$0x3FAC] =	sst s3  }
0xc: {  	[smem:$0x3FAD] =	sst s4  }
0xd: {  	[smem:$0x3FAE] =	sst s5  }
0xe: {  	[smem:$0x3FAF] =	sst s6  }
0xf: {  	[smem:$0x3FB0] =	sst s7  }
0x10: {  	[smem:$0x3FB1] =	sst s8  }
0x11: {  	[smem:$0x3FB2] =	sst s9;
	s0 =	simm.s32 @!p0 $0x0  }
0x12: {  	s1 =	sld [smem:$0x3F98];
	s0 =	simm.s32 @p0 $0x1  }
0x13: {  	[smem:$0x3FB3] =	sst s0;
	s0 =	simm.s32 @!p1 $0x0  }
0x14: {  	s2 =	sld [smem:$0x3F97];
	s0 =	simm.s32 @p1 $0x1  }
0x15: {  	[smem:$0x3FB4] =	sst s0;
	s0 =	simm.s32 @!p2 $0x0  }
0x16: {  	s3 =	sld [smem:$0x3FDB];
	s0 =	simm.s32 @p2 $0x1  }
0x17: {  	s4 =	simm.s32 $0x1BF5;
	[smem:$0x3FB6] =	sst s0  }
0x18: {  	s0 =	sld [smem:$0x3F99];
	_ =	swait.ge [sflag:s4], $0x0  }
0x19: {  	s7 =	sld [smem:$0x3F9A]  }
0x1a: {  	s8 =	sadd.s32 $0xFFFFE003, lr  }
0x1b: {  	s9 =	sadd.s32 $0xFFFFFEF7, lr;
	s5 =	simm.s32 $0xFFFFFFFF;
	p2 =	slt.u32 s8, $0xFFFFF086  }
0x1c: {  	p1 =	slt.u32 s9, $0xF7A;
	s5 =	simm.s32 @!p2 $0x0  }
0x1d: {  	s5 =	simm.s32 @p1 $0x1;
	p0 =	seq.s32 s7, s2  }
0x1e: {  	s7 =	smul.u32 @!p0 $0xF7A, s2;
	p2 =	seq.s32 @!p0 s5, $0x0  }
0x1f: {  	s9 =	smul.u32 $0xF7A, s1;
	s8 =	simm.s32 @!p0 $0x1BF5;
	p2 =	por !p2, p0  }
0x20: {  	[sflag:s8] =	ssyncset.s32 @!p0 $0xFFFFF086;
	s6 =	sadd.s32 @!p0 s3, s7;
	s7 =	simm.s32 @!p0 $0x108  }
0x21: {  	s3 =	sadd.s32 s3, s9;
	s6 =	sadd.s32 @!p0 $0x88, s6;
	s7 =	simm.s32 @p2 $0x1082  }
0x22: {  	[simem:s7], [sflag:s8] =	dma.local @!p0 [hbm:s6], $0xF7A  }
0x23: {  	s9 =	sor.u32 $0xD0000000, s2;
	s6 =	simm.s32 $0x108;
	_ =	swait.ge @!p0 [sflag:s8], $0x0  }
0x24: {  	s3 =	sadd.s32 $0x88, s3;
	s6 =	simm.s32 @!p1 $0x1082;
	[sflag:s4] =	ssyncset.s32 $0xFFFFF086  }
0x25: {  	[simem:s6], [sflag:s4] =	dma.local [hbm:s3], $0xF7A  }
0x26: {  	[smem:$0x3F9A] =	sst s1;
	(tag) =	ssettag s2;
	_ =	strace s9  }
0x27: {  	s1 =	sld [smem:$0x3FAA]  }
0x28: {  	s2 =	sld [smem:$0x3FAB]  }
0x29: {  	s4 =	sld [smem:$0x3FAD]  }
0x2a: {  	p0 =	seq.s32 s5, $0x0;
	s5 =	sld [smem:$0x3FAE]  }
0x2b: {  	s6 =	sld [smem:$0x3FAF]  }
0x2c: {  	s7 =	sld [smem:$0x3FB0]  }
0x2d: {  	s3 =	simm.s32 $0x108;
	s8 =	sld [smem:$0x3FB1]  }
0x2e: {  	s3 =	simm.s32 @!p0 $0x1082;
	s9 =	sld [smem:$0x3FB2]  }
0x2f: {  	lr =	sadd.s32 s0, s3;
	s0 =	sld [smem:$0x3FA9]  }
0x30: {  	s3 =	sld [smem:$0x3FAC]  }
0x31: {  	[smem:$0x3FB5] =	sst s10  }
0x32: {  	s10 =	sld [smem:$0x3FB3];
	_ =	sdelay $0x3  }
0x33: {  	p0 =	seq.s32 s10, $0x1;
	s10 =	sld [smem:$0x3FB5];
	_ =	sdelay $0x3  }
0x34: {  	[smem:$0x3FB5] =	sst s10  }
0x35: {  	s10 =	sld [smem:$0x3FB4];
	_ =	sdelay $0x3  }
0x36: {  	p1 =	seq.s32 s10, $0x1;
	s10 =	sld [smem:$0x3FB5];
	_ =	sdelay $0x3  }
0x37: {  	[smem:$0x3FB5] =	sst s10  }
0x38: {  	s10 =	sld [smem:$0x3FB6]  }
0x39: {  	_ = 	snop;
	(pc) =	sbr.ind lr, $3  }
0x3a: {  	_ = 	snop  }
0x3b: {  	_ = 	snop  }
0x3c: {  	p2 =	seq.s32 s10, $0x1;
	s10 =	sld [smem:$0x3FB5]  }
0x3d: {  	_ =	shalt  }
0x3e: {  	_ =	shalt  }
0x3f: {  	_ =	shalt  }
0x40: {  	_ =	shalt  }
0x41: {  	_ =	shalt  }
0x42: {  	_ =	shalt  }
0x43: {  	_ =	shalt  }
0x44: {  	_ =	shalt  }
0x45: {  	_ =	shalt  }
0x46: {  	_ =	shalt  }
0x47: {  	_ =	shalt  }
0x48: {  	_ =	shalt  }
0x49: {  	_ =	shalt  }
0x4a: {  	_ =	shalt  }
0x4b: {  	_ =	shalt  }
0x4c: {  	_ =	shalt  }
0x4d: {  	_ =	shalt  }
0x4e: {  	_ =	shalt  }
0x4f: {  	_ =	shalt  }
0x50: {  	_ =	shalt  }
0x51: {  	_ =	shalt  }
0x52: {  	_ =	shalt  }
0x53: {  	_ =	shalt  }
0x54: {  	_ =	shalt  }
0x55: {  	_ =	shalt  }
0x56: {  	_ =	shalt  }
0x57: {  	_ =	shalt  }
0x58: {  	_ =	shalt  }
0x59: {  	_ =	shalt  }
0x5a: {  	_ =	shalt  }
0x5b: {  	_ =	shalt  }
0x5c: {  	_ =	shalt  }
0x5d: {  	_ =	shalt  }
0x5e: {  	_ =	shalt  }
0x5f: {  	_ =	shalt  }
0x60: {  	_ =	shalt  }
0x61: {  	_ =	shalt  }
0x62: {  	_ =	shalt  }
0x63: {  	_ =	shalt  }
0x64: {  	_ =	shalt  }
0x65: {  	_ =	shalt  }
0x66: {  	_ =	shalt  }
0x67: {  	_ =	shalt  }
0x68: {  	_ =	shalt  }
0x69: {  	_ =	shalt  }
0x6a: {  	_ =	shalt  }
0x6b: {  	_ =	shalt  }
0x6c: {  	_ =	shalt  }
0x6d: {  	_ =	shalt  }
0x6e: {  	_ =	shalt  }
0x6f: {  	_ =	shalt  }
0x70: {  	_ =	shalt  }
0x71: {  	_ =	shalt  }
0x72: {  	_ =	shalt  }
0x73: {  	_ =	shalt  }
0x74: {  	_ =	shalt  }
0x75: {  	_ =	shalt  }
0x76: {  	_ =	shalt  }
0x77: {  	_ =	shalt  }
0x78: {  	_ =	shalt  }
0x79: {  	_ =	shalt  }
0x7a: {  	_ =	shalt  }
0x7b: {  	_ =	shalt  }
0x7c: {  	_ =	shalt  }
0x7d: {  	_ =	shalt  }
0x7e: {  	_ =	shalt  }
0x7f: {  	_ =	shalt  }
0x80: {  	_ =	shalt  }
0x81: {  	_ =	shalt  }
0x82: {  	_ =	shalt  }
0x83: {  	_ =	shalt  }
0x84: {  	_ =	shalt  }
0x85: {  	_ =	shalt  }
0x86: {  	_ =	shalt  }
0x87: {  	_ =	shalt  }
.Lfunc_end0:
.L_simem_size_0:
called_computation.2_lowered:
.L_overlay_start_0:
0x88: {  	s2 =	sld [smem:$0x3FD9]  }
0x89: {  	s3 =	sld [smem:$0x3FFE];
	_ =	sdelay $0x1  }
0x8a: {  	s1 =	srdreg.scid  }
0x8b: {  	s0 =	sand.u32 $0x1, s1  }
0x8c: {  	s17 =	sshll.u32 s0, $0xA;
	s2 =	sadd.s32 s3, s2  }
0x8d: {  	s2 =	sadd.s32 s2, s17  }
0x8e: {  	[smem:$0x3FC1] =	sst s2  }
0x8f: {  	_ = 	snop  }
0x90: {  	s2 =	sld [smem:$0x3FD0];
	(tm) =	ssettm $0x1  }
0x91: {  	s18 =	sld [smem:$0x3FFB];
	_ =	sdelay $0x3  }
0x92: {  	_ =	strace s18  }
0x93: {  	s3 =	sld [smem:$0x3FFC];
	_ =	sdelay $0x3  }
0x94: {  	_ =	strace s3  }
0x95: {  	s3 =	sld [smem:$0x3FFD];
	_ =	sdelay $0x3  }
0x96: {  	_ =	strace s3  }
0x97: {  	_ =	strace $0x8FFFFFFF  }
0x98: {  	s19 =	sld [smem:$0x3FDB];
	_ =	sdelay $0x1  }
0x99: {  	s4 =	simm.s32 $_scs_section_size  }
0x9a: {  	s5 =	simm.s32 $_size__tile_overlayer_lowered;
	s6 =	simm.s32 $_tile_overlayer_lowered  }
0x9b: {  	s22 =	simm.s32 $0x1BFF;
	s21 =	sshll.u32 s6, $0x1;
	s3 =	sadd.s32 s4, s19  }
0x9c: {  	s7 =	simm.s32 $0x0;
	s20 =	sshll.u32 s5, $0x1;
	s5 =	sadd.s32 s21, s3  }
0x9d: {  	[timem:s7], [sflag:s22] =	dma.local [hbm:s5], s20  }
0x9e: {  	_ =	swait.ge [sflag:s22], s20  }
0x9f: {  	s4 =	ssub.s32 $0x0, s20;
	[sflag:s22] =	ssyncset.done $0x0  }
0xa0: {  	[sflag:s22] =	ssyncadd.s32 s4;
	_ =	sdelay $0x1  }
0xa1: {  	s23 =	simm.s32 $0x1B8B  }
0xa2: {  	_ =	swait.ge [sflag:s23], $0x1  }
0xa3: {  	[sflag:s23] =	ssyncset.done $0x0  }
0xa4: {  	s25 =	simm.s32 $0x1B8E;
	s24 =	sld [smem:$0x3FFE];
	[sflag:s23] =	ssyncadd.s32 $0xFFFFFFFF  }
0xa5: {  	s26 =	simm.s32 $execute0_lowered;
	[smem:$0x3FD2] =	sst s25  }
0xa6: {  	s5 =	sshll.u32 s26, $0x1;
	_ =	strace $0x8000004C;
	[dreg:$0x1] =	wrdreg $0xFFFFFFFF  }
0xa7: {  	s28 =	simm.s32 $_size_execute0_lowered;
	s3 =	sadd.s32 s3, s5;
	[dreg:$0x0] =	wrdreg $0x0  }
0xa8: {  	s5 =	sshll.u32 s28, $0x1;
	[dreg:$0x2] =	wrdreg s3  }
0xa9: {  	[dreg:$0x3] =	wrdreg s5  }
0xaa: {  	[dreg:$0x4] =	wrdreg $0xC0  }
0xab: {  	_ =	task [dreg:s7], $0x5FFFF  }
0xac: {  	[dreg:$0x1] =	wrdreg $0xFFFFFFFF  }
0xad: {  	[dreg:$0x0] =	wrdreg $0x60  }
0xae: {  	[dreg:$0x2] =	wrdreg s24  }
0xaf: {  	[dreg:$0x3] =	wrdreg s2  }
0xb0: {  	[dreg:$0x4] =	wrdreg $0x9  }
0xb1: {  	_ =	task.clear_ibuf [dreg:s7], $0x5FFFF;
	_ =	strace $0x9000004C  }
0xb2: {  	s29 =	simm.s32 $0x9;
	_ =	strace $0x8000004E  }
0xb3: {  	_ =	swait.ge [sflag:s29], $0x1  }
0xb4: {  	[sflag:s29] =	ssyncadd.s32 $0xFFFFFFFF  }
0xb5: {  	_ =	strace $0x9000004E  }
0xb6: {  	_ =	sfence  }
0xb7: {  	s30 =	sld [smem:$0x0];
	_ =	sdelay $0x2  }
0xb8: {  	s31 =	sshll.u32 s1, $0xD;
	s1 =	sshrl.u32 s1, $0x2  }
0xb9: {  	s3 =	sand.u32 $0x4000, s31;
	s1 =	sadd.s32 s1, s30  }
0xba: {  	s0 =	sor.u32 s3, s0;
	s1 =	sshll.u32 s1, $0x11  }
0xbb: {  	s0 =	sor.u32 s1, s0  }
0xbc: {  	s0 =	sadd.s32 $0x8F2B, s0  }
0xbd: {  	[sflag:s0] =	ssyncadd.remote.s32 $0x1  }
0xbe: {  	_ =	sfence.sel $0xFFFF  }
0xbf: {  	[dreg:$0x0] =	wrdreg $0xFFFFFFFF;
	(pc) =	sbr.abs _section_cstart, $3  }
0xc0: {  	[dreg:$0x1] =	wrdreg $0xFFFFFFFF  }
0xc1: {  	_ =	task.clear_ibuf [dreg:s7], $0x2FFFF;
	_ =	strace $0x9FFFFFFF  }
0xc2: {  	(tm) =	ssettm $0x7FFFFFFF  }
0xc3: {  	_ =	shalt  }
tec
execute0_lowered:
.L_overlay_start_1:
0x0: {  	(tag) =	ssettag $0x1  }
0x1: {  	s0 =	rddreg [dreg:$0x0]  }
0x2: {  	s5 =	rddreg [dreg:$0x1];
	s1 =	srdreg.scid  }
0x3: {  	s2 =	simm.s32 $0x0;
	s29 =	stileid.u32;
	s8 =	simm.s32 $0x40  }
0x4: {  	s9 =	simm.s32 $0x800;
	s10 =	simm.s32 $0x2800;
	s11 =	simm.s32 $0x80  }
0x5: {  	s12 =	simm.s32 $0x4800;
	s13 =	simm.s32 $0xC0;
	s14 =	simm.s32 $0x6800  }
0x6: {  	s15 =	simm.s32 $0x8800;
	s16 =	simm.s32 $0xA800;
	s17 =	simm.s32 $0xC800  }
0x7: {  	s18 =	simm.s32 $0xE800;
	s19 =	simm.s32 $0x1;
	s20 =	simm.s32 $0x10800  }
0x8: {  	s21 =	simm.s32 $0x2;
	s22 =	simm.s32 $0x12800;
	s23 =	simm.s32 $0x3  }
0x9: {  	s24 =	simm.s32 $0x4;
	s3 =	sand.u32 $0x1, s1;
	[smem:$0x7FF] =	sst s2  }
0xa: {  	s25 =	simm.s32 $0x0;
	s4 =	sshll.u32 s3, $0x4;
	_ =	strace $0x8000004D  }
0xb: {  	s7 =	ssub.s32 $0x2, s3;
	s3 =	sadd.s32 $0x72A600, s0;
	s6 =	sor.u32 s29, s4  }
0xc: {  	s30 =	sshrl.u32 s7, $0x1;
	s4 =	sshll.u32 s6, $0x8;
	s31 =	sshll.u32 s6, $0xD  }
0xd: {  	s7 =	ssub.s32 s7, s30;
	s0 =	sadd.s32 s4, s0;
	s5 =	sadd.s32 s5, s31  }
0xe: {  	s6 =	smax.u32 s7, $0x1;
	s7 =	simm.s32 $0x5;
	s4 =	sadd.s32 $0x1800, s0  }
.LBB2_1:
0xf: {  	[tilespmem:s2], [sflag:$0x5] =	stream.linear.gather [hbm4b:s4+s2], $0x800, $0x38;
	[tilespmem:$0x14800] =	vst v63  }
0x10: {  	_ =	swait.ge [sflag:s7], $0x800  }
0x11: {  	[sflag:s7] =	ssyncset.done $0x0  }
0x12: {  	[sflag:s7] =	ssyncadd.s32 $0xFFFFF800  }
0x13: {  	[tilespmem:s9], [sflag:$0x1] =	stream.indirect.gather [hbm4b:s3+s8], $0x80, s2, s8, $0xb8;
	[tilespmem:$0x14800] =	vst v63  }
0x14: {  	_ = 	snop  }
0x15: {  	[tilespmem:s10], [sflag:$0x1] =	stream.indirect.gather [hbm4b:s3+s8], $0x80, s8, s8, $0xb8;
	[tilespmem:$0x14800] =	vst v63  }
0x16: {  	_ = 	snop  }
0x17: {  	[tilespmem:s12], [sflag:$0x1] =	stream.indirect.gather [hbm4b:s3+s8], $0x80, s11, s8, $0xb8;
	[tilespmem:$0x14800] =	vst v63  }
0x18: {  	s26 =	simm.s32 $0x0  }
0x19: {  	[tilespmem:s14], [sflag:$0x1] =	stream.indirect.gather [hbm4b:s3+s8], $0x80, s13, s8, $0xb8;
	[tilespmem:$0x14800] =	vst v63  }
.LBB2_2:
0x1a: {  	s29 =	sshll.u32 s26, $0xB  }
0x1b: {  	s28 =	sor.u32 $0x400, s29  }
0x1c: {  	s0 =	sshrl.u32 s28, $0x2  }
0x1d: {  	[tilespmem:s15], [sflag:$0x2] =	stream.indirect.gather [hbm4b:s3+s8], $0x80, s0, s8, $0xb8;
	[tilespmem:$0x14800] =	vst v63  }
0x1e: {  	s30 =	sor.u32 $0x40, s0  }
0x1f: {  	[tilespmem:s16], [sflag:$0x2] =	stream.indirect.gather [hbm4b:s3+s8], $0x80, s30, s8, $0xb8;
	[tilespmem:$0x14800] =	vst v63  }
0x20: {  	s30 =	sor.u32 $0x80, s0  }
0x21: {  	[tilespmem:s17], [sflag:$0x2] =	stream.indirect.gather [hbm4b:s3+s8], $0x80, s30, s8, $0xb8;
	[tilespmem:$0x14800] =	vst v63  }
0x22: {  	p0 =	seq.s32 s26, $0x0;
	s0 =	sor.u32 $0xC0, s0  }
0x23: {  	[tilespmem:s18], [sflag:$0x2] =	stream.indirect.gather [hbm4b:s3+s8], $0x80, s0, s8, $0xb8;
	[tilespmem:$0x14800] =	vst v63  }
0x24: {  	s0 =	simm.s32 @!p0 $0x3  }
0x25: {  	_ =	swait.ge @!p0 [sflag:s0], $0x2000  }
0x26: {  	[sflag:s0] =	ssyncset.done @!p0 $0x0  }
0x27: {  	[sflag:s0] =	ssyncadd.s32 @!p0 $0xFFFFE000  }
0x28: {  	_ =	swait.ge [sflag:s19], $0x2000  }
0x29: {  	[sflag:s19] =	ssyncset.done $0x0  }
0x2a: {  	[sflag:s19] =	ssyncadd.s32 $0xFFFFE000  }
0x2b: {  	_ =	swait.ge [sflag:s19], $0x2000  }
0x2c: {  	[sflag:s19] =	ssyncset.done $0x0  }
0x2d: {  	[sflag:s19] =	ssyncadd.s32 $0xFFFFE000  }
0x2e: {  	_ =	swait.ge [sflag:s19], $0x2000  }
0x2f: {  	[sflag:s19] =	ssyncset.done $0x0  }
0x30: {  	[sflag:s19] =	ssyncadd.s32 $0xFFFFE000  }
0x31: {  	_ =	swait.ge [sflag:s19], $0x2000  }
0x32: {  	[sflag:s19] =	ssyncset.done $0x0  }
0x33: {  	s30 =	simm.s32 $0x900;
	[sflag:s19] =	ssyncadd.s32 $0xFFFFE000  }
0x34: {  	v0 =	vld [tilespmem:s30+$0xFFFFFF80]  }
0x35: {  	v1 =	vld [tilespmem:s30+$0xFFFFFF00];
	_ =	sdelay $0x1  }
0x36: {  	v2 =	vld [tilespmem:s30+$0x0];
	_ =	sdelay $0x1  }
0x37: {  	v3 =	vld [tilespmem:s30+$0x80]  }
0x38: {  	v0 =	vadd.f32 v0, v1;
	_ =	sdelay $0x1  }
0x39: {  	v0 =	vadd.f32 v2, v0;
	_ =	sdelay $0x1  }
0x3a: {  	v0 =	vadd.f32 v3, v0;
	_ =	sdelay $0x1  }
0x3b: {  	v0 =	vmul.f32 $2.500000000e-01, v0  }
0x3c: {  	s31 =	simm.s32 $0x0  }
0x3d: {  	[tilespmem:s31+$0x10800] =	vst v0  }
0x3e: {  	v0 =	vld [tilespmem:s30+$0xFFFFFF10]  }
0x3f: {  	v1 =	vld [tilespmem:s30+$0xFFFFFF90];
	_ =	sdelay $0x1  }
0x40: {  	v2 =	vld [tilespmem:s30+$0x10];
	_ =	sdelay $0x1  }
0x41: {  	v3 =	vld [tilespmem:s30+$0x90]  }
0x42: {  	v0 =	vadd.f32 v1, v0;
	_ =	sdelay $0x1  }
0x43: {  	v0 =	vadd.f32 v2, v0;
	_ =	sdelay $0x1  }
0x44: {  	v0 =	vadd.f32 v3, v0;
	_ =	sdelay $0x1  }
0x45: {  	v0 =	vmul.f32 $2.500000000e-01, v0;
	_ =	sdelay $0x1  }
0x46: {  	[tilespmem:s31+$0x10810] =	vst v0  }
0x47: {  	v0 =	vld [tilespmem:s30+$0xFFFFFF20]  }
0x48: {  	v1 =	vld [tilespmem:s30+$0xFFFFFFA0];
	_ =	sdelay $0x1  }
0x49: {  	v2 =	vld [tilespmem:s30+$0x20];
	_ =	sdelay $0x1  }
0x4a: {  	v3 =	vld [tilespmem:s30+$0xA0]  }
0x4b: {  	v0 =	vadd.f32 v1, v0;
	_ =	sdelay $0x1  }
0x4c: {  	v0 =	vadd.f32 v2, v0;
	_ =	sdelay $0x1  }
0x4d: {  	v0 =	vadd.f32 v3, v0;
	_ =	sdelay $0x1  }
0x4e: {  	v0 =	vmul.f32 $2.500000000e-01, v0;
	_ =	sdelay $0x1  }
0x4f: {  	[tilespmem:s31+$0x10820] =	vst v0  }
0x50: {  	v0 =	vld [tilespmem:s30+$0xFFFFFF30]  }
0x51: {  	v1 =	vld [tilespmem:s30+$0xFFFFFFB0];
	_ =	sdelay $0x1  }
0x52: {  	v2 =	vld [tilespmem:s30+$0x30];
	_ =	sdelay $0x1  }
0x53: {  	v3 =	vld [tilespmem:s30+$0xB0]  }
0x54: {  	v0 =	vadd.f32 v1, v0;
	_ =	sdelay $0x1  }
0x55: {  	v0 =	vadd.f32 v2, v0;
	_ =	sdelay $0x1  }
0x56: {  	v0 =	vadd.f32 v3, v0;
	_ =	sdelay $0x1  }
0x57: {  	v0 =	vmul.f32 $2.500000000e-01, v0;
	_ =	sdelay $0x1  }
0x58: {  	[tilespmem:s31+$0x10830] =	vst v0  }
0x59: {  	v0 =	vld [tilespmem:s30+$0xFFFFFF40]  }
0x5a: {  	v1 =	vld [tilespmem:s30+$0xFFFFFFC0];
	_ =	sdelay $0x1  }
0x5b: {  	v2 =	vld [tilespmem:s30+$0x40];
	_ =	sdelay $0x1  }
0x5c: {  	v3 =	vld [tilespmem:s30+$0xC0]  }
0x5d: {  	v0 =	vadd.f32 v1, v0;
	_ =	sdelay $0x1  }
0x5e: {  	v0 =	vadd.f32 v2, v0;
	_ =	sdelay $0x1  }
0x5f: {  	v0 =	vadd.f32 v3, v0;
	_ =	sdelay $0x1  }
0x60: {  	v0 =	vmul.f32 $2.500000000e-01, v0;
	_ =	sdelay $0x1  }
0x61: {  	[tilespmem:s31+$0x10840] =	vst v0  }
0x62: {  	v0 =	vld [tilespmem:s30+$0xFFFFFF50]  }
0x63: {  	v1 =	vld [tilespmem:s30+$0xFFFFFFD0];
	_ =	sdelay $0x1  }
0x64: {  	v2 =	vld [tilespmem:s30+$0x50];
	_ =	sdelay $0x1  }
0x65: {  	v3 =	vld [tilespmem:s30+$0xD0]  }
0x66: {  	v0 =	vadd.f32 v1, v0;
	_ =	sdelay $0x1  }
0x67: {  	v0 =	vadd.f32 v2, v0;
	_ =	sdelay $0x1  }
0x68: {  	v0 =	vadd.f32 v3, v0;
	_ =	sdelay $0x1  }
0x69: {  	v0 =	vmul.f32 $2.500000000e-01, v0;
	_ =	sdelay $0x1  }
0x6a: {  	[tilespmem:s31+$0x10850] =	vst v0  }
0x6b: {  	v0 =	vld [tilespmem:s30+$0xFFFFFF60]  }
0x6c: {  	v1 =	vld [tilespmem:s30+$0xFFFFFFE0];
	_ =	sdelay $0x1  }
0x6d: {  	v2 =	vld [tilespmem:s30+$0x60];
	_ =	sdelay $0x1  }
0x6e: {  	v3 =	vld [tilespmem:s30+$0xE0]  }
0x6f: {  	v0 =	vadd.f32 v1, v0;
	_ =	sdelay $0x1  }
0x70: {  	v0 =	vadd.f32 v2, v0;
	_ =	sdelay $0x1  }
0x71: {  	v0 =	vadd.f32 v3, v0;
	_ =	sdelay $0x1  }
0x72: {  	v0 =	vmul.f32 $2.500000000e-01, v0;
	_ =	sdelay $0x1  }
0x73: {  	[tilespmem:s31+$0x10860] =	vst v0  }
0x74: {  	v2 =	vld [tilespmem:s30+$0xFFFFFF70]  }
0x75: {  	v3 =	vld [tilespmem:s30+$0xFFFFFFF0]  }
0x76: {  	v0 =	vld [tilespmem:s30+$0x70]  }
0x77: {  	s0 =	simm.s32 $0x200;
	v1 =	vld [tilespmem:s30+$0xF0]  }
.LBB2_3:
0x78: {  	_ = 	snop  }
0x79: {  	p0 =	sne.s32 s0, $0x7E00  }
0x7a: {  	s30 =	sadd.s32 $0x200, s30;
	s1 =	smov.u32 s0;
	s0 =	sadd.s32 $0x200, s0;
	v2 =	vadd.f32 v3, v2  }
0x7b: {  	_ = 	snop  }
0x7c: {  	v0 =	vadd.f32 v0, v2;
	_ =	sdelay $0x1  }
0x7d: {  	v0 =	vadd.f32 v1, v0;
	_ =	sdelay $0x1  }
0x7e: {  	v0 =	vmul.f32 $2.500000000e-01, v0;
	_ =	sdelay $0x1  }
0x7f: {  	[tilespmem:s31+$0x10870] =	vst v0  }
0x80: {  	v0 =	vld [tilespmem:s30+$0xFFFFFF80]  }
0x81: {  	v1 =	vld [tilespmem:s30+$0xFFFFFF00]  }
0x82: {  	v2 =	vld [tilespmem:s30+$0x0];
	_ =	sdelay $0x2  }
0x83: {  	v3 =	vld [tilespmem:s30+$0x80]  }
0x84: {  	v0 =	vadd.f32 v0, v1;
	_ =	sdelay $0x1  }
0x85: {  	v0 =	vadd.f32 v2, v0;
	_ =	sdelay $0x1  }
0x86: {  	v0 =	vadd.f32 v3, v0;
	_ =	sdelay $0x1  }
0x87: {  	v0 =	vmul.f32 $2.500000000e-01, v0  }
0x88: {  	s31 =	sshra.s32 s1, $0x2  }
0x89: {  	[tilespmem:s31+$0x10800] =	vst v0  }
0x8a: {  	v0 =	vld [tilespmem:s30+$0xFFFFFF10]  }
0x8b: {  	v1 =	vld [tilespmem:s30+$0xFFFFFF90];
	_ =	sdelay $0x1  }
0x8c: {  	v2 =	vld [tilespmem:s30+$0x10];
	_ =	sdelay $0x1  }
0x8d: {  	v3 =	vld [tilespmem:s30+$0x90]  }
0x8e: {  	v0 =	vadd.f32 v1, v0;
	_ =	sdelay $0x1  }
0x8f: {  	v0 =	vadd.f32 v2, v0;
	_ =	sdelay $0x1  }
0x90: {  	v0 =	vadd.f32 v3, v0;
	_ =	sdelay $0x1  }
0x91: {  	v0 =	vmul.f32 $2.500000000e-01, v0;
	_ =	sdelay $0x1  }
0x92: {  	[tilespmem:s31+$0x10810] =	vst v0  }
0x93: {  	v0 =	vld [tilespmem:s30+$0xFFFFFF20]  }
0x94: {  	v1 =	vld [tilespmem:s30+$0xFFFFFFA0];
	_ =	sdelay $0x1  }
0x95: {  	v2 =	vld [tilespmem:s30+$0x20];
	_ =	sdelay $0x1  }
0x96: {  	v3 =	vld [tilespmem:s30+$0xA0]  }
0x97: {  	v0 =	vadd.f32 v1, v0;
	_ =	sdelay $0x1  }
0x98: {  	v0 =	vadd.f32 v2, v0;
	_ =	sdelay $0x1  }
0x99: {  	v0 =	vadd.f32 v3, v0;
	_ =	sdelay $0x1  }
0x9a: {  	v0 =	vmul.f32 $2.500000000e-01, v0;
	_ =	sdelay $0x1  }
0x9b: {  	[tilespmem:s31+$0x10820] =	vst v0  }
0x9c: {  	v0 =	vld [tilespmem:s30+$0xFFFFFF30]  }
0x9d: {  	v1 =	vld [tilespmem:s30+$0xFFFFFFB0];
	_ =	sdelay $0x1  }
0x9e: {  	v2 =	vld [tilespmem:s30+$0x30];
	_ =	sdelay $0x1  }
0x9f: {  	v3 =	vld [tilespmem:s30+$0xB0]  }
0xa0: {  	v0 =	vadd.f32 v1, v0;
	_ =	sdelay $0x1  }
0xa1: {  	v0 =	vadd.f32 v2, v0;
	_ =	sdelay $0x1  }
0xa2: {  	v0 =	vadd.f32 v3, v0;
	_ =	sdelay $0x1  }
0xa3: {  	v0 =	vmul.f32 $2.500000000e-01, v0;
	_ =	sdelay $0x1  }
0xa4: {  	[tilespmem:s31+$0x10830] =	vst v0  }
0xa5: {  	v0 =	vld [tilespmem:s30+$0xFFFFFF40]  }
0xa6: {  	v1 =	vld [tilespmem:s30+$0xFFFFFFC0];
	_ =	sdelay $0x1  }
0xa7: {  	v2 =	vld [tilespmem:s30+$0x40];
	_ =	sdelay $0x1  }
0xa8: {  	v3 =	vld [tilespmem:s30+$0xC0]  }
0xa9: {  	v0 =	vadd.f32 v1, v0;
	_ =	sdelay $0x1  }
0xaa: {  	v0 =	vadd.f32 v2, v0;
	_ =	sdelay $0x1  }
0xab: {  	v0 =	vadd.f32 v3, v0;
	_ =	sdelay $0x1  }
0xac: {  	v0 =	vmul.f32 $2.500000000e-01, v0;
	_ =	sdelay $0x1  }
0xad: {  	[tilespmem:s31+$0x10840] =	vst v0  }
0xae: {  	v0 =	vld [tilespmem:s30+$0xFFFFFF50]  }
0xaf: {  	v1 =	vld [tilespmem:s30+$0xFFFFFFD0]  }
0xb0: {  	v2 =	vld [tilespmem:s30+$0x50]  }
0xb1: {  	v3 =	vld [tilespmem:s30+$0xD0];
	_ =	sdelay $0x2  }
0xb2: {  	v0 =	vadd.f32 v1, v0;
	_ =	sdelay $0x1  }
0xb3: {  	v0 =	vadd.f32 v2, v0;
	_ =	sdelay $0x1  }
0xb4: {  	v0 =	vadd.f32 v3, v0;
	_ =	sdelay $0x1  }
0xb5: {  	v0 =	vmul.f32 $2.500000000e-01, v0;
	_ =	sdelay $0x1  }
0xb6: {  	[tilespmem:s31+$0x10850] =	vst v0  }
0xb7: {  	v0 =	vld [tilespmem:s30+$0xFFFFFF60]  }
0xb8: {  	v1 =	vld [tilespmem:s30+$0xFFFFFFE0]  }
0xb9: {  	v2 =	vld [tilespmem:s30+$0x60]  }
0xba: {  	v3 =	vld [tilespmem:s30+$0xE0];
	_ =	sdelay $0x2  }
0xbb: {  	v0 =	vadd.f32 v1, v0;
	_ =	sdelay $0x1  }
0xbc: {  	v0 =	vadd.f32 v2, v0;
	_ =	sdelay $0x1  }
0xbd: {  	v0 =	vadd.f32 v3, v0;
	_ =	sdelay $0x1  }
0xbe: {  	v0 =	vmul.f32 $2.500000000e-01, v0;
	_ =	sdelay $0x1  }
.Ltmp0:
0xbf: {  	[tilespmem:s31+$0x10860] =	vst v0;
	(pc) =	sbr.rel @p0 .LBB2_3-.Ltmp0, $4  }
0xc0: {  	v2 =	vld [tilespmem:s30+$0xFFFFFF70]  }
0xc1: {  	v3 =	vld [tilespmem:s30+$0xFFFFFFF0]  }
0xc2: {  	v0 =	vld [tilespmem:s30+$0x70]  }
0xc3: {  	v1 =	vld [tilespmem:s30+$0xF0]  }
0xc4: {  	_ =	sdelay $0x1  }
0xc5: {  	v2 =	vadd.f32 v3, v2;
	_ =	sdelay $0x1  }
0xc6: {  	v0 =	vadd.f32 v0, v2;
	_ =	sdelay $0x1  }
0xc7: {  	v0 =	vadd.f32 v1, v0;
	_ =	sdelay $0x1  }
0xc8: {  	v0 =	vmul.f32 $2.500000000e-01, v0;
	_ =	sdelay $0x1  }
0xc9: {  	s0 =	sadd.s32 s29, s5;
	p0 =	seq.s32 s26, $0x3;
	[tilespmem:s31+$0x10870] =	vst v0  }
0xca: {  	[hbm4b:s0+s2] =	stream.linear.scatter [tilespmem:s20], [sflag:$0x3], $0x2000, $0x38;
	[tilespmem:$0x14800] =	vst v63  }
0xcb: {  	s0 =	sshrl.u32 @!p0 s29, $0x2  }
0xcc: {  	s30 =	simm.s32 @!p0 $0x800;
	s29 =	simm.s32 @!p0 $0x40;
	s1 =	sadd.s32 @!p0 $0x200, s0  }
0xcd: {  	[tilespmem:s30], [sflag:$0x1] =	stream.indirect.gather @!p0 [hbm4b:s3+s29], $0x80, s1, s29, $0xb8;
	[tilespmem:$0x14800] =	vst v63  }
0xce: {  	s1 =	sadd.s32 @!p0 $0x240, s0;
	s30 =	simm.s32 @!p0 $0x2800  }
0xcf: {  	[tilespmem:s30], [sflag:$0x1] =	stream.indirect.gather @!p0 [hbm4b:s3+s29], $0x80, s1, s29, $0xb8;
	[tilespmem:$0x14800] =	vst v63  }
0xd0: {  	s1 =	sadd.s32 @!p0 $0x280, s0;
	s30 =	simm.s32 @!p0 $0x4800  }
0xd1: {  	[tilespmem:s30], [sflag:$0x1] =	stream.indirect.gather @!p0 [hbm4b:s3+s29], $0x80, s1, s29, $0xb8;
	[tilespmem:$0x14800] =	vst v63  }
0xd2: {  	p1 =	seq.s32 @!p0 s26, $0x0;
	s0 =	sadd.s32 @!p0 $0x2C0, s0;
	s1 =	simm.s32 @!p0 $0x6800  }
0xd3: {  	[tilespmem:s1], [sflag:$0x1] =	stream.indirect.gather @!p0 [hbm4b:s3+s29], $0x80, s0, s29, $0xb8;
	[tilespmem:$0x14800] =	vst v63  }
0xd4: {  	p0 =	por p0, !p1  }
0xd5: {  	_ =	swait.ge @p0 [sflag:s24], $0x2000  }
0xd6: {  	[sflag:s24] =	ssyncset.done @p0 $0x0  }
0xd7: {  	[sflag:s24] =	ssyncadd.s32 @p0 $0xFFFFE000  }
0xd8: {  	_ =	swait.ge [sflag:s21], $0x2000  }
0xd9: {  	[sflag:s21] =	ssyncset.done $0x0  }
0xda: {  	[sflag:s21] =	ssyncadd.s32 $0xFFFFE000  }
0xdb: {  	_ =	swait.ge [sflag:s21], $0x2000  }
0xdc: {  	[sflag:s21] =	ssyncset.done $0x0  }
0xdd: {  	[sflag:s21] =	ssyncadd.s32 $0xFFFFE000  }
0xde: {  	_ =	swait.ge [sflag:s21], $0x2000  }
0xdf: {  	[sflag:s21] =	ssyncset.done $0x0  }
0xe0: {  	[sflag:s21] =	ssyncadd.s32 $0xFFFFE000  }
0xe1: {  	_ =	swait.ge [sflag:s21], $0x2000  }
0xe2: {  	[sflag:s21] =	ssyncset.done $0x0  }
0xe3: {  	s29 =	simm.s32 $0x8900;
	[sflag:s21] =	ssyncadd.s32 $0xFFFFE000  }
0xe4: {  	v0 =	vld [tilespmem:s29+$0xFFFFFF80]  }
0xe5: {  	v1 =	vld [tilespmem:s29+$0xFFFFFF00];
	_ =	sdelay $0x1  }
0xe6: {  	v2 =	vld [tilespmem:s29+$0x0];
	_ =	sdelay $0x1  }
0xe7: {  	v3 =	vld [tilespmem:s29+$0x80]  }
0xe8: {  	v0 =	vadd.f32 v0, v1;
	_ =	sdelay $0x1  }
0xe9: {  	v0 =	vadd.f32 v2, v0;
	_ =	sdelay $0x1  }
0xea: {  	v0 =	vadd.f32 v3, v0;
	_ =	sdelay $0x1  }
0xeb: {  	v0 =	vmul.f32 $2.500000000e-01, v0  }
0xec: {  	s30 =	simm.s32 $0x0  }
0xed: {  	[tilespmem:s30+$0x12800] =	vst v0  }
0xee: {  	v0 =	vld [tilespmem:s29+$0xFFFFFF10]  }
0xef: {  	v1 =	vld [tilespmem:s29+$0xFFFFFF90];
	_ =	sdelay $0x1  }
0xf0: {  	v2 =	vld [tilespmem:s29+$0x10];
	_ =	sdelay $0x1  }
0xf1: {  	v3 =	vld [tilespmem:s29+$0x90]  }
0xf2: {  	v0 =	vadd.f32 v1, v0;
	_ =	sdelay $0x1  }
0xf3: {  	v0 =	vadd.f32 v2, v0;
	_ =	sdelay $0x1  }
0xf4: {  	v0 =	vadd.f32 v3, v0;
	_ =	sdelay $0x1  }
0xf5: {  	v0 =	vmul.f32 $2.500000000e-01, v0;
	_ =	sdelay $0x1  }
0xf6: {  	[tilespmem:s30+$0x12810] =	vst v0  }
0xf7: {  	v0 =	vld [tilespmem:s29+$0xFFFFFF20]  }
0xf8: {  	v1 =	vld [tilespmem:s29+$0xFFFFFFA0];
	_ =	sdelay $0x1  }
0xf9: {  	v2 =	vld [tilespmem:s29+$0x20];
	_ =	sdelay $0x1  }
0xfa: {  	v3 =	vld [tilespmem:s29+$0xA0]  }
0xfb: {  	v0 =	vadd.f32 v1, v0;
	_ =	sdelay $0x1  }
0xfc: {  	v0 =	vadd.f32 v2, v0;
	_ =	sdelay $0x1  }
0xfd: {  	v0 =	vadd.f32 v3, v0;
	_ =	sdelay $0x1  }
0xfe: {  	v0 =	vmul.f32 $2.500000000e-01, v0;
	_ =	sdelay $0x1  }
0xff: {  	[tilespmem:s30+$0x12820] =	vst v0  }
0x100: {  	v0 =	vld [tilespmem:s29+$0xFFFFFF30]  }
0x101: {  	v1 =	vld [tilespmem:s29+$0xFFFFFFB0];
	_ =	sdelay $0x1  }
0x102: {  	v2 =	vld [tilespmem:s29+$0x30];
	_ =	sdelay $0x1  }
0x103: {  	v3 =	vld [tilespmem:s29+$0xB0]  }
0x104: {  	v0 =	vadd.f32 v1, v0;
	_ =	sdelay $0x1  }
0x105: {  	v0 =	vadd.f32 v2, v0;
	_ =	sdelay $0x1  }
0x106: {  	v0 =	vadd.f32 v3, v0;
	_ =	sdelay $0x1  }
0x107: {  	v0 =	vmul.f32 $2.500000000e-01, v0;
	_ =	sdelay $0x1  }
0x108: {  	[tilespmem:s30+$0x12830] =	vst v0  }
0x109: {  	v0 =	vld [tilespmem:s29+$0xFFFFFF40]  }
0x10a: {  	v1 =	vld [tilespmem:s29+$0xFFFFFFC0];
	_ =	sdelay $0x1  }
0x10b: {  	v2 =	vld [tilespmem:s29+$0x40];
	_ =	sdelay $0x1  }
0x10c: {  	v3 =	vld [tilespmem:s29+$0xC0]  }
0x10d: {  	v0 =	vadd.f32 v1, v0;
	_ =	sdelay $0x1  }
0x10e: {  	v0 =	vadd.f32 v2, v0;
	_ =	sdelay $0x1  }
0x10f: {  	v0 =	vadd.f32 v3, v0;
	_ =	sdelay $0x1  }
0x110: {  	v0 =	vmul.f32 $2.500000000e-01, v0;
	_ =	sdelay $0x1  }
0x111: {  	[tilespmem:s30+$0x12840] =	vst v0  }
0x112: {  	v0 =	vld [tilespmem:s29+$0xFFFFFF50]  }
0x113: {  	v1 =	vld [tilespmem:s29+$0xFFFFFFD0];
	_ =	sdelay $0x1  }
0x114: {  	v2 =	vld [tilespmem:s29+$0x50];
	_ =	sdelay $0x1  }
0x115: {  	v3 =	vld [tilespmem:s29+$0xD0]  }
0x116: {  	v0 =	vadd.f32 v1, v0;
	_ =	sdelay $0x1  }
0x117: {  	v0 =	vadd.f32 v2, v0;
	_ =	sdelay $0x1  }
0x118: {  	v0 =	vadd.f32 v3, v0;
	_ =	sdelay $0x1  }
0x119: {  	v0 =	vmul.f32 $2.500000000e-01, v0;
	_ =	sdelay $0x1  }
0x11a: {  	[tilespmem:s30+$0x12850] =	vst v0  }
0x11b: {  	v0 =	vld [tilespmem:s29+$0xFFFFFF60]  }
0x11c: {  	v1 =	vld [tilespmem:s29+$0xFFFFFFE0];
	_ =	sdelay $0x1  }
0x11d: {  	v2 =	vld [tilespmem:s29+$0x60];
	_ =	sdelay $0x1  }
0x11e: {  	v3 =	vld [tilespmem:s29+$0xE0]  }
0x11f: {  	v0 =	vadd.f32 v1, v0;
	_ =	sdelay $0x1  }
0x120: {  	v0 =	vadd.f32 v2, v0;
	_ =	sdelay $0x1  }
0x121: {  	v0 =	vadd.f32 v3, v0;
	_ =	sdelay $0x1  }
0x122: {  	v0 =	vmul.f32 $2.500000000e-01, v0;
	_ =	sdelay $0x1  }
0x123: {  	[tilespmem:s30+$0x12860] =	vst v0  }
0x124: {  	v2 =	vld [tilespmem:s29+$0xFFFFFF70]  }
0x125: {  	v3 =	vld [tilespmem:s29+$0xFFFFFFF0]  }
0x126: {  	v0 =	vld [tilespmem:s29+$0x70]  }
0x127: {  	s0 =	simm.s32 $0x200;
	v1 =	vld [tilespmem:s29+$0xF0]  }
.LBB2_5:
0x128: {  	_ = 	snop  }
0x129: {  	p0 =	sne.s32 s0, $0x7E00  }
0x12a: {  	s29 =	sadd.s32 $0x200, s29;
	s1 =	smov.u32 s0;
	s0 =	sadd.s32 $0x200, s0;
	v2 =	vadd.f32 v3, v2  }
0x12b: {  	_ = 	snop  }
0x12c: {  	v0 =	vadd.f32 v0, v2;
	_ =	sdelay $0x1  }
0x12d: {  	v0 =	vadd.f32 v1, v0;
	_ =	sdelay $0x1  }
0x12e: {  	v0 =	vmul.f32 $2.500000000e-01, v0;
	_ =	sdelay $0x1  }
0x12f: {  	[tilespmem:s30+$0x12870] =	vst v0  }
0x130: {  	v0 =	vld [tilespmem:s29+$0xFFFFFF80]  }
0x131: {  	v1 =	vld [tilespmem:s29+$0xFFFFFF00]  }
0x132: {  	v2 =	vld [tilespmem:s29+$0x0];
	_ =	sdelay $0x2  }
0x133: {  	v3 =	vld [tilespmem:s29+$0x80]  }
0x134: {  	v0 =	vadd.f32 v0, v1;
	_ =	sdelay $0x1  }
0x135: {  	v0 =	vadd.f32 v2, v0;
	_ =	sdelay $0x1  }
0x136: {  	v0 =	vadd.f32 v3, v0;
	_ =	sdelay $0x1  }
0x137: {  	v0 =	vmul.f32 $2.500000000e-01, v0  }
0x138: {  	s30 =	sshra.s32 s1, $0x2  }
0x139: {  	[tilespmem:s30+$0x12800] =	vst v0  }
0x13a: {  	v0 =	vld [tilespmem:s29+$0xFFFFFF10]  }
0x13b: {  	v1 =	vld [tilespmem:s29+$0xFFFFFF90];
	_ =	sdelay $0x1  }
0x13c: {  	v2 =	vld [tilespmem:s29+$0x10];
	_ =	sdelay $0x1  }
0x13d: {  	v3 =	vld [tilespmem:s29+$0x90]  }
0x13e: {  	v0 =	vadd.f32 v1, v0;
	_ =	sdelay $0x1  }
0x13f: {  	v0 =	vadd.f32 v2, v0;
	_ =	sdelay $0x1  }
0x140: {  	v0 =	vadd.f32 v3, v0;
	_ =	sdelay $0x1  }
0x141: {  	v0 =	vmul.f32 $2.500000000e-01, v0;
	_ =	sdelay $0x1  }
0x142: {  	[tilespmem:s30+$0x12810] =	vst v0  }
0x143: {  	v0 =	vld [tilespmem:s29+$0xFFFFFF20]  }
0x144: {  	v1 =	vld [tilespmem:s29+$0xFFFFFFA0];
	_ =	sdelay $0x1  }
0x145: {  	v2 =	vld [tilespmem:s29+$0x20];
	_ =	sdelay $0x1  }
0x146: {  	v3 =	vld [tilespmem:s29+$0xA0]  }
0x147: {  	v0 =	vadd.f32 v1, v0;
	_ =	sdelay $0x1  }
0x148: {  	v0 =	vadd.f32 v2, v0;
	_ =	sdelay $0x1  }
0x149: {  	v0 =	vadd.f32 v3, v0;
	_ =	sdelay $0x1  }
0x14a: {  	v0 =	vmul.f32 $2.500000000e-01, v0;
	_ =	sdelay $0x1  }
0x14b: {  	[tilespmem:s30+$0x12820] =	vst v0  }
0x14c: {  	v0 =	vld [tilespmem:s29+$0xFFFFFF30]  }
0x14d: {  	v1 =	vld [tilespmem:s29+$0xFFFFFFB0];
	_ =	sdelay $0x1  }
0x14e: {  	v2 =	vld [tilespmem:s29+$0x30];
	_ =	sdelay $0x1  }
0x14f: {  	v3 =	vld [tilespmem:s29+$0xB0]  }
0x150: {  	v0 =	vadd.f32 v1, v0;
	_ =	sdelay $0x1  }
0x151: {  	v0 =	vadd.f32 v2, v0;
	_ =	sdelay $0x1  }
0x152: {  	v0 =	vadd.f32 v3, v0;
	_ =	sdelay $0x1  }
0x153: {  	v0 =	vmul.f32 $2.500000000e-01, v0;
	_ =	sdelay $0x1  }
0x154: {  	[tilespmem:s30+$0x12830] =	vst v0  }
0x155: {  	v0 =	vld [tilespmem:s29+$0xFFFFFF40]  }
0x156: {  	v1 =	vld [tilespmem:s29+$0xFFFFFFC0];
	_ =	sdelay $0x1  }
0x157: {  	v2 =	vld [tilespmem:s29+$0x40];
	_ =	sdelay $0x1  }
0x158: {  	v3 =	vld [tilespmem:s29+$0xC0]  }
0x159: {  	v0 =	vadd.f32 v1, v0;
	_ =	sdelay $0x1  }
0x15a: {  	v0 =	vadd.f32 v2, v0;
	_ =	sdelay $0x1  }
0x15b: {  	v0 =	vadd.f32 v3, v0;
	_ =	sdelay $0x1  }
0x15c: {  	v0 =	vmul.f32 $2.500000000e-01, v0;
	_ =	sdelay $0x1  }
0x15d: {  	[tilespmem:s30+$0x12840] =	vst v0  }
0x15e: {  	v0 =	vld [tilespmem:s29+$0xFFFFFF50]  }
0x15f: {  	v1 =	vld [tilespmem:s29+$0xFFFFFFD0]  }
0x160: {  	v2 =	vld [tilespmem:s29+$0x50]  }
0x161: {  	v3 =	vld [tilespmem:s29+$0xD0];
	_ =	sdelay $0x2  }
0x162: {  	v0 =	vadd.f32 v1, v0;
	_ =	sdelay $0x1  }
0x163: {  	v0 =	vadd.f32 v2, v0;
	_ =	sdelay $0x1  }
0x164: {  	v0 =	vadd.f32 v3, v0;
	_ =	sdelay $0x1  }
0x165: {  	v0 =	vmul.f32 $2.500000000e-01, v0;
	_ =	sdelay $0x1  }
0x166: {  	[tilespmem:s30+$0x12850] =	vst v0  }
0x167: {  	v0 =	vld [tilespmem:s29+$0xFFFFFF60]  }
0x168: {  	v1 =	vld [tilespmem:s29+$0xFFFFFFE0]  }
0x169: {  	v2 =	vld [tilespmem:s29+$0x60]  }
0x16a: {  	v3 =	vld [tilespmem:s29+$0xE0];
	_ =	sdelay $0x2  }
0x16b: {  	v0 =	vadd.f32 v1, v0;
	_ =	sdelay $0x1  }
0x16c: {  	v0 =	vadd.f32 v2, v0;
	_ =	sdelay $0x1  }
0x16d: {  	v0 =	vadd.f32 v3, v0;
	_ =	sdelay $0x1  }
0x16e: {  	v0 =	vmul.f32 $2.500000000e-01, v0;
	_ =	sdelay $0x1  }
.Ltmp1:
0x16f: {  	[tilespmem:s30+$0x12860] =	vst v0;
	(pc) =	sbr.rel @p0 .LBB2_5-.Ltmp1, $4  }
0x170: {  	v2 =	vld [tilespmem:s29+$0xFFFFFF70]  }
0x171: {  	v3 =	vld [tilespmem:s29+$0xFFFFFFF0]  }
0x172: {  	v0 =	vld [tilespmem:s29+$0x70]  }
0x173: {  	v1 =	vld [tilespmem:s29+$0xF0]  }
0x174: {  	_ =	sdelay $0x1  }
0x175: {  	v2 =	vadd.f32 v3, v2;
	_ =	sdelay $0x1  }
0x176: {  	v0 =	vadd.f32 v0, v2  }
0x177: {  	s26 =	sadd.s32 $0x1, s26  }
0x178: {  	p0 =	sne.s32 s26, $0x4;
	v0 =	vadd.f32 v1, v0  }
.Ltmp2:
0x179: {  	_ = 	snop;
	(pc) =	sbr.rel @p0 .LBB2_2-.Ltmp2, $3  }
0x17a: {  	v0 =	vmul.f32 $2.500000000e-01, v0;
	_ =	sdelay $0x1  }
0x17b: {  	s0 =	sadd.s32 s28, s5;
	[tilespmem:s30+$0x12870] =	vst v0  }
0x17c: {  	[hbm4b:s0+s2] =	stream.linear.scatter [tilespmem:s22], [sflag:$0x4], $0x2000, $0x38;
	[tilespmem:$0x14800] =	vst v63  }
0x17d: {  	s25 =	sadd.s32 $0x1, s25  }
0x17e: {  	_ =	swait.ge [sflag:s23], $0x2000;
	p0 =	sne.s32 s25, s6  }
.Ltmp3:
0x17f: {  	[sflag:s23] =	ssyncset.done $0x0;
	(pc) =	sbr.rel @p0 .LBB2_1-.Ltmp3, $4  }
0x180: {  	[sflag:s23] =	ssyncadd.s32 $0xFFFFE000  }
0x181: {  	_ =	swait.ge [sflag:s24], $0x2000  }
0x182: {  	[sflag:s24] =	ssyncset.done $0x0  }
0x183: {  	[sflag:s24] =	ssyncadd.s32 $0xFFFFE000  }
0x184: {  	_ =	sfence.sel $0x180000  }
0x185: {  	[bflag:$0x0] =	sbarrier.arrive $0xFFFF  }
0x186: {  	_ =	strace $0x9000004D  }
0x187: {  	s0 =	stileid.u32;
	[bflag:$0x2] =	sbarrier.arrive $0xFFFF  }
0x188: {  	p0 =	sne.s32 s0, $0x0;
	s0 =	rddreg [dreg:$0x2]  }
0x189: {  	s0 =	sadd.s32 @!p0 $0x100000, s0  }
0x18a: {  	[sflag:s0] =	ssyncadd.tile.s32 @!p0 $0x1;
	_ =	shalt  }
.Lfunc_end2:
_tile_overlayer_lowered:
.L_overlay_start_2:
0x18b: {  	(tag) =	ssettag $0x2  }
0x18c: {  	s0 =	rddreg [dreg:$0x0];
	s2 =	stileid.u32  }
0x18d: {  	s1 =	rddreg [dreg:$0x1];
	p0 =	sne.s32 s2, $0x0  }
0x18e: {  	s3 =	rddreg [dreg:$0x2];
	[bflag:$0x3] =	sbarrier.arrive $0xFFFF;
	s2 =	simm.s32 @!p0 $0x1C05  }
0x18f: {  	[timem:s3], [sflag:s2] =	dma.local @!p0 [hbm:s0], s1  }
0x190: {  	s0 =	simm.s32 @!p0 $0x5  }
0x191: {  	_ =	swait.ge @!p0 [sflag:s0], s1  }
0x192: {  	s1 =	ssub.s32 @!p0 $0x0, s1;
	[sflag:s0] =	ssyncset.done @!p0 $0x0  }
0x193: {  	[sflag:s0] =	ssyncadd.s32 @!p0 s1  }
0x194: {  	[bflag:$0x3] =	sbarrier.arrive $0xFFFF  }
0x195: {  	_ =	shalt  }

</sc_bundles>
